<compile_context>
chip_gen: v7x
topology: tpu7x:2x2x1
jax: 0.10.2.dev20260603
libtpu: 0.0.44.dev20260713+nightly
codegen_flags: <defaults>
</compile_context>

<pallas_src>
import functools

import jax
import jax.numpy as jnp
from jax import lax
from jax.experimental import pallas as pl
from jax.experimental.pallas import tpu as pltpu
from jax.experimental.pallas import tpu_sc as plsc

_N = 10000
_E = 320000
_DH = 32
_NP = 10112

_NC = 2
_NS = 16
_NW = _NC * _NS
_BATCH = 128
_K = 80
_EPAD = _NW * _BATCH * _K
_RPT = _NP // _NS
_MROW = 1
_KS = _K // _MROW
_NBUF = 5
_LOOK = 3
_N4 = _NP // 4
_NB = _N // 4
_RP4 = _RPT // 4


_mesh = plsc.VectorSubcoreMesh(core_axis_name="c", subcore_axis_name="s")


@functools.partial(
    pl.kernel,
    out_type=jax.ShapeDtypeStruct((_NC * _N4, 128), jnp.float32),
    mesh=_mesh,
    scratch_types=[
        pltpu.VMEM((_K, _BATCH), jnp.int32),
        pltpu.VMEM((_K, _BATCH), jnp.int32),
        pltpu.VMEM((_NBUF, _BATCH, _DH), jnp.float32),
        pltpu.VMEM_SHARED((_NP, _DH), jnp.float32),
        pltpu.VMEM_SHARED((_NP, _DH), jnp.float32),
        pltpu.VMEM((_RPT, _DH), jnp.float32),
        pltpu.VMEM((_RP4, 128), jnp.float32),
        pltpu.SemaphoreType.DMA((_NBUF,)),
        pltpu.SemaphoreType.DMA((_NBUF,)),
    ],
    compiler_params=pltpu.CompilerParams(use_tc_tiling_on_sc=False),
)
def _sc_agg(y_hbm, ep_hbm, zeros_hbm, out_hbm,
            src_v, dst_v, rows_v, agg_sh, tbl_sh, t32, t4, gsem, ssem):
    cid = lax.axis_index("c")
    sid = lax.axis_index("s")
    wid = cid * _NS + sid
    rbase = sid * _RPT

    st0 = pltpu.async_copy(y_hbm.at[pl.ds(sid * _RP4, _RP4)], t4, gsem.at[0])
    st1 = pltpu.async_copy(zeros_hbm, agg_sh.at[pl.ds(rbase, _RPT)],
                           gsem.at[1])
    st2 = pltpu.async_copy(ep_hbm.at[pl.ds(wid * _K, _K)], src_v,
                           ssem.at[0])

    st0.wait()

    def rin(i, _):
        for c in range(4):
            r = i * 4 + c
            t32[r, pl.ds(0, 16)] = t4[i, pl.ds(32 * c, 16)]
            t32[r, pl.ds(16, 16)] = t4[i, pl.ds(32 * c + 16, 16)]
        return 0
    lax.fori_loop(0, _RP4, rin, 0)
    st3 = pltpu.async_copy(t32, tbl_sh.at[pl.ds(rbase, _RPT)], gsem.at[2])

    st2.wait()

    def up(i, _):
        for c in range(8):
            v = src_v[i, pl.ds(16 * c, 16)]
            src_v[i, pl.ds(16 * c, 16)] = v >> 16
            dst_v[i, pl.ds(16 * c, 16)] = v & 0xFFFF
        return 0
    lax.fori_loop(0, _K, up, 0)

    st1.wait()
    st3.wait()
    plsc.subcore_barrier()

    def gath(k, b):
        pltpu.async_copy(tbl_sh.at[src_v.at[k]], rows_v.at[b], gsem.at[b])

    def gath_wait(k, b):
        pltpu.make_async_copy(tbl_sh.at[src_v.at[k]], rows_v.at[b],
                              gsem.at[b]).wait()

    def scat(k, b):
        pltpu.async_copy(rows_v.at[b], agg_sh.at[dst_v.at[k]],
                         ssem.at[b], add=True)

    def scat_wait(k, b):
        pltpu.make_async_copy(rows_v.at[b], agg_sh.at[dst_v.at[k]],
                              ssem.at[b]).wait()

    for j in range(_LOOK):
        gath(j, j)

    def body(kk, _):
        k0 = kk * _NBUF
        for b in range(_NBUF):
            k = k0 + b
            nb = (b + _LOOK) % _NBUF

            @pl.when(k >= _NBUF - _LOOK)
            def _():
                scat_wait(k - (_NBUF - _LOOK), nb)

            @pl.when(k + _LOOK < _KS)
            def _():
                gath(k + _LOOK, nb)

            gath_wait(k, b)
            scat(k, b)
        return 0

    lax.fori_loop(0, _KS // _NBUF, body, 0)
    for j in range(_KS - (_NBUF - _LOOK), _KS):
        scat_wait(j, j % _NBUF)
    plsc.subcore_barrier()

    pltpu.sync_copy(agg_sh.at[pl.ds(rbase, _RPT)], t32)

    def rc(i, _):
        for c in range(4):
            r = i * 4 + c
            t4[i, pl.ds(32 * c, 16)] = t32[r, pl.ds(0, 16)]
            t4[i, pl.ds(32 * c + 16, 16)] = t32[r, pl.ds(16, 16)]
        return 0
    lax.fori_loop(0, _RP4, rc, 0)
    pltpu.sync_copy(t4, out_hbm.at[pl.ds(cid * _N4 + sid * _RP4, _RP4)])


def _blockdiag(w):
    wt = jnp.concatenate([jnp.concatenate([w] * 4, axis=1)] * 4, axis=0)
    ib = lax.broadcasted_iota(jnp.int32, (128, 128), 0) // _DH
    jb = lax.broadcasted_iota(jnp.int32, (128, 128), 1) // _DH
    return jnp.where(ib == jb, wt, 0.0)


def _tile4(v):
    return jnp.concatenate([v] * 4, axis=1)


def _tc_in_body(hp_ref, w1_ref, y_ref):
    w1 = w1_ref[...]
    wt = jnp.concatenate([jnp.concatenate([w1] * 4, axis=1)] * 4, axis=0)
    ib = lax.broadcasted_iota(jnp.int32, (512, 128), 0) // 128
    jb = lax.broadcasted_iota(jnp.int32, (512, 128), 1) // _DH
    w1bd = jnp.where(ib == jb, wt, 0.0)
    y_ref[...] = jnp.dot(hp_ref[...], w1bd,
                         preferred_element_type=jnp.float32,
                 precision=lax.Precision.HIGHEST)


def _tc_pack_body(ei_ref, ep_ref):
    p = ei_ref[0, :] * 65536 + ei_ref[1, :]
    ep_ref[pl.ds(0, _E // 128), :] = jnp.reshape(p, (_E // 128, 128))
    ep_ref[pl.ds(_E // 128, (_EPAD - _E) // 128), :] = jnp.full(
        ((_EPAD - _E) // 128, 128), _N * 65536, jnp.int32)


_tc_pack = pl.pallas_call(
    _tc_pack_body,
    out_shape=jax.ShapeDtypeStruct((_EPAD // 128, 128), jnp.int32),
)


def _relu_pack(y_ref, agg_ref, b1_ref):
    z = (y_ref[...] + agg_ref[pl.ds(0, _N4), :] + agg_ref[pl.ds(_N4, _N4), :]
         + _tile4(jnp.reshape(b1_ref[...], (1, _DH))))
    r = jnp.maximum(z, 0.0)
    mask = lax.broadcasted_iota(jnp.int32, (_N4, 128), 0) < _NB
    return jnp.where(mask, r, 0.0)


def _readout(r, w2_ref, b2_ref):
    srow = jnp.sum(r, axis=0, keepdims=True)
    s32 = (srow[:, 0:32] + srow[:, 32:64] + srow[:, 64:96] + srow[:, 96:128])
    s = jnp.dot(s32, w2_ref[...], preferred_element_type=jnp.float32,
                 precision=lax.Precision.HIGHEST)
    return s * (1.0 / _N) + jnp.reshape(b2_ref[...], (1, _DH))


def _tc_mid_body(y_ref, agg_ref, b1_ref, w2_ref, b2_ref, w1n_ref,
                 yn_ref, s_ref):
    r = _relu_pack(y_ref, agg_ref, b1_ref)
    wc = jnp.dot(w2_ref[...], w1n_ref[...], preferred_element_type=jnp.float32,
                 precision=lax.Precision.HIGHEST)
    bb = jnp.dot(jnp.reshape(b2_ref[...], (1, _DH)), w1n_ref[...],
                 preferred_element_type=jnp.float32,
                 precision=lax.Precision.HIGHEST)
    yn = jnp.dot(r, _blockdiag(wc), preferred_element_type=jnp.float32,
                 precision=lax.Precision.HIGHEST)
    yn = yn + _tile4(bb)
    mask = lax.broadcasted_iota(jnp.int32, (_N4, 128), 0) < _NB
    yn_ref[...] = jnp.where(mask, yn, 0.0)
    s_ref[...] = _readout(r, w2_ref, b2_ref)


def _tc_out_body(y_ref, agg_ref, b1_ref, w2_ref, b2_ref, s_ref):
    r = _relu_pack(y_ref, agg_ref, b1_ref)
    s_ref[...] = _readout(r, w2_ref, b2_ref)


_tc_in = pl.pallas_call(
    _tc_in_body,
    out_shape=jax.ShapeDtypeStruct((_N4, 128), jnp.float32),
)

_tc_mid = pl.pallas_call(
    _tc_mid_body,
    out_shape=(
        jax.ShapeDtypeStruct((_N4, 128), jnp.float32),
        jax.ShapeDtypeStruct((1, _DH), jnp.float32),
    ),
)

_tc_out = pl.pallas_call(
    _tc_out_body,
    out_shape=jax.ShapeDtypeStruct((1, _DH), jnp.float32),
)


def kernel(h, edge_index, W1_0, b1_0, W2_0, b2_0, W1_1, b1_1, W2_1, b2_1,
           W1_2, b1_2, W2_2, b2_2):
    ep = _tc_pack(edge_index)
    zeros = jnp.zeros((_RPT, _DH), jnp.float32)

    hp = jnp.pad(h, ((0, _NP - _N), (0, 0))).reshape(_N4, 512)

    y4 = _tc_in(hp, W1_0)

    agg4 = _sc_agg(y4, ep, zeros)
    y4, s0 = _tc_mid(y4, agg4, b1_0, W2_0, b2_0, W1_1)

    agg4 = _sc_agg(y4, ep, zeros)
    y4, s1 = _tc_mid(y4, agg4, b1_1, W2_1, b2_1, W1_2)

    agg4 = _sc_agg(y4, ep, zeros)
    s2 = _tc_out(y4, agg4, b1_2, W2_2, b2_2)

    return jnp.concatenate([s0[0], s1[0], s2[0]])

# --- scband reference (transcript-rebuilt; emitter-appended) ---
"""Pipeline reference for scband-multi-layer-gnn-86973087744654 (READ-ONLY COPY).

The authoritative reference and input builder live on the scoring server;
editing this copy changes nothing except your own understanding.
"""

import jax, jax.numpy as jnp
import numpy as np

N = 10000
E = 320000
D_IN = 128
D_OUT = 32
NUM_LAYERS = 3


def setup_inputs(seed: int = 0) -> dict:
    key = jax.random.key(seed)
    ks = jax.random.split(key, 2 + 2 * NUM_LAYERS)
    h = jax.random.normal(ks[0], (N, D_IN), dtype=jnp.float32)
    edge_index = jax.random.randint(ks[1], (2, E), 0, N, dtype=jnp.int32)
    inp = {"h": h, "edge_index": edge_index}
    d_in = D_IN
    for i in range(NUM_LAYERS):
        k1, k2 = ks[2 + 2 * i], ks[3 + 2 * i]
        inp[f"W1_{i}"] = jax.random.normal(k1, (d_in, D_OUT), dtype=jnp.float32) * (1.0 / np.sqrt(d_in))
        inp[f"b1_{i}"] = jnp.zeros((D_OUT,), dtype=jnp.float32)
        inp[f"W2_{i}"] = jax.random.normal(k2, (D_OUT, D_OUT), dtype=jnp.float32) * (1.0 / np.sqrt(D_OUT))
        inp[f"b2_{i}"] = jnp.zeros((D_OUT,), dtype=jnp.float32)
        d_in = D_OUT
    return inp


def _gin_layer(x, edge_index, W1, b1, W2, b2, eps=0.0):
    # GIN message passing: sum-aggregate neighbor features (gather + scatter-add),
    # then (1+eps)*x + agg through a 2-layer MLP.
    src = edge_index[0]
    dst = edge_index[1]
    msgs = jnp.take(x, src, axis=0)                      # gather  [E, d]
    agg = jax.ops.segment_sum(msgs, dst, num_segments=x.shape[0])  # scatter-add [N, d]
    z = (1.0 + eps) * x + agg
    z = z @ W1 + b1
    z = jax.nn.relu(z)
    z = z @ W2 + b2
    return z


def reference(h, edge_index, W1_0, b1_0, W2_0, b2_0, W1_1, b1_1, W2_1, b2_1, W1_2, b1_2, W2_2, b2_2):
    params = [
        (W1_0, b1_0, W2_0, b2_0),
        (W1_1, b1_1, W2_1, b2_1),
        (W1_2, b1_2, W2_2, b2_2),
    ]
    h_concat = []
    x = h
    for (W1, b1, W2, b2) in params:
        x = _gin_layer(x, edge_index, W1, b1, W2, b2)
        h_concat.append(x)
    # readout_op='concat': concatenate per-layer node embeddings
    hcat = jnp.concatenate(h_concat, axis=-1)            # [N, num_layers*D_OUT]
    # readout_type='mean': global mean pooling over nodes (with_readout=True)
    return jnp.mean(hcat, axis=0)                        # [num_layers*D_OUT]

if __name__ == "__main__":
    import jax
    _d = setup_inputs()
    print(jax.jit(kernel)(*tuple(_d.values())))

</pallas_src>

<mosaic_0001>
#map = affine_map<(d0, d1) -> (0, 0)>
module attributes {stable_mosaic.version = 14 : i64} {
  func.func @_sc_agg(%arg0: i32, %arg1: i32, %arg2: memref<2528x128xf32, #tpu.memory_space<hbm>>, %arg3: memref<2560x128xi32, #tpu.memory_space<hbm>>, %arg4: memref<632x32xf32, #tpu.memory_space<hbm>>, %arg5: memref<5056x128xf32, #tpu.memory_space<hbm>>, %arg6: memref<80x128xi32, #tpu.memory_space<vmem>>, %arg7: memref<80x128xi32, #tpu.memory_space<vmem>>, %arg8: memref<5x128x32xf32, #tpu.memory_space<vmem>>, %arg9: memref<10112x32xf32, #tpu.memory_space<vmem_shared>>, %arg10: memref<10112x32xf32, #tpu.memory_space<vmem_shared>>, %arg11: memref<632x32xf32, #tpu.memory_space<vmem>>, %arg12: memref<158x128xf32, #tpu.memory_space<vmem>>, %arg13: memref<5x!tpu.dma_semaphore, #tpu.memory_space<semaphore_mem>>, %arg14: memref<5x!tpu.dma_semaphore, #tpu.memory_space<semaphore_mem>>) attributes {dimension_semantics = [#tpu.dimension_semantics<core_parallel>, #tpu.dimension_semantics<subcore_parallel>], iteration_bounds = array<i64: 2, 16>, scalar_prefetch = 0 : i64, scratch_operands = 9 : i64, tpu.core_type = #tpu.core_type<sc_vector_subcore>, window_params = [{transform_indices = #map}, {transform_indices = #map}, {transform_indices = #map}, {transform_indices = #map}]} {
    %mul3A = arith.constant 16 : i32
    %mul3A_0 = arith.muli %arg0, %mul3A : i32
    %add3A = arith.addi %mul3A_0, %arg1 : i32
    %mul3A_1 = arith.constant 632 : i32
    %mul3A_2 = arith.muli %arg1, %mul3A_1 : i32
    %mul3A_3 = arith.constant 158 : i32
    %mul3A_4 = arith.muli %arg1, %mul3A_3 : i32
    %dma_start3A = arith.constant 0 : i32
    %dma_start3A_5 = arith.constant 0 : i32
    %dma_start3A_6 = tpu.memref_slice %arg2[%mul3A_4, %dma_start3A_5] : memref<2528x128xf32, #tpu.memory_space<hbm>> -> memref<158x128xf32, #tpu.memory_space<hbm>>
    %dma_start3A_7 = tpu.memref_slice %arg13[%dma_start3A] : memref<5x!tpu.dma_semaphore, #tpu.memory_space<semaphore_mem>> -> memref<1x!tpu.dma_semaphore, #tpu.memory_space<semaphore_mem>>
    %dma_start3A_8 = tpu.memref_squeeze %dma_start3A_7 : memref<1x!tpu.dma_semaphore, #tpu.memory_space<semaphore_mem>> -> memref<!tpu.dma_semaphore, #tpu.memory_space<semaphore_mem>>
    %dma_start3A_9 = arith.constant 0 : i32
    %dma_start3A_10 = tpu.memref_slice %arg2[%mul3A_4, %dma_start3A_9] : memref<2528x128xf32, #tpu.memory_space<hbm>> -> memref<158x128xf32, #tpu.memory_space<hbm>>
    tpu.enqueue_dma source(%dma_start3A_10 : memref<158x128xf32, #tpu.memory_space<hbm>>) target(%arg12 : memref<158x128xf32, #tpu.memory_space<vmem>>) target_semaphore(%dma_start3A_8 : memref<!tpu.dma_semaphore, #tpu.memory_space<semaphore_mem>>)
    %dma_start3A_11 = arith.constant 1 : i32
    %dma_start3A_12 = tpu.memref_slice %arg13[%dma_start3A_11] : memref<5x!tpu.dma_semaphore, #tpu.memory_space<semaphore_mem>> -> memref<1x!tpu.dma_semaphore, #tpu.memory_space<semaphore_mem>>
    %dma_start3A_13 = tpu.memref_squeeze %dma_start3A_12 : memref<1x!tpu.dma_semaphore, #tpu.memory_space<semaphore_mem>> -> memref<!tpu.dma_semaphore, #tpu.memory_space<semaphore_mem>>
    %dma_start3A_14 = arith.constant 0 : i32
    %dma_start3A_15 = tpu.memref_slice %arg9[%mul3A_2, %dma_start3A_14] : memref<10112x32xf32, #tpu.memory_space<vmem_shared>> -> memref<632x32xf32, #tpu.memory_space<vmem_shared>>
    tpu.enqueue_dma source(%arg4 : memref<632x32xf32, #tpu.memory_space<hbm>>) target(%dma_start3A_15 : memref<632x32xf32, #tpu.memory_space<vmem_shared>>) target_semaphore(%dma_start3A_13 : memref<!tpu.dma_semaphore, #tpu.memory_space<semaphore_mem>>)
    %mul3A_16 = arith.constant 80 : i32
    %mul3A_17 = arith.muli %add3A, %mul3A_16 : i32
    %dma_start3A_18 = arith.constant 0 : i32
    %dma_start3A_19 = arith.constant 0 : i32
    %dma_start3A_20 = tpu.memref_slice %arg3[%mul3A_17, %dma_start3A_19] : memref<2560x128xi32, #tpu.memory_space<hbm>> -> memref<80x128xi32, #tpu.memory_space<hbm>>
    %dma_start3A_21 = tpu.memref_slice %arg14[%dma_start3A_18] : memref<5x!tpu.dma_semaphore, #tpu.memory_space<semaphore_mem>> -> memref<1x!tpu.dma_semaphore, #tpu.memory_space<semaphore_mem>>
    %dma_start3A_22 = tpu.memref_squeeze %dma_start3A_21 : memref<1x!tpu.dma_semaphore, #tpu.memory_space<semaphore_mem>> -> memref<!tpu.dma_semaphore, #tpu.memory_space<semaphore_mem>>
    %dma_start3A_23 = arith.constant 0 : i32
    %dma_start3A_24 = tpu.memref_slice %arg3[%mul3A_17, %dma_start3A_23] : memref<2560x128xi32, #tpu.memory_space<hbm>> -> memref<80x128xi32, #tpu.memory_space<hbm>>
    tpu.enqueue_dma source(%dma_start3A_24 : memref<80x128xi32, #tpu.memory_space<hbm>>) target(%arg6 : memref<80x128xi32, #tpu.memory_space<vmem>>) target_semaphore(%dma_start3A_22 : memref<!tpu.dma_semaphore, #tpu.memory_space<semaphore_mem>>)
    %dma_wait3A = arith.constant 0 : i32
    %dma_wait3A_25 = arith.constant 0 : i32
    %dma_wait3A_26 = tpu.memref_slice %arg2[%mul3A_4, %dma_wait3A_25] : memref<2528x128xf32, #tpu.memory_space<hbm>> -> memref<158x128xf32, #tpu.memory_space<hbm>>
    %dma_wait3A_27 = tpu.memref_slice %arg13[%dma_wait3A] : memref<5x!tpu.dma_semaphore, #tpu.memory_space<semaphore_mem>> -> memref<1x!tpu.dma_semaphore, #tpu.memory_space<semaphore_mem>>
    %dma_wait3A_28 = tpu.memref_squeeze %dma_wait3A_27 : memref<1x!tpu.dma_semaphore, #tpu.memory_space<semaphore_mem>> -> memref<!tpu.dma_semaphore, #tpu.memory_space<semaphore_mem>>
    %dma_wait3A_29 = arith.constant 0 : i32
    %dma_wait3A_30 = tpu.memref_slice %arg2[%mul3A_4, %dma_wait3A_29] : memref<2528x128xf32, #tpu.memory_space<hbm>> -> memref<158x128xf32, #tpu.memory_space<hbm>>
    tpu.wait_dma2 semaphore(%dma_wait3A_28 : memref<!tpu.dma_semaphore, #tpu.memory_space<semaphore_mem>>) src(%dma_wait3A_30 : memref<158x128xf32, #tpu.memory_space<hbm>>) dst(%arg12 : memref<158x128xf32, #tpu.memory_space<vmem>>)
    %scan3A = arith.constant 0 : i32
    %scan3A_31 = arith.constant 0 : i32
    %scan3A_32 = arith.constant 158 : i32
    %scan3A_33 = arith.addi %scan3A_31, %scan3A_32 : i32
    %scan3A_34 = arith.constant 1 : i32
    %scan3A_35 = scf.for %scan3A_165 = %scan3A_31 to %scan3A_33 step %scan3A_34 iter_args(%scan3A_166 = %scan3A) -> (i32)  : i32 {
      %mul3A_167 = arith.constant 4 : i32
      %mul3A_168 = arith.muli %scan3A_165, %mul3A_167 : i32
      %add3A_169 = arith.constant 0 : i32
      %add3A_170 = arith.addi %mul3A_168, %add3A_169 : i32
      %get3A = arith.index_cast %scan3A_165 : i32 to index
      %get3A_171 = arith.constant 0 : index
      %get3A_172 = tpu.vector_load %arg12[%get3A, %get3A_171] {strides = array<i32>} : memref<158x128xf32, #tpu.memory_space<vmem>>, vector<1x16xf32>,
      %get3A_173 = vector.shape_cast %get3A_172 : vector<1x16xf32> to vector<16xf32>
      %swap3A = arith.index_cast %add3A_170 : i32 to index
      %swap3A_174 = arith.constant 0 : index
      %swap3A_175 = tpu.vector_load %arg11[%swap3A, %swap3A_174] {strides = array<i32>} : memref<632x32xf32, #tpu.memory_space<vmem>>, vector<1x16xf32>,
      %swap3A_176 = vector.shape_cast %swap3A_175 : vector<1x16xf32> to vector<16xf32>
      %swap3A_177 = vector.shape_cast %get3A_173 : vector<16xf32> to vector<1x16xf32>
      tpu.vector_store %arg11[%swap3A, %swap3A_174], %swap3A_177 {strides = array<i32>} : memref<632x32xf32, #tpu.memory_space<vmem>>, vector<1x16xf32>,
      %get3A_178 = arith.index_cast %scan3A_165 : i32 to index
      %get3A_179 = arith.constant 16 : index
      %get3A_180 = tpu.vector_load %arg12[%get3A_178, %get3A_179] {strides = array<i32>} : memref<158x128xf32, #tpu.memory_space<vmem>>, vector<1x16xf32>,
      %get3A_181 = vector.shape_cast %get3A_180 : vector<1x16xf32> to vector<16xf32>
      %swap3A_182 = arith.index_cast %add3A_170 : i32 to index
      %swap3A_183 = arith.constant 16 : index
      %swap3A_184 = tpu.vector_load %arg11[%swap3A_182, %swap3A_183] {strides = array<i32>} : memref<632x32xf32, #tpu.memory_space<vmem>>, vector<1x16xf32>,
      %swap3A_185 = vector.shape_cast %swap3A_184 : vector<1x16xf32> to vector<16xf32>
      %swap3A_186 = vector.shape_cast %get3A_181 : vector<16xf32> to vector<1x16xf32>
      tpu.vector_store %arg11[%swap3A_182, %swap3A_183], %swap3A_186 {strides = array<i32>} : memref<632x32xf32, #tpu.memory_space<vmem>>, vector<1x16xf32>,
      %mul3A_187 = arith.constant 4 : i32
      %mul3A_188 = arith.muli %scan3A_165, %mul3A_187 : i32
      %add3A_189 = arith.constant 1 : i32
      %add3A_190 = arith.addi %mul3A_188, %add3A_189 : i32
      %get3A_191 = arith.index_cast %scan3A_165 : i32 to index
      %get3A_192 = arith.constant 32 : index
      %get3A_193 = tpu.vector_load %arg12[%get3A_191, %get3A_192] {strides = array<i32>} : memref<158x128xf32, #tpu.memory_space<vmem>>, vector<1x16xf32>,
      %get3A_194 = vector.shape_cast %get3A_193 : vector<1x16xf32> to vector<16xf32>
      %swap3A_195 = arith.index_cast %add3A_190 : i32 to index
      %swap3A_196 = arith.constant 0 : index
      %swap3A_197 = tpu.vector_load %arg11[%swap3A_195, %swap3A_196] {strides = array<i32>} : memref<632x32xf32, #tpu.memory_space<vmem>>, vector<1x16xf32>,
      %swap3A_198 = vector.shape_cast %swap3A_197 : vector<1x16xf32> to vector<16xf32>
      %swap3A_199 = vector.shape_cast %get3A_194 : vector<16xf32> to vector<1x16xf32>
      tpu.vector_store %arg11[%swap3A_195, %swap3A_196], %swap3A_199 {strides = array<i32>} : memref<632x32xf32, #tpu.memory_space<vmem>>, vector<1x16xf32>,
      %get3A_200 = arith.index_cast %scan3A_165 : i32 to index
      %get3A_201 = arith.constant 48 : index
      %get3A_202 = tpu.vector_load %arg12[%get3A_200, %get3A_201] {strides = array<i32>} : memref<158x128xf32, #tpu.memory_space<vmem>>, vector<1x16xf32>,
      %get3A_203 = vector.shape_cast %get3A_202 : vector<1x16xf32> to vector<16xf32>
      %swap3A_204 = arith.index_cast %add3A_190 : i32 to index
      %swap3A_205 = arith.constant 16 : index
      %swap3A_206 = tpu.vector_load %arg11[%swap3A_204, %swap3A_205] {strides = array<i32>} : memref<632x32xf32, #tpu.memory_space<vmem>>, vector<1x16xf32>,
      %swap3A_207 = vector.shape_cast %swap3A_206 : vector<1x16xf32> to vector<16xf32>
      %swap3A_208 = vector.shape_cast %get3A_203 : vector<16xf32> to vector<1x16xf32>
      tpu.vector_store %arg11[%swap3A_204, %swap3A_205], %swap3A_208 {strides = array<i32>} : memref<632x32xf32, #tpu.memory_space<vmem>>, vector<1x16xf32>,
      %mul3A_209 = arith.constant 4 : i32
      %mul3A_210 = arith.muli %scan3A_165, %mul3A_209 : i32
      %add3A_211 = arith.constant 2 : i32
      %add3A_212 = arith.addi %mul3A_210, %add3A_211 : i32
      %get3A_213 = arith.index_cast %scan3A_165 : i32 to index
      %get3A_214 = arith.constant 64 : index
      %get3A_215 = tpu.vector_load %arg12[%get3A_213, %get3A_214] {strides = array<i32>} : memref<158x128xf32, #tpu.memory_space<vmem>>, vector<1x16xf32>,
      %get3A_216 = vector.shape_cast %get3A_215 : vector<1x16xf32> to vector<16xf32>
      %swap3A_217 = arith.index_cast %add3A_212 : i32 to index
      %swap3A_218 = arith.constant 0 : index
      %swap3A_219 = tpu.vector_load %arg11[%swap3A_217, %swap3A_218] {strides = array<i32>} : memref<632x32xf32, #tpu.memory_space<vmem>>, vector<1x16xf32>,
      %swap3A_220 = vector.shape_cast %swap3A_219 : vector<1x16xf32> to vector<16xf32>
      %swap3A_221 = vector.shape_cast %get3A_216 : vector<16xf32> to vector<1x16xf32>
      tpu.vector_store %arg11[%swap3A_217, %swap3A_218], %swap3A_221 {strides = array<i32>} : memref<632x32xf32, #tpu.memory_space<vmem>>, vector<1x16xf32>,
      %get3A_222 = arith.index_cast %scan3A_165 : i32 to index
      %get3A_223 = arith.constant 80 : index
      %get3A_224 = tpu.vector_load %arg12[%get3A_222, %get3A_223] {strides = array<i32>} : memref<158x128xf32, #tpu.memory_space<vmem>>, vector<1x16xf32>,
      %get3A_225 = vector.shape_cast %get3A_224 : vector<1x16xf32> to vector<16xf32>
      %swap3A_226 = arith.index_cast %add3A_212 : i32 to index
      %swap3A_227 = arith.constant 16 : index
      %swap3A_228 = tpu.vector_load %arg11[%swap3A_226, %swap3A_227] {strides = array<i32>} : memref<632x32xf32, #tpu.memory_space<vmem>>, vector<1x16xf32>,
      %swap3A_229 = vector.shape_cast %swap3A_228 : vector<1x16xf32> to vector<16xf32>
      %swap3A_230 = vector.shape_cast %get3A_225 : vector<16xf32> to vector<1x16xf32>
      tpu.vector_store %arg11[%swap3A_226, %swap3A_227], %swap3A_230 {strides = array<i32>} : memref<632x32xf32, #tpu.memory_space<vmem>>, vector<1x16xf32>,
      %mul3A_231 = arith.constant 4 : i32
      %mul3A_232 = arith.muli %scan3A_165, %mul3A_231 : i32
      %add3A_233 = arith.constant 3 : i32
      %add3A_234 = arith.addi %mul3A_232, %add3A_233 : i32
      %get3A_235 = arith.index_cast %scan3A_165 : i32 to index
      %get3A_236 = arith.constant 96 : index
      %get3A_237 = tpu.vector_load %arg12[%get3A_235, %get3A_236] {strides = array<i32>} : memref<158x128xf32, #tpu.memory_space<vmem>>, vector<1x16xf32>,
      %get3A_238 = vector.shape_cast %get3A_237 : vector<1x16xf32> to vector<16xf32>
      %swap3A_239 = arith.index_cast %add3A_234 : i32 to index
      %swap3A_240 = arith.constant 0 : index
      %swap3A_241 = tpu.vector_load %arg11[%swap3A_239, %swap3A_240] {strides = array<i32>} : memref<632x32xf32, #tpu.memory_space<vmem>>, vector<1x16xf32>,
      %swap3A_242 = vector.shape_cast %swap3A_241 : vector<1x16xf32> to vector<16xf32>
      %swap3A_243 = vector.shape_cast %get3A_238 : vector<16xf32> to vector<1x16xf32>
      tpu.vector_store %arg11[%swap3A_239, %swap3A_240], %swap3A_243 {strides = array<i32>} : memref<632x32xf32, #tpu.memory_space<vmem>>, vector<1x16xf32>,
      %get3A_244 = arith.index_cast %scan3A_165 : i32 to index
      %get3A_245 = arith.constant 112 : index
      %get3A_246 = tpu.vector_load %arg12[%get3A_244, %get3A_245] {strides = array<i32>} : memref<158x128xf32, #tpu.memory_space<vmem>>, vector<1x16xf32>,
      %get3A_247 = vector.shape_cast %get3A_246 : vector<1x16xf32> to vector<16xf32>
      %swap3A_248 = arith.index_cast %add3A_234 : i32 to index
      %swap3A_249 = arith.constant 16 : index
      %swap3A_250 = tpu.vector_load %arg11[%swap3A_248, %swap3A_249] {strides = array<i32>} : memref<632x32xf32, #tpu.memory_space<vmem>>, vector<1x16xf32>,
      %swap3A_251 = vector.shape_cast %swap3A_250 : vector<1x16xf32> to vector<16xf32>
      %swap3A_252 = vector.shape_cast %get3A_247 : vector<16xf32> to vector<1x16xf32>
      tpu.vector_store %arg11[%swap3A_248, %swap3A_249], %swap3A_252 {strides = array<i32>} : memref<632x32xf32, #tpu.memory_space<vmem>>, vector<1x16xf32>,
      %scan3A_253 = arith.constant 0 : i32
      scf.yield %scan3A_253 : i32
    }
    %scan3A_36 = arith.constant 158 : i32
    %dma_start3A_37 = arith.constant 2 : i32
    %dma_start3A_38 = arith.constant 0 : i32
    %dma_start3A_39 = tpu.memref_slice %arg10[%mul3A_2, %dma_start3A_38] : memref<10112x32xf32, #tpu.memory_space<vmem_shared>> -> memref<632x32xf32, #tpu.memory_space<vmem_shared>>
    %dma_start3A_40 = tpu.memref_slice %arg13[%dma_start3A_37] : memref<5x!tpu.dma_semaphore, #tpu.memory_space<semaphore_mem>> -> memref<1x!tpu.dma_semaphore, #tpu.memory_space<semaphore_mem>>
    %dma_start3A_41 = tpu.memref_squeeze %dma_start3A_40 : memref<1x!tpu.dma_semaphore, #tpu.memory_space<semaphore_mem>> -> memref<!tpu.dma_semaphore, #tpu.memory_space<semaphore_mem>>
    %dma_start3A_42 = arith.constant 0 : i32
    %dma_start3A_43 = tpu.memref_slice %arg10[%mul3A_2, %dma_start3A_42] : memref<10112x32xf32, #tpu.memory_space<vmem_shared>> -> memref<632x32xf32, #tpu.memory_space<vmem_shared>>
    tpu.enqueue_dma source(%arg11 : memref<632x32xf32, #tpu.memory_space<vmem>>) target(%dma_start3A_43 : memref<632x32xf32, #tpu.memory_space<vmem_shared>>) target_semaphore(%dma_start3A_41 : memref<!tpu.dma_semaphore, #tpu.memory_space<semaphore_mem>>)
    %dma_wait3A_44 = arith.constant 0 : i32
    %dma_wait3A_45 = arith.constant 0 : i32
    %dma_wait3A_46 = tpu.memref_slice %arg3[%mul3A_17, %dma_wait3A_45] : memref<2560x128xi32, #tpu.memory_space<hbm>> -> memref<80x128xi32, #tpu.memory_space<hbm>>
    %dma_wait3A_47 = tpu.memref_slice %arg14[%dma_wait3A_44] : memref<5x!tpu.dma_semaphore, #tpu.memory_space<semaphore_mem>> -> memref<1x!tpu.dma_semaphore, #tpu.memory_space<semaphore_mem>>
    %dma_wait3A_48 = tpu.memref_squeeze %dma_wait3A_47 : memref<1x!tpu.dma_semaphore, #tpu.memory_space<semaphore_mem>> -> memref<!tpu.dma_semaphore, #tpu.memory_space<semaphore_mem>>
    %dma_wait3A_49 = arith.constant 0 : i32
    %dma_wait3A_50 = tpu.memref_slice %arg3[%mul3A_17, %dma_wait3A_49] : memref<2560x128xi32, #tpu.memory_space<hbm>> -> memref<80x128xi32, #tpu.memory_space<hbm>>
    tpu.wait_dma2 semaphore(%dma_wait3A_48 : memref<!tpu.dma_semaphore, #tpu.memory_space<semaphore_mem>>) src(%dma_wait3A_50 : memref<80x128xi32, #tpu.memory_space<hbm>>) dst(%arg6 : memref<80x128xi32, #tpu.memory_space<vmem>>)
    %scan3A_51 = arith.constant 0 : i32
    %scan3A_52 = arith.constant 0 : i32
    %scan3A_53 = arith.constant 80 : i32
    %scan3A_54 = arith.addi %scan3A_52, %scan3A_53 : i32
    %scan3A_55 = arith.constant 1 : i32
    %scan3A_56 = scf.for %scan3A_165 = %scan3A_52 to %scan3A_54 step %scan3A_55 iter_args(%scan3A_166 = %scan3A_51) -> (i32)  : i32 {
      %get3A = arith.index_cast %scan3A_165 : i32 to index
      %get3A_167 = arith.constant 0 : index
      %get3A_168 = tpu.vector_load %arg6[%get3A, %get3A_167] {strides = array<i32>} : memref<80x128xi32, #tpu.memory_space<vmem>>, vector<1x16xi32>,
      %get3A_169 = vector.shape_cast %get3A_168 : vector<1x16xi32> to vector<16xi32>
      %shift_right_arithmetic3A = arith.constant 16 : i32
      %shift_right_arithmetic3A_170 = vector.broadcast %shift_right_arithmetic3A : i32 to vector<16xi32>
      %shift_right_arithmetic3A_171 = arith.shrsi %get3A_169, %shift_right_arithmetic3A_170 : vector<16xi32>
      %swap3A = arith.index_cast %scan3A_165 : i32 to index
      %swap3A_172 = arith.constant 0 : index
      %swap3A_173 = tpu.vector_load %arg6[%swap3A, %swap3A_172] {strides = array<i32>} : memref<80x128xi32, #tpu.memory_space<vmem>>, vector<1x16xi32>,
      %swap3A_174 = vector.shape_cast %swap3A_173 : vector<1x16xi32> to vector<16xi32>
      %swap3A_175 = vector.shape_cast %shift_right_arithmetic3A_171 : vector<16xi32> to vector<1x16xi32>
      tpu.vector_store %arg6[%swap3A, %swap3A_172], %swap3A_175 {strides = array<i32>} : memref<80x128xi32, #tpu.memory_space<vmem>>, vector<1x16xi32>,
      %and3A = arith.constant 65535 : i32
      %and3A_176 = vector.broadcast %and3A : i32 to vector<16xi32>
      %and3A_177 = arith.andi %get3A_169, %and3A_176 : vector<16xi32>
      %swap3A_178 = arith.index_cast %scan3A_165 : i32 to index
      %swap3A_179 = arith.constant 0 : index
      %swap3A_180 = tpu.vector_load %arg7[%swap3A_178, %swap3A_179] {strides = array<i32>} : memref<80x128xi32, #tpu.memory_space<vmem>>, vector<1x16xi32>,
      %swap3A_181 = vector.shape_cast %swap3A_180 : vector<1x16xi32> to vector<16xi32>
      %swap3A_182 = vector.shape_cast %and3A_177 : vector<16xi32> to vector<1x16xi32>
      tpu.vector_store %arg7[%swap3A_178, %swap3A_179], %swap3A_182 {strides = array<i32>} : memref<80x128xi32, #tpu.memory_space<vmem>>, vector<1x16xi32>,
      %get3A_183 = arith.index_cast %scan3A_165 : i32 to index
      %get3A_184 = arith.constant 16 : index
      %get3A_185 = tpu.vector_load %arg6[%get3A_183, %get3A_184] {strides = array<i32>} : memref<80x128xi32, #tpu.memory_space<vmem>>, vector<1x16xi32>,
      %get3A_186 = vector.shape_cast %get3A_185 : vector<1x16xi32> to vector<16xi32>
      %shift_right_arithmetic3A_187 = arith.constant 16 : i32
      %shift_right_arithmetic3A_188 = vector.broadcast %shift_right_arithmetic3A_187 : i32 to vector<16xi32>
      %shift_right_arithmetic3A_189 = arith.shrsi %get3A_186, %shift_right_arithmetic3A_188 : vector<16xi32>
      %swap3A_190 = arith.index_cast %scan3A_165 : i32 to index
      %swap3A_191 = arith.constant 16 : index
      %swap3A_192 = tpu.vector_load %arg6[%swap3A_190, %swap3A_191] {strides = array<i32>} : memref<80x128xi32, #tpu.memory_space<vmem>>, vector<1x16xi32>,
      %swap3A_193 = vector.shape_cast %swap3A_192 : vector<1x16xi32> to vector<16xi32>
      %swap3A_194 = vector.shape_cast %shift_right_arithmetic3A_189 : vector<16xi32> to vector<1x16xi32>
      tpu.vector_store %arg6[%swap3A_190, %swap3A_191], %swap3A_194 {strides = array<i32>} : memref<80x128xi32, #tpu.memory_space<vmem>>, vector<1x16xi32>,
      %and3A_195 = arith.constant 65535 : i32
      %and3A_196 = vector.broadcast %and3A_195 : i32 to vector<16xi32>
      %and3A_197 = arith.andi %get3A_186, %and3A_196 : vector<16xi32>
      %swap3A_198 = arith.index_cast %scan3A_165 : i32 to index
      %swap3A_199 = arith.constant 16 : index
      %swap3A_200 = tpu.vector_load %arg7[%swap3A_198, %swap3A_199] {strides = array<i32>} : memref<80x128xi32, #tpu.memory_space<vmem>>, vector<1x16xi32>,
      %swap3A_201 = vector.shape_cast %swap3A_200 : vector<1x16xi32> to vector<16xi32>
      %swap3A_202 = vector.shape_cast %and3A_197 : vector<16xi32> to vector<1x16xi32>
      tpu.vector_store %arg7[%swap3A_198, %swap3A_199], %swap3A_202 {strides = array<i32>} : memref<80x128xi32, #tpu.memory_space<vmem>>, vector<1x16xi32>,
      %get3A_203 = arith.index_cast %scan3A_165 : i32 to index
      %get3A_204 = arith.constant 32 : index
      %get3A_205 = tpu.vector_load %arg6[%get3A_203, %get3A_204] {strides = array<i32>} : memref<80x128xi32, #tpu.memory_space<vmem>>, vector<1x16xi32>,
      %get3A_206 = vector.shape_cast %get3A_205 : vector<1x16xi32> to vector<16xi32>
      %shift_right_arithmetic3A_207 = arith.constant 16 : i32
      %shift_right_arithmetic3A_208 = vector.broadcast %shift_right_arithmetic3A_207 : i32 to vector<16xi32>
      %shift_right_arithmetic3A_209 = arith.shrsi %get3A_206, %shift_right_arithmetic3A_208 : vector<16xi32>
      %swap3A_210 = arith.index_cast %scan3A_165 : i32 to index
      %swap3A_211 = arith.constant 32 : index
      %swap3A_212 = tpu.vector_load %arg6[%swap3A_210, %swap3A_211] {strides = array<i32>} : memref<80x128xi32, #tpu.memory_space<vmem>>, vector<1x16xi32>,
      %swap3A_213 = vector.shape_cast %swap3A_212 : vector<1x16xi32> to vector<16xi32>
      %swap3A_214 = vector.shape_cast %shift_right_arithmetic3A_209 : vector<16xi32> to vector<1x16xi32>
      tpu.vector_store %arg6[%swap3A_210, %swap3A_211], %swap3A_214 {strides = array<i32>} : memref<80x128xi32, #tpu.memory_space<vmem>>, vector<1x16xi32>,
      %and3A_215 = arith.constant 65535 : i32
      %and3A_216 = vector.broadcast %and3A_215 : i32 to vector<16xi32>
      %and3A_217 = arith.andi %get3A_206, %and3A_216 : vector<16xi32>
      %swap3A_218 = arith.index_cast %scan3A_165 : i32 to index
      %swap3A_219 = arith.constant 32 : index
      %swap3A_220 = tpu.vector_load %arg7[%swap3A_218, %swap3A_219] {strides = array<i32>} : memref<80x128xi32, #tpu.memory_space<vmem>>, vector<1x16xi32>,
      %swap3A_221 = vector.shape_cast %swap3A_220 : vector<1x16xi32> to vector<16xi32>
      %swap3A_222 = vector.shape_cast %and3A_217 : vector<16xi32> to vector<1x16xi32>
      tpu.vector_store %arg7[%swap3A_218, %swap3A_219], %swap3A_222 {strides = array<i32>} : memref<80x128xi32, #tpu.memory_space<vmem>>, vector<1x16xi32>,
      %get3A_223 = arith.index_cast %scan3A_165 : i32 to index
      %get3A_224 = arith.constant 48 : index
      %get3A_225 = tpu.vector_load %arg6[%get3A_223, %get3A_224] {strides = array<i32>} : memref<80x128xi32, #tpu.memory_space<vmem>>, vector<1x16xi32>,
      %get3A_226 = vector.shape_cast %get3A_225 : vector<1x16xi32> to vector<16xi32>
      %shift_right_arithmetic3A_227 = arith.constant 16 : i32
      %shift_right_arithmetic3A_228 = vector.broadcast %shift_right_arithmetic3A_227 : i32 to vector<16xi32>
      %shift_right_arithmetic3A_229 = arith.shrsi %get3A_226, %shift_right_arithmetic3A_228 : vector<16xi32>
      %swap3A_230 = arith.index_cast %scan3A_165 : i32 to index
      %swap3A_231 = arith.constant 48 : index
      %swap3A_232 = tpu.vector_load %arg6[%swap3A_230, %swap3A_231] {strides = array<i32>} : memref<80x128xi32, #tpu.memory_space<vmem>>, vector<1x16xi32>,
      %swap3A_233 = vector.shape_cast %swap3A_232 : vector<1x16xi32> to vector<16xi32>
      %swap3A_234 = vector.shape_cast %shift_right_arithmetic3A_229 : vector<16xi32> to vector<1x16xi32>
      tpu.vector_store %arg6[%swap3A_230, %swap3A_231], %swap3A_234 {strides = array<i32>} : memref<80x128xi32, #tpu.memory_space<vmem>>, vector<1x16xi32>,
      %and3A_235 = arith.constant 65535 : i32
      %and3A_236 = vector.broadcast %and3A_235 : i32 to vector<16xi32>
      %and3A_237 = arith.andi %get3A_226, %and3A_236 : vector<16xi32>
      %swap3A_238 = arith.index_cast %scan3A_165 : i32 to index
      %swap3A_239 = arith.constant 48 : index
      %swap3A_240 = tpu.vector_load %arg7[%swap3A_238, %swap3A_239] {strides = array<i32>} : memref<80x128xi32, #tpu.memory_space<vmem>>, vector<1x16xi32>,
      %swap3A_241 = vector.shape_cast %swap3A_240 : vector<1x16xi32> to vector<16xi32>
      %swap3A_242 = vector.shape_cast %and3A_237 : vector<16xi32> to vector<1x16xi32>
      tpu.vector_store %arg7[%swap3A_238, %swap3A_239], %swap3A_242 {strides = array<i32>} : memref<80x128xi32, #tpu.memory_space<vmem>>, vector<1x16xi32>,
      %get3A_243 = arith.index_cast %scan3A_165 : i32 to index
      %get3A_244 = arith.constant 64 : index
      %get3A_245 = tpu.vector_load %arg6[%get3A_243, %get3A_244] {strides = array<i32>} : memref<80x128xi32, #tpu.memory_space<vmem>>, vector<1x16xi32>,
      %get3A_246 = vector.shape_cast %get3A_245 : vector<1x16xi32> to vector<16xi32>
      %shift_right_arithmetic3A_247 = arith.constant 16 : i32
      %shift_right_arithmetic3A_248 = vector.broadcast %shift_right_arithmetic3A_247 : i32 to vector<16xi32>
      %shift_right_arithmetic3A_249 = arith.shrsi %get3A_246, %shift_right_arithmetic3A_248 : vector<16xi32>
      %swap3A_250 = arith.index_cast %scan3A_165 : i32 to index
      %swap3A_251 = arith.constant 64 : index
      %swap3A_252 = tpu.vector_load %arg6[%swap3A_250, %swap3A_251] {strides = array<i32>} : memref<80x128xi32, #tpu.memory_space<vmem>>, vector<1x16xi32>,
      %swap3A_253 = vector.shape_cast %swap3A_252 : vector<1x16xi32> to vector<16xi32>
      %swap3A_254 = vector.shape_cast %shift_right_arithmetic3A_249 : vector<16xi32> to vector<1x16xi32>
      tpu.vector_store %arg6[%swap3A_250, %swap3A_251], %swap3A_254 {strides = array<i32>} : memref<80x128xi32, #tpu.memory_space<vmem>>, vector<1x16xi32>,
      %and3A_255 = arith.constant 65535 : i32
      %and3A_256 = vector.broadcast %and3A_255 : i32 to vector<16xi32>
      %and3A_257 = arith.andi %get3A_246, %and3A_256 : vector<16xi32>
      %swap3A_258 = arith.index_cast %scan3A_165 : i32 to index
      %swap3A_259 = arith.constant 64 : index
      %swap3A_260 = tpu.vector_load %arg7[%swap3A_258, %swap3A_259] {strides = array<i32>} : memref<80x128xi32, #tpu.memory_space<vmem>>, vector<1x16xi32>,
      %swap3A_261 = vector.shape_cast %swap3A_260 : vector<1x16xi32> to vector<16xi32>
      %swap3A_262 = vector.shape_cast %and3A_257 : vector<16xi32> to vector<1x16xi32>
      tpu.vector_store %arg7[%swap3A_258, %swap3A_259], %swap3A_262 {strides = array<i32>} : memref<80x128xi32, #tpu.memory_space<vmem>>, vector<1x16xi32>,
      %get3A_263 = arith.index_cast %scan3A_165 : i32 to index
      %get3A_264 = arith.constant 80 : index
      %get3A_265 = tpu.vector_load %arg6[%get3A_263, %get3A_264] {strides = array<i32>} : memref<80x128xi32, #tpu.memory_space<vmem>>, vector<1x16xi32>,
      %get3A_266 = vector.shape_cast %get3A_265 : vector<1x16xi32> to vector<16xi32>
      %shift_right_arithmetic3A_267 = arith.constant 16 : i32
      %shift_right_arithmetic3A_268 = vector.broadcast %shift_right_arithmetic3A_267 : i32 to vector<16xi32>
      %shift_right_arithmetic3A_269 = arith.shrsi %get3A_266, %shift_right_arithmetic3A_268 : vector<16xi32>
      %swap3A_270 = arith.index_cast %scan3A_165 : i32 to index
      %swap3A_271 = arith.constant 80 : index
      %swap3A_272 = tpu.vector_load %arg6[%swap3A_270, %swap3A_271] {strides = array<i32>} : memref<80x128xi32, #tpu.memory_space<vmem>>, vector<1x16xi32>,
      %swap3A_273 = vector.shape_cast %swap3A_272 : vector<1x16xi32> to vector<16xi32>
      %swap3A_274 = vector.shape_cast %shift_right_arithmetic3A_269 : vector<16xi32> to vector<1x16xi32>
      tpu.vector_store %arg6[%swap3A_270, %swap3A_271], %swap3A_274 {strides = array<i32>} : memref<80x128xi32, #tpu.memory_space<vmem>>, vector<1x16xi32>,
      %and3A_275 = arith.constant 65535 : i32
      %and3A_276 = vector.broadcast %and3A_275 : i32 to vector<16xi32>
      %and3A_277 = arith.andi %get3A_266, %and3A_276 : vector<16xi32>
      %swap3A_278 = arith.index_cast %scan3A_165 : i32 to index
      %swap3A_279 = arith.constant 80 : index
      %swap3A_280 = tpu.vector_load %arg7[%swap3A_278, %swap3A_279] {strides = array<i32>} : memref<80x128xi32, #tpu.memory_space<vmem>>, vector<1x16xi32>,
      %swap3A_281 = vector.shape_cast %swap3A_280 : vector<1x16xi32> to vector<16xi32>
      %swap3A_282 = vector.shape_cast %and3A_277 : vector<16xi32> to vector<1x16xi32>
      tpu.vector_store %arg7[%swap3A_278, %swap3A_279], %swap3A_282 {strides = array<i32>} : memref<80x128xi32, #tpu.memory_space<vmem>>, vector<1x16xi32>,
      %get3A_283 = arith.index_cast %scan3A_165 : i32 to index
      %get3A_284 = arith.constant 96 : index
      %get3A_285 = tpu.vector_load %arg6[%get3A_283, %get3A_284] {strides = array<i32>} : memref<80x128xi32, #tpu.memory_space<vmem>>, vector<1x16xi32>,
      %get3A_286 = vector.shape_cast %get3A_285 : vector<1x16xi32> to vector<16xi32>
      %shift_right_arithmetic3A_287 = arith.constant 16 : i32
      %shift_right_arithmetic3A_288 = vector.broadcast %shift_right_arithmetic3A_287 : i32 to vector<16xi32>
      %shift_right_arithmetic3A_289 = arith.shrsi %get3A_286, %shift_right_arithmetic3A_288 : vector<16xi32>
      %swap3A_290 = arith.index_cast %scan3A_165 : i32 to index
      %swap3A_291 = arith.constant 96 : index
      %swap3A_292 = tpu.vector_load %arg6[%swap3A_290, %swap3A_291] {strides = array<i32>} : memref<80x128xi32, #tpu.memory_space<vmem>>, vector<1x16xi32>,
      %swap3A_293 = vector.shape_cast %swap3A_292 : vector<1x16xi32> to vector<16xi32>
      %swap3A_294 = vector.shape_cast %shift_right_arithmetic3A_289 : vector<16xi32> to vector<1x16xi32>
      tpu.vector_store %arg6[%swap3A_290, %swap3A_291], %swap3A_294 {strides = array<i32>} : memref<80x128xi32, #tpu.memory_space<vmem>>, vector<1x16xi32>,
      %and3A_295 = arith.constant 65535 : i32
      %and3A_296 = vector.broadcast %and3A_295 : i32 to vector<16xi32>
      %and3A_297 = arith.andi %get3A_286, %and3A_296 : vector<16xi32>
      %swap3A_298 = arith.index_cast %scan3A_165 : i32 to index
      %swap3A_299 = arith.constant 96 : index
      %swap3A_300 = tpu.vector_load %arg7[%swap3A_298, %swap3A_299] {strides = array<i32>} : memref<80x128xi32, #tpu.memory_space<vmem>>, vector<1x16xi32>,
      %swap3A_301 = vector.shape_cast %swap3A_300 : vector<1x16xi32> to vector<16xi32>
      %swap3A_302 = vector.shape_cast %and3A_297 : vector<16xi32> to vector<1x16xi32>
      tpu.vector_store %arg7[%swap3A_298, %swap3A_299], %swap3A_302 {strides = array<i32>} : memref<80x128xi32, #tpu.memory_space<vmem>>, vector<1x16xi32>,
      %get3A_303 = arith.index_cast %scan3A_165 : i32 to index
      %get3A_304 = arith.constant 112 : index
      %get3A_305 = tpu.vector_load %arg6[%get3A_303, %get3A_304] {strides = array<i32>} : memref<80x128xi32, #tpu.memory_space<vmem>>, vector<1x16xi32>,
      %get3A_306 = vector.shape_cast %get3A_305 : vector<1x16xi32> to vector<16xi32>
      %shift_right_arithmetic3A_307 = arith.constant 16 : i32
      %shift_right_arithmetic3A_308 = vector.broadcast %shift_right_arithmetic3A_307 : i32 to vector<16xi32>
      %shift_right_arithmetic3A_309 = arith.shrsi %get3A_306, %shift_right_arithmetic3A_308 : vector<16xi32>
      %swap3A_310 = arith.index_cast %scan3A_165 : i32 to index
      %swap3A_311 = arith.constant 112 : index
      %swap3A_312 = tpu.vector_load %arg6[%swap3A_310, %swap3A_311] {strides = array<i32>} : memref<80x128xi32, #tpu.memory_space<vmem>>, vector<1x16xi32>,
      %swap3A_313 = vector.shape_cast %swap3A_312 : vector<1x16xi32> to vector<16xi32>
      %swap3A_314 = vector.shape_cast %shift_right_arithmetic3A_309 : vector<16xi32> to vector<1x16xi32>
      tpu.vector_store %arg6[%swap3A_310, %swap3A_311], %swap3A_314 {strides = array<i32>} : memref<80x128xi32, #tpu.memory_space<vmem>>, vector<1x16xi32>,
      %and3A_315 = arith.constant 65535 : i32
      %and3A_316 = vector.broadcast %and3A_315 : i32 to vector<16xi32>
      %and3A_317 = arith.andi %get3A_306, %and3A_316 : vector<16xi32>
      %swap3A_318 = arith.index_cast %scan3A_165 : i32 to index
      %swap3A_319 = arith.constant 112 : index
      %swap3A_320 = tpu.vector_load %arg7[%swap3A_318, %swap3A_319] {strides = array<i32>} : memref<80x128xi32, #tpu.memory_space<vmem>>, vector<1x16xi32>,
      %swap3A_321 = vector.shape_cast %swap3A_320 : vector<1x16xi32> to vector<16xi32>
      %swap3A_322 = vector.shape_cast %and3A_317 : vector<16xi32> to vector<1x16xi32>
      tpu.vector_store %arg7[%swap3A_318, %swap3A_319], %swap3A_322 {strides = array<i32>} : memref<80x128xi32, #tpu.memory_space<vmem>>, vector<1x16xi32>,
      %scan3A_323 = arith.constant 0 : i32
      scf.yield %scan3A_323 : i32
    }
    %scan3A_57 = arith.constant 80 : i32
    %dma_wait3A_58 = arith.constant 1 : i32
    %dma_wait3A_59 = tpu.memref_slice %arg13[%dma_wait3A_58] : memref<5x!tpu.dma_semaphore, #tpu.memory_space<semaphore_mem>> -> memref<1x!tpu.dma_semaphore, #tpu.memory_space<semaphore_mem>>
    %dma_wait3A_60 = tpu.memref_squeeze %dma_wait3A_59 : memref<1x!tpu.dma_semaphore, #tpu.memory_space<semaphore_mem>> -> memref<!tpu.dma_semaphore, #tpu.memory_space<semaphore_mem>>
    %dma_wait3A_61 = arith.constant 0 : i32
    %dma_wait3A_62 = tpu.memref_slice %arg9[%mul3A_2, %dma_wait3A_61] : memref<10112x32xf32, #tpu.memory_space<vmem_shared>> -> memref<632x32xf32, #tpu.memory_space<vmem_shared>>
    tpu.wait_dma2 semaphore(%dma_wait3A_60 : memref<!tpu.dma_semaphore, #tpu.memory_space<semaphore_mem>>) src(%arg4 : memref<632x32xf32, #tpu.memory_space<hbm>>) dst(%dma_wait3A_62 : memref<632x32xf32, #tpu.memory_space<vmem_shared>>)
    %dma_wait3A_63 = arith.constant 2 : i32
    %dma_wait3A_64 = arith.constant 0 : i32
    %dma_wait3A_65 = tpu.memref_slice %arg10[%mul3A_2, %dma_wait3A_64] : memref<10112x32xf32, #tpu.memory_space<vmem_shared>> -> memref<632x32xf32, #tpu.memory_space<vmem_shared>>
    %dma_wait3A_66 = tpu.memref_slice %arg13[%dma_wait3A_63] : memref<5x!tpu.dma_semaphore, #tpu.memory_space<semaphore_mem>> -> memref<1x!tpu.dma_semaphore, #tpu.memory_space<semaphore_mem>>
    %dma_wait3A_67 = tpu.memref_squeeze %dma_wait3A_66 : memref<1x!tpu.dma_semaphore, #tpu.memory_space<semaphore_mem>> -> memref<!tpu.dma_semaphore, #tpu.memory_space<semaphore_mem>>
    %dma_wait3A_68 = arith.constant 0 : i32
    %dma_wait3A_69 = tpu.memref_slice %arg10[%mul3A_2, %dma_wait3A_68] : memref<10112x32xf32, #tpu.memory_space<vmem_shared>> -> memref<632x32xf32, #tpu.memory_space<vmem_shared>>
    tpu.wait_dma2 semaphore(%dma_wait3A_67 : memref<!tpu.dma_semaphore, #tpu.memory_space<semaphore_mem>>) src(%arg11 : memref<632x32xf32, #tpu.memory_space<vmem>>) dst(%dma_wait3A_69 : memref<632x32xf32, #tpu.memory_space<vmem_shared>>)
    %barrier3A = arith.constant 0 : index
    tpu.barrier barrier_id(%barrier3A)
    %dma_start3A_70 = arith.constant 0 : i32
    %dma_start3A_71 = arith.constant 0 : i32
    %dma_start3A_72 = arith.constant 0 : i32
    %dma_start3A_73 = arith.constant 0 : i32
    %dma_start3A_74 = arith.constant 0 : i32
    %dma_start3A_75 = tpu.memref_slice %arg8[%dma_start3A_71, %dma_start3A_73, %dma_start3A_74] : memref<5x128x32xf32, #tpu.memory_space<vmem>> -> memref<1x128x32xf32, #tpu.memory_space<vmem>>
    %dma_start3A_76 = tpu.memref_squeeze %dma_start3A_75 : memref<1x128x32xf32, #tpu.memory_space<vmem>> -> memref<128x32xf32, #tpu.memory_space<vmem>>
    %dma_start3A_77 = arith.constant 0 : i32
    %dma_start3A_78 = tpu.memref_slice %arg6[%dma_start3A_70, %dma_start3A_77] : memref<80x128xi32, #tpu.memory_space<vmem>> -> memref<1x128xi32, #tpu.memory_space<vmem>>
    %dma_start3A_79 = tpu.memref_squeeze %dma_start3A_78 : memref<1x128xi32, #tpu.memory_space<vmem>> -> memref<128xi32, #tpu.memory_space<vmem>>
    %dma_start3A_80 = arith.constant 0 : i32
    %dma_start3A_81 = arith.constant 0 : i32
    %dma_start3A_82 = tpu.memref_slice %arg10[%dma_start3A_80, %dma_start3A_81] : memref<10112x32xf32, #tpu.memory_space<vmem_shared>> -> memref<10112x32xf32, #tpu.memory_space<vmem_shared>>
    %dma_start3A_83 = tpu.memref_slice %arg13[%dma_start3A_72] : memref<5x!tpu.dma_semaphore, #tpu.memory_space<semaphore_mem>> -> memref<1x!tpu.dma_semaphore, #tpu.memory_space<semaphore_mem>>
    %dma_start3A_84 = tpu.memref_squeeze %dma_start3A_83 : memref<1x!tpu.dma_semaphore, #tpu.memory_space<semaphore_mem>> -> memref<!tpu.dma_semaphore, #tpu.memory_space<semaphore_mem>>
    tpu.enqueue_indirect_dma source(%dma_start3A_82 : memref<10112x32xf32, #tpu.memory_space<vmem_shared>>) target(%dma_start3A_76 : memref<128x32xf32, #tpu.memory_space<vmem>>) offsets(%dma_start3A_79 : memref<128xi32, #tpu.memory_space<vmem>>) semaphore(%dma_start3A_84 : memref<!tpu.dma_semaphore, #tpu.memory_space<semaphore_mem>>)
    %dma_start3A_85 = arith.constant 1 : i32
    %dma_start3A_86 = arith.constant 1 : i32
    %dma_start3A_87 = arith.constant 1 : i32
    %dma_start3A_88 = arith.constant 0 : i32
    %dma_start3A_89 = arith.constant 0 : i32
    %dma_start3A_90 = tpu.memref_slice %arg8[%dma_start3A_86, %dma_start3A_88, %dma_start3A_89] : memref<5x128x32xf32, #tpu.memory_space<vmem>> -> memref<1x128x32xf32, #tpu.memory_space<vmem>>
    %dma_start3A_91 = tpu.memref_squeeze %dma_start3A_90 : memref<1x128x32xf32, #tpu.memory_space<vmem>> -> memref<128x32xf32, #tpu.memory_space<vmem>>
    %dma_start3A_92 = arith.constant 0 : i32
    %dma_start3A_93 = tpu.memref_slice %arg6[%dma_start3A_85, %dma_start3A_92] : memref<80x128xi32, #tpu.memory_space<vmem>> -> memref<1x128xi32, #tpu.memory_space<vmem>>
    %dma_start3A_94 = tpu.memref_squeeze %dma_start3A_93 : memref<1x128xi32, #tpu.memory_space<vmem>> -> memref<128xi32, #tpu.memory_space<vmem>>
    %dma_start3A_95 = arith.constant 0 : i32
    %dma_start3A_96 = arith.constant 0 : i32
    %dma_start3A_97 = tpu.memref_slice %arg10[%dma_start3A_95, %dma_start3A_96] : memref<10112x32xf32, #tpu.memory_space<vmem_shared>> -> memref<10112x32xf32, #tpu.memory_space<vmem_shared>>
    %dma_start3A_98 = tpu.memref_slice %arg13[%dma_start3A_87] : memref<5x!tpu.dma_semaphore, #tpu.memory_space<semaphore_mem>> -> memref<1x!tpu.dma_semaphore, #tpu.memory_space<semaphore_mem>>
    %dma_start3A_99 = tpu.memref_squeeze %dma_start3A_98 : memref<1x!tpu.dma_semaphore, #tpu.memory_space<semaphore_mem>> -> memref<!tpu.dma_semaphore, #tpu.memory_space<semaphore_mem>>
    tpu.enqueue_indirect_dma source(%dma_start3A_97 : memref<10112x32xf32, #tpu.memory_space<vmem_shared>>) target(%dma_start3A_91 : memref<128x32xf32, #tpu.memory_space<vmem>>) offsets(%dma_start3A_94 : memref<128xi32, #tpu.memory_space<vmem>>) semaphore(%dma_start3A_99 : memref<!tpu.dma_semaphore, #tpu.memory_space<semaphore_mem>>)
    %dma_start3A_100 = arith.constant 2 : i32
    %dma_start3A_101 = arith.constant 2 : i32
    %dma_start3A_102 = arith.constant 2 : i32
    %dma_start3A_103 = arith.constant 0 : i32
    %dma_start3A_104 = arith.constant 0 : i32
    %dma_start3A_105 = tpu.memref_slice %arg8[%dma_start3A_101, %dma_start3A_103, %dma_start3A_104] : memref<5x128x32xf32, #tpu.memory_space<vmem>> -> memref<1x128x32xf32, #tpu.memory_space<vmem>>
    %dma_start3A_106 = tpu.memref_squeeze %dma_start3A_105 : memref<1x128x32xf32, #tpu.memory_space<vmem>> -> memref<128x32xf32, #tpu.memory_space<vmem>>
    %dma_start3A_107 = arith.constant 0 : i32
    %dma_start3A_108 = tpu.memref_slice %arg6[%dma_start3A_100, %dma_start3A_107] : memref<80x128xi32, #tpu.memory_space<vmem>> -> memref<1x128xi32, #tpu.memory_space<vmem>>
    %dma_start3A_109 = tpu.memref_squeeze %dma_start3A_108 : memref<1x128xi32, #tpu.memory_space<vmem>> -> memref<128xi32, #tpu.memory_space<vmem>>
    %dma_start3A_110 = arith.constant 0 : i32
    %dma_start3A_111 = arith.constant 0 : i32
    %dma_start3A_112 = tpu.memref_slice %arg10[%dma_start3A_110, %dma_start3A_111] : memref<10112x32xf32, #tpu.memory_space<vmem_shared>> -> memref<10112x32xf32, #tpu.memory_space<vmem_shared>>
    %dma_start3A_113 = tpu.memref_slice %arg13[%dma_start3A_102] : memref<5x!tpu.dma_semaphore, #tpu.memory_space<semaphore_mem>> -> memref<1x!tpu.dma_semaphore, #tpu.memory_space<semaphore_mem>>
    %dma_start3A_114 = tpu.memref_squeeze %dma_start3A_113 : memref<1x!tpu.dma_semaphore, #tpu.memory_space<semaphore_mem>> -> memref<!tpu.dma_semaphore, #tpu.memory_space<semaphore_mem>>
    tpu.enqueue_indirect_dma source(%dma_start3A_112 : memref<10112x32xf32, #tpu.memory_space<vmem_shared>>) target(%dma_start3A_106 : memref<128x32xf32, #tpu.memory_space<vmem>>) offsets(%dma_start3A_109 : memref<128xi32, #tpu.memory_space<vmem>>) semaphore(%dma_start3A_114 : memref<!tpu.dma_semaphore, #tpu.memory_space<semaphore_mem>>)
    %scan3A_115 = arith.constant 0 : i32
    %scan3A_116 = arith.constant 0 : i32
    %scan3A_117 = arith.constant 16 : i32
    %scan3A_118 = arith.addi %scan3A_116, %scan3A_117 : i32
    %scan3A_119 = arith.constant 1 : i32
    %scan3A_120 = scf.for %scan3A_165 = %scan3A_116 to %scan3A_118 step %scan3A_119 iter_args(%scan3A_166 = %scan3A_115) -> (i32)  : i32 {
      %mul3A_167 = arith.constant 5 : i32
      %mul3A_168 = arith.muli %scan3A_165, %mul3A_167 : i32
      %add3A_169 = arith.constant 0 : i32
      %add3A_170 = arith.addi %mul3A_168, %add3A_169 : i32
      %ge3A = arith.constant 2 : i32
      %ge3A_171 = arith.cmpi sge, %add3A_170, %ge3A : i32
      %convert_element_type3A = arith.extui %ge3A_171 : i1 to i32
      %cond3A = arith.constant 0 : i32
      %cond3A_172 = arith.cmpi ne, %convert_element_type3A, %cond3A : i32
      scf.if %cond3A_172 {
        %sub3A = arith.constant 2 : i32
        %sub3A_376 = arith.subi %add3A_170, %sub3A : i32
        %dma_wait3A_377 = arith.constant 3 : i32
        %dma_wait3A_378 = arith.constant 3 : i32
        %dma_wait3A_379 = arith.constant 0 : i32
        %dma_wait3A_380 = arith.constant 0 : i32
        %dma_wait3A_381 = tpu.memref_slice %arg8[%dma_wait3A_377, %dma_wait3A_379, %dma_wait3A_380] : memref<5x128x32xf32, #tpu.memory_space<vmem>> -> memref<1x128x32xf32, #tpu.memory_space<vmem>>
        %dma_wait3A_382 = tpu.memref_squeeze %dma_wait3A_381 : memref<1x128x32xf32, #tpu.memory_space<vmem>> -> memref<128x32xf32, #tpu.memory_space<vmem>>
        %dma_wait3A_383 = arith.constant 0 : i32
        %dma_wait3A_384 = tpu.memref_slice %arg7[%sub3A_376, %dma_wait3A_383] : memref<80x128xi32, #tpu.memory_space<vmem>> -> memref<1x128xi32, #tpu.memory_space<vmem>>
        %dma_wait3A_385 = tpu.memref_squeeze %dma_wait3A_384 : memref<1x128xi32, #tpu.memory_space<vmem>> -> memref<128xi32, #tpu.memory_space<vmem>>
        %dma_wait3A_386 = arith.constant 0 : i32
        %dma_wait3A_387 = arith.constant 0 : i32
        %dma_wait3A_388 = tpu.memref_slice %arg9[%dma_wait3A_386, %dma_wait3A_387] : memref<10112x32xf32, #tpu.memory_space<vmem_shared>> -> memref<10112x32xf32, #tpu.memory_space<vmem_shared>>
        %dma_wait3A_389 = tpu.memref_slice %arg14[%dma_wait3A_378] : memref<5x!tpu.dma_semaphore, #tpu.memory_space<semaphore_mem>> -> memref<1x!tpu.dma_semaphore, #tpu.memory_space<semaphore_mem>>
        %dma_wait3A_390 = tpu.memref_squeeze %dma_wait3A_389 : memref<1x!tpu.dma_semaphore, #tpu.memory_space<semaphore_mem>> -> memref<!tpu.dma_semaphore, #tpu.memory_space<semaphore_mem>>
        tpu.wait_indirect_dma semaphore(%dma_wait3A_390 : memref<!tpu.dma_semaphore, #tpu.memory_space<semaphore_mem>>) src(%dma_wait3A_382 : memref<128x32xf32, #tpu.memory_space<vmem>>) dst(%dma_wait3A_388 : memref<10112x32xf32, #tpu.memory_space<vmem_shared>>)
      } else {
      }
      %add3A_173 = arith.constant 3 : i32
      %add3A_174 = arith.addi %add3A_170, %add3A_173 : i32
      %lt3A = arith.constant 80 : i32
      %lt3A_175 = arith.cmpi slt, %add3A_174, %lt3A : i32
      %convert_element_type3A_176 = arith.extui %lt3A_175 : i1 to i32
      %cond3A_177 = arith.constant 0 : i32
      %cond3A_178 = arith.cmpi ne, %convert_element_type3A_176, %cond3A_177 : i32
      scf.if %cond3A_178 {
        %add3A_376 = arith.constant 3 : i32
        %add3A_377 = arith.addi %add3A_170, %add3A_376 : i32
        %dma_start3A_378 = arith.constant 3 : i32
        %dma_start3A_379 = arith.constant 3 : i32
        %dma_start3A_380 = arith.constant 0 : i32
        %dma_start3A_381 = arith.constant 0 : i32
        %dma_start3A_382 = tpu.memref_slice %arg8[%dma_start3A_378, %dma_start3A_380, %dma_start3A_381] : memref<5x128x32xf32, #tpu.memory_space<vmem>> -> memref<1x128x32xf32, #tpu.memory_space<vmem>>
        %dma_start3A_383 = tpu.memref_squeeze %dma_start3A_382 : memref<1x128x32xf32, #tpu.memory_space<vmem>> -> memref<128x32xf32, #tpu.memory_space<vmem>>
        %dma_start3A_384 = arith.constant 0 : i32
        %dma_start3A_385 = tpu.memref_slice %arg6[%add3A_377, %dma_start3A_384] : memref<80x128xi32, #tpu.memory_space<vmem>> -> memref<1x128xi32, #tpu.memory_space<vmem>>
        %dma_start3A_386 = tpu.memref_squeeze %dma_start3A_385 : memref<1x128xi32, #tpu.memory_space<vmem>> -> memref<128xi32, #tpu.memory_space<vmem>>
        %dma_start3A_387 = arith.constant 0 : i32
        %dma_start3A_388 = arith.constant 0 : i32
        %dma_start3A_389 = tpu.memref_slice %arg10[%dma_start3A_387, %dma_start3A_388] : memref<10112x32xf32, #tpu.memory_space<vmem_shared>> -> memref<10112x32xf32, #tpu.memory_space<vmem_shared>>
        %dma_start3A_390 = tpu.memref_slice %arg13[%dma_start3A_379] : memref<5x!tpu.dma_semaphore, #tpu.memory_space<semaphore_mem>> -> memref<1x!tpu.dma_semaphore, #tpu.memory_space<semaphore_mem>>
        %dma_start3A_391 = tpu.memref_squeeze %dma_start3A_390 : memref<1x!tpu.dma_semaphore, #tpu.memory_space<semaphore_mem>> -> memref<!tpu.dma_semaphore, #tpu.memory_space<semaphore_mem>>
        tpu.enqueue_indirect_dma source(%dma_start3A_389 : memref<10112x32xf32, #tpu.memory_space<vmem_shared>>) target(%dma_start3A_383 : memref<128x32xf32, #tpu.memory_space<vmem>>) offsets(%dma_start3A_386 : memref<128xi32, #tpu.memory_space<vmem>>) semaphore(%dma_start3A_391 : memref<!tpu.dma_semaphore, #tpu.memory_space<semaphore_mem>>)
      } else {
      }
      %dma_wait3A_179 = arith.constant 0 : i32
      %dma_wait3A_180 = arith.constant 0 : i32
      %dma_wait3A_181 = arith.constant 0 : i32
      %dma_wait3A_182 = arith.constant 0 : i32
      %dma_wait3A_183 = tpu.memref_slice %arg8[%dma_wait3A_179, %dma_wait3A_181, %dma_wait3A_182] : memref<5x128x32xf32, #tpu.memory_space<vmem>> -> memref<1x128x32xf32, #tpu.memory_space<vmem>>
      %dma_wait3A_184 = tpu.memref_squeeze %dma_wait3A_183 : memref<1x128x32xf32, #tpu.memory_space<vmem>> -> memref<128x32xf32, #tpu.memory_space<vmem>>
      %dma_wait3A_185 = arith.constant 0 : i32
      %dma_wait3A_186 = tpu.memref_slice %arg6[%add3A_170, %dma_wait3A_185] : memref<80x128xi32, #tpu.memory_space<vmem>> -> memref<1x128xi32, #tpu.memory_space<vmem>>
      %dma_wait3A_187 = tpu.memref_squeeze %dma_wait3A_186 : memref<1x128xi32, #tpu.memory_space<vmem>> -> memref<128xi32, #tpu.memory_space<vmem>>
      %dma_wait3A_188 = arith.constant 0 : i32
      %dma_wait3A_189 = arith.constant 0 : i32
      %dma_wait3A_190 = tpu.memref_slice %arg10[%dma_wait3A_188, %dma_wait3A_189] : memref<10112x32xf32, #tpu.memory_space<vmem_shared>> -> memref<10112x32xf32, #tpu.memory_space<vmem_shared>>
      %dma_wait3A_191 = tpu.memref_slice %arg13[%dma_wait3A_180] : memref<5x!tpu.dma_semaphore, #tpu.memory_space<semaphore_mem>> -> memref<1x!tpu.dma_semaphore, #tpu.memory_space<semaphore_mem>>
      %dma_wait3A_192 = tpu.memref_squeeze %dma_wait3A_191 : memref<1x!tpu.dma_semaphore, #tpu.memory_space<semaphore_mem>> -> memref<!tpu.dma_semaphore, #tpu.memory_space<semaphore_mem>>
      tpu.wait_indirect_dma semaphore(%dma_wait3A_192 : memref<!tpu.dma_semaphore, #tpu.memory_space<semaphore_mem>>) src(%dma_wait3A_190 : memref<10112x32xf32, #tpu.memory_space<vmem_shared>>) dst(%dma_wait3A_184 : memref<128x32xf32, #tpu.memory_space<vmem>>)
      %dma_start3A_193 = arith.constant 0 : i32
      %dma_start3A_194 = arith.constant 0 : i32
      %dma_start3A_195 = arith.constant 0 : i32
      %dma_start3A_196 = arith.constant 0 : i32
      %dma_start3A_197 = tpu.memref_slice %arg8[%dma_start3A_193, %dma_start3A_195, %dma_start3A_196] : memref<5x128x32xf32, #tpu.memory_space<vmem>> -> memref<1x128x32xf32, #tpu.memory_space<vmem>>
      %dma_start3A_198 = tpu.memref_squeeze %dma_start3A_197 : memref<1x128x32xf32, #tpu.memory_space<vmem>> -> memref<128x32xf32, #tpu.memory_space<vmem>>
      %dma_start3A_199 = arith.constant 0 : i32
      %dma_start3A_200 = tpu.memref_slice %arg7[%add3A_170, %dma_start3A_199] : memref<80x128xi32, #tpu.memory_space<vmem>> -> memref<1x128xi32, #tpu.memory_space<vmem>>
      %dma_start3A_201 = tpu.memref_squeeze %dma_start3A_200 : memref<1x128xi32, #tpu.memory_space<vmem>> -> memref<128xi32, #tpu.memory_space<vmem>>
      %dma_start3A_202 = arith.constant 0 : i32
      %dma_start3A_203 = arith.constant 0 : i32
      %dma_start3A_204 = tpu.memref_slice %arg9[%dma_start3A_202, %dma_start3A_203] : memref<10112x32xf32, #tpu.memory_space<vmem_shared>> -> memref<10112x32xf32, #tpu.memory_space<vmem_shared>>
      %dma_start3A_205 = tpu.memref_slice %arg14[%dma_start3A_194] : memref<5x!tpu.dma_semaphore, #tpu.memory_space<semaphore_mem>> -> memref<1x!tpu.dma_semaphore, #tpu.memory_space<semaphore_mem>>
      %dma_start3A_206 = tpu.memref_squeeze %dma_start3A_205 : memref<1x!tpu.dma_semaphore, #tpu.memory_space<semaphore_mem>> -> memref<!tpu.dma_semaphore, #tpu.memory_space<semaphore_mem>>
      tpu.enqueue_indirect_dma source(%dma_start3A_198 : memref<128x32xf32, #tpu.memory_space<vmem>>) target(%dma_start3A_204 : memref<10112x32xf32, #tpu.memory_space<vmem_shared>>) offsets(%dma_start3A_201 : memref<128xi32, #tpu.memory_space<vmem>>) semaphore(%dma_start3A_206 : memref<!tpu.dma_semaphore, #tpu.memory_space<semaphore_mem>>) {add = true}
      %add3A_207 = arith.constant 1 : i32
      %add3A_208 = arith.addi %mul3A_168, %add3A_207 : i32
      %ge3A_209 = arith.constant 2 : i32
      %ge3A_210 = arith.cmpi sge, %add3A_208, %ge3A_209 : i32
      %convert_element_type3A_211 = arith.extui %ge3A_210 : i1 to i32
      %cond3A_212 = arith.constant 0 : i32
      %cond3A_213 = arith.cmpi ne, %convert_element_type3A_211, %cond3A_212 : i32
      scf.if %cond3A_213 {
        %sub3A = arith.constant 2 : i32
        %sub3A_376 = arith.subi %add3A_208, %sub3A : i32
        %dma_wait3A_377 = arith.constant 4 : i32
        %dma_wait3A_378 = arith.constant 4 : i32
        %dma_wait3A_379 = arith.constant 0 : i32
        %dma_wait3A_380 = arith.constant 0 : i32
        %dma_wait3A_381 = tpu.memref_slice %arg8[%dma_wait3A_377, %dma_wait3A_379, %dma_wait3A_380] : memref<5x128x32xf32, #tpu.memory_space<vmem>> -> memref<1x128x32xf32, #tpu.memory_space<vmem>>
        %dma_wait3A_382 = tpu.memref_squeeze %dma_wait3A_381 : memref<1x128x32xf32, #tpu.memory_space<vmem>> -> memref<128x32xf32, #tpu.memory_space<vmem>>
        %dma_wait3A_383 = arith.constant 0 : i32
        %dma_wait3A_384 = tpu.memref_slice %arg7[%sub3A_376, %dma_wait3A_383] : memref<80x128xi32, #tpu.memory_space<vmem>> -> memref<1x128xi32, #tpu.memory_space<vmem>>
        %dma_wait3A_385 = tpu.memref_squeeze %dma_wait3A_384 : memref<1x128xi32, #tpu.memory_space<vmem>> -> memref<128xi32, #tpu.memory_space<vmem>>
        %dma_wait3A_386 = arith.constant 0 : i32
        %dma_wait3A_387 = arith.constant 0 : i32
        %dma_wait3A_388 = tpu.memref_slice %arg9[%dma_wait3A_386, %dma_wait3A_387] : memref<10112x32xf32, #tpu.memory_space<vmem_shared>> -> memref<10112x32xf32, #tpu.memory_space<vmem_shared>>
        %dma_wait3A_389 = tpu.memref_slice %arg14[%dma_wait3A_378] : memref<5x!tpu.dma_semaphore, #tpu.memory_space<semaphore_mem>> -> memref<1x!tpu.dma_semaphore, #tpu.memory_space<semaphore_mem>>
        %dma_wait3A_390 = tpu.memref_squeeze %dma_wait3A_389 : memref<1x!tpu.dma_semaphore, #tpu.memory_space<semaphore_mem>> -> memref<!tpu.dma_semaphore, #tpu.memory_space<semaphore_mem>>
        tpu.wait_indirect_dma semaphore(%dma_wait3A_390 : memref<!tpu.dma_semaphore, #tpu.memory_space<semaphore_mem>>) src(%dma_wait3A_382 : memref<128x32xf32, #tpu.memory_space<vmem>>) dst(%dma_wait3A_388 : memref<10112x32xf32, #tpu.memory_space<vmem_shared>>)
      } else {
      }
      %add3A_214 = arith.constant 3 : i32
      %add3A_215 = arith.addi %add3A_208, %add3A_214 : i32
      %lt3A_216 = arith.constant 80 : i32
      %lt3A_217 = arith.cmpi slt, %add3A_215, %lt3A_216 : i32
      %convert_element_type3A_218 = arith.extui %lt3A_217 : i1 to i32
      %cond3A_219 = arith.constant 0 : i32
      %cond3A_220 = arith.cmpi ne, %convert_element_type3A_218, %cond3A_219 : i32
      scf.if %cond3A_220 {
        %add3A_376 = arith.constant 3 : i32
        %add3A_377 = arith.addi %add3A_208, %add3A_376 : i32
        %dma_start3A_378 = arith.constant 4 : i32
        %dma_start3A_379 = arith.constant 4 : i32
        %dma_start3A_380 = arith.constant 0 : i32
        %dma_start3A_381 = arith.constant 0 : i32
        %dma_start3A_382 = tpu.memref_slice %arg8[%dma_start3A_378, %dma_start3A_380, %dma_start3A_381] : memref<5x128x32xf32, #tpu.memory_space<vmem>> -> memref<1x128x32xf32, #tpu.memory_space<vmem>>
        %dma_start3A_383 = tpu.memref_squeeze %dma_start3A_382 : memref<1x128x32xf32, #tpu.memory_space<vmem>> -> memref<128x32xf32, #tpu.memory_space<vmem>>
        %dma_start3A_384 = arith.constant 0 : i32
        %dma_start3A_385 = tpu.memref_slice %arg6[%add3A_377, %dma_start3A_384] : memref<80x128xi32, #tpu.memory_space<vmem>> -> memref<1x128xi32, #tpu.memory_space<vmem>>
        %dma_start3A_386 = tpu.memref_squeeze %dma_start3A_385 : memref<1x128xi32, #tpu.memory_space<vmem>> -> memref<128xi32, #tpu.memory_space<vmem>>
        %dma_start3A_387 = arith.constant 0 : i32
        %dma_start3A_388 = arith.constant 0 : i32
        %dma_start3A_389 = tpu.memref_slice %arg10[%dma_start3A_387, %dma_start3A_388] : memref<10112x32xf32, #tpu.memory_space<vmem_shared>> -> memref<10112x32xf32, #tpu.memory_space<vmem_shared>>
        %dma_start3A_390 = tpu.memref_slice %arg13[%dma_start3A_379] : memref<5x!tpu.dma_semaphore, #tpu.memory_space<semaphore_mem>> -> memref<1x!tpu.dma_semaphore, #tpu.memory_space<semaphore_mem>>
        %dma_start3A_391 = tpu.memref_squeeze %dma_start3A_390 : memref<1x!tpu.dma_semaphore, #tpu.memory_space<semaphore_mem>> -> memref<!tpu.dma_semaphore, #tpu.memory_space<semaphore_mem>>
        tpu.enqueue_indirect_dma source(%dma_start3A_389 : memref<10112x32xf32, #tpu.memory_space<vmem_shared>>) target(%dma_start3A_383 : memref<128x32xf32, #tpu.memory_space<vmem>>) offsets(%dma_start3A_386 : memref<128xi32, #tpu.memory_space<vmem>>) semaphore(%dma_start3A_391 : memref<!tpu.dma_semaphore, #tpu.memory_space<semaphore_mem>>)
      } else {
      }
      %dma_wait3A_221 = arith.constant 1 : i32
      %dma_wait3A_222 = arith.constant 1 : i32
      %dma_wait3A_223 = arith.constant 0 : i32
      %dma_wait3A_224 = arith.constant 0 : i32
      %dma_wait3A_225 = tpu.memref_slice %arg8[%dma_wait3A_221, %dma_wait3A_223, %dma_wait3A_224] : memref<5x128x32xf32, #tpu.memory_space<vmem>> -> memref<1x128x32xf32, #tpu.memory_space<vmem>>
      %dma_wait3A_226 = tpu.memref_squeeze %dma_wait3A_225 : memref<1x128x32xf32, #tpu.memory_space<vmem>> -> memref<128x32xf32, #tpu.memory_space<vmem>>
      %dma_wait3A_227 = arith.constant 0 : i32
      %dma_wait3A_228 = tpu.memref_slice %arg6[%add3A_208, %dma_wait3A_227] : memref<80x128xi32, #tpu.memory_space<vmem>> -> memref<1x128xi32, #tpu.memory_space<vmem>>
      %dma_wait3A_229 = tpu.memref_squeeze %dma_wait3A_228 : memref<1x128xi32, #tpu.memory_space<vmem>> -> memref<128xi32, #tpu.memory_space<vmem>>
      %dma_wait3A_230 = arith.constant 0 : i32
      %dma_wait3A_231 = arith.constant 0 : i32
      %dma_wait3A_232 = tpu.memref_slice %arg10[%dma_wait3A_230, %dma_wait3A_231] : memref<10112x32xf32, #tpu.memory_space<vmem_shared>> -> memref<10112x32xf32, #tpu.memory_space<vmem_shared>>
      %dma_wait3A_233 = tpu.memref_slice %arg13[%dma_wait3A_222] : memref<5x!tpu.dma_semaphore, #tpu.memory_space<semaphore_mem>> -> memref<1x!tpu.dma_semaphore, #tpu.memory_space<semaphore_mem>>
      %dma_wait3A_234 = tpu.memref_squeeze %dma_wait3A_233 : memref<1x!tpu.dma_semaphore, #tpu.memory_space<semaphore_mem>> -> memref<!tpu.dma_semaphore, #tpu.memory_space<semaphore_mem>>
      tpu.wait_indirect_dma semaphore(%dma_wait3A_234 : memref<!tpu.dma_semaphore, #tpu.memory_space<semaphore_mem>>) src(%dma_wait3A_232 : memref<10112x32xf32, #tpu.memory_space<vmem_shared>>) dst(%dma_wait3A_226 : memref<128x32xf32, #tpu.memory_space<vmem>>)
      %dma_start3A_235 = arith.constant 1 : i32
      %dma_start3A_236 = arith.constant 1 : i32
      %dma_start3A_237 = arith.constant 0 : i32
      %dma_start3A_238 = arith.constant 0 : i32
      %dma_start3A_239 = tpu.memref_slice %arg8[%dma_start3A_235, %dma_start3A_237, %dma_start3A_238] : memref<5x128x32xf32, #tpu.memory_space<vmem>> -> memref<1x128x32xf32, #tpu.memory_space<vmem>>
      %dma_start3A_240 = tpu.memref_squeeze %dma_start3A_239 : memref<1x128x32xf32, #tpu.memory_space<vmem>> -> memref<128x32xf32, #tpu.memory_space<vmem>>
      %dma_start3A_241 = arith.constant 0 : i32
      %dma_start3A_242 = tpu.memref_slice %arg7[%add3A_208, %dma_start3A_241] : memref<80x128xi32, #tpu.memory_space<vmem>> -> memref<1x128xi32, #tpu.memory_space<vmem>>
      %dma_start3A_243 = tpu.memref_squeeze %dma_start3A_242 : memref<1x128xi32, #tpu.memory_space<vmem>> -> memref<128xi32, #tpu.memory_space<vmem>>
      %dma_start3A_244 = arith.constant 0 : i32
      %dma_start3A_245 = arith.constant 0 : i32
      %dma_start3A_246 = tpu.memref_slice %arg9[%dma_start3A_244, %dma_start3A_245] : memref<10112x32xf32, #tpu.memory_space<vmem_shared>> -> memref<10112x32xf32, #tpu.memory_space<vmem_shared>>
      %dma_start3A_247 = tpu.memref_slice %arg14[%dma_start3A_236] : memref<5x!tpu.dma_semaphore, #tpu.memory_space<semaphore_mem>> -> memref<1x!tpu.dma_semaphore, #tpu.memory_space<semaphore_mem>>
      %dma_start3A_248 = tpu.memref_squeeze %dma_start3A_247 : memref<1x!tpu.dma_semaphore, #tpu.memory_space<semaphore_mem>> -> memref<!tpu.dma_semaphore, #tpu.memory_space<semaphore_mem>>
      tpu.enqueue_indirect_dma source(%dma_start3A_240 : memref<128x32xf32, #tpu.memory_space<vmem>>) target(%dma_start3A_246 : memref<10112x32xf32, #tpu.memory_space<vmem_shared>>) offsets(%dma_start3A_243 : memref<128xi32, #tpu.memory_space<vmem>>) semaphore(%dma_start3A_248 : memref<!tpu.dma_semaphore, #tpu.memory_space<semaphore_mem>>) {add = true}
      %add3A_249 = arith.constant 2 : i32
      %add3A_250 = arith.addi %mul3A_168, %add3A_249 : i32
      %ge3A_251 = arith.constant 2 : i32
      %ge3A_252 = arith.cmpi sge, %add3A_250, %ge3A_251 : i32
      %convert_element_type3A_253 = arith.extui %ge3A_252 : i1 to i32
      %cond3A_254 = arith.constant 0 : i32
      %cond3A_255 = arith.cmpi ne, %convert_element_type3A_253, %cond3A_254 : i32
      scf.if %cond3A_255 {
        %sub3A = arith.constant 2 : i32
        %sub3A_376 = arith.subi %add3A_250, %sub3A : i32
        %dma_wait3A_377 = arith.constant 0 : i32
        %dma_wait3A_378 = arith.constant 0 : i32
        %dma_wait3A_379 = arith.constant 0 : i32
        %dma_wait3A_380 = arith.constant 0 : i32
        %dma_wait3A_381 = tpu.memref_slice %arg8[%dma_wait3A_377, %dma_wait3A_379, %dma_wait3A_380] : memref<5x128x32xf32, #tpu.memory_space<vmem>> -> memref<1x128x32xf32, #tpu.memory_space<vmem>>
        %dma_wait3A_382 = tpu.memref_squeeze %dma_wait3A_381 : memref<1x128x32xf32, #tpu.memory_space<vmem>> -> memref<128x32xf32, #tpu.memory_space<vmem>>
        %dma_wait3A_383 = arith.constant 0 : i32
        %dma_wait3A_384 = tpu.memref_slice %arg7[%sub3A_376, %dma_wait3A_383] : memref<80x128xi32, #tpu.memory_space<vmem>> -> memref<1x128xi32, #tpu.memory_space<vmem>>
        %dma_wait3A_385 = tpu.memref_squeeze %dma_wait3A_384 : memref<1x128xi32, #tpu.memory_space<vmem>> -> memref<128xi32, #tpu.memory_space<vmem>>
        %dma_wait3A_386 = arith.constant 0 : i32
        %dma_wait3A_387 = arith.constant 0 : i32
        %dma_wait3A_388 = tpu.memref_slice %arg9[%dma_wait3A_386, %dma_wait3A_387] : memref<10112x32xf32, #tpu.memory_space<vmem_shared>> -> memref<10112x32xf32, #tpu.memory_space<vmem_shared>>
        %dma_wait3A_389 = tpu.memref_slice %arg14[%dma_wait3A_378] : memref<5x!tpu.dma_semaphore, #tpu.memory_space<semaphore_mem>> -> memref<1x!tpu.dma_semaphore, #tpu.memory_space<semaphore_mem>>
        %dma_wait3A_390 = tpu.memref_squeeze %dma_wait3A_389 : memref<1x!tpu.dma_semaphore, #tpu.memory_space<semaphore_mem>> -> memref<!tpu.dma_semaphore, #tpu.memory_space<semaphore_mem>>
        tpu.wait_indirect_dma semaphore(%dma_wait3A_390 : memref<!tpu.dma_semaphore, #tpu.memory_space<semaphore_mem>>) src(%dma_wait3A_382 : memref<128x32xf32, #tpu.memory_space<vmem>>) dst(%dma_wait3A_388 : memref<10112x32xf32, #tpu.memory_space<vmem_shared>>)
      } else {
      }
      %add3A_256 = arith.constant 3 : i32
      %add3A_257 = arith.addi %add3A_250, %add3A_256 : i32
      %lt3A_258 = arith.constant 80 : i32
      %lt3A_259 = arith.cmpi slt, %add3A_257, %lt3A_258 : i32
      %convert_element_type3A_260 = arith.extui %lt3A_259 : i1 to i32
      %cond3A_261 = arith.constant 0 : i32
      %cond3A_262 = arith.cmpi ne, %convert_element_type3A_260, %cond3A_261 : i32
      scf.if %cond3A_262 {
        %add3A_376 = arith.constant 3 : i32
        %add3A_377 = arith.addi %add3A_250, %add3A_376 : i32
        %dma_start3A_378 = arith.constant 0 : i32
        %dma_start3A_379 = arith.constant 0 : i32
        %dma_start3A_380 = arith.constant 0 : i32
        %dma_start3A_381 = arith.constant 0 : i32
        %dma_start3A_382 = tpu.memref_slice %arg8[%dma_start3A_378, %dma_start3A_380, %dma_start3A_381] : memref<5x128x32xf32, #tpu.memory_space<vmem>> -> memref<1x128x32xf32, #tpu.memory_space<vmem>>
        %dma_start3A_383 = tpu.memref_squeeze %dma_start3A_382 : memref<1x128x32xf32, #tpu.memory_space<vmem>> -> memref<128x32xf32, #tpu.memory_space<vmem>>
        %dma_start3A_384 = arith.constant 0 : i32
        %dma_start3A_385 = tpu.memref_slice %arg6[%add3A_377, %dma_start3A_384] : memref<80x128xi32, #tpu.memory_space<vmem>> -> memref<1x128xi32, #tpu.memory_space<vmem>>
        %dma_start3A_386 = tpu.memref_squeeze %dma_start3A_385 : memref<1x128xi32, #tpu.memory_space<vmem>> -> memref<128xi32, #tpu.memory_space<vmem>>
        %dma_start3A_387 = arith.constant 0 : i32
        %dma_start3A_388 = arith.constant 0 : i32
        %dma_start3A_389 = tpu.memref_slice %arg10[%dma_start3A_387, %dma_start3A_388] : memref<10112x32xf32, #tpu.memory_space<vmem_shared>> -> memref<10112x32xf32, #tpu.memory_space<vmem_shared>>
        %dma_start3A_390 = tpu.memref_slice %arg13[%dma_start3A_379] : memref<5x!tpu.dma_semaphore, #tpu.memory_space<semaphore_mem>> -> memref<1x!tpu.dma_semaphore, #tpu.memory_space<semaphore_mem>>
        %dma_start3A_391 = tpu.memref_squeeze %dma_start3A_390 : memref<1x!tpu.dma_semaphore, #tpu.memory_space<semaphore_mem>> -> memref<!tpu.dma_semaphore, #tpu.memory_space<semaphore_mem>>
        tpu.enqueue_indirect_dma source(%dma_start3A_389 : memref<10112x32xf32, #tpu.memory_space<vmem_shared>>) target(%dma_start3A_383 : memref<128x32xf32, #tpu.memory_space<vmem>>) offsets(%dma_start3A_386 : memref<128xi32, #tpu.memory_space<vmem>>) semaphore(%dma_start3A_391 : memref<!tpu.dma_semaphore, #tpu.memory_space<semaphore_mem>>)
      } else {
      }
      %dma_wait3A_263 = arith.constant 2 : i32
      %dma_wait3A_264 = arith.constant 2 : i32
      %dma_wait3A_265 = arith.constant 0 : i32
      %dma_wait3A_266 = arith.constant 0 : i32
      %dma_wait3A_267 = tpu.memref_slice %arg8[%dma_wait3A_263, %dma_wait3A_265, %dma_wait3A_266] : memref<5x128x32xf32, #tpu.memory_space<vmem>> -> memref<1x128x32xf32, #tpu.memory_space<vmem>>
      %dma_wait3A_268 = tpu.memref_squeeze %dma_wait3A_267 : memref<1x128x32xf32, #tpu.memory_space<vmem>> -> memref<128x32xf32, #tpu.memory_space<vmem>>
      %dma_wait3A_269 = arith.constant 0 : i32
      %dma_wait3A_270 = tpu.memref_slice %arg6[%add3A_250, %dma_wait3A_269] : memref<80x128xi32, #tpu.memory_space<vmem>> -> memref<1x128xi32, #tpu.memory_space<vmem>>
      %dma_wait3A_271 = tpu.memref_squeeze %dma_wait3A_270 : memref<1x128xi32, #tpu.memory_space<vmem>> -> memref<128xi32, #tpu.memory_space<vmem>>
      %dma_wait3A_272 = arith.constant 0 : i32
      %dma_wait3A_273 = arith.constant 0 : i32
      %dma_wait3A_274 = tpu.memref_slice %arg10[%dma_wait3A_272, %dma_wait3A_273] : memref<10112x32xf32, #tpu.memory_space<vmem_shared>> -> memref<10112x32xf32, #tpu.memory_space<vmem_shared>>
      %dma_wait3A_275 = tpu.memref_slice %arg13[%dma_wait3A_264] : memref<5x!tpu.dma_semaphore, #tpu.memory_space<semaphore_mem>> -> memref<1x!tpu.dma_semaphore, #tpu.memory_space<semaphore_mem>>
      %dma_wait3A_276 = tpu.memref_squeeze %dma_wait3A_275 : memref<1x!tpu.dma_semaphore, #tpu.memory_space<semaphore_mem>> -> memref<!tpu.dma_semaphore, #tpu.memory_space<semaphore_mem>>
      tpu.wait_indirect_dma semaphore(%dma_wait3A_276 : memref<!tpu.dma_semaphore, #tpu.memory_space<semaphore_mem>>) src(%dma_wait3A_274 : memref<10112x32xf32, #tpu.memory_space<vmem_shared>>) dst(%dma_wait3A_268 : memref<128x32xf32, #tpu.memory_space<vmem>>)
      %dma_start3A_277 = arith.constant 2 : i32
      %dma_start3A_278 = arith.constant 2 : i32
      %dma_start3A_279 = arith.constant 0 : i32
      %dma_start3A_280 = arith.constant 0 : i32
      %dma_start3A_281 = tpu.memref_slice %arg8[%dma_start3A_277, %dma_start3A_279, %dma_start3A_280] : memref<5x128x32xf32, #tpu.memory_space<vmem>> -> memref<1x128x32xf32, #tpu.memory_space<vmem>>
      %dma_start3A_282 = tpu.memref_squeeze %dma_start3A_281 : memref<1x128x32xf32, #tpu.memory_space<vmem>> -> memref<128x32xf32, #tpu.memory_space<vmem>>
      %dma_start3A_283 = arith.constant 0 : i32
      %dma_start3A_284 = tpu.memref_slice %arg7[%add3A_250, %dma_start3A_283] : memref<80x128xi32, #tpu.memory_space<vmem>> -> memref<1x128xi32, #tpu.memory_space<vmem>>
      %dma_start3A_285 = tpu.memref_squeeze %dma_start3A_284 : memref<1x128xi32, #tpu.memory_space<vmem>> -> memref<128xi32, #tpu.memory_space<vmem>>
      %dma_start3A_286 = arith.constant 0 : i32
      %dma_start3A_287 = arith.constant 0 : i32
      %dma_start3A_288 = tpu.memref_slice %arg9[%dma_start3A_286, %dma_start3A_287] : memref<10112x32xf32, #tpu.memory_space<vmem_shared>> -> memref<10112x32xf32, #tpu.memory_space<vmem_shared>>
      %dma_start3A_289 = tpu.memref_slice %arg14[%dma_start3A_278] : memref<5x!tpu.dma_semaphore, #tpu.memory_space<semaphore_mem>> -> memref<1x!tpu.dma_semaphore, #tpu.memory_space<semaphore_mem>>
      %dma_start3A_290 = tpu.memref_squeeze %dma_start3A_289 : memref<1x!tpu.dma_semaphore, #tpu.memory_space<semaphore_mem>> -> memref<!tpu.dma_semaphore, #tpu.memory_space<semaphore_mem>>
      tpu.enqueue_indirect_dma source(%dma_start3A_282 : memref<128x32xf32, #tpu.memory_space<vmem>>) target(%dma_start3A_288 : memref<10112x32xf32, #tpu.memory_space<vmem_shared>>) offsets(%dma_start3A_285 : memref<128xi32, #tpu.memory_space<vmem>>) semaphore(%dma_start3A_290 : memref<!tpu.dma_semaphore, #tpu.memory_space<semaphore_mem>>) {add = true}
      %add3A_291 = arith.constant 3 : i32
      %add3A_292 = arith.addi %mul3A_168, %add3A_291 : i32
      %ge3A_293 = arith.constant 2 : i32
      %ge3A_294 = arith.cmpi sge, %add3A_292, %ge3A_293 : i32
      %convert_element_type3A_295 = arith.extui %ge3A_294 : i1 to i32
      %cond3A_296 = arith.constant 0 : i32
      %cond3A_297 = arith.cmpi ne, %convert_element_type3A_295, %cond3A_296 : i32
      scf.if %cond3A_297 {
        %sub3A = arith.constant 2 : i32
        %sub3A_376 = arith.subi %add3A_292, %sub3A : i32
        %dma_wait3A_377 = arith.constant 1 : i32
        %dma_wait3A_378 = arith.constant 1 : i32
        %dma_wait3A_379 = arith.constant 0 : i32
        %dma_wait3A_380 = arith.constant 0 : i32
        %dma_wait3A_381 = tpu.memref_slice %arg8[%dma_wait3A_377, %dma_wait3A_379, %dma_wait3A_380] : memref<5x128x32xf32, #tpu.memory_space<vmem>> -> memref<1x128x32xf32, #tpu.memory_space<vmem>>
        %dma_wait3A_382 = tpu.memref_squeeze %dma_wait3A_381 : memref<1x128x32xf32, #tpu.memory_space<vmem>> -> memref<128x32xf32, #tpu.memory_space<vmem>>
        %dma_wait3A_383 = arith.constant 0 : i32
        %dma_wait3A_384 = tpu.memref_slice %arg7[%sub3A_376, %dma_wait3A_383] : memref<80x128xi32, #tpu.memory_space<vmem>> -> memref<1x128xi32, #tpu.memory_space<vmem>>
        %dma_wait3A_385 = tpu.memref_squeeze %dma_wait3A_384 : memref<1x128xi32, #tpu.memory_space<vmem>> -> memref<128xi32, #tpu.memory_space<vmem>>
        %dma_wait3A_386 = arith.constant 0 : i32
        %dma_wait3A_387 = arith.constant 0 : i32
        %dma_wait3A_388 = tpu.memref_slice %arg9[%dma_wait3A_386, %dma_wait3A_387] : memref<10112x32xf32, #tpu.memory_space<vmem_shared>> -> memref<10112x32xf32, #tpu.memory_space<vmem_shared>>
        %dma_wait3A_389 = tpu.memref_slice %arg14[%dma_wait3A_378] : memref<5x!tpu.dma_semaphore, #tpu.memory_space<semaphore_mem>> -> memref<1x!tpu.dma_semaphore, #tpu.memory_space<semaphore_mem>>
        %dma_wait3A_390 = tpu.memref_squeeze %dma_wait3A_389 : memref<1x!tpu.dma_semaphore, #tpu.memory_space<semaphore_mem>> -> memref<!tpu.dma_semaphore, #tpu.memory_space<semaphore_mem>>
        tpu.wait_indirect_dma semaphore(%dma_wait3A_390 : memref<!tpu.dma_semaphore, #tpu.memory_space<semaphore_mem>>) src(%dma_wait3A_382 : memref<128x32xf32, #tpu.memory_space<vmem>>) dst(%dma_wait3A_388 : memref<10112x32xf32, #tpu.memory_space<vmem_shared>>)
      } else {
      }
      %add3A_298 = arith.constant 3 : i32
      %add3A_299 = arith.addi %add3A_292, %add3A_298 : i32
      %lt3A_300 = arith.constant 80 : i32
      %lt3A_301 = arith.cmpi slt, %add3A_299, %lt3A_300 : i32
      %convert_element_type3A_302 = arith.extui %lt3A_301 : i1 to i32
      %cond3A_303 = arith.constant 0 : i32
      %cond3A_304 = arith.cmpi ne, %convert_element_type3A_302, %cond3A_303 : i32
      scf.if %cond3A_304 {
        %add3A_376 = arith.constant 3 : i32
        %add3A_377 = arith.addi %add3A_292, %add3A_376 : i32
        %dma_start3A_378 = arith.constant 1 : i32
        %dma_start3A_379 = arith.constant 1 : i32
        %dma_start3A_380 = arith.constant 0 : i32
        %dma_start3A_381 = arith.constant 0 : i32
        %dma_start3A_382 = tpu.memref_slice %arg8[%dma_start3A_378, %dma_start3A_380, %dma_start3A_381] : memref<5x128x32xf32, #tpu.memory_space<vmem>> -> memref<1x128x32xf32, #tpu.memory_space<vmem>>
        %dma_start3A_383 = tpu.memref_squeeze %dma_start3A_382 : memref<1x128x32xf32, #tpu.memory_space<vmem>> -> memref<128x32xf32, #tpu.memory_space<vmem>>
        %dma_start3A_384 = arith.constant 0 : i32
        %dma_start3A_385 = tpu.memref_slice %arg6[%add3A_377, %dma_start3A_384] : memref<80x128xi32, #tpu.memory_space<vmem>> -> memref<1x128xi32, #tpu.memory_space<vmem>>
        %dma_start3A_386 = tpu.memref_squeeze %dma_start3A_385 : memref<1x128xi32, #tpu.memory_space<vmem>> -> memref<128xi32, #tpu.memory_space<vmem>>
        %dma_start3A_387 = arith.constant 0 : i32
        %dma_start3A_388 = arith.constant 0 : i32
        %dma_start3A_389 = tpu.memref_slice %arg10[%dma_start3A_387, %dma_start3A_388] : memref<10112x32xf32, #tpu.memory_space<vmem_shared>> -> memref<10112x32xf32, #tpu.memory_space<vmem_shared>>
        %dma_start3A_390 = tpu.memref_slice %arg13[%dma_start3A_379] : memref<5x!tpu.dma_semaphore, #tpu.memory_space<semaphore_mem>> -> memref<1x!tpu.dma_semaphore, #tpu.memory_space<semaphore_mem>>
        %dma_start3A_391 = tpu.memref_squeeze %dma_start3A_390 : memref<1x!tpu.dma_semaphore, #tpu.memory_space<semaphore_mem>> -> memref<!tpu.dma_semaphore, #tpu.memory_space<semaphore_mem>>
        tpu.enqueue_indirect_dma source(%dma_start3A_389 : memref<10112x32xf32, #tpu.memory_space<vmem_shared>>) target(%dma_start3A_383 : memref<128x32xf32, #tpu.memory_space<vmem>>) offsets(%dma_start3A_386 : memref<128xi32, #tpu.memory_space<vmem>>) semaphore(%dma_start3A_391 : memref<!tpu.dma_semaphore, #tpu.memory_space<semaphore_mem>>)
      } else {
      }
      %dma_wait3A_305 = arith.constant 3 : i32
      %dma_wait3A_306 = arith.constant 3 : i32
      %dma_wait3A_307 = arith.constant 0 : i32
      %dma_wait3A_308 = arith.constant 0 : i32
      %dma_wait3A_309 = tpu.memref_slice %arg8[%dma_wait3A_305, %dma_wait3A_307, %dma_wait3A_308] : memref<5x128x32xf32, #tpu.memory_space<vmem>> -> memref<1x128x32xf32, #tpu.memory_space<vmem>>
      %dma_wait3A_310 = tpu.memref_squeeze %dma_wait3A_309 : memref<1x128x32xf32, #tpu.memory_space<vmem>> -> memref<128x32xf32, #tpu.memory_space<vmem>>
      %dma_wait3A_311 = arith.constant 0 : i32
      %dma_wait3A_312 = tpu.memref_slice %arg6[%add3A_292, %dma_wait3A_311] : memref<80x128xi32, #tpu.memory_space<vmem>> -> memref<1x128xi32, #tpu.memory_space<vmem>>
      %dma_wait3A_313 = tpu.memref_squeeze %dma_wait3A_312 : memref<1x128xi32, #tpu.memory_space<vmem>> -> memref<128xi32, #tpu.memory_space<vmem>>
      %dma_wait3A_314 = arith.constant 0 : i32
      %dma_wait3A_315 = arith.constant 0 : i32
      %dma_wait3A_316 = tpu.memref_slice %arg10[%dma_wait3A_314, %dma_wait3A_315] : memref<10112x32xf32, #tpu.memory_space<vmem_shared>> -> memref<10112x32xf32, #tpu.memory_space<vmem_shared>>
      %dma_wait3A_317 = tpu.memref_slice %arg13[%dma_wait3A_306] : memref<5x!tpu.dma_semaphore, #tpu.memory_space<semaphore_mem>> -> memref<1x!tpu.dma_semaphore, #tpu.memory_space<semaphore_mem>>
      %dma_wait3A_318 = tpu.memref_squeeze %dma_wait3A_317 : memref<1x!tpu.dma_semaphore, #tpu.memory_space<semaphore_mem>> -> memref<!tpu.dma_semaphore, #tpu.memory_space<semaphore_mem>>
      tpu.wait_indirect_dma semaphore(%dma_wait3A_318 : memref<!tpu.dma_semaphore, #tpu.memory_space<semaphore_mem>>) src(%dma_wait3A_316 : memref<10112x32xf32, #tpu.memory_space<vmem_shared>>) dst(%dma_wait3A_310 : memref<128x32xf32, #tpu.memory_space<vmem>>)
      %dma_start3A_319 = arith.constant 3 : i32
      %dma_start3A_320 = arith.constant 3 : i32
      %dma_start3A_321 = arith.constant 0 : i32
      %dma_start3A_322 = arith.constant 0 : i32
      %dma_start3A_323 = tpu.memref_slice %arg8[%dma_start3A_319, %dma_start3A_321, %dma_start3A_322] : memref<5x128x32xf32, #tpu.memory_space<vmem>> -> memref<1x128x32xf32, #tpu.memory_space<vmem>>
      %dma_start3A_324 = tpu.memref_squeeze %dma_start3A_323 : memref<1x128x32xf32, #tpu.memory_space<vmem>> -> memref<128x32xf32, #tpu.memory_space<vmem>>
      %dma_start3A_325 = arith.constant 0 : i32
      %dma_start3A_326 = tpu.memref_slice %arg7[%add3A_292, %dma_start3A_325] : memref<80x128xi32, #tpu.memory_space<vmem>> -> memref<1x128xi32, #tpu.memory_space<vmem>>
      %dma_start3A_327 = tpu.memref_squeeze %dma_start3A_326 : memref<1x128xi32, #tpu.memory_space<vmem>> -> memref<128xi32, #tpu.memory_space<vmem>>
      %dma_start3A_328 = arith.constant 0 : i32
      %dma_start3A_329 = arith.constant 0 : i32
      %dma_start3A_330 = tpu.memref_slice %arg9[%dma_start3A_328, %dma_start3A_329] : memref<10112x32xf32, #tpu.memory_space<vmem_shared>> -> memref<10112x32xf32, #tpu.memory_space<vmem_shared>>
      %dma_start3A_331 = tpu.memref_slice %arg14[%dma_start3A_320] : memref<5x!tpu.dma_semaphore, #tpu.memory_space<semaphore_mem>> -> memref<1x!tpu.dma_semaphore, #tpu.memory_space<semaphore_mem>>
      %dma_start3A_332 = tpu.memref_squeeze %dma_start3A_331 : memref<1x!tpu.dma_semaphore, #tpu.memory_space<semaphore_mem>> -> memref<!tpu.dma_semaphore, #tpu.memory_space<semaphore_mem>>
      tpu.enqueue_indirect_dma source(%dma_start3A_324 : memref<128x32xf32, #tpu.memory_space<vmem>>) target(%dma_start3A_330 : memref<10112x32xf32, #tpu.memory_space<vmem_shared>>) offsets(%dma_start3A_327 : memref<128xi32, #tpu.memory_space<vmem>>) semaphore(%dma_start3A_332 : memref<!tpu.dma_semaphore, #tpu.memory_space<semaphore_mem>>) {add = true}
      %add3A_333 = arith.constant 4 : i32
      %add3A_334 = arith.addi %mul3A_168, %add3A_333 : i32
      %ge3A_335 = arith.constant 2 : i32
      %ge3A_336 = arith.cmpi sge, %add3A_334, %ge3A_335 : i32
      %convert_element_type3A_337 = arith.extui %ge3A_336 : i1 to i32
      %cond3A_338 = arith.constant 0 : i32
      %cond3A_339 = arith.cmpi ne, %convert_element_type3A_337, %cond3A_338 : i32
      scf.if %cond3A_339 {
        %sub3A = arith.constant 2 : i32
        %sub3A_376 = arith.subi %add3A_334, %sub3A : i32
        %dma_wait3A_377 = arith.constant 2 : i32
        %dma_wait3A_378 = arith.constant 2 : i32
        %dma_wait3A_379 = arith.constant 0 : i32
        %dma_wait3A_380 = arith.constant 0 : i32
        %dma_wait3A_381 = tpu.memref_slice %arg8[%dma_wait3A_377, %dma_wait3A_379, %dma_wait3A_380] : memref<5x128x32xf32, #tpu.memory_space<vmem>> -> memref<1x128x32xf32, #tpu.memory_space<vmem>>
        %dma_wait3A_382 = tpu.memref_squeeze %dma_wait3A_381 : memref<1x128x32xf32, #tpu.memory_space<vmem>> -> memref<128x32xf32, #tpu.memory_space<vmem>>
        %dma_wait3A_383 = arith.constant 0 : i32
        %dma_wait3A_384 = tpu.memref_slice %arg7[%sub3A_376, %dma_wait3A_383] : memref<80x128xi32, #tpu.memory_space<vmem>> -> memref<1x128xi32, #tpu.memory_space<vmem>>
        %dma_wait3A_385 = tpu.memref_squeeze %dma_wait3A_384 : memref<1x128xi32, #tpu.memory_space<vmem>> -> memref<128xi32, #tpu.memory_space<vmem>>
        %dma_wait3A_386 = arith.constant 0 : i32
        %dma_wait3A_387 = arith.constant 0 : i32
        %dma_wait3A_388 = tpu.memref_slice %arg9[%dma_wait3A_386, %dma_wait3A_387] : memref<10112x32xf32, #tpu.memory_space<vmem_shared>> -> memref<10112x32xf32, #tpu.memory_space<vmem_shared>>
        %dma_wait3A_389 = tpu.memref_slice %arg14[%dma_wait3A_378] : memref<5x!tpu.dma_semaphore, #tpu.memory_space<semaphore_mem>> -> memref<1x!tpu.dma_semaphore, #tpu.memory_space<semaphore_mem>>
        %dma_wait3A_390 = tpu.memref_squeeze %dma_wait3A_389 : memref<1x!tpu.dma_semaphore, #tpu.memory_space<semaphore_mem>> -> memref<!tpu.dma_semaphore, #tpu.memory_space<semaphore_mem>>
        tpu.wait_indirect_dma semaphore(%dma_wait3A_390 : memref<!tpu.dma_semaphore, #tpu.memory_space<semaphore_mem>>) src(%dma_wait3A_382 : memref<128x32xf32, #tpu.memory_space<vmem>>) dst(%dma_wait3A_388 : memref<10112x32xf32, #tpu.memory_space<vmem_shared>>)
      } else {
      }
      %add3A_340 = arith.constant 3 : i32
      %add3A_341 = arith.addi %add3A_334, %add3A_340 : i32
      %lt3A_342 = arith.constant 80 : i32
      %lt3A_343 = arith.cmpi slt, %add3A_341, %lt3A_342 : i32
      %convert_element_type3A_344 = arith.extui %lt3A_343 : i1 to i32
      %cond3A_345 = arith.constant 0 : i32
      %cond3A_346 = arith.cmpi ne, %convert_element_type3A_344, %cond3A_345 : i32
      scf.if %cond3A_346 {
        %add3A_376 = arith.constant 3 : i32
        %add3A_377 = arith.addi %add3A_334, %add3A_376 : i32
        %dma_start3A_378 = arith.constant 2 : i32
        %dma_start3A_379 = arith.constant 2 : i32
        %dma_start3A_380 = arith.constant 0 : i32
        %dma_start3A_381 = arith.constant 0 : i32
        %dma_start3A_382 = tpu.memref_slice %arg8[%dma_start3A_378, %dma_start3A_380, %dma_start3A_381] : memref<5x128x32xf32, #tpu.memory_space<vmem>> -> memref<1x128x32xf32, #tpu.memory_space<vmem>>
        %dma_start3A_383 = tpu.memref_squeeze %dma_start3A_382 : memref<1x128x32xf32, #tpu.memory_space<vmem>> -> memref<128x32xf32, #tpu.memory_space<vmem>>
        %dma_start3A_384 = arith.constant 0 : i32
        %dma_start3A_385 = tpu.memref_slice %arg6[%add3A_377, %dma_start3A_384] : memref<80x128xi32, #tpu.memory_space<vmem>> -> memref<1x128xi32, #tpu.memory_space<vmem>>
        %dma_start3A_386 = tpu.memref_squeeze %dma_start3A_385 : memref<1x128xi32, #tpu.memory_space<vmem>> -> memref<128xi32, #tpu.memory_space<vmem>>
        %dma_start3A_387 = arith.constant 0 : i32
        %dma_start3A_388 = arith.constant 0 : i32
        %dma_start3A_389 = tpu.memref_slice %arg10[%dma_start3A_387, %dma_start3A_388] : memref<10112x32xf32, #tpu.memory_space<vmem_shared>> -> memref<10112x32xf32, #tpu.memory_space<vmem_shared>>
        %dma_start3A_390 = tpu.memref_slice %arg13[%dma_start3A_379] : memref<5x!tpu.dma_semaphore, #tpu.memory_space<semaphore_mem>> -> memref<1x!tpu.dma_semaphore, #tpu.memory_space<semaphore_mem>>
        %dma_start3A_391 = tpu.memref_squeeze %dma_start3A_390 : memref<1x!tpu.dma_semaphore, #tpu.memory_space<semaphore_mem>> -> memref<!tpu.dma_semaphore, #tpu.memory_space<semaphore_mem>>
        tpu.enqueue_indirect_dma source(%dma_start3A_389 : memref<10112x32xf32, #tpu.memory_space<vmem_shared>>) target(%dma_start3A_383 : memref<128x32xf32, #tpu.memory_space<vmem>>) offsets(%dma_start3A_386 : memref<128xi32, #tpu.memory_space<vmem>>) semaphore(%dma_start3A_391 : memref<!tpu.dma_semaphore, #tpu.memory_space<semaphore_mem>>)
      } else {
      }
      %dma_wait3A_347 = arith.constant 4 : i32
      %dma_wait3A_348 = arith.constant 4 : i32
      %dma_wait3A_349 = arith.constant 0 : i32
      %dma_wait3A_350 = arith.constant 0 : i32
      %dma_wait3A_351 = tpu.memref_slice %arg8[%dma_wait3A_347, %dma_wait3A_349, %dma_wait3A_350] : memref<5x128x32xf32, #tpu.memory_space<vmem>> -> memref<1x128x32xf32, #tpu.memory_space<vmem>>
      %dma_wait3A_352 = tpu.memref_squeeze %dma_wait3A_351 : memref<1x128x32xf32, #tpu.memory_space<vmem>> -> memref<128x32xf32, #tpu.memory_space<vmem>>
      %dma_wait3A_353 = arith.constant 0 : i32
      %dma_wait3A_354 = tpu.memref_slice %arg6[%add3A_334, %dma_wait3A_353] : memref<80x128xi32, #tpu.memory_space<vmem>> -> memref<1x128xi32, #tpu.memory_space<vmem>>
      %dma_wait3A_355 = tpu.memref_squeeze %dma_wait3A_354 : memref<1x128xi32, #tpu.memory_space<vmem>> -> memref<128xi32, #tpu.memory_space<vmem>>
      %dma_wait3A_356 = arith.constant 0 : i32
      %dma_wait3A_357 = arith.constant 0 : i32
      %dma_wait3A_358 = tpu.memref_slice %arg10[%dma_wait3A_356, %dma_wait3A_357] : memref<10112x32xf32, #tpu.memory_space<vmem_shared>> -> memref<10112x32xf32, #tpu.memory_space<vmem_shared>>
      %dma_wait3A_359 = tpu.memref_slice %arg13[%dma_wait3A_348] : memref<5x!tpu.dma_semaphore, #tpu.memory_space<semaphore_mem>> -> memref<1x!tpu.dma_semaphore, #tpu.memory_space<semaphore_mem>>
      %dma_wait3A_360 = tpu.memref_squeeze %dma_wait3A_359 : memref<1x!tpu.dma_semaphore, #tpu.memory_space<semaphore_mem>> -> memref<!tpu.dma_semaphore, #tpu.memory_space<semaphore_mem>>
      tpu.wait_indirect_dma semaphore(%dma_wait3A_360 : memref<!tpu.dma_semaphore, #tpu.memory_space<semaphore_mem>>) src(%dma_wait3A_358 : memref<10112x32xf32, #tpu.memory_space<vmem_shared>>) dst(%dma_wait3A_352 : memref<128x32xf32, #tpu.memory_space<vmem>>)
      %dma_start3A_361 = arith.constant 4 : i32
      %dma_start3A_362 = arith.constant 4 : i32
      %dma_start3A_363 = arith.constant 0 : i32
      %dma_start3A_364 = arith.constant 0 : i32
      %dma_start3A_365 = tpu.memref_slice %arg8[%dma_start3A_361, %dma_start3A_363, %dma_start3A_364] : memref<5x128x32xf32, #tpu.memory_space<vmem>> -> memref<1x128x32xf32, #tpu.memory_space<vmem>>
      %dma_start3A_366 = tpu.memref_squeeze %dma_start3A_365 : memref<1x128x32xf32, #tpu.memory_space<vmem>> -> memref<128x32xf32, #tpu.memory_space<vmem>>
      %dma_start3A_367 = arith.constant 0 : i32
      %dma_start3A_368 = tpu.memref_slice %arg7[%add3A_334, %dma_start3A_367] : memref<80x128xi32, #tpu.memory_space<vmem>> -> memref<1x128xi32, #tpu.memory_space<vmem>>
      %dma_start3A_369 = tpu.memref_squeeze %dma_start3A_368 : memref<1x128xi32, #tpu.memory_space<vmem>> -> memref<128xi32, #tpu.memory_space<vmem>>
      %dma_start3A_370 = arith.constant 0 : i32
      %dma_start3A_371 = arith.constant 0 : i32
      %dma_start3A_372 = tpu.memref_slice %arg9[%dma_start3A_370, %dma_start3A_371] : memref<10112x32xf32, #tpu.memory_space<vmem_shared>> -> memref<10112x32xf32, #tpu.memory_space<vmem_shared>>
      %dma_start3A_373 = tpu.memref_slice %arg14[%dma_start3A_362] : memref<5x!tpu.dma_semaphore, #tpu.memory_space<semaphore_mem>> -> memref<1x!tpu.dma_semaphore, #tpu.memory_space<semaphore_mem>>
      %dma_start3A_374 = tpu.memref_squeeze %dma_start3A_373 : memref<1x!tpu.dma_semaphore, #tpu.memory_space<semaphore_mem>> -> memref<!tpu.dma_semaphore, #tpu.memory_space<semaphore_mem>>
      tpu.enqueue_indirect_dma source(%dma_start3A_366 : memref<128x32xf32, #tpu.memory_space<vmem>>) target(%dma_start3A_372 : memref<10112x32xf32, #tpu.memory_space<vmem_shared>>) offsets(%dma_start3A_369 : memref<128xi32, #tpu.memory_space<vmem>>) semaphore(%dma_start3A_374 : memref<!tpu.dma_semaphore, #tpu.memory_space<semaphore_mem>>) {add = true}
      %scan3A_375 = arith.constant 0 : i32
      scf.yield %scan3A_375 : i32
    }
    %scan3A_121 = arith.constant 16 : i32
    %dma_wait3A_122 = arith.constant 3 : i32
    %dma_wait3A_123 = arith.constant 78 : i32
    %dma_wait3A_124 = arith.constant 3 : i32
    %dma_wait3A_125 = arith.constant 0 : i32
    %dma_wait3A_126 = arith.constant 0 : i32
    %dma_wait3A_127 = tpu.memref_slice %arg8[%dma_wait3A_122, %dma_wait3A_125, %dma_wait3A_126] : memref<5x128x32xf32, #tpu.memory_space<vmem>> -> memref<1x128x32xf32, #tpu.memory_space<vmem>>
    %dma_wait3A_128 = tpu.memref_squeeze %dma_wait3A_127 : memref<1x128x32xf32, #tpu.memory_space<vmem>> -> memref<128x32xf32, #tpu.memory_space<vmem>>
    %dma_wait3A_129 = arith.constant 0 : i32
    %dma_wait3A_130 = tpu.memref_slice %arg7[%dma_wait3A_123, %dma_wait3A_129] : memref<80x128xi32, #tpu.memory_space<vmem>> -> memref<1x128xi32, #tpu.memory_space<vmem>>
    %dma_wait3A_131 = tpu.memref_squeeze %dma_wait3A_130 : memref<1x128xi32, #tpu.memory_space<vmem>> -> memref<128xi32, #tpu.memory_space<vmem>>
    %dma_wait3A_132 = arith.constant 0 : i32
    %dma_wait3A_133 = arith.constant 0 : i32
    %dma_wait3A_134 = tpu.memref_slice %arg9[%dma_wait3A_132, %dma_wait3A_133] : memref<10112x32xf32, #tpu.memory_space<vmem_shared>> -> memref<10112x32xf32, #tpu.memory_space<vmem_shared>>
    %dma_wait3A_135 = tpu.memref_slice %arg14[%dma_wait3A_124] : memref<5x!tpu.dma_semaphore, #tpu.memory_space<semaphore_mem>> -> memref<1x!tpu.dma_semaphore, #tpu.memory_space<semaphore_mem>>
    %dma_wait3A_136 = tpu.memref_squeeze %dma_wait3A_135 : memref<1x!tpu.dma_semaphore, #tpu.memory_space<semaphore_mem>> -> memref<!tpu.dma_semaphore, #tpu.memory_space<semaphore_mem>>
    tpu.wait_indirect_dma semaphore(%dma_wait3A_136 : memref<!tpu.dma_semaphore, #tpu.memory_space<semaphore_mem>>) src(%dma_wait3A_128 : memref<128x32xf32, #tpu.memory_space<vmem>>) dst(%dma_wait3A_134 : memref<10112x32xf32, #tpu.memory_space<vmem_shared>>)
    %dma_wait3A_137 = arith.constant 4 : i32
    %dma_wait3A_138 = arith.constant 79 : i32
    %dma_wait3A_139 = arith.constant 4 : i32
    %dma_wait3A_140 = arith.constant 0 : i32
    %dma_wait3A_141 = arith.constant 0 : i32
    %dma_wait3A_142 = tpu.memref_slice %arg8[%dma_wait3A_137, %dma_wait3A_140, %dma_wait3A_141] : memref<5x128x32xf32, #tpu.memory_space<vmem>> -> memref<1x128x32xf32, #tpu.memory_space<vmem>>
    %dma_wait3A_143 = tpu.memref_squeeze %dma_wait3A_142 : memref<1x128x32xf32, #tpu.memory_space<vmem>> -> memref<128x32xf32, #tpu.memory_space<vmem>>
    %dma_wait3A_144 = arith.constant 0 : i32
    %dma_wait3A_145 = tpu.memref_slice %arg7[%dma_wait3A_138, %dma_wait3A_144] : memref<80x128xi32, #tpu.memory_space<vmem>> -> memref<1x128xi32, #tpu.memory_space<vmem>>
    %dma_wait3A_146 = tpu.memref_squeeze %dma_wait3A_145 : memref<1x128xi32, #tpu.memory_space<vmem>> -> memref<128xi32, #tpu.memory_space<vmem>>
    %dma_wait3A_147 = arith.constant 0 : i32
    %dma_wait3A_148 = arith.constant 0 : i32
    %dma_wait3A_149 = tpu.memref_slice %arg9[%dma_wait3A_147, %dma_wait3A_148] : memref<10112x32xf32, #tpu.memory_space<vmem_shared>> -> memref<10112x32xf32, #tpu.memory_space<vmem_shared>>
    %dma_wait3A_150 = tpu.memref_slice %arg14[%dma_wait3A_139] : memref<5x!tpu.dma_semaphore, #tpu.memory_space<semaphore_mem>> -> memref<1x!tpu.dma_semaphore, #tpu.memory_space<semaphore_mem>>
    %dma_wait3A_151 = tpu.memref_squeeze %dma_wait3A_150 : memref<1x!tpu.dma_semaphore, #tpu.memory_space<semaphore_mem>> -> memref<!tpu.dma_semaphore, #tpu.memory_space<semaphore_mem>>
    tpu.wait_indirect_dma semaphore(%dma_wait3A_151 : memref<!tpu.dma_semaphore, #tpu.memory_space<semaphore_mem>>) src(%dma_wait3A_143 : memref<128x32xf32, #tpu.memory_space<vmem>>) dst(%dma_wait3A_149 : memref<10112x32xf32, #tpu.memory_space<vmem_shared>>)
    %barrier3A_152 = arith.constant 0 : index
    tpu.barrier barrier_id(%barrier3A_152)
    "tpu.region"() ({
      %run_scoped3A = tpu.sem_alloc : memref<!tpu.dma_semaphore, #tpu.memory_space<semaphore_mem>>
      %dma_start3A_165 = arith.constant 0 : i32
      %dma_start3A_166 = tpu.memref_slice %arg9[%mul3A_2, %dma_start3A_165] : memref<10112x32xf32, #tpu.memory_space<vmem_shared>> -> memref<632x32xf32, #tpu.memory_space<vmem_shared>>
      %dma_start3A_167 = arith.constant 0 : i32
      %dma_start3A_168 = tpu.memref_slice %arg9[%mul3A_2, %dma_start3A_167] : memref<10112x32xf32, #tpu.memory_space<vmem_shared>> -> memref<632x32xf32, #tpu.memory_space<vmem_shared>>
      tpu.enqueue_dma source(%dma_start3A_168 : memref<632x32xf32, #tpu.memory_space<vmem_shared>>) target(%arg11 : memref<632x32xf32, #tpu.memory_space<vmem>>) target_semaphore(%run_scoped3A : memref<!tpu.dma_semaphore, #tpu.memory_space<semaphore_mem>>)
      %dma_wait3A_169 = arith.constant 0 : i32
      %dma_wait3A_170 = tpu.memref_slice %arg9[%mul3A_2, %dma_wait3A_169] : memref<10112x32xf32, #tpu.memory_space<vmem_shared>> -> memref<632x32xf32, #tpu.memory_space<vmem_shared>>
      %dma_wait3A_171 = arith.constant 0 : i32
      %dma_wait3A_172 = tpu.memref_slice %arg9[%mul3A_2, %dma_wait3A_171] : memref<10112x32xf32, #tpu.memory_space<vmem_shared>> -> memref<632x32xf32, #tpu.memory_space<vmem_shared>>
      tpu.wait_dma2 semaphore(%run_scoped3A : memref<!tpu.dma_semaphore, #tpu.memory_space<semaphore_mem>>) src(%dma_wait3A_172 : memref<632x32xf32, #tpu.memory_space<vmem_shared>>) dst(%arg11 : memref<632x32xf32, #tpu.memory_space<vmem>>)
      tpu.yield
    }) : () -> ()
    %scan3A_153 = arith.constant 0 : i32
    %scan3A_154 = arith.constant 0 : i32
    %scan3A_155 = arith.constant 158 : i32
    %scan3A_156 = arith.addi %scan3A_154, %scan3A_155 : i32
    %scan3A_157 = arith.constant 1 : i32
    %scan3A_158 = scf.for %scan3A_165 = %scan3A_154 to %scan3A_156 step %scan3A_157 iter_args(%scan3A_166 = %scan3A_153) -> (i32)  : i32 {
      %mul3A_167 = arith.constant 4 : i32
      %mul3A_168 = arith.muli %scan3A_165, %mul3A_167 : i32
      %add3A_169 = arith.constant 0 : i32
      %add3A_170 = arith.addi %mul3A_168, %add3A_169 : i32
      %get3A = arith.index_cast %add3A_170 : i32 to index
      %get3A_171 = arith.constant 0 : index
      %get3A_172 = tpu.vector_load %arg11[%get3A, %get3A_171] {strides = array<i32>} : memref<632x32xf32, #tpu.memory_space<vmem>>, vector<1x16xf32>,
      %get3A_173 = vector.shape_cast %get3A_172 : vector<1x16xf32> to vector<16xf32>
      %swap3A = arith.index_cast %scan3A_165 : i32 to index
      %swap3A_174 = arith.constant 0 : index
      %swap3A_175 = tpu.vector_load %arg12[%swap3A, %swap3A_174] {strides = array<i32>} : memref<158x128xf32, #tpu.memory_space<vmem>>, vector<1x16xf32>,
      %swap3A_176 = vector.shape_cast %swap3A_175 : vector<1x16xf32> to vector<16xf32>
      %swap3A_177 = vector.shape_cast %get3A_173 : vector<16xf32> to vector<1x16xf32>
      tpu.vector_store %arg12[%swap3A, %swap3A_174], %swap3A_177 {strides = array<i32>} : memref<158x128xf32, #tpu.memory_space<vmem>>, vector<1x16xf32>,
      %get3A_178 = arith.index_cast %add3A_170 : i32 to index
      %get3A_179 = arith.constant 16 : index
      %get3A_180 = tpu.vector_load %arg11[%get3A_178, %get3A_179] {strides = array<i32>} : memref<632x32xf32, #tpu.memory_space<vmem>>, vector<1x16xf32>,
      %get3A_181 = vector.shape_cast %get3A_180 : vector<1x16xf32> to vector<16xf32>
      %swap3A_182 = arith.index_cast %scan3A_165 : i32 to index
      %swap3A_183 = arith.constant 16 : index
      %swap3A_184 = tpu.vector_load %arg12[%swap3A_182, %swap3A_183] {strides = array<i32>} : memref<158x128xf32, #tpu.memory_space<vmem>>, vector<1x16xf32>,
      %swap3A_185 = vector.shape_cast %swap3A_184 : vector<1x16xf32> to vector<16xf32>
      %swap3A_186 = vector.shape_cast %get3A_181 : vector<16xf32> to vector<1x16xf32>
      tpu.vector_store %arg12[%swap3A_182, %swap3A_183], %swap3A_186 {strides = array<i32>} : memref<158x128xf32, #tpu.memory_space<vmem>>, vector<1x16xf32>,
      %mul3A_187 = arith.constant 4 : i32
      %mul3A_188 = arith.muli %scan3A_165, %mul3A_187 : i32
      %add3A_189 = arith.constant 1 : i32
      %add3A_190 = arith.addi %mul3A_188, %add3A_189 : i32
      %get3A_191 = arith.index_cast %add3A_190 : i32 to index
      %get3A_192 = arith.constant 0 : index
      %get3A_193 = tpu.vector_load %arg11[%get3A_191, %get3A_192] {strides = array<i32>} : memref<632x32xf32, #tpu.memory_space<vmem>>, vector<1x16xf32>,
      %get3A_194 = vector.shape_cast %get3A_193 : vector<1x16xf32> to vector<16xf32>
      %swap3A_195 = arith.index_cast %scan3A_165 : i32 to index
      %swap3A_196 = arith.constant 32 : index
      %swap3A_197 = tpu.vector_load %arg12[%swap3A_195, %swap3A_196] {strides = array<i32>} : memref<158x128xf32, #tpu.memory_space<vmem>>, vector<1x16xf32>,
      %swap3A_198 = vector.shape_cast %swap3A_197 : vector<1x16xf32> to vector<16xf32>
      %swap3A_199 = vector.shape_cast %get3A_194 : vector<16xf32> to vector<1x16xf32>
      tpu.vector_store %arg12[%swap3A_195, %swap3A_196], %swap3A_199 {strides = array<i32>} : memref<158x128xf32, #tpu.memory_space<vmem>>, vector<1x16xf32>,
      %get3A_200 = arith.index_cast %add3A_190 : i32 to index
      %get3A_201 = arith.constant 16 : index
      %get3A_202 = tpu.vector_load %arg11[%get3A_200, %get3A_201] {strides = array<i32>} : memref<632x32xf32, #tpu.memory_space<vmem>>, vector<1x16xf32>,
      %get3A_203 = vector.shape_cast %get3A_202 : vector<1x16xf32> to vector<16xf32>
      %swap3A_204 = arith.index_cast %scan3A_165 : i32 to index
      %swap3A_205 = arith.constant 48 : index
      %swap3A_206 = tpu.vector_load %arg12[%swap3A_204, %swap3A_205] {strides = array<i32>} : memref<158x128xf32, #tpu.memory_space<vmem>>, vector<1x16xf32>,
      %swap3A_207 = vector.shape_cast %swap3A_206 : vector<1x16xf32> to vector<16xf32>
      %swap3A_208 = vector.shape_cast %get3A_203 : vector<16xf32> to vector<1x16xf32>
      tpu.vector_store %arg12[%swap3A_204, %swap3A_205], %swap3A_208 {strides = array<i32>} : memref<158x128xf32, #tpu.memory_space<vmem>>, vector<1x16xf32>,
      %mul3A_209 = arith.constant 4 : i32
      %mul3A_210 = arith.muli %scan3A_165, %mul3A_209 : i32
      %add3A_211 = arith.constant 2 : i32
      %add3A_212 = arith.addi %mul3A_210, %add3A_211 : i32
      %get3A_213 = arith.index_cast %add3A_212 : i32 to index
      %get3A_214 = arith.constant 0 : index
      %get3A_215 = tpu.vector_load %arg11[%get3A_213, %get3A_214] {strides = array<i32>} : memref<632x32xf32, #tpu.memory_space<vmem>>, vector<1x16xf32>,
      %get3A_216 = vector.shape_cast %get3A_215 : vector<1x16xf32> to vector<16xf32>
      %swap3A_217 = arith.index_cast %scan3A_165 : i32 to index
      %swap3A_218 = arith.constant 64 : index
      %swap3A_219 = tpu.vector_load %arg12[%swap3A_217, %swap3A_218] {strides = array<i32>} : memref<158x128xf32, #tpu.memory_space<vmem>>, vector<1x16xf32>,
      %swap3A_220 = vector.shape_cast %swap3A_219 : vector<1x16xf32> to vector<16xf32>
      %swap3A_221 = vector.shape_cast %get3A_216 : vector<16xf32> to vector<1x16xf32>
      tpu.vector_store %arg12[%swap3A_217, %swap3A_218], %swap3A_221 {strides = array<i32>} : memref<158x128xf32, #tpu.memory_space<vmem>>, vector<1x16xf32>,
      %get3A_222 = arith.index_cast %add3A_212 : i32 to index
      %get3A_223 = arith.constant 16 : index
      %get3A_224 = tpu.vector_load %arg11[%get3A_222, %get3A_223] {strides = array<i32>} : memref<632x32xf32, #tpu.memory_space<vmem>>, vector<1x16xf32>,
      %get3A_225 = vector.shape_cast %get3A_224 : vector<1x16xf32> to vector<16xf32>
      %swap3A_226 = arith.index_cast %scan3A_165 : i32 to index
      %swap3A_227 = arith.constant 80 : index
      %swap3A_228 = tpu.vector_load %arg12[%swap3A_226, %swap3A_227] {strides = array<i32>} : memref<158x128xf32, #tpu.memory_space<vmem>>, vector<1x16xf32>,
      %swap3A_229 = vector.shape_cast %swap3A_228 : vector<1x16xf32> to vector<16xf32>
      %swap3A_230 = vector.shape_cast %get3A_225 : vector<16xf32> to vector<1x16xf32>
      tpu.vector_store %arg12[%swap3A_226, %swap3A_227], %swap3A_230 {strides = array<i32>} : memref<158x128xf32, #tpu.memory_space<vmem>>, vector<1x16xf32>,
      %mul3A_231 = arith.constant 4 : i32
      %mul3A_232 = arith.muli %scan3A_165, %mul3A_231 : i32
      %add3A_233 = arith.constant 3 : i32
      %add3A_234 = arith.addi %mul3A_232, %add3A_233 : i32
      %get3A_235 = arith.index_cast %add3A_234 : i32 to index
      %get3A_236 = arith.constant 0 : index
      %get3A_237 = tpu.vector_load %arg11[%get3A_235, %get3A_236] {strides = array<i32>} : memref<632x32xf32, #tpu.memory_space<vmem>>, vector<1x16xf32>,
      %get3A_238 = vector.shape_cast %get3A_237 : vector<1x16xf32> to vector<16xf32>
      %swap3A_239 = arith.index_cast %scan3A_165 : i32 to index
      %swap3A_240 = arith.constant 96 : index
      %swap3A_241 = tpu.vector_load %arg12[%swap3A_239, %swap3A_240] {strides = array<i32>} : memref<158x128xf32, #tpu.memory_space<vmem>>, vector<1x16xf32>,
      %swap3A_242 = vector.shape_cast %swap3A_241 : vector<1x16xf32> to vector<16xf32>
      %swap3A_243 = vector.shape_cast %get3A_238 : vector<16xf32> to vector<1x16xf32>
      tpu.vector_store %arg12[%swap3A_239, %swap3A_240], %swap3A_243 {strides = array<i32>} : memref<158x128xf32, #tpu.memory_space<vmem>>, vector<1x16xf32>,
      %get3A_244 = arith.index_cast %add3A_234 : i32 to index
      %get3A_245 = arith.constant 16 : index
      %get3A_246 = tpu.vector_load %arg11[%get3A_244, %get3A_245] {strides = array<i32>} : memref<632x32xf32, #tpu.memory_space<vmem>>, vector<1x16xf32>,
      %get3A_247 = vector.shape_cast %get3A_246 : vector<1x16xf32> to vector<16xf32>
      %swap3A_248 = arith.index_cast %scan3A_165 : i32 to index
      %swap3A_249 = arith.constant 112 : index
      %swap3A_250 = tpu.vector_load %arg12[%swap3A_248, %swap3A_249] {strides = array<i32>} : memref<158x128xf32, #tpu.memory_space<vmem>>, vector<1x16xf32>,
      %swap3A_251 = vector.shape_cast %swap3A_250 : vector<1x16xf32> to vector<16xf32>
      %swap3A_252 = vector.shape_cast %get3A_247 : vector<16xf32> to vector<1x16xf32>
      tpu.vector_store %arg12[%swap3A_248, %swap3A_249], %swap3A_252 {strides = array<i32>} : memref<158x128xf32, #tpu.memory_space<vmem>>, vector<1x16xf32>,
      %scan3A_253 = arith.constant 0 : i32
      scf.yield %scan3A_253 : i32
    }
    %scan3A_159 = arith.constant 158 : i32
    %mul3A_160 = arith.constant 2528 : i32
    %mul3A_161 = arith.muli %arg0, %mul3A_160 : i32
    %mul3A_162 = arith.constant 158 : i32
    %mul3A_163 = arith.muli %arg1, %mul3A_162 : i32
    %add3A_164 = arith.addi %mul3A_161, %mul3A_163 : i32
    "tpu.region"() ({
      %run_scoped3A = tpu.sem_alloc : memref<!tpu.dma_semaphore, #tpu.memory_space<semaphore_mem>>
      %dma_start3A_165 = arith.constant 0 : i32
      %dma_start3A_166 = tpu.memref_slice %arg5[%add3A_164, %dma_start3A_165] : memref<5056x128xf32, #tpu.memory_space<hbm>> -> memref<158x128xf32, #tpu.memory_space<hbm>>
      %dma_start3A_167 = arith.constant 0 : i32
      %dma_start3A_168 = tpu.memref_slice %arg5[%add3A_164, %dma_start3A_167] : memref<5056x128xf32, #tpu.memory_space<hbm>> -> memref<158x128xf32, #tpu.memory_space<hbm>>
      tpu.enqueue_dma source(%arg12 : memref<158x128xf32, #tpu.memory_space<vmem>>) target(%dma_start3A_168 : memref<158x128xf32, #tpu.memory_space<hbm>>) target_semaphore(%run_scoped3A : memref<!tpu.dma_semaphore, #tpu.memory_space<semaphore_mem>>)
      %dma_wait3A_169 = arith.constant 0 : i32
      %dma_wait3A_170 = tpu.memref_slice %arg5[%add3A_164, %dma_wait3A_169] : memref<5056x128xf32, #tpu.memory_space<hbm>> -> memref<158x128xf32, #tpu.memory_space<hbm>>
      %dma_wait3A_171 = arith.constant 0 : i32
      %dma_wait3A_172 = tpu.memref_slice %arg5[%add3A_164, %dma_wait3A_171] : memref<5056x128xf32, #tpu.memory_space<hbm>> -> memref<158x128xf32, #tpu.memory_space<hbm>>
      tpu.wait_dma2 semaphore(%run_scoped3A : memref<!tpu.dma_semaphore, #tpu.memory_space<semaphore_mem>>) src(%arg12 : memref<158x128xf32, #tpu.memory_space<vmem>>) dst(%dma_wait3A_172 : memref<158x128xf32, #tpu.memory_space<hbm>>)
      tpu.yield
    }) : () -> ()
    return
  }
}

#map = affine_map<(d0, d1) -> (0, 0)>
module attributes {stable_mosaic.version = 14 : i64} {
  func.func @_sc_agg(%arg0: i32, %arg1: i32, %arg2: memref<2528x128xf32, #tpu.memory_space<hbm>>, %arg3: memref<2560x128xi32, #tpu.memory_space<hbm>>, %arg4: memref<632x32xf32, #tpu.memory_space<hbm>>, %arg5: memref<5056x128xf32, #tpu.memory_space<hbm>>, %arg6: memref<80x128xi32, #tpu.memory_space<vmem>>, %arg7: memref<80x128xi32, #tpu.memory_space<vmem>>, %arg8: memref<5x128x32xf32, #tpu.memory_space<vmem>>, %arg9: memref<10112x32xf32, #tpu.memory_space<vmem_shared>>, %arg10: memref<10112x32xf32, #tpu.memory_space<vmem_shared>>, %arg11: memref<632x32xf32, #tpu.memory_space<vmem>>, %arg12: memref<158x128xf32, #tpu.memory_space<vmem>>, %arg13: memref<5x!tpu.dma_semaphore, #tpu.memory_space<semaphore_mem>>, %arg14: memref<5x!tpu.dma_semaphore, #tpu.memory_space<semaphore_mem>>) attributes {dimension_semantics = [#tpu.dimension_semantics<core_parallel>, #tpu.dimension_semantics<subcore_parallel>], iteration_bounds = array<i64: 2, 16>, scalar_prefetch = 0 : i64, scratch_operands = 9 : i64, tpu.core_type = #tpu.core_type<sc_vector_subcore>, window_params = [{transform_indices = #map}, {transform_indices = #map}, {transform_indices = #map}, {transform_indices = #map}]} {
    %mul3A = arith.constant 16 : i32
    %mul3A_0 = arith.muli %arg0, %mul3A : i32
    %add3A = arith.addi %mul3A_0, %arg1 : i32
    %mul3A_1 = arith.constant 632 : i32
    %mul3A_2 = arith.muli %arg1, %mul3A_1 : i32
    %mul3A_3 = arith.constant 158 : i32
    %mul3A_4 = arith.muli %arg1, %mul3A_3 : i32
    %dma_start3A = arith.constant 0 : i32
    %dma_start3A_5 = arith.constant 0 : i32
    %dma_start3A_6 = tpu.memref_slice %arg2[%mul3A_4, %dma_start3A_5] : memref<2528x128xf32, #tpu.memory_space<hbm>> -> memref<158x128xf32, #tpu.memory_space<hbm>>
    %dma_start3A_7 = tpu.memref_slice %arg13[%dma_start3A] : memref<5x!tpu.dma_semaphore, #tpu.memory_space<semaphore_mem>> -> memref<1x!tpu.dma_semaphore, #tpu.memory_space<semaphore_mem>>
    %dma_start3A_8 = tpu.memref_squeeze %dma_start3A_7 : memref<1x!tpu.dma_semaphore, #tpu.memory_space<semaphore_mem>> -> memref<!tpu.dma_semaphore, #tpu.memory_space<semaphore_mem>>
    %dma_start3A_9 = arith.constant 0 : i32
    %dma_start3A_10 = tpu.memref_slice %arg2[%mul3A_4, %dma_start3A_9] : memref<2528x128xf32, #tpu.memory_space<hbm>> -> memref<158x128xf32, #tpu.memory_space<hbm>>
    tpu.enqueue_dma source(%dma_start3A_10 : memref<158x128xf32, #tpu.memory_space<hbm>>) target(%arg12 : memref<158x128xf32, #tpu.memory_space<vmem>>) target_semaphore(%dma_start3A_8 : memref<!tpu.dma_semaphore, #tpu.memory_space<semaphore_mem>>)
    %dma_start3A_11 = arith.constant 1 : i32
    %dma_start3A_12 = tpu.memref_slice %arg13[%dma_start3A_11] : memref<5x!tpu.dma_semaphore, #tpu.memory_space<semaphore_mem>> -> memref<1x!tpu.dma_semaphore, #tpu.memory_space<semaphore_mem>>
    %dma_start3A_13 = tpu.memref_squeeze %dma_start3A_12 : memref<1x!tpu.dma_semaphore, #tpu.memory_space<semaphore_mem>> -> memref<!tpu.dma_semaphore, #tpu.memory_space<semaphore_mem>>
    %dma_start3A_14 = arith.constant 0 : i32
    %dma_start3A_15 = tpu.memref_slice %arg9[%mul3A_2, %dma_start3A_14] : memref<10112x32xf32, #tpu.memory_space<vmem_shared>> -> memref<632x32xf32, #tpu.memory_space<vmem_shared>>
    tpu.enqueue_dma source(%arg4 : memref<632x32xf32, #tpu.memory_space<hbm>>) target(%dma_start3A_15 : memref<632x32xf32, #tpu.memory_space<vmem_shared>>) target_semaphore(%dma_start3A_13 : memref<!tpu.dma_semaphore, #tpu.memory_space<semaphore_mem>>)
    %mul3A_16 = arith.constant 80 : i32
    %mul3A_17 = arith.muli %add3A, %mul3A_16 : i32
    %dma_start3A_18 = arith.constant 0 : i32
    %dma_start3A_19 = arith.constant 0 : i32
    %dma_start3A_20 = tpu.memref_slice %arg3[%mul3A_17, %dma_start3A_19] : memref<2560x128xi32, #tpu.memory_space<hbm>> -> memref<80x128xi32, #tpu.memory_space<hbm>>
    %dma_start3A_21 = tpu.memref_slice %arg14[%dma_start3A_18] : memref<5x!tpu.dma_semaphore, #tpu.memory_space<semaphore_mem>> -> memref<1x!tpu.dma_semaphore, #tpu.memory_space<semaphore_mem>>
    %dma_start3A_22 = tpu.memref_squeeze %dma_start3A_21 : memref<1x!tpu.dma_semaphore, #tpu.memory_space<semaphore_mem>> -> memref<!tpu.dma_semaphore, #tpu.memory_space<semaphore_mem>>
    %dma_start3A_23 = arith.constant 0 : i32
    %dma_start3A_24 = tpu.memref_slice %arg3[%mul3A_17, %dma_start3A_23] : memref<2560x128xi32, #tpu.memory_space<hbm>> -> memref<80x128xi32, #tpu.memory_space<hbm>>
    tpu.enqueue_dma source(%dma_start3A_24 : memref<80x128xi32, #tpu.memory_space<hbm>>) target(%arg6 : memref<80x128xi32, #tpu.memory_space<vmem>>) target_semaphore(%dma_start3A_22 : memref<!tpu.dma_semaphore, #tpu.memory_space<semaphore_mem>>)
    %dma_wait3A = arith.constant 0 : i32
    %dma_wait3A_25 = arith.constant 0 : i32
    %dma_wait3A_26 = tpu.memref_slice %arg2[%mul3A_4, %dma_wait3A_25] : memref<2528x128xf32, #tpu.memory_space<hbm>> -> memref<158x128xf32, #tpu.memory_space<hbm>>
    %dma_wait3A_27 = tpu.memref_slice %arg13[%dma_wait3A] : memref<5x!tpu.dma_semaphore, #tpu.memory_space<semaphore_mem>> -> memref<1x!tpu.dma_semaphore, #tpu.memory_space<semaphore_mem>>
    %dma_wait3A_28 = tpu.memref_squeeze %dma_wait3A_27 : memref<1x!tpu.dma_semaphore, #tpu.memory_space<semaphore_mem>> -> memref<!tpu.dma_semaphore, #tpu.memory_space<semaphore_mem>>
    %dma_wait3A_29 = arith.constant 0 : i32
    %dma_wait3A_30 = tpu.memref_slice %arg2[%mul3A_4, %dma_wait3A_29] : memref<2528x128xf32, #tpu.memory_space<hbm>> -> memref<158x128xf32, #tpu.memory_space<hbm>>
    tpu.wait_dma2 semaphore(%dma_wait3A_28 : memref<!tpu.dma_semaphore, #tpu.memory_space<semaphore_mem>>) src(%dma_wait3A_30 : memref<158x128xf32, #tpu.memory_space<hbm>>) dst(%arg12 : memref<158x128xf32, #tpu.memory_space<vmem>>)
    %scan3A = arith.constant 0 : i32
    %scan3A_31 = arith.constant 0 : i32
    %scan3A_32 = arith.constant 158 : i32
    %scan3A_33 = arith.addi %scan3A_31, %scan3A_32 : i32
    %scan3A_34 = arith.constant 1 : i32
    %scan3A_35 = scf.for %scan3A_165 = %scan3A_31 to %scan3A_33 step %scan3A_34 iter_args(%scan3A_166 = %scan3A) -> (i32)  : i32 {
      %mul3A_167 = arith.constant 4 : i32
      %mul3A_168 = arith.muli %scan3A_165, %mul3A_167 : i32
      %add3A_169 = arith.constant 0 : i32
      %add3A_170 = arith.addi %mul3A_168, %add3A_169 : i32
      %get3A = arith.index_cast %scan3A_165 : i32 to index
      %get3A_171 = arith.constant 0 : index
      %get3A_172 = tpu.vector_load %arg12[%get3A, %get3A_171] {strides = array<i32>} : memref<158x128xf32, #tpu.memory_space<vmem>>, vector<1x16xf32>,
      %get3A_173 = vector.shape_cast %get3A_172 : vector<1x16xf32> to vector<16xf32>
      %swap3A = arith.index_cast %add3A_170 : i32 to index
      %swap3A_174 = arith.constant 0 : index
      %swap3A_175 = tpu.vector_load %arg11[%swap3A, %swap3A_174] {strides = array<i32>} : memref<632x32xf32, #tpu.memory_space<vmem>>, vector<1x16xf32>,
      %swap3A_176 = vector.shape_cast %swap3A_175 : vector<1x16xf32> to vector<16xf32>
      %swap3A_177 = vector.shape_cast %get3A_173 : vector<16xf32> to vector<1x16xf32>
      tpu.vector_store %arg11[%swap3A, %swap3A_174], %swap3A_177 {strides = array<i32>} : memref<632x32xf32, #tpu.memory_space<vmem>>, vector<1x16xf32>,
      %get3A_178 = arith.index_cast %scan3A_165 : i32 to index
      %get3A_179 = arith.constant 16 : index
      %get3A_180 = tpu.vector_load %arg12[%get3A_178, %get3A_179] {strides = array<i32>} : memref<158x128xf32, #tpu.memory_space<vmem>>, vector<1x16xf32>,
      %get3A_181 = vector.shape_cast %get3A_180 : vector<1x16xf32> to vector<16xf32>
      %swap3A_182 = arith.index_cast %add3A_170 : i32 to index
      %swap3A_183 = arith.constant 16 : index
      %swap3A_184 = tpu.vector_load %arg11[%swap3A_182, %swap3A_183] {strides = array<i32>} : memref<632x32xf32, #tpu.memory_space<vmem>>, vector<1x16xf32>,
      %swap3A_185 = vector.shape_cast %swap3A_184 : vector<1x16xf32> to vector<16xf32>
      %swap3A_186 = vector.shape_cast %get3A_181 : vector<16xf32> to vector<1x16xf32>
      tpu.vector_store %arg11[%swap3A_182, %swap3A_183], %swap3A_186 {strides = array<i32>} : memref<632x32xf32, #tpu.memory_space<vmem>>, vector<1x16xf32>,
      %mul3A_187 = arith.constant 4 : i32
      %mul3A_188 = arith.muli %scan3A_165, %mul3A_187 : i32
      %add3A_189 = arith.constant 1 : i32
      %add3A_190 = arith.addi %mul3A_188, %add3A_189 : i32
      %get3A_191 = arith.index_cast %scan3A_165 : i32 to index
      %get3A_192 = arith.constant 32 : index
      %get3A_193 = tpu.vector_load %arg12[%get3A_191, %get3A_192] {strides = array<i32>} : memref<158x128xf32, #tpu.memory_space<vmem>>, vector<1x16xf32>,
      %get3A_194 = vector.shape_cast %get3A_193 : vector<1x16xf32> to vector<16xf32>
      %swap3A_195 = arith.index_cast %add3A_190 : i32 to index
      %swap3A_196 = arith.constant 0 : index
      %swap3A_197 = tpu.vector_load %arg11[%swap3A_195, %swap3A_196] {strides = array<i32>} : memref<632x32xf32, #tpu.memory_space<vmem>>, vector<1x16xf32>,
      %swap3A_198 = vector.shape_cast %swap3A_197 : vector<1x16xf32> to vector<16xf32>
      %swap3A_199 = vector.shape_cast %get3A_194 : vector<16xf32> to vector<1x16xf32>
      tpu.vector_store %arg11[%swap3A_195, %swap3A_196], %swap3A_199 {strides = array<i32>} : memref<632x32xf32, #tpu.memory_space<vmem>>, vector<1x16xf32>,
      %get3A_200 = arith.index_cast %scan3A_165 : i32 to index
      %get3A_201 = arith.constant 48 : index
      %get3A_202 = tpu.vector_load %arg12[%get3A_200, %get3A_201] {strides = array<i32>} : memref<158x128xf32, #tpu.memory_space<vmem>>, vector<1x16xf32>,
      %get3A_203 = vector.shape_cast %get3A_202 : vector<1x16xf32> to vector<16xf32>
      %swap3A_204 = arith.index_cast %add3A_190 : i32 to index
      %swap3A_205 = arith.constant 16 : index
      %swap3A_206 = tpu.vector_load %arg11[%swap3A_204, %swap3A_205] {strides = array<i32>} : memref<632x32xf32, #tpu.memory_space<vmem>>, vector<1x16xf32>,
      %swap3A_207 = vector.shape_cast %swap3A_206 : vector<1x16xf32> to vector<16xf32>
      %swap3A_208 = vector.shape_cast %get3A_203 : vector<16xf32> to vector<1x16xf32>
      tpu.vector_store %arg11[%swap3A_204, %swap3A_205], %swap3A_208 {strides = array<i32>} : memref<632x32xf32, #tpu.memory_space<vmem>>, vector<1x16xf32>,
      %mul3A_209 = arith.constant 4 : i32
      %mul3A_210 = arith.muli %scan3A_165, %mul3A_209 : i32
      %add3A_211 = arith.constant 2 : i32
      %add3A_212 = arith.addi %mul3A_210, %add3A_211 : i32
      %get3A_213 = arith.index_cast %scan3A_165 : i32 to index
      %get3A_214 = arith.constant 64 : index
      %get3A_215 = tpu.vector_load %arg12[%get3A_213, %get3A_214] {strides = array<i32>} : memref<158x128xf32, #tpu.memory_space<vmem>>, vector<1x16xf32>,
      %get3A_216 = vector.shape_cast %get3A_215 : vector<1x16xf32> to vector<16xf32>
      %swap3A_217 = arith.index_cast %add3A_212 : i32 to index
      %swap3A_218 = arith.constant 0 : index
      %swap3A_219 = tpu.vector_load %arg11[%swap3A_217, %swap3A_218] {strides = array<i32>} : memref<632x32xf32, #tpu.memory_space<vmem>>, vector<1x16xf32>,
      %swap3A_220 = vector.shape_cast %swap3A_219 : vector<1x16xf32> to vector<16xf32>
      %swap3A_221 = vector.shape_cast %get3A_216 : vector<16xf32> to vector<1x16xf32>
      tpu.vector_store %arg11[%swap3A_217, %swap3A_218], %swap3A_221 {strides = array<i32>} : memref<632x32xf32, #tpu.memory_space<vmem>>, vector<1x16xf32>,
      %get3A_222 = arith.index_cast %scan3A_165 : i32 to index
      %get3A_223 = arith.constant 80 : index
      %get3A_224 = tpu.vector_load %arg12[%get3A_222, %get3A_223] {strides = array<i32>} : memref<158x128xf32, #tpu.memory_space<vmem>>, vector<1x16xf32>,
      %get3A_225 = vector.shape_cast %get3A_224 : vector<1x16xf32> to vector<16xf32>
      %swap3A_226 = arith.index_cast %add3A_212 : i32 to index
      %swap3A_227 = arith.constant 16 : index
      %swap3A_228 = tpu.vector_load %arg11[%swap3A_226, %swap3A_227] {strides = array<i32>} : memref<632x32xf32, #tpu.memory_space<vmem>>, vector<1x16xf32>,
      %swap3A_229 = vector.shape_cast %swap3A_228 : vector<1x16xf32> to vector<16xf32>
      %swap3A_230 = vector.shape_cast %get3A_225 : vector<16xf32> to vector<1x16xf32>
      tpu.vector_store %arg11[%swap3A_226, %swap3A_227], %swap3A_230 {strides = array<i32>} : memref<632x32xf32, #tpu.memory_space<vmem>>, vector<1x16xf32>,
      %mul3A_231 = arith.constant 4 : i32
      %mul3A_232 = arith.muli %scan3A_165, %mul3A_231 : i32
      %add3A_233 = arith.constant 3 : i32
      %add3A_234 = arith.addi %mul3A_232, %add3A_233 : i32
      %get3A_235 = arith.index_cast %scan3A_165 : i32 to index
      %get3A_236 = arith.constant 96 : index
      %get3A_237 = tpu.vector_load %arg12[%get3A_235, %get3A_236] {strides = array<i32>} : memref<158x128xf32, #tpu.memory_space<vmem>>, vector<1x16xf32>,
      %get3A_238 = vector.shape_cast %get3A_237 : vector<1x16xf32> to vector<16xf32>
      %swap3A_239 = arith.index_cast %add3A_234 : i32 to index
      %swap3A_240 = arith.constant 0 : index
      %swap3A_241 = tpu.vector_load %arg11[%swap3A_239, %swap3A_240] {strides = array<i32>} : memref<632x32xf32, #tpu.memory_space<vmem>>, vector<1x16xf32>,
      %swap3A_242 = vector.shape_cast %swap3A_241 : vector<1x16xf32> to vector<16xf32>
      %swap3A_243 = vector.shape_cast %get3A_238 : vector<16xf32> to vector<1x16xf32>
      tpu.vector_store %arg11[%swap3A_239, %swap3A_240], %swap3A_243 {strides = array<i32>} : memref<632x32xf32, #tpu.memory_space<vmem>>, vector<1x16xf32>,
      %get3A_244 = arith.index_cast %scan3A_165 : i32 to index
      %get3A_245 = arith.constant 112 : index
      %get3A_246 = tpu.vector_load %arg12[%get3A_244, %get3A_245] {strides = array<i32>} : memref<158x128xf32, #tpu.memory_space<vmem>>, vector<1x16xf32>,
      %get3A_247 = vector.shape_cast %get3A_246 : vector<1x16xf32> to vector<16xf32>
      %swap3A_248 = arith.index_cast %add3A_234 : i32 to index
      %swap3A_249 = arith.constant 16 : index
      %swap3A_250 = tpu.vector_load %arg11[%swap3A_248, %swap3A_249] {strides = array<i32>} : memref<632x32xf32, #tpu.memory_space<vmem>>, vector<1x16xf32>,
      %swap3A_251 = vector.shape_cast %swap3A_250 : vector<1x16xf32> to vector<16xf32>
      %swap3A_252 = vector.shape_cast %get3A_247 : vector<16xf32> to vector<1x16xf32>
      tpu.vector_store %arg11[%swap3A_248, %swap3A_249], %swap3A_252 {strides = array<i32>} : memref<632x32xf32, #tpu.memory_space<vmem>>, vector<1x16xf32>,
      %scan3A_253 = arith.constant 0 : i32
      scf.yield %scan3A_253 : i32
    }
    %scan3A_36 = arith.constant 158 : i32
    %dma_start3A_37 = arith.constant 2 : i32
    %dma_start3A_38 = arith.constant 0 : i32
    %dma_start3A_39 = tpu.memref_slice %arg10[%mul3A_2, %dma_start3A_38] : memref<10112x32xf32, #tpu.memory_space<vmem_shared>> -> memref<632x32xf32, #tpu.memory_space<vmem_shared>>
    %dma_start3A_40 = tpu.memref_slice %arg13[%dma_start3A_37] : memref<5x!tpu.dma_semaphore, #tpu.memory_space<semaphore_mem>> -> memref<1x!tpu.dma_semaphore, #tpu.memory_space<semaphore_mem>>
    %dma_start3A_41 = tpu.memref_squeeze %dma_start3A_40 : memref<1x!tpu.dma_semaphore, #tpu.memory_space<semaphore_mem>> -> memref<!tpu.dma_semaphore, #tpu.memory_space<semaphore_mem>>
    %dma_start3A_42 = arith.constant 0 : i32
    %dma_start3A_43 = tpu.memref_slice %arg10[%mul3A_2, %dma_start3A_42] : memref<10112x32xf32, #tpu.memory_space<vmem_shared>> -> memref<632x32xf32, #tpu.memory_space<vmem_shared>>
    tpu.enqueue_dma source(%arg11 : memref<632x32xf32, #tpu.memory_space<vmem>>) target(%dma_start3A_43 : memref<632x32xf32, #tpu.memory_space<vmem_shared>>) target_semaphore(%dma_start3A_41 : memref<!tpu.dma_semaphore, #tpu.memory_space<semaphore_mem>>)
    %dma_wait3A_44 = arith.constant 0 : i32
    %dma_wait3A_45 = arith.constant 0 : i32
    %dma_wait3A_46 = tpu.memref_slice %arg3[%mul3A_17, %dma_wait3A_45] : memref<2560x128xi32, #tpu.memory_space<hbm>> -> memref<80x128xi32, #tpu.memory_space<hbm>>
    %dma_wait3A_47 = tpu.memref_slice %arg14[%dma_wait3A_44] : memref<5x!tpu.dma_semaphore, #tpu.memory_space<semaphore_mem>> -> memref<1x!tpu.dma_semaphore, #tpu.memory_space<semaphore_mem>>
    %dma_wait3A_48 = tpu.memref_squeeze %dma_wait3A_47 : memref<1x!tpu.dma_semaphore, #tpu.memory_space<semaphore_mem>> -> memref<!tpu.dma_semaphore, #tpu.memory_space<semaphore_mem>>
    %dma_wait3A_49 = arith.constant 0 : i32
    %dma_wait3A_50 = tpu.memref_slice %arg3[%mul3A_17, %dma_wait3A_49] : memref<2560x128xi32, #tpu.memory_space<hbm>> -> memref<80x128xi32, #tpu.memory_space<hbm>>
    tpu.wait_dma2 semaphore(%dma_wait3A_48 : memref<!tpu.dma_semaphore, #tpu.memory_space<semaphore_mem>>) src(%dma_wait3A_50 : memref<80x128xi32, #tpu.memory_space<hbm>>) dst(%arg6 : memref<80x128xi32, #tpu.memory_space<vmem>>)
    %scan3A_51 = arith.constant 0 : i32
    %scan3A_52 = arith.constant 0 : i32
    %scan3A_53 = arith.constant 80 : i32
    %scan3A_54 = arith.addi %scan3A_52, %scan3A_53 : i32
    %scan3A_55 = arith.constant 1 : i32
    %scan3A_56 = scf.for %scan3A_165 = %scan3A_52 to %scan3A_54 step %scan3A_55 iter_args(%scan3A_166 = %scan3A_51) -> (i32)  : i32 {
      %get3A = arith.index_cast %scan3A_165 : i32 to index
      %get3A_167 = arith.constant 0 : index
      %get3A_168 = tpu.vector_load %arg6[%get3A, %get3A_167] {strides = array<i32>} : memref<80x128xi32, #tpu.memory_space<vmem>>, vector<1x16xi32>,
      %get3A_169 = vector.shape_cast %get3A_168 : vector<1x16xi32> to vector<16xi32>
      %shift_right_arithmetic3A = arith.constant 16 : i32
      %shift_right_arithmetic3A_170 = vector.broadcast %shift_right_arithmetic3A : i32 to vector<16xi32>
      %shift_right_arithmetic3A_171 = arith.shrsi %get3A_169, %shift_right_arithmetic3A_170 : vector<16xi32>
      %swap3A = arith.index_cast %scan3A_165 : i32 to index
      %swap3A_172 = arith.constant 0 : index
      %swap3A_173 = tpu.vector_load %arg6[%swap3A, %swap3A_172] {strides = array<i32>} : memref<80x128xi32, #tpu.memory_space<vmem>>, vector<1x16xi32>,
      %swap3A_174 = vector.shape_cast %swap3A_173 : vector<1x16xi32> to vector<16xi32>
      %swap3A_175 = vector.shape_cast %shift_right_arithmetic3A_171 : vector<16xi32> to vector<1x16xi32>
      tpu.vector_store %arg6[%swap3A, %swap3A_172], %swap3A_175 {strides = array<i32>} : memref<80x128xi32, #tpu.memory_space<vmem>>, vector<1x16xi32>,
      %and3A = arith.constant 65535 : i32
      %and3A_176 = vector.broadcast %and3A : i32 to vector<16xi32>
      %and3A_177 = arith.andi %get3A_169, %and3A_176 : vector<16xi32>
      %swap3A_178 = arith.index_cast %scan3A_165 : i32 to index
      %swap3A_179 = arith.constant 0 : index
      %swap3A_180 = tpu.vector_load %arg7[%swap3A_178, %swap3A_179] {strides = array<i32>} : memref<80x128xi32, #tpu.memory_space<vmem>>, vector<1x16xi32>,
      %swap3A_181 = vector.shape_cast %swap3A_180 : vector<1x16xi32> to vector<16xi32>
      %swap3A_182 = vector.shape_cast %and3A_177 : vector<16xi32> to vector<1x16xi32>
      tpu.vector_store %arg7[%swap3A_178, %swap3A_179], %swap3A_182 {strides = array<i32>} : memref<80x128xi32, #tpu.memory_space<vmem>>, vector<1x16xi32>,
      %get3A_183 = arith.index_cast %scan3A_165 : i32 to index
      %get3A_184 = arith.constant 16 : index
      %get3A_185 = tpu.vector_load %arg6[%get3A_183, %get3A_184] {strides = array<i32>} : memref<80x128xi32, #tpu.memory_space<vmem>>, vector<1x16xi32>,
      %get3A_186 = vector.shape_cast %get3A_185 : vector<1x16xi32> to vector<16xi32>
      %shift_right_arithmetic3A_187 = arith.constant 16 : i32
      %shift_right_arithmetic3A_188 = vector.broadcast %shift_right_arithmetic3A_187 : i32 to vector<16xi32>
      %shift_right_arithmetic3A_189 = arith.shrsi %get3A_186, %shift_right_arithmetic3A_188 : vector<16xi32>
      %swap3A_190 = arith.index_cast %scan3A_165 : i32 to index
      %swap3A_191 = arith.constant 16 : index
      %swap3A_192 = tpu.vector_load %arg6[%swap3A_190, %swap3A_191] {strides = array<i32>} : memref<80x128xi32, #tpu.memory_space<vmem>>, vector<1x16xi32>,
      %swap3A_193 = vector.shape_cast %swap3A_192 : vector<1x16xi32> to vector<16xi32>
      %swap3A_194 = vector.shape_cast %shift_right_arithmetic3A_189 : vector<16xi32> to vector<1x16xi32>
      tpu.vector_store %arg6[%swap3A_190, %swap3A_191], %swap3A_194 {strides = array<i32>} : memref<80x128xi32, #tpu.memory_space<vmem>>, vector<1x16xi32>,
      %and3A_195 = arith.constant 65535 : i32
      %and3A_196 = vector.broadcast %and3A_195 : i32 to vector<16xi32>
      %and3A_197 = arith.andi %get3A_186, %and3A_196 : vector<16xi32>
      %swap3A_198 = arith.index_cast %scan3A_165 : i32 to index
      %swap3A_199 = arith.constant 16 : index
      %swap3A_200 = tpu.vector_load %arg7[%swap3A_198, %swap3A_199] {strides = array<i32>} : memref<80x128xi32, #tpu.memory_space<vmem>>, vector<1x16xi32>,
      %swap3A_201 = vector.shape_cast %swap3A_200 : vector<1x16xi32> to vector<16xi32>
      %swap3A_202 = vector.shape_cast %and3A_197 : vector<16xi32> to vector<1x16xi32>
      tpu.vector_store %arg7[%swap3A_198, %swap3A_199], %swap3A_202 {strides = array<i32>} : memref<80x128xi32, #tpu.memory_space<vmem>>, vector<1x16xi32>,
      %get3A_203 = arith.index_cast %scan3A_165 : i32 to index
      %get3A_204 = arith.constant 32 : index
      %get3A_205 = tpu.vector_load %arg6[%get3A_203, %get3A_204] {strides = array<i32>} : memref<80x128xi32, #tpu.memory_space<vmem>>, vector<1x16xi32>,
      %get3A_206 = vector.shape_cast %get3A_205 : vector<1x16xi32> to vector<16xi32>
      %shift_right_arithmetic3A_207 = arith.constant 16 : i32
      %shift_right_arithmetic3A_208 = vector.broadcast %shift_right_arithmetic3A_207 : i32 to vector<16xi32>
      %shift_right_arithmetic3A_209 = arith.shrsi %get3A_206, %shift_right_arithmetic3A_208 : vector<16xi32>
      %swap3A_210 = arith.index_cast %scan3A_165 : i32 to index
      %swap3A_211 = arith.constant 32 : index
      %swap3A_212 = tpu.vector_load %arg6[%swap3A_210, %swap3A_211] {strides = array<i32>} : memref<80x128xi32, #tpu.memory_space<vmem>>, vector<1x16xi32>,
      %swap3A_213 = vector.shape_cast %swap3A_212 : vector<1x16xi32> to vector<16xi32>
      %swap3A_214 = vector.shape_cast %shift_right_arithmetic3A_209 : vector<16xi32> to vector<1x16xi32>
      tpu.vector_store %arg6[%swap3A_210, %swap3A_211], %swap3A_214 {strides = array<i32>} : memref<80x128xi32, #tpu.memory_space<vmem>>, vector<1x16xi32>,
      %and3A_215 = arith.constant 65535 : i32
      %and3A_216 = vector.broadcast %and3A_215 : i32 to vector<16xi32>
      %and3A_217 = arith.andi %get3A_206, %and3A_216 : vector<16xi32>
      %swap3A_218 = arith.index_cast %scan3A_165 : i32 to index
      %swap3A_219 = arith.constant 32 : index
      %swap3A_220 = tpu.vector_load %arg7[%swap3A_218, %swap3A_219] {strides = array<i32>} : memref<80x128xi32, #tpu.memory_space<vmem>>, vector<1x16xi32>,
      %swap3A_221 = vector.shape_cast %swap3A_220 : vector<1x16xi32> to vector<16xi32>
      %swap3A_222 = vector.shape_cast %and3A_217 : vector<16xi32> to vector<1x16xi32>
      tpu.vector_store %arg7[%swap3A_218, %swap3A_219], %swap3A_222 {strides = array<i32>} : memref<80x128xi32, #tpu.memory_space<vmem>>, vector<1x16xi32>,
      %get3A_223 = arith.index_cast %scan3A_165 : i32 to index
      %get3A_224 = arith.constant 48 : index
      %get3A_225 = tpu.vector_load %arg6[%get3A_223, %get3A_224] {strides = array<i32>} : memref<80x128xi32, #tpu.memory_space<vmem>>, vector<1x16xi32>,
      %get3A_226 = vector.shape_cast %get3A_225 : vector<1x16xi32> to vector<16xi32>
      %shift_right_arithmetic3A_227 = arith.constant 16 : i32
      %shift_right_arithmetic3A_228 = vector.broadcast %shift_right_arithmetic3A_227 : i32 to vector<16xi32>
      %shift_right_arithmetic3A_229 = arith.shrsi %get3A_226, %shift_right_arithmetic3A_228 : vector<16xi32>
      %swap3A_230 = arith.index_cast %scan3A_165 : i32 to index
      %swap3A_231 = arith.constant 48 : index
      %swap3A_232 = tpu.vector_load %arg6[%swap3A_230, %swap3A_231] {strides = array<i32>} : memref<80x128xi32, #tpu.memory_space<vmem>>, vector<1x16xi32>,
      %swap3A_233 = vector.shape_cast %swap3A_232 : vector<1x16xi32> to vector<16xi32>
      %swap3A_234 = vector.shape_cast %shift_right_arithmetic3A_229 : vector<16xi32> to vector<1x16xi32>
      tpu.vector_store %arg6[%swap3A_230, %swap3A_231], %swap3A_234 {strides = array<i32>} : memref<80x128xi32, #tpu.memory_space<vmem>>, vector<1x16xi32>,
      %and3A_235 = arith.constant 65535 : i32
      %and3A_236 = vector.broadcast %and3A_235 : i32 to vector<16xi32>
      %and3A_237 = arith.andi %get3A_226, %and3A_236 : vector<16xi32>
      %swap3A_238 = arith.index_cast %scan3A_165 : i32 to index
      %swap3A_239 = arith.constant 48 : index
      %swap3A_240 = tpu.vector_load %arg7[%swap3A_238, %swap3A_239] {strides = array<i32>} : memref<80x128xi32, #tpu.memory_space<vmem>>, vector<1x16xi32>,
      %swap3A_241 = vector.shape_cast %swap3A_240 : vector<1x16xi32> to vector<16xi32>
      %swap3A_242 = vector.shape_cast %and3A_237 : vector<16xi32> to vector<1x16xi32>
      tpu.vector_store %arg7[%swap3A_238, %swap3A_239], %swap3A_242 {strides = array<i32>} : memref<80x128xi32, #tpu.memory_space<vmem>>, vector<1x16xi32>,
      %get3A_243 = arith.index_cast %scan3A_165 : i32 to index
      %get3A_244 = arith.constant 64 : index
      %get3A_245 = tpu.vector_load %arg6[%get3A_243, %get3A_244] {strides = array<i32>} : memref<80x128xi32, #tpu.memory_space<vmem>>, vector<1x16xi32>,
      %get3A_246 = vector.shape_cast %get3A_245 : vector<1x16xi32> to vector<16xi32>
      %shift_right_arithmetic3A_247 = arith.constant 16 : i32
      %shift_right_arithmetic3A_248 = vector.broadcast %shift_right_arithmetic3A_247 : i32 to vector<16xi32>
      %shift_right_arithmetic3A_249 = arith.shrsi %get3A_246, %shift_right_arithmetic3A_248 : vector<16xi32>
      %swap3A_250 = arith.index_cast %scan3A_165 : i32 to index
      %swap3A_251 = arith.constant 64 : index
      %swap3A_252 = tpu.vector_load %arg6[%swap3A_250, %swap3A_251] {strides = array<i32>} : memref<80x128xi32, #tpu.memory_space<vmem>>, vector<1x16xi32>,
      %swap3A_253 = vector.shape_cast %swap3A_252 : vector<1x16xi32> to vector<16xi32>
      %swap3A_254 = vector.shape_cast %shift_right_arithmetic3A_249 : vector<16xi32> to vector<1x16xi32>
      tpu.vector_store %arg6[%swap3A_250, %swap3A_251], %swap3A_254 {strides = array<i32>} : memref<80x128xi32, #tpu.memory_space<vmem>>, vector<1x16xi32>,
      %and3A_255 = arith.constant 65535 : i32
      %and3A_256 = vector.broadcast %and3A_255 : i32 to vector<16xi32>
      %and3A_257 = arith.andi %get3A_246, %and3A_256 : vector<16xi32>
      %swap3A_258 = arith.index_cast %scan3A_165 : i32 to index
      %swap3A_259 = arith.constant 64 : index
      %swap3A_260 = tpu.vector_load %arg7[%swap3A_258, %swap3A_259] {strides = array<i32>} : memref<80x128xi32, #tpu.memory_space<vmem>>, vector<1x16xi32>,
      %swap3A_261 = vector.shape_cast %swap3A_260 : vector<1x16xi32> to vector<16xi32>
      %swap3A_262 = vector.shape_cast %and3A_257 : vector<16xi32> to vector<1x16xi32>
      tpu.vector_store %arg7[%swap3A_258, %swap3A_259], %swap3A_262 {strides = array<i32>} : memref<80x128xi32, #tpu.memory_space<vmem>>, vector<1x16xi32>,
      %get3A_263 = arith.index_cast %scan3A_165 : i32 to index
      %get3A_264 = arith.constant 80 : index
      %get3A_265 = tpu.vector_load %arg6[%get3A_263, %get3A_264] {strides = array<i32>} : memref<80x128xi32, #tpu.memory_space<vmem>>, vector<1x16xi32>,
      %get3A_266 = vector.shape_cast %get3A_265 : vector<1x16xi32> to vector<16xi32>
      %shift_right_arithmetic3A_267 = arith.constant 16 : i32
      %shift_right_arithmetic3A_268 = vector.broadcast %shift_right_arithmetic3A_267 : i32 to vector<16xi32>
      %shift_right_arithmetic3A_269 = arith.shrsi %get3A_266, %shift_right_arithmetic3A_268 : vector<16xi32>
      %swap3A_270 = arith.index_cast %scan3A_165 : i32 to index
      %swap3A_271 = arith.constant 80 : index
      %swap3A_272 = tpu.vector_load %arg6[%swap3A_270, %swap3A_271] {strides = array<i32>} : memref<80x128xi32, #tpu.memory_space<vmem>>, vector<1x16xi32>,
      %swap3A_273 = vector.shape_cast %swap3A_272 : vector<1x16xi32> to vector<16xi32>
      %swap3A_274 = vector.shape_cast %shift_right_arithmetic3A_269 : vector<16xi32> to vector<1x16xi32>
      tpu.vector_store %arg6[%swap3A_270, %swap3A_271], %swap3A_274 {strides = array<i32>} : memref<80x128xi32, #tpu.memory_space<vmem>>, vector<1x16xi32>,
      %and3A_275 = arith.constant 65535 : i32
      %and3A_276 = vector.broadcast %and3A_275 : i32 to vector<16xi32>
      %and3A_277 = arith.andi %get3A_266, %and3A_276 : vector<16xi32>
      %swap3A_278 = arith.index_cast %scan3A_165 : i32 to index
      %swap3A_279 = arith.constant 80 : index
      %swap3A_280 = tpu.vector_load %arg7[%swap3A_278, %swap3A_279] {strides = array<i32>} : memref<80x128xi32, #tpu.memory_space<vmem>>, vector<1x16xi32>,
      %swap3A_281 = vector.shape_cast %swap3A_280 : vector<1x16xi32> to vector<16xi32>
      %swap3A_282 = vector.shape_cast %and3A_277 : vector<16xi32> to vector<1x16xi32>
      tpu.vector_store %arg7[%swap3A_278, %swap3A_279], %swap3A_282 {strides = array<i32>} : memref<80x128xi32, #tpu.memory_space<vmem>>, vector<1x16xi32>,
      %get3A_283 = arith.index_cast %scan3A_165 : i32 to index
      %get3A_284 = arith.constant 96 : index
      %get3A_285 = tpu.vector_load %arg6[%get3A_283, %get3A_284] {strides = array<i32>} : memref<80x128xi32, #tpu.memory_space<vmem>>, vector<1x16xi32>,
      %get3A_286 = vector.shape_cast %get3A_285 : vector<1x16xi32> to vector<16xi32>
      %shift_right_arithmetic3A_287 = arith.constant 16 : i32
      %shift_right_arithmetic3A_288 = vector.broadcast %shift_right_arithmetic3A_287 : i32 to vector<16xi32>
      %shift_right_arithmetic3A_289 = arith.shrsi %get3A_286, %shift_right_arithmetic3A_288 : vector<16xi32>
      %swap3A_290 = arith.index_cast %scan3A_165 : i32 to index
      %swap3A_291 = arith.constant 96 : index
      %swap3A_292 = tpu.vector_load %arg6[%swap3A_290, %swap3A_291] {strides = array<i32>} : memref<80x128xi32, #tpu.memory_space<vmem>>, vector<1x16xi32>,
      %swap3A_293 = vector.shape_cast %swap3A_292 : vector<1x16xi32> to vector<16xi32>
      %swap3A_294 = vector.shape_cast %shift_right_arithmetic3A_289 : vector<16xi32> to vector<1x16xi32>
      tpu.vector_store %arg6[%swap3A_290, %swap3A_291], %swap3A_294 {strides = array<i32>} : memref<80x128xi32, #tpu.memory_space<vmem>>, vector<1x16xi32>,
      %and3A_295 = arith.constant 65535 : i32
      %and3A_296 = vector.broadcast %and3A_295 : i32 to vector<16xi32>
      %and3A_297 = arith.andi %get3A_286, %and3A_296 : vector<16xi32>
      %swap3A_298 = arith.index_cast %scan3A_165 : i32 to index
      %swap3A_299 = arith.constant 96 : index
      %swap3A_300 = tpu.vector_load %arg7[%swap3A_298, %swap3A_299] {strides = array<i32>} : memref<80x128xi32, #tpu.memory_space<vmem>>, vector<1x16xi32>,
      %swap3A_301 = vector.shape_cast %swap3A_300 : vector<1x16xi32> to vector<16xi32>
      %swap3A_302 = vector.shape_cast %and3A_297 : vector<16xi32> to vector<1x16xi32>
      tpu.vector_store %arg7[%swap3A_298, %swap3A_299], %swap3A_302 {strides = array<i32>} : memref<80x128xi32, #tpu.memory_space<vmem>>, vector<1x16xi32>,
      %get3A_303 = arith.index_cast %scan3A_165 : i32 to index
      %get3A_304 = arith.constant 112 : index
      %get3A_305 = tpu.vector_load %arg6[%get3A_303, %get3A_304] {strides = array<i32>} : memref<80x128xi32, #tpu.memory_space<vmem>>, vector<1x16xi32>,
      %get3A_306 = vector.shape_cast %get3A_305 : vector<1x16xi32> to vector<16xi32>
      %shift_right_arithmetic3A_307 = arith.constant 16 : i32
      %shift_right_arithmetic3A_308 = vector.broadcast %shift_right_arithmetic3A_307 : i32 to vector<16xi32>
      %shift_right_arithmetic3A_309 = arith.shrsi %get3A_306, %shift_right_arithmetic3A_308 : vector<16xi32>
      %swap3A_310 = arith.index_cast %scan3A_165 : i32 to index
      %swap3A_311 = arith.constant 112 : index
      %swap3A_312 = tpu.vector_load %arg6[%swap3A_310, %swap3A_311] {strides = array<i32>} : memref<80x128xi32, #tpu.memory_space<vmem>>, vector<1x16xi32>,
      %swap3A_313 = vector.shape_cast %swap3A_312 : vector<1x16xi32> to vector<16xi32>
      %swap3A_314 = vector.shape_cast %shift_right_arithmetic3A_309 : vector<16xi32> to vector<1x16xi32>
      tpu.vector_store %arg6[%swap3A_310, %swap3A_311], %swap3A_314 {strides = array<i32>} : memref<80x128xi32, #tpu.memory_space<vmem>>, vector<1x16xi32>,
      %and3A_315 = arith.constant 65535 : i32
      %and3A_316 = vector.broadcast %and3A_315 : i32 to vector<16xi32>
      %and3A_317 = arith.andi %get3A_306, %and3A_316 : vector<16xi32>
      %swap3A_318 = arith.index_cast %scan3A_165 : i32 to index
      %swap3A_319 = arith.constant 112 : index
      %swap3A_320 = tpu.vector_load %arg7[%swap3A_318, %swap3A_319] {strides = array<i32>} : memref<80x128xi32, #tpu.memory_space<vmem>>, vector<1x16xi32>,
      %swap3A_321 = vector.shape_cast %swap3A_320 : vector<1x16xi32> to vector<16xi32>
      %swap3A_322 = vector.shape_cast %and3A_317 : vector<16xi32> to vector<1x16xi32>
      tpu.vector_store %arg7[%swap3A_318, %swap3A_319], %swap3A_322 {strides = array<i32>} : memref<80x128xi32, #tpu.memory_space<vmem>>, vector<1x16xi32>,
      %scan3A_323 = arith.constant 0 : i32
      scf.yield %scan3A_323 : i32
    }
    %scan3A_57 = arith.constant 80 : i32
    %dma_wait3A_58 = arith.constant 1 : i32
    %dma_wait3A_59 = tpu.memref_slice %arg13[%dma_wait3A_58] : memref<5x!tpu.dma_semaphore, #tpu.memory_space<semaphore_mem>> -> memref<1x!tpu.dma_semaphore, #tpu.memory_space<semaphore_mem>>
    %dma_wait3A_60 = tpu.memref_squeeze %dma_wait3A_59 : memref<1x!tpu.dma_semaphore, #tpu.memory_space<semaphore_mem>> -> memref<!tpu.dma_semaphore, #tpu.memory_space<semaphore_mem>>
    %dma_wait3A_61 = arith.constant 0 : i32
    %dma_wait3A_62 = tpu.memref_slice %arg9[%mul3A_2, %dma_wait3A_61] : memref<10112x32xf32, #tpu.memory_space<vmem_shared>> -> memref<632x32xf32, #tpu.memory_space<vmem_shared>>
    tpu.wait_dma2 semaphore(%dma_wait3A_60 : memref<!tpu.dma_semaphore, #tpu.memory_space<semaphore_mem>>) src(%arg4 : memref<632x32xf32, #tpu.memory_space<hbm>>) dst(%dma_wait3A_62 : memref<632x32xf32, #tpu.memory_space<vmem_shared>>)
    %dma_wait3A_63 = arith.constant 2 : i32
    %dma_wait3A_64 = arith.constant 0 : i32
    %dma_wait3A_65 = tpu.memref_slice %arg10[%mul3A_2, %dma_wait3A_64] : memref<10112x32xf32, #tpu.memory_space<vmem_shared>> -> memref<632x32xf32, #tpu.memory_space<vmem_shared>>
    %dma_wait3A_66 = tpu.memref_slice %arg13[%dma_wait3A_63] : memref<5x!tpu.dma_semaphore, #tpu.memory_space<semaphore_mem>> -> memref<1x!tpu.dma_semaphore, #tpu.memory_space<semaphore_mem>>
    %dma_wait3A_67 = tpu.memref_squeeze %dma_wait3A_66 : memref<1x!tpu.dma_semaphore, #tpu.memory_space<semaphore_mem>> -> memref<!tpu.dma_semaphore, #tpu.memory_space<semaphore_mem>>
    %dma_wait3A_68 = arith.constant 0 : i32
    %dma_wait3A_69 = tpu.memref_slice %arg10[%mul3A_2, %dma_wait3A_68] : memref<10112x32xf32, #tpu.memory_space<vmem_shared>> -> memref<632x32xf32, #tpu.memory_space<vmem_shared>>
    tpu.wait_dma2 semaphore(%dma_wait3A_67 : memref<!tpu.dma_semaphore, #tpu.memory_space<semaphore_mem>>) src(%arg11 : memref<632x32xf32, #tpu.memory_space<vmem>>) dst(%dma_wait3A_69 : memref<632x32xf32, #tpu.memory_space<vmem_shared>>)
    %barrier3A = arith.constant 0 : index
    tpu.barrier barrier_id(%barrier3A)
    %dma_start3A_70 = arith.constant 0 : i32
    %dma_start3A_71 = arith.constant 0 : i32
    %dma_start3A_72 = arith.constant 0 : i32
    %dma_start3A_73 = arith.constant 0 : i32
    %dma_start3A_74 = arith.constant 0 : i32
    %dma_start3A_75 = tpu.memref_slice %arg8[%dma_start3A_71, %dma_start3A_73, %dma_start3A_74] : memref<5x128x32xf32, #tpu.memory_space<vmem>> -> memref<1x128x32xf32, #tpu.memory_space<vmem>>
    %dma_start3A_76 = tpu.memref_squeeze %dma_start3A_75 : memref<1x128x32xf32, #tpu.memory_space<vmem>> -> memref<128x32xf32, #tpu.memory_space<vmem>>
    %dma_start3A_77 = arith.constant 0 : i32
    %dma_start3A_78 = tpu.memref_slice %arg6[%dma_start3A_70, %dma_start3A_77] : memref<80x128xi32, #tpu.memory_space<vmem>> -> memref<1x128xi32, #tpu.memory_space<vmem>>
    %dma_start3A_79 = tpu.memref_squeeze %dma_start3A_78 : memref<1x128xi32, #tpu.memory_space<vmem>> -> memref<128xi32, #tpu.memory_space<vmem>>
    %dma_start3A_80 = arith.constant 0 : i32
    %dma_start3A_81 = arith.constant 0 : i32
    %dma_start3A_82 = tpu.memref_slice %arg10[%dma_start3A_80, %dma_start3A_81] : memref<10112x32xf32, #tpu.memory_space<vmem_shared>> -> memref<10112x32xf32, #tpu.memory_space<vmem_shared>>
    %dma_start3A_83 = tpu.memref_slice %arg13[%dma_start3A_72] : memref<5x!tpu.dma_semaphore, #tpu.memory_space<semaphore_mem>> -> memref<1x!tpu.dma_semaphore, #tpu.memory_space<semaphore_mem>>
    %dma_start3A_84 = tpu.memref_squeeze %dma_start3A_83 : memref<1x!tpu.dma_semaphore, #tpu.memory_space<semaphore_mem>> -> memref<!tpu.dma_semaphore, #tpu.memory_space<semaphore_mem>>
    tpu.enqueue_indirect_dma source(%dma_start3A_82 : memref<10112x32xf32, #tpu.memory_space<vmem_shared>>) target(%dma_start3A_76 : memref<128x32xf32, #tpu.memory_space<vmem>>) offsets(%dma_start3A_79 : memref<128xi32, #tpu.memory_space<vmem>>) semaphore(%dma_start3A_84 : memref<!tpu.dma_semaphore, #tpu.memory_space<semaphore_mem>>)
    %dma_start3A_85 = arith.constant 1 : i32
    %dma_start3A_86 = arith.constant 1 : i32
    %dma_start3A_87 = arith.constant 1 : i32
    %dma_start3A_88 = arith.constant 0 : i32
    %dma_start3A_89 = arith.constant 0 : i32
    %dma_start3A_90 = tpu.memref_slice %arg8[%dma_start3A_86, %dma_start3A_88, %dma_start3A_89] : memref<5x128x32xf32, #tpu.memory_space<vmem>> -> memref<1x128x32xf32, #tpu.memory_space<vmem>>
    %dma_start3A_91 = tpu.memref_squeeze %dma_start3A_90 : memref<1x128x32xf32, #tpu.memory_space<vmem>> -> memref<128x32xf32, #tpu.memory_space<vmem>>
    %dma_start3A_92 = arith.constant 0 : i32
    %dma_start3A_93 = tpu.memref_slice %arg6[%dma_start3A_85, %dma_start3A_92] : memref<80x128xi32, #tpu.memory_space<vmem>> -> memref<1x128xi32, #tpu.memory_space<vmem>>
    %dma_start3A_94 = tpu.memref_squeeze %dma_start3A_93 : memref<1x128xi32, #tpu.memory_space<vmem>> -> memref<128xi32, #tpu.memory_space<vmem>>
    %dma_start3A_95 = arith.constant 0 : i32
    %dma_start3A_96 = arith.constant 0 : i32
    %dma_start3A_97 = tpu.memref_slice %arg10[%dma_start3A_95, %dma_start3A_96] : memref<10112x32xf32, #tpu.memory_space<vmem_shared>> -> memref<10112x32xf32, #tpu.memory_space<vmem_shared>>
    %dma_start3A_98 = tpu.memref_slice %arg13[%dma_start3A_87] : memref<5x!tpu.dma_semaphore, #tpu.memory_space<semaphore_mem>> -> memref<1x!tpu.dma_semaphore, #tpu.memory_space<semaphore_mem>>
    %dma_start3A_99 = tpu.memref_squeeze %dma_start3A_98 : memref<1x!tpu.dma_semaphore, #tpu.memory_space<semaphore_mem>> -> memref<!tpu.dma_semaphore, #tpu.memory_space<semaphore_mem>>
    tpu.enqueue_indirect_dma source(%dma_start3A_97 : memref<10112x32xf32, #tpu.memory_space<vmem_shared>>) target(%dma_start3A_91 : memref<128x32xf32, #tpu.memory_space<vmem>>) offsets(%dma_start3A_94 : memref<128xi32, #tpu.memory_space<vmem>>) semaphore(%dma_start3A_99 : memref<!tpu.dma_semaphore, #tpu.memory_space<semaphore_mem>>)
    %dma_start3A_100 = arith.constant 2 : i32
    %dma_start3A_101 = arith.constant 2 : i32
    %dma_start3A_102 = arith.constant 2 : i32
    %dma_start3A_103 = arith.constant 0 : i32
    %dma_start3A_104 = arith.constant 0 : i32
    %dma_start3A_105 = tpu.memref_slice %arg8[%dma_start3A_101, %dma_start3A_103, %dma_start3A_104] : memref<5x128x32xf32, #tpu.memory_space<vmem>> -> memref<1x128x32xf32, #tpu.memory_space<vmem>>
    %dma_start3A_106 = tpu.memref_squeeze %dma_start3A_105 : memref<1x128x32xf32, #tpu.memory_space<vmem>> -> memref<128x32xf32, #tpu.memory_space<vmem>>
    %dma_start3A_107 = arith.constant 0 : i32
    %dma_start3A_108 = tpu.memref_slice %arg6[%dma_start3A_100, %dma_start3A_107] : memref<80x128xi32, #tpu.memory_space<vmem>> -> memref<1x128xi32, #tpu.memory_space<vmem>>
    %dma_start3A_109 = tpu.memref_squeeze %dma_start3A_108 : memref<1x128xi32, #tpu.memory_space<vmem>> -> memref<128xi32, #tpu.memory_space<vmem>>
    %dma_start3A_110 = arith.constant 0 : i32
    %dma_start3A_111 = arith.constant 0 : i32
    %dma_start3A_112 = tpu.memref_slice %arg10[%dma_start3A_110, %dma_start3A_111] : memref<10112x32xf32, #tpu.memory_space<vmem_shared>> -> memref<10112x32xf32, #tpu.memory_space<vmem_shared>>
    %dma_start3A_113 = tpu.memref_slice %arg13[%dma_start3A_102] : memref<5x!tpu.dma_semaphore, #tpu.memory_space<semaphore_mem>> -> memref<1x!tpu.dma_semaphore, #tpu.memory_space<semaphore_mem>>
    %dma_start3A_114 = tpu.memref_squeeze %dma_start3A_113 : memref<1x!tpu.dma_semaphore, #tpu.memory_space<semaphore_mem>> -> memref<!tpu.dma_semaphore, #tpu.memory_space<semaphore_mem>>
    tpu.enqueue_indirect_dma source(%dma_start3A_112 : memref<10112x32xf32, #tpu.memory_space<vmem_shared>>) target(%dma_start3A_106 : memref<128x32xf32, #tpu.memory_space<vmem>>) offsets(%dma_start3A_109 : memref<128xi32, #tpu.memory_space<vmem>>) semaphore(%dma_start3A_114 : memref<!tpu.dma_semaphore, #tpu.memory_space<semaphore_mem>>)
    %scan3A_115 = arith.constant 0 : i32
    %scan3A_116 = arith.constant 0 : i32
    %scan3A_117 = arith.constant 16 : i32
    %scan3A_118 = arith.addi %scan3A_116, %scan3A_117 : i32
    %scan3A_119 = arith.constant 1 : i32
    %scan3A_120 = scf.for %scan3A_165 = %scan3A_116 to %scan3A_118 step %scan3A_119 iter_args(%scan3A_166 = %scan3A_115) -> (i32)  : i32 {
      %mul3A_167 = arith.constant 5 : i32
      %mul3A_168 = arith.muli %scan3A_165, %mul3A_167 : i32
      %add3A_169 = arith.constant 0 : i32
      %add3A_170 = arith.addi %mul3A_168, %add3A_169 : i32
      %ge3A = arith.constant 2 : i32
      %ge3A_171 = arith.cmpi sge, %add3A_170, %ge3A : i32
      %convert_element_type3A = arith.extui %ge3A_171 : i1 to i32
      %cond3A = arith.constant 0 : i32
      %cond3A_172 = arith.cmpi ne, %convert_element_type3A, %cond3A : i32
      scf.if %cond3A_172 {
        %sub3A = arith.constant 2 : i32
        %sub3A_376 = arith.subi %add3A_170, %sub3A : i32
        %dma_wait3A_377 = arith.constant 3 : i32
        %dma_wait3A_378 = arith.constant 3 : i32
        %dma_wait3A_379 = arith.constant 0 : i32
        %dma_wait3A_380 = arith.constant 0 : i32
        %dma_wait3A_381 = tpu.memref_slice %arg8[%dma_wait3A_377, %dma_wait3A_379, %dma_wait3A_380] : memref<5x128x32xf32, #tpu.memory_space<vmem>> -> memref<1x128x32xf32, #tpu.memory_space<vmem>>
        %dma_wait3A_382 = tpu.memref_squeeze %dma_wait3A_381 : memref<1x128x32xf32, #tpu.memory_space<vmem>> -> memref<128x32xf32, #tpu.memory_space<vmem>>
        %dma_wait3A_383 = arith.constant 0 : i32
        %dma_wait3A_384 = tpu.memref_slice %arg7[%sub3A_376, %dma_wait3A_383] : memref<80x128xi32, #tpu.memory_space<vmem>> -> memref<1x128xi32, #tpu.memory_space<vmem>>
        %dma_wait3A_385 = tpu.memref_squeeze %dma_wait3A_384 : memref<1x128xi32, #tpu.memory_space<vmem>> -> memref<128xi32, #tpu.memory_space<vmem>>
        %dma_wait3A_386 = arith.constant 0 : i32
        %dma_wait3A_387 = arith.constant 0 : i32
        %dma_wait3A_388 = tpu.memref_slice %arg9[%dma_wait3A_386, %dma_wait3A_387] : memref<10112x32xf32, #tpu.memory_space<vmem_shared>> -> memref<10112x32xf32, #tpu.memory_space<vmem_shared>>
        %dma_wait3A_389 = tpu.memref_slice %arg14[%dma_wait3A_378] : memref<5x!tpu.dma_semaphore, #tpu.memory_space<semaphore_mem>> -> memref<1x!tpu.dma_semaphore, #tpu.memory_space<semaphore_mem>>
        %dma_wait3A_390 = tpu.memref_squeeze %dma_wait3A_389 : memref<1x!tpu.dma_semaphore, #tpu.memory_space<semaphore_mem>> -> memref<!tpu.dma_semaphore, #tpu.memory_space<semaphore_mem>>
        tpu.wait_indirect_dma semaphore(%dma_wait3A_390 : memref<!tpu.dma_semaphore, #tpu.memory_space<semaphore_mem>>) src(%dma_wait3A_382 : memref<128x32xf32, #tpu.memory_space<vmem>>) dst(%dma_wait3A_388 : memref<10112x32xf32, #tpu.memory_space<vmem_shared>>)
      } else {
      }
      %add3A_173 = arith.constant 3 : i32
      %add3A_174 = arith.addi %add3A_170, %add3A_173 : i32
      %lt3A = arith.constant 80 : i32
      %lt3A_175 = arith.cmpi slt, %add3A_174, %lt3A : i32
      %convert_element_type3A_176 = arith.extui %lt3A_175 : i1 to i32
      %cond3A_177 = arith.constant 0 : i32
      %cond3A_178 = arith.cmpi ne, %convert_element_type3A_176, %cond3A_177 : i32
      scf.if %cond3A_178 {
        %add3A_376 = arith.constant 3 : i32
        %add3A_377 = arith.addi %add3A_170, %add3A_376 : i32
        %dma_start3A_378 = arith.constant 3 : i32
        %dma_start3A_379 = arith.constant 3 : i32
        %dma_start3A_380 = arith.constant 0 : i32
        %dma_start3A_381 = arith.constant 0 : i32
        %dma_start3A_382 = tpu.memref_slice %arg8[%dma_start3A_378, %dma_start3A_380, %dma_start3A_381] : memref<5x128x32xf32, #tpu.memory_space<vmem>> -> memref<1x128x32xf32, #tpu.memory_space<vmem>>
        %dma_start3A_383 = tpu.memref_squeeze %dma_start3A_382 : memref<1x128x32xf32, #tpu.memory_space<vmem>> -> memref<128x32xf32, #tpu.memory_space<vmem>>
        %dma_start3A_384 = arith.constant 0 : i32
        %dma_start3A_385 = tpu.memref_slice %arg6[%add3A_377, %dma_start3A_384] : memref<80x128xi32, #tpu.memory_space<vmem>> -> memref<1x128xi32, #tpu.memory_space<vmem>>
        %dma_start3A_386 = tpu.memref_squeeze %dma_start3A_385 : memref<1x128xi32, #tpu.memory_space<vmem>> -> memref<128xi32, #tpu.memory_space<vmem>>
        %dma_start3A_387 = arith.constant 0 : i32
        %dma_start3A_388 = arith.constant 0 : i32
        %dma_start3A_389 = tpu.memref_slice %arg10[%dma_start3A_387, %dma_start3A_388] : memref<10112x32xf32, #tpu.memory_space<vmem_shared>> -> memref<10112x32xf32, #tpu.memory_space<vmem_shared>>
        %dma_start3A_390 = tpu.memref_slice %arg13[%dma_start3A_379] : memref<5x!tpu.dma_semaphore, #tpu.memory_space<semaphore_mem>> -> memref<1x!tpu.dma_semaphore, #tpu.memory_space<semaphore_mem>>
        %dma_start3A_391 = tpu.memref_squeeze %dma_start3A_390 : memref<1x!tpu.dma_semaphore, #tpu.memory_space<semaphore_mem>> -> memref<!tpu.dma_semaphore, #tpu.memory_space<semaphore_mem>>
        tpu.enqueue_indirect_dma source(%dma_start3A_389 : memref<10112x32xf32, #tpu.memory_space<vmem_shared>>) target(%dma_start3A_383 : memref<128x32xf32, #tpu.memory_space<vmem>>) offsets(%dma_start3A_386 : memref<128xi32, #tpu.memory_space<vmem>>) semaphore(%dma_start3A_391 : memref<!tpu.dma_semaphore, #tpu.memory_space<semaphore_mem>>)
      } else {
      }
      %dma_wait3A_179 = arith.constant 0 : i32
      %dma_wait3A_180 = arith.constant 0 : i32
      %dma_wait3A_181 = arith.constant 0 : i32
      %dma_wait3A_182 = arith.constant 0 : i32
      %dma_wait3A_183 = tpu.memref_slice %arg8[%dma_wait3A_179, %dma_wait3A_181, %dma_wait3A_182] : memref<5x128x32xf32, #tpu.memory_space<vmem>> -> memref<1x128x32xf32, #tpu.memory_space<vmem>>
      %dma_wait3A_184 = tpu.memref_squeeze %dma_wait3A_183 : memref<1x128x32xf32, #tpu.memory_space<vmem>> -> memref<128x32xf32, #tpu.memory_space<vmem>>
      %dma_wait3A_185 = arith.constant 0 : i32
      %dma_wait3A_186 = tpu.memref_slice %arg6[%add3A_170, %dma_wait3A_185] : memref<80x128xi32, #tpu.memory_space<vmem>> -> memref<1x128xi32, #tpu.memory_space<vmem>>
      %dma_wait3A_187 = tpu.memref_squeeze %dma_wait3A_186 : memref<1x128xi32, #tpu.memory_space<vmem>> -> memref<128xi32, #tpu.memory_space<vmem>>
      %dma_wait3A_188 = arith.constant 0 : i32
      %dma_wait3A_189 = arith.constant 0 : i32
      %dma_wait3A_190 = tpu.memref_slice %arg10[%dma_wait3A_188, %dma_wait3A_189] : memref<10112x32xf32, #tpu.memory_space<vmem_shared>> -> memref<10112x32xf32, #tpu.memory_space<vmem_shared>>
      %dma_wait3A_191 = tpu.memref_slice %arg13[%dma_wait3A_180] : memref<5x!tpu.dma_semaphore, #tpu.memory_space<semaphore_mem>> -> memref<1x!tpu.dma_semaphore, #tpu.memory_space<semaphore_mem>>
      %dma_wait3A_192 = tpu.memref_squeeze %dma_wait3A_191 : memref<1x!tpu.dma_semaphore, #tpu.memory_space<semaphore_mem>> -> memref<!tpu.dma_semaphore, #tpu.memory_space<semaphore_mem>>
      tpu.wait_indirect_dma semaphore(%dma_wait3A_192 : memref<!tpu.dma_semaphore, #tpu.memory_space<semaphore_mem>>) src(%dma_wait3A_190 : memref<10112x32xf32, #tpu.memory_space<vmem_shared>>) dst(%dma_wait3A_184 : memref<128x32xf32, #tpu.memory_space<vmem>>)
      %dma_start3A_193 = arith.constant 0 : i32
      %dma_start3A_194 = arith.constant 0 : i32
      %dma_start3A_195 = arith.constant 0 : i32
      %dma_start3A_196 = arith.constant 0 : i32
      %dma_start3A_197 = tpu.memref_slice %arg8[%dma_start3A_193, %dma_start3A_195, %dma_start3A_196] : memref<5x128x32xf32, #tpu.memory_space<vmem>> -> memref<1x128x32xf32, #tpu.memory_space<vmem>>
      %dma_start3A_198 = tpu.memref_squeeze %dma_start3A_197 : memref<1x128x32xf32, #tpu.memory_space<vmem>> -> memref<128x32xf32, #tpu.memory_space<vmem>>
      %dma_start3A_199 = arith.constant 0 : i32
      %dma_start3A_200 = tpu.memref_slice %arg7[%add3A_170, %dma_start3A_199] : memref<80x128xi32, #tpu.memory_space<vmem>> -> memref<1x128xi32, #tpu.memory_space<vmem>>
      %dma_start3A_201 = tpu.memref_squeeze %dma_start3A_200 : memref<1x128xi32, #tpu.memory_space<vmem>> -> memref<128xi32, #tpu.memory_space<vmem>>
      %dma_start3A_202 = arith.constant 0 : i32
      %dma_start3A_203 = arith.constant 0 : i32
      %dma_start3A_204 = tpu.memref_slice %arg9[%dma_start3A_202, %dma_start3A_203] : memref<10112x32xf32, #tpu.memory_space<vmem_shared>> -> memref<10112x32xf32, #tpu.memory_space<vmem_shared>>
      %dma_start3A_205 = tpu.memref_slice %arg14[%dma_start3A_194] : memref<5x!tpu.dma_semaphore, #tpu.memory_space<semaphore_mem>> -> memref<1x!tpu.dma_semaphore, #tpu.memory_space<semaphore_mem>>
      %dma_start3A_206 = tpu.memref_squeeze %dma_start3A_205 : memref<1x!tpu.dma_semaphore, #tpu.memory_space<semaphore_mem>> -> memref<!tpu.dma_semaphore, #tpu.memory_space<semaphore_mem>>
      tpu.enqueue_indirect_dma source(%dma_start3A_198 : memref<128x32xf32, #tpu.memory_space<vmem>>) target(%dma_start3A_204 : memref<10112x32xf32, #tpu.memory_space<vmem_shared>>) offsets(%dma_start3A_201 : memref<128xi32, #tpu.memory_space<vmem>>) semaphore(%dma_start3A_206 : memref<!tpu.dma_semaphore, #tpu.memory_space<semaphore_mem>>) {add = true}
      %add3A_207 = arith.constant 1 : i32
      %add3A_208 = arith.addi %mul3A_168, %add3A_207 : i32
      %ge3A_209 = arith.constant 2 : i32
      %ge3A_210 = arith.cmpi sge, %add3A_208, %ge3A_209 : i32
      %convert_element_type3A_211 = arith.extui %ge3A_210 : i1 to i32
      %cond3A_212 = arith.constant 0 : i32
      %cond3A_213 = arith.cmpi ne, %convert_element_type3A_211, %cond3A_212 : i32
      scf.if %cond3A_213 {
        %sub3A = arith.constant 2 : i32
        %sub3A_376 = arith.subi %add3A_208, %sub3A : i32
        %dma_wait3A_377 = arith.constant 4 : i32
        %dma_wait3A_378 = arith.constant 4 : i32
        %dma_wait3A_379 = arith.constant 0 : i32
        %dma_wait3A_380 = arith.constant 0 : i32
        %dma_wait3A_381 = tpu.memref_slice %arg8[%dma_wait3A_377, %dma_wait3A_379, %dma_wait3A_380] : memref<5x128x32xf32, #tpu.memory_space<vmem>> -> memref<1x128x32xf32, #tpu.memory_space<vmem>>
        %dma_wait3A_382 = tpu.memref_squeeze %dma_wait3A_381 : memref<1x128x32xf32, #tpu.memory_space<vmem>> -> memref<128x32xf32, #tpu.memory_space<vmem>>
        %dma_wait3A_383 = arith.constant 0 : i32
        %dma_wait3A_384 = tpu.memref_slice %arg7[%sub3A_376, %dma_wait3A_383] : memref<80x128xi32, #tpu.memory_space<vmem>> -> memref<1x128xi32, #tpu.memory_space<vmem>>
        %dma_wait3A_385 = tpu.memref_squeeze %dma_wait3A_384 : memref<1x128xi32, #tpu.memory_space<vmem>> -> memref<128xi32, #tpu.memory_space<vmem>>
        %dma_wait3A_386 = arith.constant 0 : i32
        %dma_wait3A_387 = arith.constant 0 : i32
        %dma_wait3A_388 = tpu.memref_slice %arg9[%dma_wait3A_386, %dma_wait3A_387] : memref<10112x32xf32, #tpu.memory_space<vmem_shared>> -> memref<10112x32xf32, #tpu.memory_space<vmem_shared>>
        %dma_wait3A_389 = tpu.memref_slice %arg14[%dma_wait3A_378] : memref<5x!tpu.dma_semaphore, #tpu.memory_space<semaphore_mem>> -> memref<1x!tpu.dma_semaphore, #tpu.memory_space<semaphore_mem>>
        %dma_wait3A_390 = tpu.memref_squeeze %dma_wait3A_389 : memref<1x!tpu.dma_semaphore, #tpu.memory_space<semaphore_mem>> -> memref<!tpu.dma_semaphore, #tpu.memory_space<semaphore_mem>>
        tpu.wait_indirect_dma semaphore(%dma_wait3A_390 : memref<!tpu.dma_semaphore, #tpu.memory_space<semaphore_mem>>) src(%dma_wait3A_382 : memref<128x32xf32, #tpu.memory_space<vmem>>) dst(%dma_wait3A_388 : memref<10112x32xf32, #tpu.memory_space<vmem_shared>>)
      } else {
      }
      %add3A_214 = arith.constant 3 : i32
      %add3A_215 = arith.addi %add3A_208, %add3A_214 : i32
      %lt3A_216 = arith.constant 80 : i32
      %lt3A_217 = arith.cmpi slt, %add3A_215, %lt3A_216 : i32
      %convert_element_type3A_218 = arith.extui %lt3A_217 : i1 to i32
      %cond3A_219 = arith.constant 0 : i32
      %cond3A_220 = arith.cmpi ne, %convert_element_type3A_218, %cond3A_219 : i32
      scf.if %cond3A_220 {
        %add3A_376 = arith.constant 3 : i32
        %add3A_377 = arith.addi %add3A_208, %add3A_376 : i32
        %dma_start3A_378 = arith.constant 4 : i32
        %dma_start3A_379 = arith.constant 4 : i32
        %dma_start3A_380 = arith.constant 0 : i32
        %dma_start3A_381 = arith.constant 0 : i32
        %dma_start3A_382 = tpu.memref_slice %arg8[%dma_start3A_378, %dma_start3A_380, %dma_start3A_381] : memref<5x128x32xf32, #tpu.memory_space<vmem>> -> memref<1x128x32xf32, #tpu.memory_space<vmem>>
        %dma_start3A_383 = tpu.memref_squeeze %dma_start3A_382 : memref<1x128x32xf32, #tpu.memory_space<vmem>> -> memref<128x32xf32, #tpu.memory_space<vmem>>
        %dma_start3A_384 = arith.constant 0 : i32
        %dma_start3A_385 = tpu.memref_slice %arg6[%add3A_377, %dma_start3A_384] : memref<80x128xi32, #tpu.memory_space<vmem>> -> memref<1x128xi32, #tpu.memory_space<vmem>>
        %dma_start3A_386 = tpu.memref_squeeze %dma_start3A_385 : memref<1x128xi32, #tpu.memory_space<vmem>> -> memref<128xi32, #tpu.memory_space<vmem>>
        %dma_start3A_387 = arith.constant 0 : i32
        %dma_start3A_388 = arith.constant 0 : i32
        %dma_start3A_389 = tpu.memref_slice %arg10[%dma_start3A_387, %dma_start3A_388] : memref<10112x32xf32, #tpu.memory_space<vmem_shared>> -> memref<10112x32xf32, #tpu.memory_space<vmem_shared>>
        %dma_start3A_390 = tpu.memref_slice %arg13[%dma_start3A_379] : memref<5x!tpu.dma_semaphore, #tpu.memory_space<semaphore_mem>> -> memref<1x!tpu.dma_semaphore, #tpu.memory_space<semaphore_mem>>
        %dma_start3A_391 = tpu.memref_squeeze %dma_start3A_390 : memref<1x!tpu.dma_semaphore, #tpu.memory_space<semaphore_mem>> -> memref<!tpu.dma_semaphore, #tpu.memory_space<semaphore_mem>>
        tpu.enqueue_indirect_dma source(%dma_start3A_389 : memref<10112x32xf32, #tpu.memory_space<vmem_shared>>) target(%dma_start3A_383 : memref<128x32xf32, #tpu.memory_space<vmem>>) offsets(%dma_start3A_386 : memref<128xi32, #tpu.memory_space<vmem>>) semaphore(%dma_start3A_391 : memref<!tpu.dma_semaphore, #tpu.memory_space<semaphore_mem>>)
      } else {
      }
      %dma_wait3A_221 = arith.constant 1 : i32
      %dma_wait3A_222 = arith.constant 1 : i32
      %dma_wait3A_223 = arith.constant 0 : i32
      %dma_wait3A_224 = arith.constant 0 : i32
      %dma_wait3A_225 = tpu.memref_slice %arg8[%dma_wait3A_221, %dma_wait3A_223, %dma_wait3A_224] : memref<5x128x32xf32, #tpu.memory_space<vmem>> -> memref<1x128x32xf32, #tpu.memory_space<vmem>>
      %dma_wait3A_226 = tpu.memref_squeeze %dma_wait3A_225 : memref<1x128x32xf32, #tpu.memory_space<vmem>> -> memref<128x32xf32, #tpu.memory_space<vmem>>
      %dma_wait3A_227 = arith.constant 0 : i32
      %dma_wait3A_228 = tpu.memref_slice %arg6[%add3A_208, %dma_wait3A_227] : memref<80x128xi32, #tpu.memory_space<vmem>> -> memref<1x128xi32, #tpu.memory_space<vmem>>
      %dma_wait3A_229 = tpu.memref_squeeze %dma_wait3A_228 : memref<1x128xi32, #tpu.memory_space<vmem>> -> memref<128xi32, #tpu.memory_space<vmem>>
      %dma_wait3A_230 = arith.constant 0 : i32
      %dma_wait3A_231 = arith.constant 0 : i32
      %dma_wait3A_232 = tpu.memref_slice %arg10[%dma_wait3A_230, %dma_wait3A_231] : memref<10112x32xf32, #tpu.memory_space<vmem_shared>> -> memref<10112x32xf32, #tpu.memory_space<vmem_shared>>
      %dma_wait3A_233 = tpu.memref_slice %arg13[%dma_wait3A_222] : memref<5x!tpu.dma_semaphore, #tpu.memory_space<semaphore_mem>> -> memref<1x!tpu.dma_semaphore, #tpu.memory_space<semaphore_mem>>
      %dma_wait3A_234 = tpu.memref_squeeze %dma_wait3A_233 : memref<1x!tpu.dma_semaphore, #tpu.memory_space<semaphore_mem>> -> memref<!tpu.dma_semaphore, #tpu.memory_space<semaphore_mem>>
      tpu.wait_indirect_dma semaphore(%dma_wait3A_234 : memref<!tpu.dma_semaphore, #tpu.memory_space<semaphore_mem>>) src(%dma_wait3A_232 : memref<10112x32xf32, #tpu.memory_space<vmem_shared>>) dst(%dma_wait3A_226 : memref<128x32xf32, #tpu.memory_space<vmem>>)
      %dma_start3A_235 = arith.constant 1 : i32
      %dma_start3A_236 = arith.constant 1 : i32
      %dma_start3A_237 = arith.constant 0 : i32
      %dma_start3A_238 = arith.constant 0 : i32
      %dma_start3A_239 = tpu.memref_slice %arg8[%dma_start3A_235, %dma_start3A_237, %dma_start3A_238] : memref<5x128x32xf32, #tpu.memory_space<vmem>> -> memref<1x128x32xf32, #tpu.memory_space<vmem>>
      %dma_start3A_240 = tpu.memref_squeeze %dma_start3A_239 : memref<1x128x32xf32, #tpu.memory_space<vmem>> -> memref<128x32xf32, #tpu.memory_space<vmem>>
      %dma_start3A_241 = arith.constant 0 : i32
      %dma_start3A_242 = tpu.memref_slice %arg7[%add3A_208, %dma_start3A_241] : memref<80x128xi32, #tpu.memory_space<vmem>> -> memref<1x128xi32, #tpu.memory_space<vmem>>
      %dma_start3A_243 = tpu.memref_squeeze %dma_start3A_242 : memref<1x128xi32, #tpu.memory_space<vmem>> -> memref<128xi32, #tpu.memory_space<vmem>>
      %dma_start3A_244 = arith.constant 0 : i32
      %dma_start3A_245 = arith.constant 0 : i32
      %dma_start3A_246 = tpu.memref_slice %arg9[%dma_start3A_244, %dma_start3A_245] : memref<10112x32xf32, #tpu.memory_space<vmem_shared>> -> memref<10112x32xf32, #tpu.memory_space<vmem_shared>>
      %dma_start3A_247 = tpu.memref_slice %arg14[%dma_start3A_236] : memref<5x!tpu.dma_semaphore, #tpu.memory_space<semaphore_mem>> -> memref<1x!tpu.dma_semaphore, #tpu.memory_space<semaphore_mem>>
      %dma_start3A_248 = tpu.memref_squeeze %dma_start3A_247 : memref<1x!tpu.dma_semaphore, #tpu.memory_space<semaphore_mem>> -> memref<!tpu.dma_semaphore, #tpu.memory_space<semaphore_mem>>
      tpu.enqueue_indirect_dma source(%dma_start3A_240 : memref<128x32xf32, #tpu.memory_space<vmem>>) target(%dma_start3A_246 : memref<10112x32xf32, #tpu.memory_space<vmem_shared>>) offsets(%dma_start3A_243 : memref<128xi32, #tpu.memory_space<vmem>>) semaphore(%dma_start3A_248 : memref<!tpu.dma_semaphore, #tpu.memory_space<semaphore_mem>>) {add = true}
      %add3A_249 = arith.constant 2 : i32
      %add3A_250 = arith.addi %mul3A_168, %add3A_249 : i32
      %ge3A_251 = arith.constant 2 : i32
      %ge3A_252 = arith.cmpi sge, %add3A_250, %ge3A_251 : i32
      %convert_element_type3A_253 = arith.extui %ge3A_252 : i1 to i32
      %cond3A_254 = arith.constant 0 : i32
      %cond3A_255 = arith.cmpi ne, %convert_element_type3A_253, %cond3A_254 : i32
      scf.if %cond3A_255 {
        %sub3A = arith.constant 2 : i32
        %sub3A_376 = arith.subi %add3A_250, %sub3A : i32
        %dma_wait3A_377 = arith.constant 0 : i32
        %dma_wait3A_378 = arith.constant 0 : i32
        %dma_wait3A_379 = arith.constant 0 : i32
        %dma_wait3A_380 = arith.constant 0 : i32
        %dma_wait3A_381 = tpu.memref_slice %arg8[%dma_wait3A_377, %dma_wait3A_379, %dma_wait3A_380] : memref<5x128x32xf32, #tpu.memory_space<vmem>> -> memref<1x128x32xf32, #tpu.memory_space<vmem>>
        %dma_wait3A_382 = tpu.memref_squeeze %dma_wait3A_381 : memref<1x128x32xf32, #tpu.memory_space<vmem>> -> memref<128x32xf32, #tpu.memory_space<vmem>>
        %dma_wait3A_383 = arith.constant 0 : i32
        %dma_wait3A_384 = tpu.memref_slice %arg7[%sub3A_376, %dma_wait3A_383] : memref<80x128xi32, #tpu.memory_space<vmem>> -> memref<1x128xi32, #tpu.memory_space<vmem>>
        %dma_wait3A_385 = tpu.memref_squeeze %dma_wait3A_384 : memref<1x128xi32, #tpu.memory_space<vmem>> -> memref<128xi32, #tpu.memory_space<vmem>>
        %dma_wait3A_386 = arith.constant 0 : i32
        %dma_wait3A_387 = arith.constant 0 : i32
        %dma_wait3A_388 = tpu.memref_slice %arg9[%dma_wait3A_386, %dma_wait3A_387] : memref<10112x32xf32, #tpu.memory_space<vmem_shared>> -> memref<10112x32xf32, #tpu.memory_space<vmem_shared>>
        %dma_wait3A_389 = tpu.memref_slice %arg14[%dma_wait3A_378] : memref<5x!tpu.dma_semaphore, #tpu.memory_space<semaphore_mem>> -> memref<1x!tpu.dma_semaphore, #tpu.memory_space<semaphore_mem>>
        %dma_wait3A_390 = tpu.memref_squeeze %dma_wait3A_389 : memref<1x!tpu.dma_semaphore, #tpu.memory_space<semaphore_mem>> -> memref<!tpu.dma_semaphore, #tpu.memory_space<semaphore_mem>>
        tpu.wait_indirect_dma semaphore(%dma_wait3A_390 : memref<!tpu.dma_semaphore, #tpu.memory_space<semaphore_mem>>) src(%dma_wait3A_382 : memref<128x32xf32, #tpu.memory_space<vmem>>) dst(%dma_wait3A_388 : memref<10112x32xf32, #tpu.memory_space<vmem_shared>>)
      } else {
      }
      %add3A_256 = arith.constant 3 : i32
      %add3A_257 = arith.addi %add3A_250, %add3A_256 : i32
      %lt3A_258 = arith.constant 80 : i32
      %lt3A_259 = arith.cmpi slt, %add3A_257, %lt3A_258 : i32
      %convert_element_type3A_260 = arith.extui %lt3A_259 : i1 to i32
      %cond3A_261 = arith.constant 0 : i32
      %cond3A_262 = arith.cmpi ne, %convert_element_type3A_260, %cond3A_261 : i32
      scf.if %cond3A_262 {
        %add3A_376 = arith.constant 3 : i32
        %add3A_377 = arith.addi %add3A_250, %add3A_376 : i32
        %dma_start3A_378 = arith.constant 0 : i32
        %dma_start3A_379 = arith.constant 0 : i32
        %dma_start3A_380 = arith.constant 0 : i32
        %dma_start3A_381 = arith.constant 0 : i32
        %dma_start3A_382 = tpu.memref_slice %arg8[%dma_start3A_378, %dma_start3A_380, %dma_start3A_381] : memref<5x128x32xf32, #tpu.memory_space<vmem>> -> memref<1x128x32xf32, #tpu.memory_space<vmem>>
        %dma_start3A_383 = tpu.memref_squeeze %dma_start3A_382 : memref<1x128x32xf32, #tpu.memory_space<vmem>> -> memref<128x32xf32, #tpu.memory_space<vmem>>
        %dma_start3A_384 = arith.constant 0 : i32
        %dma_start3A_385 = tpu.memref_slice %arg6[%add3A_377, %dma_start3A_384] : memref<80x128xi32, #tpu.memory_space<vmem>> -> memref<1x128xi32, #tpu.memory_space<vmem>>
        %dma_start3A_386 = tpu.memref_squeeze %dma_start3A_385 : memref<1x128xi32, #tpu.memory_space<vmem>> -> memref<128xi32, #tpu.memory_space<vmem>>
        %dma_start3A_387 = arith.constant 0 : i32
        %dma_start3A_388 = arith.constant 0 : i32
        %dma_start3A_389 = tpu.memref_slice %arg10[%dma_start3A_387, %dma_start3A_388] : memref<10112x32xf32, #tpu.memory_space<vmem_shared>> -> memref<10112x32xf32, #tpu.memory_space<vmem_shared>>
        %dma_start3A_390 = tpu.memref_slice %arg13[%dma_start3A_379] : memref<5x!tpu.dma_semaphore, #tpu.memory_space<semaphore_mem>> -> memref<1x!tpu.dma_semaphore, #tpu.memory_space<semaphore_mem>>
        %dma_start3A_391 = tpu.memref_squeeze %dma_start3A_390 : memref<1x!tpu.dma_semaphore, #tpu.memory_space<semaphore_mem>> -> memref<!tpu.dma_semaphore, #tpu.memory_space<semaphore_mem>>
        tpu.enqueue_indirect_dma source(%dma_start3A_389 : memref<10112x32xf32, #tpu.memory_space<vmem_shared>>) target(%dma_start3A_383 : memref<128x32xf32, #tpu.memory_space<vmem>>) offsets(%dma_start3A_386 : memref<128xi32, #tpu.memory_space<vmem>>) semaphore(%dma_start3A_391 : memref<!tpu.dma_semaphore, #tpu.memory_space<semaphore_mem>>)
      } else {
      }
      %dma_wait3A_263 = arith.constant 2 : i32
      %dma_wait3A_264 = arith.constant 2 : i32
      %dma_wait3A_265 = arith.constant 0 : i32
      %dma_wait3A_266 = arith.constant 0 : i32
      %dma_wait3A_267 = tpu.memref_slice %arg8[%dma_wait3A_263, %dma_wait3A_265, %dma_wait3A_266] : memref<5x128x32xf32, #tpu.memory_space<vmem>> -> memref<1x128x32xf32, #tpu.memory_space<vmem>>
      %dma_wait3A_268 = tpu.memref_squeeze %dma_wait3A_267 : memref<1x128x32xf32, #tpu.memory_space<vmem>> -> memref<128x32xf32, #tpu.memory_space<vmem>>
      %dma_wait3A_269 = arith.constant 0 : i32
      %dma_wait3A_270 = tpu.memref_slice %arg6[%add3A_250, %dma_wait3A_269] : memref<80x128xi32, #tpu.memory_space<vmem>> -> memref<1x128xi32, #tpu.memory_space<vmem>>
      %dma_wait3A_271 = tpu.memref_squeeze %dma_wait3A_270 : memref<1x128xi32, #tpu.memory_space<vmem>> -> memref<128xi32, #tpu.memory_space<vmem>>
      %dma_wait3A_272 = arith.constant 0 : i32
      %dma_wait3A_273 = arith.constant 0 : i32
      %dma_wait3A_274 = tpu.memref_slice %arg10[%dma_wait3A_272, %dma_wait3A_273] : memref<10112x32xf32, #tpu.memory_space<vmem_shared>> -> memref<10112x32xf32, #tpu.memory_space<vmem_shared>>
      %dma_wait3A_275 = tpu.memref_slice %arg13[%dma_wait3A_264] : memref<5x!tpu.dma_semaphore, #tpu.memory_space<semaphore_mem>> -> memref<1x!tpu.dma_semaphore, #tpu.memory_space<semaphore_mem>>
      %dma_wait3A_276 = tpu.memref_squeeze %dma_wait3A_275 : memref<1x!tpu.dma_semaphore, #tpu.memory_space<semaphore_mem>> -> memref<!tpu.dma_semaphore, #tpu.memory_space<semaphore_mem>>
      tpu.wait_indirect_dma semaphore(%dma_wait3A_276 : memref<!tpu.dma_semaphore, #tpu.memory_space<semaphore_mem>>) src(%dma_wait3A_274 : memref<10112x32xf32, #tpu.memory_space<vmem_shared>>) dst(%dma_wait3A_268 : memref<128x32xf32, #tpu.memory_space<vmem>>)
      %dma_start3A_277 = arith.constant 2 : i32
      %dma_start3A_278 = arith.constant 2 : i32
      %dma_start3A_279 = arith.constant 0 : i32
      %dma_start3A_280 = arith.constant 0 : i32
      %dma_start3A_281 = tpu.memref_slice %arg8[%dma_start3A_277, %dma_start3A_279, %dma_start3A_280] : memref<5x128x32xf32, #tpu.memory_space<vmem>> -> memref<1x128x32xf32, #tpu.memory_space<vmem>>
      %dma_start3A_282 = tpu.memref_squeeze %dma_start3A_281 : memref<1x128x32xf32, #tpu.memory_space<vmem>> -> memref<128x32xf32, #tpu.memory_space<vmem>>
      %dma_start3A_283 = arith.constant 0 : i32
      %dma_start3A_284 = tpu.memref_slice %arg7[%add3A_250, %dma_start3A_283] : memref<80x128xi32, #tpu.memory_space<vmem>> -> memref<1x128xi32, #tpu.memory_space<vmem>>
      %dma_start3A_285 = tpu.memref_squeeze %dma_start3A_284 : memref<1x128xi32, #tpu.memory_space<vmem>> -> memref<128xi32, #tpu.memory_space<vmem>>
      %dma_start3A_286 = arith.constant 0 : i32
      %dma_start3A_287 = arith.constant 0 : i32
      %dma_start3A_288 = tpu.memref_slice %arg9[%dma_start3A_286, %dma_start3A_287] : memref<10112x32xf32, #tpu.memory_space<vmem_shared>> -> memref<10112x32xf32, #tpu.memory_space<vmem_shared>>
      %dma_start3A_289 = tpu.memref_slice %arg14[%dma_start3A_278] : memref<5x!tpu.dma_semaphore, #tpu.memory_space<semaphore_mem>> -> memref<1x!tpu.dma_semaphore, #tpu.memory_space<semaphore_mem>>
      %dma_start3A_290 = tpu.memref_squeeze %dma_start3A_289 : memref<1x!tpu.dma_semaphore, #tpu.memory_space<semaphore_mem>> -> memref<!tpu.dma_semaphore, #tpu.memory_space<semaphore_mem>>
      tpu.enqueue_indirect_dma source(%dma_start3A_282 : memref<128x32xf32, #tpu.memory_space<vmem>>) target(%dma_start3A_288 : memref<10112x32xf32, #tpu.memory_space<vmem_shared>>) offsets(%dma_start3A_285 : memref<128xi32, #tpu.memory_space<vmem>>) semaphore(%dma_start3A_290 : memref<!tpu.dma_semaphore, #tpu.memory_space<semaphore_mem>>) {add = true}
      %add3A_291 = arith.constant 3 : i32
      %add3A_292 = arith.addi %mul3A_168, %add3A_291 : i32
      %ge3A_293 = arith.constant 2 : i32
      %ge3A_294 = arith.cmpi sge, %add3A_292, %ge3A_293 : i32
      %convert_element_type3A_295 = arith.extui %ge3A_294 : i1 to i32
      %cond3A_296 = arith.constant 0 : i32
      %cond3A_297 = arith.cmpi ne, %convert_element_type3A_295, %cond3A_296 : i32
      scf.if %cond3A_297 {
        %sub3A = arith.constant 2 : i32
        %sub3A_376 = arith.subi %add3A_292, %sub3A : i32
        %dma_wait3A_377 = arith.constant 1 : i32
        %dma_wait3A_378 = arith.constant 1 : i32
        %dma_wait3A_379 = arith.constant 0 : i32
        %dma_wait3A_380 = arith.constant 0 : i32
        %dma_wait3A_381 = tpu.memref_slice %arg8[%dma_wait3A_377, %dma_wait3A_379, %dma_wait3A_380] : memref<5x128x32xf32, #tpu.memory_space<vmem>> -> memref<1x128x32xf32, #tpu.memory_space<vmem>>
        %dma_wait3A_382 = tpu.memref_squeeze %dma_wait3A_381 : memref<1x128x32xf32, #tpu.memory_space<vmem>> -> memref<128x32xf32, #tpu.memory_space<vmem>>
        %dma_wait3A_383 = arith.constant 0 : i32
        %dma_wait3A_384 = tpu.memref_slice %arg7[%sub3A_376, %dma_wait3A_383] : memref<80x128xi32, #tpu.memory_space<vmem>> -> memref<1x128xi32, #tpu.memory_space<vmem>>
        %dma_wait3A_385 = tpu.memref_squeeze %dma_wait3A_384 : memref<1x128xi32, #tpu.memory_space<vmem>> -> memref<128xi32, #tpu.memory_space<vmem>>
        %dma_wait3A_386 = arith.constant 0 : i32
        %dma_wait3A_387 = arith.constant 0 : i32
        %dma_wait3A_388 = tpu.memref_slice %arg9[%dma_wait3A_386, %dma_wait3A_387] : memref<10112x32xf32, #tpu.memory_space<vmem_shared>> -> memref<10112x32xf32, #tpu.memory_space<vmem_shared>>
        %dma_wait3A_389 = tpu.memref_slice %arg14[%dma_wait3A_378] : memref<5x!tpu.dma_semaphore, #tpu.memory_space<semaphore_mem>> -> memref<1x!tpu.dma_semaphore, #tpu.memory_space<semaphore_mem>>
        %dma_wait3A_390 = tpu.memref_squeeze %dma_wait3A_389 : memref<1x!tpu.dma_semaphore, #tpu.memory_space<semaphore_mem>> -> memref<!tpu.dma_semaphore, #tpu.memory_space<semaphore_mem>>
        tpu.wait_indirect_dma semaphore(%dma_wait3A_390 : memref<!tpu.dma_semaphore, #tpu.memory_space<semaphore_mem>>) src(%dma_wait3A_382 : memref<128x32xf32, #tpu.memory_space<vmem>>) dst(%dma_wait3A_388 : memref<10112x32xf32, #tpu.memory_space<vmem_shared>>)
      } else {
      }
      %add3A_298 = arith.constant 3 : i32
      %add3A_299 = arith.addi %add3A_292, %add3A_298 : i32
      %lt3A_300 = arith.constant 80 : i32
      %lt3A_301 = arith.cmpi slt, %add3A_299, %lt3A_300 : i32
      %convert_element_type3A_302 = arith.extui %lt3A_301 : i1 to i32
      %cond3A_303 = arith.constant 0 : i32
      %cond3A_304 = arith.cmpi ne, %convert_element_type3A_302, %cond3A_303 : i32
      scf.if %cond3A_304 {
        %add3A_376 = arith.constant 3 : i32
        %add3A_377 = arith.addi %add3A_292, %add3A_376 : i32
        %dma_start3A_378 = arith.constant 1 : i32
        %dma_start3A_379 = arith.constant 1 : i32
        %dma_start3A_380 = arith.constant 0 : i32
        %dma_start3A_381 = arith.constant 0 : i32
        %dma_start3A_382 = tpu.memref_slice %arg8[%dma_start3A_378, %dma_start3A_380, %dma_start3A_381] : memref<5x128x32xf32, #tpu.memory_space<vmem>> -> memref<1x128x32xf32, #tpu.memory_space<vmem>>
        %dma_start3A_383 = tpu.memref_squeeze %dma_start3A_382 : memref<1x128x32xf32, #tpu.memory_space<vmem>> -> memref<128x32xf32, #tpu.memory_space<vmem>>
        %dma_start3A_384 = arith.constant 0 : i32
        %dma_start3A_385 = tpu.memref_slice %arg6[%add3A_377, %dma_start3A_384] : memref<80x128xi32, #tpu.memory_space<vmem>> -> memref<1x128xi32, #tpu.memory_space<vmem>>
        %dma_start3A_386 = tpu.memref_squeeze %dma_start3A_385 : memref<1x128xi32, #tpu.memory_space<vmem>> -> memref<128xi32, #tpu.memory_space<vmem>>
        %dma_start3A_387 = arith.constant 0 : i32
        %dma_start3A_388 = arith.constant 0 : i32
        %dma_start3A_389 = tpu.memref_slice %arg10[%dma_start3A_387, %dma_start3A_388] : memref<10112x32xf32, #tpu.memory_space<vmem_shared>> -> memref<10112x32xf32, #tpu.memory_space<vmem_shared>>
        %dma_start3A_390 = tpu.memref_slice %arg13[%dma_start3A_379] : memref<5x!tpu.dma_semaphore, #tpu.memory_space<semaphore_mem>> -> memref<1x!tpu.dma_semaphore, #tpu.memory_space<semaphore_mem>>
        %dma_start3A_391 = tpu.memref_squeeze %dma_start3A_390 : memref<1x!tpu.dma_semaphore, #tpu.memory_space<semaphore_mem>> -> memref<!tpu.dma_semaphore, #tpu.memory_space<semaphore_mem>>
        tpu.enqueue_indirect_dma source(%dma_start3A_389 : memref<10112x32xf32, #tpu.memory_space<vmem_shared>>) target(%dma_start3A_383 : memref<128x32xf32, #tpu.memory_space<vmem>>) offsets(%dma_start3A_386 : memref<128xi32, #tpu.memory_space<vmem>>) semaphore(%dma_start3A_391 : memref<!tpu.dma_semaphore, #tpu.memory_space<semaphore_mem>>)
      } else {
      }
      %dma_wait3A_305 = arith.constant 3 : i32
      %dma_wait3A_306 = arith.constant 3 : i32
      %dma_wait3A_307 = arith.constant 0 : i32
      %dma_wait3A_308 = arith.constant 0 : i32
      %dma_wait3A_309 = tpu.memref_slice %arg8[%dma_wait3A_305, %dma_wait3A_307, %dma_wait3A_308] : memref<5x128x32xf32, #tpu.memory_space<vmem>> -> memref<1x128x32xf32, #tpu.memory_space<vmem>>
      %dma_wait3A_310 = tpu.memref_squeeze %dma_wait3A_309 : memref<1x128x32xf32, #tpu.memory_space<vmem>> -> memref<128x32xf32, #tpu.memory_space<vmem>>
      %dma_wait3A_311 = arith.constant 0 : i32
      %dma_wait3A_312 = tpu.memref_slice %arg6[%add3A_292, %dma_wait3A_311] : memref<80x128xi32, #tpu.memory_space<vmem>> -> memref<1x128xi32, #tpu.memory_space<vmem>>
      %dma_wait3A_313 = tpu.memref_squeeze %dma_wait3A_312 : memref<1x128xi32, #tpu.memory_space<vmem>> -> memref<128xi32, #tpu.memory_space<vmem>>
      %dma_wait3A_314 = arith.constant 0 : i32
      %dma_wait3A_315 = arith.constant 0 : i32
      %dma_wait3A_316 = tpu.memref_slice %arg10[%dma_wait3A_314, %dma_wait3A_315] : memref<10112x32xf32, #tpu.memory_space<vmem_shared>> -> memref<10112x32xf32, #tpu.memory_space<vmem_shared>>
      %dma_wait3A_317 = tpu.memref_slice %arg13[%dma_wait3A_306] : memref<5x!tpu.dma_semaphore, #tpu.memory_space<semaphore_mem>> -> memref<1x!tpu.dma_semaphore, #tpu.memory_space<semaphore_mem>>
      %dma_wait3A_318 = tpu.memref_squeeze %dma_wait3A_317 : memref<1x!tpu.dma_semaphore, #tpu.memory_space<semaphore_mem>> -> memref<!tpu.dma_semaphore, #tpu.memory_space<semaphore_mem>>
      tpu.wait_indirect_dma semaphore(%dma_wait3A_318 : memref<!tpu.dma_semaphore, #tpu.memory_space<semaphore_mem>>) src(%dma_wait3A_316 : memref<10112x32xf32, #tpu.memory_space<vmem_shared>>) dst(%dma_wait3A_310 : memref<128x32xf32, #tpu.memory_space<vmem>>)
      %dma_start3A_319 = arith.constant 3 : i32
      %dma_start3A_320 = arith.constant 3 : i32
      %dma_start3A_321 = arith.constant 0 : i32
      %dma_start3A_322 = arith.constant 0 : i32
      %dma_start3A_323 = tpu.memref_slice %arg8[%dma_start3A_319, %dma_start3A_321, %dma_start3A_322] : memref<5x128x32xf32, #tpu.memory_space<vmem>> -> memref<1x128x32xf32, #tpu.memory_space<vmem>>
      %dma_start3A_324 = tpu.memref_squeeze %dma_start3A_323 : memref<1x128x32xf32, #tpu.memory_space<vmem>> -> memref<128x32xf32, #tpu.memory_space<vmem>>
      %dma_start3A_325 = arith.constant 0 : i32
      %dma_start3A_326 = tpu.memref_slice %arg7[%add3A_292, %dma_start3A_325] : memref<80x128xi32, #tpu.memory_space<vmem>> -> memref<1x128xi32, #tpu.memory_space<vmem>>
      %dma_start3A_327 = tpu.memref_squeeze %dma_start3A_326 : memref<1x128xi32, #tpu.memory_space<vmem>> -> memref<128xi32, #tpu.memory_space<vmem>>
      %dma_start3A_328 = arith.constant 0 : i32
      %dma_start3A_329 = arith.constant 0 : i32
      %dma_start3A_330 = tpu.memref_slice %arg9[%dma_start3A_328, %dma_start3A_329] : memref<10112x32xf32, #tpu.memory_space<vmem_shared>> -> memref<10112x32xf32, #tpu.memory_space<vmem_shared>>
      %dma_start3A_331 = tpu.memref_slice %arg14[%dma_start3A_320] : memref<5x!tpu.dma_semaphore, #tpu.memory_space<semaphore_mem>> -> memref<1x!tpu.dma_semaphore, #tpu.memory_space<semaphore_mem>>
      %dma_start3A_332 = tpu.memref_squeeze %dma_start3A_331 : memref<1x!tpu.dma_semaphore, #tpu.memory_space<semaphore_mem>> -> memref<!tpu.dma_semaphore, #tpu.memory_space<semaphore_mem>>
      tpu.enqueue_indirect_dma source(%dma_start3A_324 : memref<128x32xf32, #tpu.memory_space<vmem>>) target(%dma_start3A_330 : memref<10112x32xf32, #tpu.memory_space<vmem_shared>>) offsets(%dma_start3A_327 : memref<128xi32, #tpu.memory_space<vmem>>) semaphore(%dma_start3A_332 : memref<!tpu.dma_semaphore, #tpu.memory_space<semaphore_mem>>) {add = true}
      %add3A_333 = arith.constant 4 : i32
      %add3A_334 = arith.addi %mul3A_168, %add3A_333 : i32
      %ge3A_335 = arith.constant 2 : i32
      %ge3A_336 = arith.cmpi sge, %add3A_334, %ge3A_335 : i32
      %convert_element_type3A_337 = arith.extui %ge3A_336 : i1 to i32
      %cond3A_338 = arith.constant 0 : i32
      %cond3A_339 = arith.cmpi ne, %convert_element_type3A_337, %cond3A_338 : i32
      scf.if %cond3A_339 {
        %sub3A = arith.constant 2 : i32
        %sub3A_376 = arith.subi %add3A_334, %sub3A : i32
        %dma_wait3A_377 = arith.constant 2 : i32
        %dma_wait3A_378 = arith.constant 2 : i32
        %dma_wait3A_379 = arith.constant 0 : i32
        %dma_wait3A_380 = arith.constant 0 : i32
        %dma_wait3A_381 = tpu.memref_slice %arg8[%dma_wait3A_377, %dma_wait3A_379, %dma_wait3A_380] : memref<5x128x32xf32, #tpu.memory_space<vmem>> -> memref<1x128x32xf32, #tpu.memory_space<vmem>>
        %dma_wait3A_382 = tpu.memref_squeeze %dma_wait3A_381 : memref<1x128x32xf32, #tpu.memory_space<vmem>> -> memref<128x32xf32, #tpu.memory_space<vmem>>
        %dma_wait3A_383 = arith.constant 0 : i32
        %dma_wait3A_384 = tpu.memref_slice %arg7[%sub3A_376, %dma_wait3A_383] : memref<80x128xi32, #tpu.memory_space<vmem>> -> memref<1x128xi32, #tpu.memory_space<vmem>>
        %dma_wait3A_385 = tpu.memref_squeeze %dma_wait3A_384 : memref<1x128xi32, #tpu.memory_space<vmem>> -> memref<128xi32, #tpu.memory_space<vmem>>
        %dma_wait3A_386 = arith.constant 0 : i32
        %dma_wait3A_387 = arith.constant 0 : i32
        %dma_wait3A_388 = tpu.memref_slice %arg9[%dma_wait3A_386, %dma_wait3A_387] : memref<10112x32xf32, #tpu.memory_space<vmem_shared>> -> memref<10112x32xf32, #tpu.memory_space<vmem_shared>>
        %dma_wait3A_389 = tpu.memref_slice %arg14[%dma_wait3A_378] : memref<5x!tpu.dma_semaphore, #tpu.memory_space<semaphore_mem>> -> memref<1x!tpu.dma_semaphore, #tpu.memory_space<semaphore_mem>>
        %dma_wait3A_390 = tpu.memref_squeeze %dma_wait3A_389 : memref<1x!tpu.dma_semaphore, #tpu.memory_space<semaphore_mem>> -> memref<!tpu.dma_semaphore, #tpu.memory_space<semaphore_mem>>
        tpu.wait_indirect_dma semaphore(%dma_wait3A_390 : memref<!tpu.dma_semaphore, #tpu.memory_space<semaphore_mem>>) src(%dma_wait3A_382 : memref<128x32xf32, #tpu.memory_space<vmem>>) dst(%dma_wait3A_388 : memref<10112x32xf32, #tpu.memory_space<vmem_shared>>)
      } else {
      }
      %add3A_340 = arith.constant 3 : i32
      %add3A_341 = arith.addi %add3A_334, %add3A_340 : i32
      %lt3A_342 = arith.constant 80 : i32
      %lt3A_343 = arith.cmpi slt, %add3A_341, %lt3A_342 : i32
      %convert_element_type3A_344 = arith.extui %lt3A_343 : i1 to i32
      %cond3A_345 = arith.constant 0 : i32
      %cond3A_346 = arith.cmpi ne, %convert_element_type3A_344, %cond3A_345 : i32
      scf.if %cond3A_346 {
        %add3A_376 = arith.constant 3 : i32
        %add3A_377 = arith.addi %add3A_334, %add3A_376 : i32
        %dma_start3A_378 = arith.constant 2 : i32
        %dma_start3A_379 = arith.constant 2 : i32
        %dma_start3A_380 = arith.constant 0 : i32
        %dma_start3A_381 = arith.constant 0 : i32
        %dma_start3A_382 = tpu.memref_slice %arg8[%dma_start3A_378, %dma_start3A_380, %dma_start3A_381] : memref<5x128x32xf32, #tpu.memory_space<vmem>> -> memref<1x128x32xf32, #tpu.memory_space<vmem>>
        %dma_start3A_383 = tpu.memref_squeeze %dma_start3A_382 : memref<1x128x32xf32, #tpu.memory_space<vmem>> -> memref<128x32xf32, #tpu.memory_space<vmem>>
        %dma_start3A_384 = arith.constant 0 : i32
        %dma_start3A_385 = tpu.memref_slice %arg6[%add3A_377, %dma_start3A_384] : memref<80x128xi32, #tpu.memory_space<vmem>> -> memref<1x128xi32, #tpu.memory_space<vmem>>
        %dma_start3A_386 = tpu.memref_squeeze %dma_start3A_385 : memref<1x128xi32, #tpu.memory_space<vmem>> -> memref<128xi32, #tpu.memory_space<vmem>>
        %dma_start3A_387 = arith.constant 0 : i32
        %dma_start3A_388 = arith.constant 0 : i32
        %dma_start3A_389 = tpu.memref_slice %arg10[%dma_start3A_387, %dma_start3A_388] : memref<10112x32xf32, #tpu.memory_space<vmem_shared>> -> memref<10112x32xf32, #tpu.memory_space<vmem_shared>>
        %dma_start3A_390 = tpu.memref_slice %arg13[%dma_start3A_379] : memref<5x!tpu.dma_semaphore, #tpu.memory_space<semaphore_mem>> -> memref<1x!tpu.dma_semaphore, #tpu.memory_space<semaphore_mem>>
        %dma_start3A_391 = tpu.memref_squeeze %dma_start3A_390 : memref<1x!tpu.dma_semaphore, #tpu.memory_space<semaphore_mem>> -> memref<!tpu.dma_semaphore, #tpu.memory_space<semaphore_mem>>
        tpu.enqueue_indirect_dma source(%dma_start3A_389 : memref<10112x32xf32, #tpu.memory_space<vmem_shared>>) target(%dma_start3A_383 : memref<128x32xf32, #tpu.memory_space<vmem>>) offsets(%dma_start3A_386 : memref<128xi32, #tpu.memory_space<vmem>>) semaphore(%dma_start3A_391 : memref<!tpu.dma_semaphore, #tpu.memory_space<semaphore_mem>>)
      } else {
      }
      %dma_wait3A_347 = arith.constant 4 : i32
      %dma_wait3A_348 = arith.constant 4 : i32
      %dma_wait3A_349 = arith.constant 0 : i32
      %dma_wait3A_350 = arith.constant 0 : i32
      %dma_wait3A_351 = tpu.memref_slice %arg8[%dma_wait3A_347, %dma_wait3A_349, %dma_wait3A_350] : memref<5x128x32xf32, #tpu.memory_space<vmem>> -> memref<1x128x32xf32, #tpu.memory_space<vmem>>
      %dma_wait3A_352 = tpu.memref_squeeze %dma_wait3A_351 : memref<1x128x32xf32, #tpu.memory_space<vmem>> -> memref<128x32xf32, #tpu.memory_space<vmem>>
      %dma_wait3A_353 = arith.constant 0 : i32
      %dma_wait3A_354 = tpu.memref_slice %arg6[%add3A_334, %dma_wait3A_353] : memref<80x128xi32, #tpu.memory_space<vmem>> -> memref<1x128xi32, #tpu.memory_space<vmem>>
      %dma_wait3A_355 = tpu.memref_squeeze %dma_wait3A_354 : memref<1x128xi32, #tpu.memory_space<vmem>> -> memref<128xi32, #tpu.memory_space<vmem>>
      %dma_wait3A_356 = arith.constant 0 : i32
      %dma_wait3A_357 = arith.constant 0 : i32
      %dma_wait3A_358 = tpu.memref_slice %arg10[%dma_wait3A_356, %dma_wait3A_357] : memref<10112x32xf32, #tpu.memory_space<vmem_shared>> -> memref<10112x32xf32, #tpu.memory_space<vmem_shared>>
      %dma_wait3A_359 = tpu.memref_slice %arg13[%dma_wait3A_348] : memref<5x!tpu.dma_semaphore, #tpu.memory_space<semaphore_mem>> -> memref<1x!tpu.dma_semaphore, #tpu.memory_space<semaphore_mem>>
      %dma_wait3A_360 = tpu.memref_squeeze %dma_wait3A_359 : memref<1x!tpu.dma_semaphore, #tpu.memory_space<semaphore_mem>> -> memref<!tpu.dma_semaphore, #tpu.memory_space<semaphore_mem>>
      tpu.wait_indirect_dma semaphore(%dma_wait3A_360 : memref<!tpu.dma_semaphore, #tpu.memory_space<semaphore_mem>>) src(%dma_wait3A_358 : memref<10112x32xf32, #tpu.memory_space<vmem_shared>>) dst(%dma_wait3A_352 : memref<128x32xf32, #tpu.memory_space<vmem>>)
      %dma_start3A_361 = arith.constant 4 : i32
      %dma_start3A_362 = arith.constant 4 : i32
      %dma_start3A_363 = arith.constant 0 : i32
      %dma_start3A_364 = arith.constant 0 : i32
      %dma_start3A_365 = tpu.memref_slice %arg8[%dma_start3A_361, %dma_start3A_363, %dma_start3A_364] : memref<5x128x32xf32, #tpu.memory_space<vmem>> -> memref<1x128x32xf32, #tpu.memory_space<vmem>>
      %dma_start3A_366 = tpu.memref_squeeze %dma_start3A_365 : memref<1x128x32xf32, #tpu.memory_space<vmem>> -> memref<128x32xf32, #tpu.memory_space<vmem>>
      %dma_start3A_367 = arith.constant 0 : i32
      %dma_start3A_368 = tpu.memref_slice %arg7[%add3A_334, %dma_start3A_367] : memref<80x128xi32, #tpu.memory_space<vmem>> -> memref<1x128xi32, #tpu.memory_space<vmem>>
      %dma_start3A_369 = tpu.memref_squeeze %dma_start3A_368 : memref<1x128xi32, #tpu.memory_space<vmem>> -> memref<128xi32, #tpu.memory_space<vmem>>
      %dma_start3A_370 = arith.constant 0 : i32
      %dma_start3A_371 = arith.constant 0 : i32
      %dma_start3A_372 = tpu.memref_slice %arg9[%dma_start3A_370, %dma_start3A_371] : memref<10112x32xf32, #tpu.memory_space<vmem_shared>> -> memref<10112x32xf32, #tpu.memory_space<vmem_shared>>
      %dma_start3A_373 = tpu.memref_slice %arg14[%dma_start3A_362] : memref<5x!tpu.dma_semaphore, #tpu.memory_space<semaphore_mem>> -> memref<1x!tpu.dma_semaphore, #tpu.memory_space<semaphore_mem>>
      %dma_start3A_374 = tpu.memref_squeeze %dma_start3A_373 : memref<1x!tpu.dma_semaphore, #tpu.memory_space<semaphore_mem>> -> memref<!tpu.dma_semaphore, #tpu.memory_space<semaphore_mem>>
      tpu.enqueue_indirect_dma source(%dma_start3A_366 : memref<128x32xf32, #tpu.memory_space<vmem>>) target(%dma_start3A_372 : memref<10112x32xf32, #tpu.memory_space<vmem_shared>>) offsets(%dma_start3A_369 : memref<128xi32, #tpu.memory_space<vmem>>) semaphore(%dma_start3A_374 : memref<!tpu.dma_semaphore, #tpu.memory_space<semaphore_mem>>) {add = true}
      %scan3A_375 = arith.constant 0 : i32
      scf.yield %scan3A_375 : i32
    }
    %scan3A_121 = arith.constant 16 : i32
    %dma_wait3A_122 = arith.constant 3 : i32
    %dma_wait3A_123 = arith.constant 78 : i32
    %dma_wait3A_124 = arith.constant 3 : i32
    %dma_wait3A_125 = arith.constant 0 : i32
    %dma_wait3A_126 = arith.constant 0 : i32
    %dma_wait3A_127 = tpu.memref_slice %arg8[%dma_wait3A_122, %dma_wait3A_125, %dma_wait3A_126] : memref<5x128x32xf32, #tpu.memory_space<vmem>> -> memref<1x128x32xf32, #tpu.memory_space<vmem>>
    %dma_wait3A_128 = tpu.memref_squeeze %dma_wait3A_127 : memref<1x128x32xf32, #tpu.memory_space<vmem>> -> memref<128x32xf32, #tpu.memory_space<vmem>>
    %dma_wait3A_129 = arith.constant 0 : i32
    %dma_wait3A_130 = tpu.memref_slice %arg7[%dma_wait3A_123, %dma_wait3A_129] : memref<80x128xi32, #tpu.memory_space<vmem>> -> memref<1x128xi32, #tpu.memory_space<vmem>>
    %dma_wait3A_131 = tpu.memref_squeeze %dma_wait3A_130 : memref<1x128xi32, #tpu.memory_space<vmem>> -> memref<128xi32, #tpu.memory_space<vmem>>
    %dma_wait3A_132 = arith.constant 0 : i32
    %dma_wait3A_133 = arith.constant 0 : i32
    %dma_wait3A_134 = tpu.memref_slice %arg9[%dma_wait3A_132, %dma_wait3A_133] : memref<10112x32xf32, #tpu.memory_space<vmem_shared>> -> memref<10112x32xf32, #tpu.memory_space<vmem_shared>>
    %dma_wait3A_135 = tpu.memref_slice %arg14[%dma_wait3A_124] : memref<5x!tpu.dma_semaphore, #tpu.memory_space<semaphore_mem>> -> memref<1x!tpu.dma_semaphore, #tpu.memory_space<semaphore_mem>>
    %dma_wait3A_136 = tpu.memref_squeeze %dma_wait3A_135 : memref<1x!tpu.dma_semaphore, #tpu.memory_space<semaphore_mem>> -> memref<!tpu.dma_semaphore, #tpu.memory_space<semaphore_mem>>
    tpu.wait_indirect_dma semaphore(%dma_wait3A_136 : memref<!tpu.dma_semaphore, #tpu.memory_space<semaphore_mem>>) src(%dma_wait3A_128 : memref<128x32xf32, #tpu.memory_space<vmem>>) dst(%dma_wait3A_134 : memref<10112x32xf32, #tpu.memory_space<vmem_shared>>)
    %dma_wait3A_137 = arith.constant 4 : i32
    %dma_wait3A_138 = arith.constant 79 : i32
    %dma_wait3A_139 = arith.constant 4 : i32
    %dma_wait3A_140 = arith.constant 0 : i32
    %dma_wait3A_141 = arith.constant 0 : i32
    %dma_wait3A_142 = tpu.memref_slice %arg8[%dma_wait3A_137, %dma_wait3A_140, %dma_wait3A_141] : memref<5x128x32xf32, #tpu.memory_space<vmem>> -> memref<1x128x32xf32, #tpu.memory_space<vmem>>
    %dma_wait3A_143 = tpu.memref_squeeze %dma_wait3A_142 : memref<1x128x32xf32, #tpu.memory_space<vmem>> -> memref<128x32xf32, #tpu.memory_space<vmem>>
    %dma_wait3A_144 = arith.constant 0 : i32
    %dma_wait3A_145 = tpu.memref_slice %arg7[%dma_wait3A_138, %dma_wait3A_144] : memref<80x128xi32, #tpu.memory_space<vmem>> -> memref<1x128xi32, #tpu.memory_space<vmem>>
    %dma_wait3A_146 = tpu.memref_squeeze %dma_wait3A_145 : memref<1x128xi32, #tpu.memory_space<vmem>> -> memref<128xi32, #tpu.memory_space<vmem>>
    %dma_wait3A_147 = arith.constant 0 : i32
    %dma_wait3A_148 = arith.constant 0 : i32
    %dma_wait3A_149 = tpu.memref_slice %arg9[%dma_wait3A_147, %dma_wait3A_148] : memref<10112x32xf32, #tpu.memory_space<vmem_shared>> -> memref<10112x32xf32, #tpu.memory_space<vmem_shared>>
    %dma_wait3A_150 = tpu.memref_slice %arg14[%dma_wait3A_139] : memref<5x!tpu.dma_semaphore, #tpu.memory_space<semaphore_mem>> -> memref<1x!tpu.dma_semaphore, #tpu.memory_space<semaphore_mem>>
    %dma_wait3A_151 = tpu.memref_squeeze %dma_wait3A_150 : memref<1x!tpu.dma_semaphore, #tpu.memory_space<semaphore_mem>> -> memref<!tpu.dma_semaphore, #tpu.memory_space<semaphore_mem>>
    tpu.wait_indirect_dma semaphore(%dma_wait3A_151 : memref<!tpu.dma_semaphore, #tpu.memory_space<semaphore_mem>>) src(%dma_wait3A_143 : memref<128x32xf32, #tpu.memory_space<vmem>>) dst(%dma_wait3A_149 : memref<10112x32xf32, #tpu.memory_space<vmem_shared>>)
    %barrier3A_152 = arith.constant 0 : index
    tpu.barrier barrier_id(%barrier3A_152)
    "tpu.region"() ({
      %run_scoped3A = tpu.sem_alloc : memref<!tpu.dma_semaphore, #tpu.memory_space<semaphore_mem>>
      %dma_start3A_165 = arith.constant 0 : i32
      %dma_start3A_166 = tpu.memref_slice %arg9[%mul3A_2, %dma_start3A_165] : memref<10112x32xf32, #tpu.memory_space<vmem_shared>> -> memref<632x32xf32, #tpu.memory_space<vmem_shared>>
      %dma_start3A_167 = arith.constant 0 : i32
      %dma_start3A_168 = tpu.memref_slice %arg9[%mul3A_2, %dma_start3A_167] : memref<10112x32xf32, #tpu.memory_space<vmem_shared>> -> memref<632x32xf32, #tpu.memory_space<vmem_shared>>
      tpu.enqueue_dma source(%dma_start3A_168 : memref<632x32xf32, #tpu.memory_space<vmem_shared>>) target(%arg11 : memref<632x32xf32, #tpu.memory_space<vmem>>) target_semaphore(%run_scoped3A : memref<!tpu.dma_semaphore, #tpu.memory_space<semaphore_mem>>)
      %dma_wait3A_169 = arith.constant 0 : i32
      %dma_wait3A_170 = tpu.memref_slice %arg9[%mul3A_2, %dma_wait3A_169] : memref<10112x32xf32, #tpu.memory_space<vmem_shared>> -> memref<632x32xf32, #tpu.memory_space<vmem_shared>>
      %dma_wait3A_171 = arith.constant 0 : i32
      %dma_wait3A_172 = tpu.memref_slice %arg9[%mul3A_2, %dma_wait3A_171] : memref<10112x32xf32, #tpu.memory_space<vmem_shared>> -> memref<632x32xf32, #tpu.memory_space<vmem_shared>>
      tpu.wait_dma2 semaphore(%run_scoped3A : memref<!tpu.dma_semaphore, #tpu.memory_space<semaphore_mem>>) src(%dma_wait3A_172 : memref<632x32xf32, #tpu.memory_space<vmem_shared>>) dst(%arg11 : memref<632x32xf32, #tpu.memory_space<vmem>>)
      tpu.yield
    }) : () -> ()
    %scan3A_153 = arith.constant 0 : i32
    %scan3A_154 = arith.constant 0 : i32
    %scan3A_155 = arith.constant 158 : i32
    %scan3A_156 = arith.addi %scan3A_154, %scan3A_155 : i32
    %scan3A_157 = arith.constant 1 : i32
    %scan3A_158 = scf.for %scan3A_165 = %scan3A_154 to %scan3A_156 step %scan3A_157 iter_args(%scan3A_166 = %scan3A_153) -> (i32)  : i32 {
      %mul3A_167 = arith.constant 4 : i32
      %mul3A_168 = arith.muli %scan3A_165, %mul3A_167 : i32
      %add3A_169 = arith.constant 0 : i32
      %add3A_170 = arith.addi %mul3A_168, %add3A_169 : i32
      %get3A = arith.index_cast %add3A_170 : i32 to index
      %get3A_171 = arith.constant 0 : index
      %get3A_172 = tpu.vector_load %arg11[%get3A, %get3A_171] {strides = array<i32>} : memref<632x32xf32, #tpu.memory_space<vmem>>, vector<1x16xf32>,
      %get3A_173 = vector.shape_cast %get3A_172 : vector<1x16xf32> to vector<16xf32>
      %swap3A = arith.index_cast %scan3A_165 : i32 to index
      %swap3A_174 = arith.constant 0 : index
      %swap3A_175 = tpu.vector_load %arg12[%swap3A, %swap3A_174] {strides = array<i32>} : memref<158x128xf32, #tpu.memory_space<vmem>>, vector<1x16xf32>,
      %swap3A_176 = vector.shape_cast %swap3A_175 : vector<1x16xf32> to vector<16xf32>
      %swap3A_177 = vector.shape_cast %get3A_173 : vector<16xf32> to vector<1x16xf32>
      tpu.vector_store %arg12[%swap3A, %swap3A_174], %swap3A_177 {strides = array<i32>} : memref<158x128xf32, #tpu.memory_space<vmem>>, vector<1x16xf32>,
      %get3A_178 = arith.index_cast %add3A_170 : i32 to index
      %get3A_179 = arith.constant 16 : index
      %get3A_180 = tpu.vector_load %arg11[%get3A_178, %get3A_179] {strides = array<i32>} : memref<632x32xf32, #tpu.memory_space<vmem>>, vector<1x16xf32>,
      %get3A_181 = vector.shape_cast %get3A_180 : vector<1x16xf32> to vector<16xf32>
      %swap3A_182 = arith.index_cast %scan3A_165 : i32 to index
      %swap3A_183 = arith.constant 16 : index
      %swap3A_184 = tpu.vector_load %arg12[%swap3A_182, %swap3A_183] {strides = array<i32>} : memref<158x128xf32, #tpu.memory_space<vmem>>, vector<1x16xf32>,
      %swap3A_185 = vector.shape_cast %swap3A_184 : vector<1x16xf32> to vector<16xf32>
      %swap3A_186 = vector.shape_cast %get3A_181 : vector<16xf32> to vector<1x16xf32>
      tpu.vector_store %arg12[%swap3A_182, %swap3A_183], %swap3A_186 {strides = array<i32>} : memref<158x128xf32, #tpu.memory_space<vmem>>, vector<1x16xf32>,
      %mul3A_187 = arith.constant 4 : i32
      %mul3A_188 = arith.muli %scan3A_165, %mul3A_187 : i32
      %add3A_189 = arith.constant 1 : i32
      %add3A_190 = arith.addi %mul3A_188, %add3A_189 : i32
      %get3A_191 = arith.index_cast %add3A_190 : i32 to index
      %get3A_192 = arith.constant 0 : index
      %get3A_193 = tpu.vector_load %arg11[%get3A_191, %get3A_192] {strides = array<i32>} : memref<632x32xf32, #tpu.memory_space<vmem>>, vector<1x16xf32>,
      %get3A_194 = vector.shape_cast %get3A_193 : vector<1x16xf32> to vector<16xf32>
      %swap3A_195 = arith.index_cast %scan3A_165 : i32 to index
      %swap3A_196 = arith.constant 32 : index
      %swap3A_197 = tpu.vector_load %arg12[%swap3A_195, %swap3A_196] {strides = array<i32>} : memref<158x128xf32, #tpu.memory_space<vmem>>, vector<1x16xf32>,
      %swap3A_198 = vector.shape_cast %swap3A_197 : vector<1x16xf32> to vector<16xf32>
      %swap3A_199 = vector.shape_cast %get3A_194 : vector<16xf32> to vector<1x16xf32>
      tpu.vector_store %arg12[%swap3A_195, %swap3A_196], %swap3A_199 {strides = array<i32>} : memref<158x128xf32, #tpu.memory_space<vmem>>, vector<1x16xf32>,
      %get3A_200 = arith.index_cast %add3A_190 : i32 to index
      %get3A_201 = arith.constant 16 : index
      %get3A_202 = tpu.vector_load %arg11[%get3A_200, %get3A_201] {strides = array<i32>} : memref<632x32xf32, #tpu.memory_space<vmem>>, vector<1x16xf32>,
      %get3A_203 = vector.shape_cast %get3A_202 : vector<1x16xf32> to vector<16xf32>
      %swap3A_204 = arith.index_cast %scan3A_165 : i32 to index
      %swap3A_205 = arith.constant 48 : index
      %swap3A_206 = tpu.vector_load %arg12[%swap3A_204, %swap3A_205] {strides = array<i32>} : memref<158x128xf32, #tpu.memory_space<vmem>>, vector<1x16xf32>,
      %swap3A_207 = vector.shape_cast %swap3A_206 : vector<1x16xf32> to vector<16xf32>
      %swap3A_208 = vector.shape_cast %get3A_203 : vector<16xf32> to vector<1x16xf32>
      tpu.vector_store %arg12[%swap3A_204, %swap3A_205], %swap3A_208 {strides = array<i32>} : memref<158x128xf32, #tpu.memory_space<vmem>>, vector<1x16xf32>,
      %mul3A_209 = arith.constant 4 : i32
      %mul3A_210 = arith.muli %scan3A_165, %mul3A_209 : i32
      %add3A_211 = arith.constant 2 : i32
      %add3A_212 = arith.addi %mul3A_210, %add3A_211 : i32
      %get3A_213 = arith.index_cast %add3A_212 : i32 to index
      %get3A_214 = arith.constant 0 : index
      %get3A_215 = tpu.vector_load %arg11[%get3A_213, %get3A_214] {strides = array<i32>} : memref<632x32xf32, #tpu.memory_space<vmem>>, vector<1x16xf32>,
      %get3A_216 = vector.shape_cast %get3A_215 : vector<1x16xf32> to vector<16xf32>
      %swap3A_217 = arith.index_cast %scan3A_165 : i32 to index
      %swap3A_218 = arith.constant 64 : index
      %swap3A_219 = tpu.vector_load %arg12[%swap3A_217, %swap3A_218] {strides = array<i32>} : memref<158x128xf32, #tpu.memory_space<vmem>>, vector<1x16xf32>,
      %swap3A_220 = vector.shape_cast %swap3A_219 : vector<1x16xf32> to vector<16xf32>
      %swap3A_221 = vector.shape_cast %get3A_216 : vector<16xf32> to vector<1x16xf32>
      tpu.vector_store %arg12[%swap3A_217, %swap3A_218], %swap3A_221 {strides = array<i32>} : memref<158x128xf32, #tpu.memory_space<vmem>>, vector<1x16xf32>,
      %get3A_222 = arith.index_cast %add3A_212 : i32 to index
      %get3A_223 = arith.constant 16 : index
      %get3A_224 = tpu.vector_load %arg11[%get3A_222, %get3A_223] {strides = array<i32>} : memref<632x32xf32, #tpu.memory_space<vmem>>, vector<1x16xf32>,
      %get3A_225 = vector.shape_cast %get3A_224 : vector<1x16xf32> to vector<16xf32>
      %swap3A_226 = arith.index_cast %scan3A_165 : i32 to index
      %swap3A_227 = arith.constant 80 : index
      %swap3A_228 = tpu.vector_load %arg12[%swap3A_226, %swap3A_227] {strides = array<i32>} : memref<158x128xf32, #tpu.memory_space<vmem>>, vector<1x16xf32>,
      %swap3A_229 = vector.shape_cast %swap3A_228 : vector<1x16xf32> to vector<16xf32>
      %swap3A_230 = vector.shape_cast %get3A_225 : vector<16xf32> to vector<1x16xf32>
      tpu.vector_store %arg12[%swap3A_226, %swap3A_227], %swap3A_230 {strides = array<i32>} : memref<158x128xf32, #tpu.memory_space<vmem>>, vector<1x16xf32>,
      %mul3A_231 = arith.constant 4 : i32
      %mul3A_232 = arith.muli %scan3A_165, %mul3A_231 : i32
      %add3A_233 = arith.constant 3 : i32
      %add3A_234 = arith.addi %mul3A_232, %add3A_233 : i32
      %get3A_235 = arith.index_cast %add3A_234 : i32 to index
      %get3A_236 = arith.constant 0 : index
      %get3A_237 = tpu.vector_load %arg11[%get3A_235, %get3A_236] {strides = array<i32>} : memref<632x32xf32, #tpu.memory_space<vmem>>, vector<1x16xf32>,
      %get3A_238 = vector.shape_cast %get3A_237 : vector<1x16xf32> to vector<16xf32>
      %swap3A_239 = arith.index_cast %scan3A_165 : i32 to index
      %swap3A_240 = arith.constant 96 : index
      %swap3A_241 = tpu.vector_load %arg12[%swap3A_239, %swap3A_240] {strides = array<i32>} : memref<158x128xf32, #tpu.memory_space<vmem>>, vector<1x16xf32>,
      %swap3A_242 = vector.shape_cast %swap3A_241 : vector<1x16xf32> to vector<16xf32>
      %swap3A_243 = vector.shape_cast %get3A_238 : vector<16xf32> to vector<1x16xf32>
      tpu.vector_store %arg12[%swap3A_239, %swap3A_240], %swap3A_243 {strides = array<i32>} : memref<158x128xf32, #tpu.memory_space<vmem>>, vector<1x16xf32>,
      %get3A_244 = arith.index_cast %add3A_234 : i32 to index
      %get3A_245 = arith.constant 16 : index
      %get3A_246 = tpu.vector_load %arg11[%get3A_244, %get3A_245] {strides = array<i32>} : memref<632x32xf32, #tpu.memory_space<vmem>>, vector<1x16xf32>,
      %get3A_247 = vector.shape_cast %get3A_246 : vector<1x16xf32> to vector<16xf32>
      %swap3A_248 = arith.index_cast %scan3A_165 : i32 to index
      %swap3A_249 = arith.constant 112 : index
      %swap3A_250 = tpu.vector_load %arg12[%swap3A_248, %swap3A_249] {strides = array<i32>} : memref<158x128xf32, #tpu.memory_space<vmem>>, vector<1x16xf32>,
      %swap3A_251 = vector.shape_cast %swap3A_250 : vector<1x16xf32> to vector<16xf32>
      %swap3A_252 = vector.shape_cast %get3A_247 : vector<16xf32> to vector<1x16xf32>
      tpu.vector_store %arg12[%swap3A_248, %swap3A_249], %swap3A_252 {strides = array<i32>} : memref<158x128xf32, #tpu.memory_space<vmem>>, vector<1x16xf32>,
      %scan3A_253 = arith.constant 0 : i32
      scf.yield %scan3A_253 : i32
    }
    %scan3A_159 = arith.constant 158 : i32
    %mul3A_160 = arith.constant 2528 : i32
    %mul3A_161 = arith.muli %arg0, %mul3A_160 : i32
    %mul3A_162 = arith.constant 158 : i32
    %mul3A_163 = arith.muli %arg1, %mul3A_162 : i32
    %add3A_164 = arith.addi %mul3A_161, %mul3A_163 : i32
    "tpu.region"() ({
      %run_scoped3A = tpu.sem_alloc : memref<!tpu.dma_semaphore, #tpu.memory_space<semaphore_mem>>
      %dma_start3A_165 = arith.constant 0 : i32
      %dma_start3A_166 = tpu.memref_slice %arg5[%add3A_164, %dma_start3A_165] : memref<5056x128xf32, #tpu.memory_space<hbm>> -> memref<158x128xf32, #tpu.memory_space<hbm>>
      %dma_start3A_167 = arith.constant 0 : i32
      %dma_start3A_168 = tpu.memref_slice %arg5[%add3A_164, %dma_start3A_167] : memref<5056x128xf32, #tpu.memory_space<hbm>> -> memref<158x128xf32, #tpu.memory_space<hbm>>
      tpu.enqueue_dma source(%arg12 : memref<158x128xf32, #tpu.memory_space<vmem>>) target(%dma_start3A_168 : memref<158x128xf32, #tpu.memory_space<hbm>>) target_semaphore(%run_scoped3A : memref<!tpu.dma_semaphore, #tpu.memory_space<semaphore_mem>>)
      %dma_wait3A_169 = arith.constant 0 : i32
      %dma_wait3A_170 = tpu.memref_slice %arg5[%add3A_164, %dma_wait3A_169] : memref<5056x128xf32, #tpu.memory_space<hbm>> -> memref<158x128xf32, #tpu.memory_space<hbm>>
      %dma_wait3A_171 = arith.constant 0 : i32
      %dma_wait3A_172 = tpu.memref_slice %arg5[%add3A_164, %dma_wait3A_171] : memref<5056x128xf32, #tpu.memory_space<hbm>> -> memref<158x128xf32, #tpu.memory_space<hbm>>
      tpu.wait_dma2 semaphore(%run_scoped3A : memref<!tpu.dma_semaphore, #tpu.memory_space<semaphore_mem>>) src(%arg12 : memref<158x128xf32, #tpu.memory_space<vmem>>) dst(%dma_wait3A_172 : memref<158x128xf32, #tpu.memory_space<hbm>>)
      tpu.yield
    }) : () -> ()
    return
  }
}

#map = affine_map<(d0, d1) -> (0, 0)>
module attributes {stable_mosaic.version = 14 : i64} {
  func.func @_sc_agg(%arg0: i32, %arg1: i32, %arg2: memref<2528x128xf32, #tpu.memory_space<hbm>>, %arg3: memref<2560x128xi32, #tpu.memory_space<hbm>>, %arg4: memref<632x32xf32, #tpu.memory_space<hbm>>, %arg5: memref<5056x128xf32, #tpu.memory_space<hbm>>, %arg6: memref<80x128xi32, #tpu.memory_space<vmem>>, %arg7: memref<80x128xi32, #tpu.memory_space<vmem>>, %arg8: memref<5x128x32xf32, #tpu.memory_space<vmem>>, %arg9: memref<10112x32xf32, #tpu.memory_space<vmem_shared>>, %arg10: memref<10112x32xf32, #tpu.memory_space<vmem_shared>>, %arg11: memref<632x32xf32, #tpu.memory_space<vmem>>, %arg12: memref<158x128xf32, #tpu.memory_space<vmem>>, %arg13: memref<5x!tpu.dma_semaphore, #tpu.memory_space<semaphore_mem>>, %arg14: memref<5x!tpu.dma_semaphore, #tpu.memory_space<semaphore_mem>>) attributes {dimension_semantics = [#tpu.dimension_semantics<core_parallel>, #tpu.dimension_semantics<subcore_parallel>], iteration_bounds = array<i64: 2, 16>, scalar_prefetch = 0 : i64, scratch_operands = 9 : i64, tpu.core_type = #tpu.core_type<sc_vector_subcore>, window_params = [{transform_indices = #map}, {transform_indices = #map}, {transform_indices = #map}, {transform_indices = #map}]} {
    %mul3A = arith.constant 16 : i32
    %mul3A_0 = arith.muli %arg0, %mul3A : i32
    %add3A = arith.addi %mul3A_0, %arg1 : i32
    %mul3A_1 = arith.constant 632 : i32
    %mul3A_2 = arith.muli %arg1, %mul3A_1 : i32
    %mul3A_3 = arith.constant 158 : i32
    %mul3A_4 = arith.muli %arg1, %mul3A_3 : i32
    %dma_start3A = arith.constant 0 : i32
    %dma_start3A_5 = arith.constant 0 : i32
    %dma_start3A_6 = tpu.memref_slice %arg2[%mul3A_4, %dma_start3A_5] : memref<2528x128xf32, #tpu.memory_space<hbm>> -> memref<158x128xf32, #tpu.memory_space<hbm>>
    %dma_start3A_7 = tpu.memref_slice %arg13[%dma_start3A] : memref<5x!tpu.dma_semaphore, #tpu.memory_space<semaphore_mem>> -> memref<1x!tpu.dma_semaphore, #tpu.memory_space<semaphore_mem>>
    %dma_start3A_8 = tpu.memref_squeeze %dma_start3A_7 : memref<1x!tpu.dma_semaphore, #tpu.memory_space<semaphore_mem>> -> memref<!tpu.dma_semaphore, #tpu.memory_space<semaphore_mem>>
    %dma_start3A_9 = arith.constant 0 : i32
    %dma_start3A_10 = tpu.memref_slice %arg2[%mul3A_4, %dma_start3A_9] : memref<2528x128xf32, #tpu.memory_space<hbm>> -> memref<158x128xf32, #tpu.memory_space<hbm>>
    tpu.enqueue_dma source(%dma_start3A_10 : memref<158x128xf32, #tpu.memory_space<hbm>>) target(%arg12 : memref<158x128xf32, #tpu.memory_space<vmem>>) target_semaphore(%dma_start3A_8 : memref<!tpu.dma_semaphore, #tpu.memory_space<semaphore_mem>>)
    %dma_start3A_11 = arith.constant 1 : i32
    %dma_start3A_12 = tpu.memref_slice %arg13[%dma_start3A_11] : memref<5x!tpu.dma_semaphore, #tpu.memory_space<semaphore_mem>> -> memref<1x!tpu.dma_semaphore, #tpu.memory_space<semaphore_mem>>
    %dma_start3A_13 = tpu.memref_squeeze %dma_start3A_12 : memref<1x!tpu.dma_semaphore, #tpu.memory_space<semaphore_mem>> -> memref<!tpu.dma_semaphore, #tpu.memory_space<semaphore_mem>>
    %dma_start3A_14 = arith.constant 0 : i32
    %dma_start3A_15 = tpu.memref_slice %arg9[%mul3A_2, %dma_start3A_14] : memref<10112x32xf32, #tpu.memory_space<vmem_shared>> -> memref<632x32xf32, #tpu.memory_space<vmem_shared>>
    tpu.enqueue_dma source(%arg4 : memref<632x32xf32, #tpu.memory_space<hbm>>) target(%dma_start3A_15 : memref<632x32xf32, #tpu.memory_space<vmem_shared>>) target_semaphore(%dma_start3A_13 : memref<!tpu.dma_semaphore, #tpu.memory_space<semaphore_mem>>)
    %mul3A_16 = arith.constant 80 : i32
    %mul3A_17 = arith.muli %add3A, %mul3A_16 : i32
    %dma_start3A_18 = arith.constant 0 : i32
    %dma_start3A_19 = arith.constant 0 : i32
    %dma_start3A_20 = tpu.memref_slice %arg3[%mul3A_17, %dma_start3A_19] : memref<2560x128xi32, #tpu.memory_space<hbm>> -> memref<80x128xi32, #tpu.memory_space<hbm>>
    %dma_start3A_21 = tpu.memref_slice %arg14[%dma_start3A_18] : memref<5x!tpu.dma_semaphore, #tpu.memory_space<semaphore_mem>> -> memref<1x!tpu.dma_semaphore, #tpu.memory_space<semaphore_mem>>
    %dma_start3A_22 = tpu.memref_squeeze %dma_start3A_21 : memref<1x!tpu.dma_semaphore, #tpu.memory_space<semaphore_mem>> -> memref<!tpu.dma_semaphore, #tpu.memory_space<semaphore_mem>>
    %dma_start3A_23 = arith.constant 0 : i32
    %dma_start3A_24 = tpu.memref_slice %arg3[%mul3A_17, %dma_start3A_23] : memref<2560x128xi32, #tpu.memory_space<hbm>> -> memref<80x128xi32, #tpu.memory_space<hbm>>
    tpu.enqueue_dma source(%dma_start3A_24 : memref<80x128xi32, #tpu.memory_space<hbm>>) target(%arg6 : memref<80x128xi32, #tpu.memory_space<vmem>>) target_semaphore(%dma_start3A_22 : memref<!tpu.dma_semaphore, #tpu.memory_space<semaphore_mem>>)
    %dma_wait3A = arith.constant 0 : i32
    %dma_wait3A_25 = arith.constant 0 : i32
    %dma_wait3A_26 = tpu.memref_slice %arg2[%mul3A_4, %dma_wait3A_25] : memref<2528x128xf32, #tpu.memory_space<hbm>> -> memref<158x128xf32, #tpu.memory_space<hbm>>
    %dma_wait3A_27 = tpu.memref_slice %arg13[%dma_wait3A] : memref<5x!tpu.dma_semaphore, #tpu.memory_space<semaphore_mem>> -> memref<1x!tpu.dma_semaphore, #tpu.memory_space<semaphore_mem>>
    %dma_wait3A_28 = tpu.memref_squeeze %dma_wait3A_27 : memref<1x!tpu.dma_semaphore, #tpu.memory_space<semaphore_mem>> -> memref<!tpu.dma_semaphore, #tpu.memory_space<semaphore_mem>>
    %dma_wait3A_29 = arith.constant 0 : i32
    %dma_wait3A_30 = tpu.memref_slice %arg2[%mul3A_4, %dma_wait3A_29] : memref<2528x128xf32, #tpu.memory_space<hbm>> -> memref<158x128xf32, #tpu.memory_space<hbm>>
    tpu.wait_dma2 semaphore(%dma_wait3A_28 : memref<!tpu.dma_semaphore, #tpu.memory_space<semaphore_mem>>) src(%dma_wait3A_30 : memref<158x128xf32, #tpu.memory_space<hbm>>) dst(%arg12 : memref<158x128xf32, #tpu.memory_space<vmem>>)
    %scan3A = arith.constant 0 : i32
    %scan3A_31 = arith.constant 0 : i32
    %scan3A_32 = arith.constant 158 : i32
    %scan3A_33 = arith.addi %scan3A_31, %scan3A_32 : i32
    %scan3A_34 = arith.constant 1 : i32
    %scan3A_35 = scf.for %scan3A_165 = %scan3A_31 to %scan3A_33 step %scan3A_34 iter_args(%scan3A_166 = %scan3A) -> (i32)  : i32 {
      %mul3A_167 = arith.constant 4 : i32
      %mul3A_168 = arith.muli %scan3A_165, %mul3A_167 : i32
      %add3A_169 = arith.constant 0 : i32
      %add3A_170 = arith.addi %mul3A_168, %add3A_169 : i32
      %get3A = arith.index_cast %scan3A_165 : i32 to index
      %get3A_171 = arith.constant 0 : index
      %get3A_172 = tpu.vector_load %arg12[%get3A, %get3A_171] {strides = array<i32>} : memref<158x128xf32, #tpu.memory_space<vmem>>, vector<1x16xf32>,
      %get3A_173 = vector.shape_cast %get3A_172 : vector<1x16xf32> to vector<16xf32>
      %swap3A = arith.index_cast %add3A_170 : i32 to index
      %swap3A_174 = arith.constant 0 : index
      %swap3A_175 = tpu.vector_load %arg11[%swap3A, %swap3A_174] {strides = array<i32>} : memref<632x32xf32, #tpu.memory_space<vmem>>, vector<1x16xf32>,
      %swap3A_176 = vector.shape_cast %swap3A_175 : vector<1x16xf32> to vector<16xf32>
      %swap3A_177 = vector.shape_cast %get3A_173 : vector<16xf32> to vector<1x16xf32>
      tpu.vector_store %arg11[%swap3A, %swap3A_174], %swap3A_177 {strides = array<i32>} : memref<632x32xf32, #tpu.memory_space<vmem>>, vector<1x16xf32>,
      %get3A_178 = arith.index_cast %scan3A_165 : i32 to index
      %get3A_179 = arith.constant 16 : index
      %get3A_180 = tpu.vector_load %arg12[%get3A_178, %get3A_179] {strides = array<i32>} : memref<158x128xf32, #tpu.memory_space<vmem>>, vector<1x16xf32>,
      %get3A_181 = vector.shape_cast %get3A_180 : vector<1x16xf32> to vector<16xf32>
      %swap3A_182 = arith.index_cast %add3A_170 : i32 to index
      %swap3A_183 = arith.constant 16 : index
      %swap3A_184 = tpu.vector_load %arg11[%swap3A_182, %swap3A_183] {strides = array<i32>} : memref<632x32xf32, #tpu.memory_space<vmem>>, vector<1x16xf32>,
      %swap3A_185 = vector.shape_cast %swap3A_184 : vector<1x16xf32> to vector<16xf32>
      %swap3A_186 = vector.shape_cast %get3A_181 : vector<16xf32> to vector<1x16xf32>
      tpu.vector_store %arg11[%swap3A_182, %swap3A_183], %swap3A_186 {strides = array<i32>} : memref<632x32xf32, #tpu.memory_space<vmem>>, vector<1x16xf32>,
      %mul3A_187 = arith.constant 4 : i32
      %mul3A_188 = arith.muli %scan3A_165, %mul3A_187 : i32
      %add3A_189 = arith.constant 1 : i32
      %add3A_190 = arith.addi %mul3A_188, %add3A_189 : i32
      %get3A_191 = arith.index_cast %scan3A_165 : i32 to index
      %get3A_192 = arith.constant 32 : index
      %get3A_193 = tpu.vector_load %arg12[%get3A_191, %get3A_192] {strides = array<i32>} : memref<158x128xf32, #tpu.memory_space<vmem>>, vector<1x16xf32>,
      %get3A_194 = vector.shape_cast %get3A_193 : vector<1x16xf32> to vector<16xf32>
      %swap3A_195 = arith.index_cast %add3A_190 : i32 to index
      %swap3A_196 = arith.constant 0 : index
      %swap3A_197 = tpu.vector_load %arg11[%swap3A_195, %swap3A_196] {strides = array<i32>} : memref<632x32xf32, #tpu.memory_space<vmem>>, vector<1x16xf32>,
      %swap3A_198 = vector.shape_cast %swap3A_197 : vector<1x16xf32> to vector<16xf32>
      %swap3A_199 = vector.shape_cast %get3A_194 : vector<16xf32> to vector<1x16xf32>
      tpu.vector_store %arg11[%swap3A_195, %swap3A_196], %swap3A_199 {strides = array<i32>} : memref<632x32xf32, #tpu.memory_space<vmem>>, vector<1x16xf32>,
      %get3A_200 = arith.index_cast %scan3A_165 : i32 to index
      %get3A_201 = arith.constant 48 : index
      %get3A_202 = tpu.vector_load %arg12[%get3A_200, %get3A_201] {strides = array<i32>} : memref<158x128xf32, #tpu.memory_space<vmem>>, vector<1x16xf32>,
      %get3A_203 = vector.shape_cast %get3A_202 : vector<1x16xf32> to vector<16xf32>
      %swap3A_204 = arith.index_cast %add3A_190 : i32 to index
      %swap3A_205 = arith.constant 16 : index
      %swap3A_206 = tpu.vector_load %arg11[%swap3A_204, %swap3A_205] {strides = array<i32>} : memref<632x32xf32, #tpu.memory_space<vmem>>, vector<1x16xf32>,
      %swap3A_207 = vector.shape_cast %swap3A_206 : vector<1x16xf32> to vector<16xf32>
      %swap3A_208 = vector.shape_cast %get3A_203 : vector<16xf32> to vector<1x16xf32>
      tpu.vector_store %arg11[%swap3A_204, %swap3A_205], %swap3A_208 {strides = array<i32>} : memref<632x32xf32, #tpu.memory_space<vmem>>, vector<1x16xf32>,
      %mul3A_209 = arith.constant 4 : i32
      %mul3A_210 = arith.muli %scan3A_165, %mul3A_209 : i32
      %add3A_211 = arith.constant 2 : i32
      %add3A_212 = arith.addi %mul3A_210, %add3A_211 : i32
      %get3A_213 = arith.index_cast %scan3A_165 : i32 to index
      %get3A_214 = arith.constant 64 : index
      %get3A_215 = tpu.vector_load %arg12[%get3A_213, %get3A_214] {strides = array<i32>} : memref<158x128xf32, #tpu.memory_space<vmem>>, vector<1x16xf32>,
      %get3A_216 = vector.shape_cast %get3A_215 : vector<1x16xf32> to vector<16xf32>
      %swap3A_217 = arith.index_cast %add3A_212 : i32 to index
      %swap3A_218 = arith.constant 0 : index
      %swap3A_219 = tpu.vector_load %arg11[%swap3A_217, %swap3A_218] {strides = array<i32>} : memref<632x32xf32, #tpu.memory_space<vmem>>, vector<1x16xf32>,
      %swap3A_220 = vector.shape_cast %swap3A_219 : vector<1x16xf32> to vector<16xf32>
      %swap3A_221 = vector.shape_cast %get3A_216 : vector<16xf32> to vector<1x16xf32>
      tpu.vector_store %arg11[%swap3A_217, %swap3A_218], %swap3A_221 {strides = array<i32>} : memref<632x32xf32, #tpu.memory_space<vmem>>, vector<1x16xf32>,
      %get3A_222 = arith.index_cast %scan3A_165 : i32 to index
      %get3A_223 = arith.constant 80 : index
      %get3A_224 = tpu.vector_load %arg12[%get3A_222, %get3A_223] {strides = array<i32>} : memref<158x128xf32, #tpu.memory_space<vmem>>, vector<1x16xf32>,
      %get3A_225 = vector.shape_cast %get3A_224 : vector<1x16xf32> to vector<16xf32>
      %swap3A_226 = arith.index_cast %add3A_212 : i32 to index
      %swap3A_227 = arith.constant 16 : index
      %swap3A_228 = tpu.vector_load %arg11[%swap3A_226, %swap3A_227] {strides = array<i32>} : memref<632x32xf32, #tpu.memory_space<vmem>>, vector<1x16xf32>,
      %swap3A_229 = vector.shape_cast %swap3A_228 : vector<1x16xf32> to vector<16xf32>
      %swap3A_230 = vector.shape_cast %get3A_225 : vector<16xf32> to vector<1x16xf32>
      tpu.vector_store %arg11[%swap3A_226, %swap3A_227], %swap3A_230 {strides = array<i32>} : memref<632x32xf32, #tpu.memory_space<vmem>>, vector<1x16xf32>,
      %mul3A_231 = arith.constant 4 : i32
      %mul3A_232 = arith.muli %scan3A_165, %mul3A_231 : i32
      %add3A_233 = arith.constant 3 : i32
      %add3A_234 = arith.addi %mul3A_232, %add3A_233 : i32
      %get3A_235 = arith.index_cast %scan3A_165 : i32 to index
      %get3A_236 = arith.constant 96 : index
      %get3A_237 = tpu.vector_load %arg12[%get3A_235, %get3A_236] {strides = array<i32>} : memref<158x128xf32, #tpu.memory_space<vmem>>, vector<1x16xf32>,
      %get3A_238 = vector.shape_cast %get3A_237 : vector<1x16xf32> to vector<16xf32>
      %swap3A_239 = arith.index_cast %add3A_234 : i32 to index
      %swap3A_240 = arith.constant 0 : index
      %swap3A_241 = tpu.vector_load %arg11[%swap3A_239, %swap3A_240] {strides = array<i32>} : memref<632x32xf32, #tpu.memory_space<vmem>>, vector<1x16xf32>,
      %swap3A_242 = vector.shape_cast %swap3A_241 : vector<1x16xf32> to vector<16xf32>
      %swap3A_243 = vector.shape_cast %get3A_238 : vector<16xf32> to vector<1x16xf32>
      tpu.vector_store %arg11[%swap3A_239, %swap3A_240], %swap3A_243 {strides = array<i32>} : memref<632x32xf32, #tpu.memory_space<vmem>>, vector<1x16xf32>,
      %get3A_244 = arith.index_cast %scan3A_165 : i32 to index
      %get3A_245 = arith.constant 112 : index
      %get3A_246 = tpu.vector_load %arg12[%get3A_244, %get3A_245] {strides = array<i32>} : memref<158x128xf32, #tpu.memory_space<vmem>>, vector<1x16xf32>,
      %get3A_247 = vector.shape_cast %get3A_246 : vector<1x16xf32> to vector<16xf32>
      %swap3A_248 = arith.index_cast %add3A_234 : i32 to index
      %swap3A_249 = arith.constant 16 : index
      %swap3A_250 = tpu.vector_load %arg11[%swap3A_248, %swap3A_249] {strides = array<i32>} : memref<632x32xf32, #tpu.memory_space<vmem>>, vector<1x16xf32>,
      %swap3A_251 = vector.shape_cast %swap3A_250 : vector<1x16xf32> to vector<16xf32>
      %swap3A_252 = vector.shape_cast %get3A_247 : vector<16xf32> to vector<1x16xf32>
      tpu.vector_store %arg11[%swap3A_248, %swap3A_249], %swap3A_252 {strides = array<i32>} : memref<632x32xf32, #tpu.memory_space<vmem>>, vector<1x16xf32>,
      %scan3A_253 = arith.constant 0 : i32
      scf.yield %scan3A_253 : i32
    }
    %scan3A_36 = arith.constant 158 : i32
    %dma_start3A_37 = arith.constant 2 : i32
    %dma_start3A_38 = arith.constant 0 : i32
    %dma_start3A_39 = tpu.memref_slice %arg10[%mul3A_2, %dma_start3A_38] : memref<10112x32xf32, #tpu.memory_space<vmem_shared>> -> memref<632x32xf32, #tpu.memory_space<vmem_shared>>
    %dma_start3A_40 = tpu.memref_slice %arg13[%dma_start3A_37] : memref<5x!tpu.dma_semaphore, #tpu.memory_space<semaphore_mem>> -> memref<1x!tpu.dma_semaphore, #tpu.memory_space<semaphore_mem>>
    %dma_start3A_41 = tpu.memref_squeeze %dma_start3A_40 : memref<1x!tpu.dma_semaphore, #tpu.memory_space<semaphore_mem>> -> memref<!tpu.dma_semaphore, #tpu.memory_space<semaphore_mem>>
    %dma_start3A_42 = arith.constant 0 : i32
    %dma_start3A_43 = tpu.memref_slice %arg10[%mul3A_2, %dma_start3A_42] : memref<10112x32xf32, #tpu.memory_space<vmem_shared>> -> memref<632x32xf32, #tpu.memory_space<vmem_shared>>
    tpu.enqueue_dma source(%arg11 : memref<632x32xf32, #tpu.memory_space<vmem>>) target(%dma_start3A_43 : memref<632x32xf32, #tpu.memory_space<vmem_shared>>) target_semaphore(%dma_start3A_41 : memref<!tpu.dma_semaphore, #tpu.memory_space<semaphore_mem>>)
    %dma_wait3A_44 = arith.constant 0 : i32
    %dma_wait3A_45 = arith.constant 0 : i32
    %dma_wait3A_46 = tpu.memref_slice %arg3[%mul3A_17, %dma_wait3A_45] : memref<2560x128xi32, #tpu.memory_space<hbm>> -> memref<80x128xi32, #tpu.memory_space<hbm>>
    %dma_wait3A_47 = tpu.memref_slice %arg14[%dma_wait3A_44] : memref<5x!tpu.dma_semaphore, #tpu.memory_space<semaphore_mem>> -> memref<1x!tpu.dma_semaphore, #tpu.memory_space<semaphore_mem>>
    %dma_wait3A_48 = tpu.memref_squeeze %dma_wait3A_47 : memref<1x!tpu.dma_semaphore, #tpu.memory_space<semaphore_mem>> -> memref<!tpu.dma_semaphore, #tpu.memory_space<semaphore_mem>>
    %dma_wait3A_49 = arith.constant 0 : i32
    %dma_wait3A_50 = tpu.memref_slice %arg3[%mul3A_17, %dma_wait3A_49] : memref<2560x128xi32, #tpu.memory_space<hbm>> -> memref<80x128xi32, #tpu.memory_space<hbm>>
    tpu.wait_dma2 semaphore(%dma_wait3A_48 : memref<!tpu.dma_semaphore, #tpu.memory_space<semaphore_mem>>) src(%dma_wait3A_50 : memref<80x128xi32, #tpu.memory_space<hbm>>) dst(%arg6 : memref<80x128xi32, #tpu.memory_space<vmem>>)
    %scan3A_51 = arith.constant 0 : i32
    %scan3A_52 = arith.constant 0 : i32
    %scan3A_53 = arith.constant 80 : i32
    %scan3A_54 = arith.addi %scan3A_52, %scan3A_53 : i32
    %scan3A_55 = arith.constant 1 : i32
    %scan3A_56 = scf.for %scan3A_165 = %scan3A_52 to %scan3A_54 step %scan3A_55 iter_args(%scan3A_166 = %scan3A_51) -> (i32)  : i32 {
      %get3A = arith.index_cast %scan3A_165 : i32 to index
      %get3A_167 = arith.constant 0 : index
      %get3A_168 = tpu.vector_load %arg6[%get3A, %get3A_167] {strides = array<i32>} : memref<80x128xi32, #tpu.memory_space<vmem>>, vector<1x16xi32>,
      %get3A_169 = vector.shape_cast %get3A_168 : vector<1x16xi32> to vector<16xi32>
      %shift_right_arithmetic3A = arith.constant 16 : i32
      %shift_right_arithmetic3A_170 = vector.broadcast %shift_right_arithmetic3A : i32 to vector<16xi32>
      %shift_right_arithmetic3A_171 = arith.shrsi %get3A_169, %shift_right_arithmetic3A_170 : vector<16xi32>
      %swap3A = arith.index_cast %scan3A_165 : i32 to index
      %swap3A_172 = arith.constant 0 : index
      %swap3A_173 = tpu.vector_load %arg6[%swap3A, %swap3A_172] {strides = array<i32>} : memref<80x128xi32, #tpu.memory_space<vmem>>, vector<1x16xi32>,
      %swap3A_174 = vector.shape_cast %swap3A_173 : vector<1x16xi32> to vector<16xi32>
      %swap3A_175 = vector.shape_cast %shift_right_arithmetic3A_171 : vector<16xi32> to vector<1x16xi32>
      tpu.vector_store %arg6[%swap3A, %swap3A_172], %swap3A_175 {strides = array<i32>} : memref<80x128xi32, #tpu.memory_space<vmem>>, vector<1x16xi32>,
      %and3A = arith.constant 65535 : i32
      %and3A_176 = vector.broadcast %and3A : i32 to vector<16xi32>
      %and3A_177 = arith.andi %get3A_169, %and3A_176 : vector<16xi32>
      %swap3A_178 = arith.index_cast %scan3A_165 : i32 to index
      %swap3A_179 = arith.constant 0 : index
      %swap3A_180 = tpu.vector_load %arg7[%swap3A_178, %swap3A_179] {strides = array<i32>} : memref<80x128xi32, #tpu.memory_space<vmem>>, vector<1x16xi32>,
      %swap3A_181 = vector.shape_cast %swap3A_180 : vector<1x16xi32> to vector<16xi32>
      %swap3A_182 = vector.shape_cast %and3A_177 : vector<16xi32> to vector<1x16xi32>
      tpu.vector_store %arg7[%swap3A_178, %swap3A_179], %swap3A_182 {strides = array<i32>} : memref<80x128xi32, #tpu.memory_space<vmem>>, vector<1x16xi32>,
      %get3A_183 = arith.index_cast %scan3A_165 : i32 to index
      %get3A_184 = arith.constant 16 : index
      %get3A_185 = tpu.vector_load %arg6[%get3A_183, %get3A_184] {strides = array<i32>} : memref<80x128xi32, #tpu.memory_space<vmem>>, vector<1x16xi32>,
      %get3A_186 = vector.shape_cast %get3A_185 : vector<1x16xi32> to vector<16xi32>
      %shift_right_arithmetic3A_187 = arith.constant 16 : i32
      %shift_right_arithmetic3A_188 = vector.broadcast %shift_right_arithmetic3A_187 : i32 to vector<16xi32>
      %shift_right_arithmetic3A_189 = arith.shrsi %get3A_186, %shift_right_arithmetic3A_188 : vector<16xi32>
      %swap3A_190 = arith.index_cast %scan3A_165 : i32 to index
      %swap3A_191 = arith.constant 16 : index
      %swap3A_192 = tpu.vector_load %arg6[%swap3A_190, %swap3A_191] {strides = array<i32>} : memref<80x128xi32, #tpu.memory_space<vmem>>, vector<1x16xi32>,
      %swap3A_193 = vector.shape_cast %swap3A_192 : vector<1x16xi32> to vector<16xi32>
      %swap3A_194 = vector.shape_cast %shift_right_arithmetic3A_189 : vector<16xi32> to vector<1x16xi32>
      tpu.vector_store %arg6[%swap3A_190, %swap3A_191], %swap3A_194 {strides = array<i32>} : memref<80x128xi32, #tpu.memory_space<vmem>>, vector<1x16xi32>,
      %and3A_195 = arith.constant 65535 : i32
      %and3A_196 = vector.broadcast %and3A_195 : i32 to vector<16xi32>
      %and3A_197 = arith.andi %get3A_186, %and3A_196 : vector<16xi32>
      %swap3A_198 = arith.index_cast %scan3A_165 : i32 to index
      %swap3A_199 = arith.constant 16 : index
      %swap3A_200 = tpu.vector_load %arg7[%swap3A_198, %swap3A_199] {strides = array<i32>} : memref<80x128xi32, #tpu.memory_space<vmem>>, vector<1x16xi32>,
      %swap3A_201 = vector.shape_cast %swap3A_200 : vector<1x16xi32> to vector<16xi32>
      %swap3A_202 = vector.shape_cast %and3A_197 : vector<16xi32> to vector<1x16xi32>
      tpu.vector_store %arg7[%swap3A_198, %swap3A_199], %swap3A_202 {strides = array<i32>} : memref<80x128xi32, #tpu.memory_space<vmem>>, vector<1x16xi32>,
      %get3A_203 = arith.index_cast %scan3A_165 : i32 to index
      %get3A_204 = arith.constant 32 : index
      %get3A_205 = tpu.vector_load %arg6[%get3A_203, %get3A_204] {strides = array<i32>} : memref<80x128xi32, #tpu.memory_space<vmem>>, vector<1x16xi32>,
      %get3A_206 = vector.shape_cast %get3A_205 : vector<1x16xi32> to vector<16xi32>
      %shift_right_arithmetic3A_207 = arith.constant 16 : i32
      %shift_right_arithmetic3A_208 = vector.broadcast %shift_right_arithmetic3A_207 : i32 to vector<16xi32>
      %shift_right_arithmetic3A_209 = arith.shrsi %get3A_206, %shift_right_arithmetic3A_208 : vector<16xi32>
      %swap3A_210 = arith.index_cast %scan3A_165 : i32 to index
      %swap3A_211 = arith.constant 32 : index
      %swap3A_212 = tpu.vector_load %arg6[%swap3A_210, %swap3A_211] {strides = array<i32>} : memref<80x128xi32, #tpu.memory_space<vmem>>, vector<1x16xi32>,
      %swap3A_213 = vector.shape_cast %swap3A_212 : vector<1x16xi32> to vector<16xi32>
      %swap3A_214 = vector.shape_cast %shift_right_arithmetic3A_209 : vector<16xi32> to vector<1x16xi32>
      tpu.vector_store %arg6[%swap3A_210, %swap3A_211], %swap3A_214 {strides = array<i32>} : memref<80x128xi32, #tpu.memory_space<vmem>>, vector<1x16xi32>,
      %and3A_215 = arith.constant 65535 : i32
      %and3A_216 = vector.broadcast %and3A_215 : i32 to vector<16xi32>
      %and3A_217 = arith.andi %get3A_206, %and3A_216 : vector<16xi32>
      %swap3A_218 = arith.index_cast %scan3A_165 : i32 to index
      %swap3A_219 = arith.constant 32 : index
      %swap3A_220 = tpu.vector_load %arg7[%swap3A_218, %swap3A_219] {strides = array<i32>} : memref<80x128xi32, #tpu.memory_space<vmem>>, vector<1x16xi32>,
      %swap3A_221 = vector.shape_cast %swap3A_220 : vector<1x16xi32> to vector<16xi32>
      %swap3A_222 = vector.shape_cast %and3A_217 : vector<16xi32> to vector<1x16xi32>
      tpu.vector_store %arg7[%swap3A_218, %swap3A_219], %swap3A_222 {strides = array<i32>} : memref<80x128xi32, #tpu.memory_space<vmem>>, vector<1x16xi32>,
      %get3A_223 = arith.index_cast %scan3A_165 : i32 to index
      %get3A_224 = arith.constant 48 : index
      %get3A_225 = tpu.vector_load %arg6[%get3A_223, %get3A_224] {strides = array<i32>} : memref<80x128xi32, #tpu.memory_space<vmem>>, vector<1x16xi32>,
      %get3A_226 = vector.shape_cast %get3A_225 : vector<1x16xi32> to vector<16xi32>
      %shift_right_arithmetic3A_227 = arith.constant 16 : i32
      %shift_right_arithmetic3A_228 = vector.broadcast %shift_right_arithmetic3A_227 : i32 to vector<16xi32>
      %shift_right_arithmetic3A_229 = arith.shrsi %get3A_226, %shift_right_arithmetic3A_228 : vector<16xi32>
      %swap3A_230 = arith.index_cast %scan3A_165 : i32 to index
      %swap3A_231 = arith.constant 48 : index
      %swap3A_232 = tpu.vector_load %arg6[%swap3A_230, %swap3A_231] {strides = array<i32>} : memref<80x128xi32, #tpu.memory_space<vmem>>, vector<1x16xi32>,
      %swap3A_233 = vector.shape_cast %swap3A_232 : vector<1x16xi32> to vector<16xi32>
      %swap3A_234 = vector.shape_cast %shift_right_arithmetic3A_229 : vector<16xi32> to vector<1x16xi32>
      tpu.vector_store %arg6[%swap3A_230, %swap3A_231], %swap3A_234 {strides = array<i32>} : memref<80x128xi32, #tpu.memory_space<vmem>>, vector<1x16xi32>,
      %and3A_235 = arith.constant 65535 : i32
      %and3A_236 = vector.broadcast %and3A_235 : i32 to vector<16xi32>
      %and3A_237 = arith.andi %get3A_226, %and3A_236 : vector<16xi32>
      %swap3A_238 = arith.index_cast %scan3A_165 : i32 to index
      %swap3A_239 = arith.constant 48 : index
      %swap3A_240 = tpu.vector_load %arg7[%swap3A_238, %swap3A_239] {strides = array<i32>} : memref<80x128xi32, #tpu.memory_space<vmem>>, vector<1x16xi32>,
      %swap3A_241 = vector.shape_cast %swap3A_240 : vector<1x16xi32> to vector<16xi32>
      %swap3A_242 = vector.shape_cast %and3A_237 : vector<16xi32> to vector<1x16xi32>
      tpu.vector_store %arg7[%swap3A_238, %swap3A_239], %swap3A_242 {strides = array<i32>} : memref<80x128xi32, #tpu.memory_space<vmem>>, vector<1x16xi32>,
      %get3A_243 = arith.index_cast %scan3A_165 : i32 to index
      %get3A_244 = arith.constant 64 : index
      %get3A_245 = tpu.vector_load %arg6[%get3A_243, %get3A_244] {strides = array<i32>} : memref<80x128xi32, #tpu.memory_space<vmem>>, vector<1x16xi32>,
      %get3A_246 = vector.shape_cast %get3A_245 : vector<1x16xi32> to vector<16xi32>
      %shift_right_arithmetic3A_247 = arith.constant 16 : i32
      %shift_right_arithmetic3A_248 = vector.broadcast %shift_right_arithmetic3A_247 : i32 to vector<16xi32>
      %shift_right_arithmetic3A_249 = arith.shrsi %get3A_246, %shift_right_arithmetic3A_248 : vector<16xi32>
      %swap3A_250 = arith.index_cast %scan3A_165 : i32 to index
      %swap3A_251 = arith.constant 64 : index
      %swap3A_252 = tpu.vector_load %arg6[%swap3A_250, %swap3A_251] {strides = array<i32>} : memref<80x128xi32, #tpu.memory_space<vmem>>, vector<1x16xi32>,
      %swap3A_253 = vector.shape_cast %swap3A_252 : vector<1x16xi32> to vector<16xi32>
      %swap3A_254 = vector.shape_cast %shift_right_arithmetic3A_249 : vector<16xi32> to vector<1x16xi32>
      tpu.vector_store %arg6[%swap3A_250, %swap3A_251], %swap3A_254 {strides = array<i32>} : memref<80x128xi32, #tpu.memory_space<vmem>>, vector<1x16xi32>,
      %and3A_255 = arith.constant 65535 : i32
      %and3A_256 = vector.broadcast %and3A_255 : i32 to vector<16xi32>
      %and3A_257 = arith.andi %get3A_246, %and3A_256 : vector<16xi32>
      %swap3A_258 = arith.index_cast %scan3A_165 : i32 to index
      %swap3A_259 = arith.constant 64 : index
      %swap3A_260 = tpu.vector_load %arg7[%swap3A_258, %swap3A_259] {strides = array<i32>} : memref<80x128xi32, #tpu.memory_space<vmem>>, vector<1x16xi32>,
      %swap3A_261 = vector.shape_cast %swap3A_260 : vector<1x16xi32> to vector<16xi32>
      %swap3A_262 = vector.shape_cast %and3A_257 : vector<16xi32> to vector<1x16xi32>
      tpu.vector_store %arg7[%swap3A_258, %swap3A_259], %swap3A_262 {strides = array<i32>} : memref<80x128xi32, #tpu.memory_space<vmem>>, vector<1x16xi32>,
      %get3A_263 = arith.index_cast %scan3A_165 : i32 to index
      %get3A_264 = arith.constant 80 : index
      %get3A_265 = tpu.vector_load %arg6[%get3A_263, %get3A_264] {strides = array<i32>} : memref<80x128xi32, #tpu.memory_space<vmem>>, vector<1x16xi32>,
      %get3A_266 = vector.shape_cast %get3A_265 : vector<1x16xi32> to vector<16xi32>
      %shift_right_arithmetic3A_267 = arith.constant 16 : i32
      %shift_right_arithmetic3A_268 = vector.broadcast %shift_right_arithmetic3A_267 : i32 to vector<16xi32>
      %shift_right_arithmetic3A_269 = arith.shrsi %get3A_266, %shift_right_arithmetic3A_268 : vector<16xi32>
      %swap3A_270 = arith.index_cast %scan3A_165 : i32 to index
      %swap3A_271 = arith.constant 80 : index
      %swap3A_272 = tpu.vector_load %arg6[%swap3A_270, %swap3A_271] {strides = array<i32>} : memref<80x128xi32, #tpu.memory_space<vmem>>, vector<1x16xi32>,
      %swap3A_273 = vector.shape_cast %swap3A_272 : vector<1x16xi32> to vector<16xi32>
      %swap3A_274 = vector.shape_cast %shift_right_arithmetic3A_269 : vector<16xi32> to vector<1x16xi32>
      tpu.vector_store %arg6[%swap3A_270, %swap3A_271], %swap3A_274 {strides = array<i32>} : memref<80x128xi32, #tpu.memory_space<vmem>>, vector<1x16xi32>,
      %and3A_275 = arith.constant 65535 : i32
      %and3A_276 = vector.broadcast %and3A_275 : i32 to vector<16xi32>
      %and3A_277 = arith.andi %get3A_266, %and3A_276 : vector<16xi32>
      %swap3A_278 = arith.index_cast %scan3A_165 : i32 to index
      %swap3A_279 = arith.constant 80 : index
      %swap3A_280 = tpu.vector_load %arg7[%swap3A_278, %swap3A_279] {strides = array<i32>} : memref<80x128xi32, #tpu.memory_space<vmem>>, vector<1x16xi32>,
      %swap3A_281 = vector.shape_cast %swap3A_280 : vector<1x16xi32> to vector<16xi32>
      %swap3A_282 = vector.shape_cast %and3A_277 : vector<16xi32> to vector<1x16xi32>
      tpu.vector_store %arg7[%swap3A_278, %swap3A_279], %swap3A_282 {strides = array<i32>} : memref<80x128xi32, #tpu.memory_space<vmem>>, vector<1x16xi32>,
      %get3A_283 = arith.index_cast %scan3A_165 : i32 to index
      %get3A_284 = arith.constant 96 : index
      %get3A_285 = tpu.vector_load %arg6[%get3A_283, %get3A_284] {strides = array<i32>} : memref<80x128xi32, #tpu.memory_space<vmem>>, vector<1x16xi32>,
      %get3A_286 = vector.shape_cast %get3A_285 : vector<1x16xi32> to vector<16xi32>
      %shift_right_arithmetic3A_287 = arith.constant 16 : i32
      %shift_right_arithmetic3A_288 = vector.broadcast %shift_right_arithmetic3A_287 : i32 to vector<16xi32>
      %shift_right_arithmetic3A_289 = arith.shrsi %get3A_286, %shift_right_arithmetic3A_288 : vector<16xi32>
      %swap3A_290 = arith.index_cast %scan3A_165 : i32 to index
      %swap3A_291 = arith.constant 96 : index
      %swap3A_292 = tpu.vector_load %arg6[%swap3A_290, %swap3A_291] {strides = array<i32>} : memref<80x128xi32, #tpu.memory_space<vmem>>, vector<1x16xi32>,
      %swap3A_293 = vector.shape_cast %swap3A_292 : vector<1x16xi32> to vector<16xi32>
      %swap3A_294 = vector.shape_cast %shift_right_arithmetic3A_289 : vector<16xi32> to vector<1x16xi32>
      tpu.vector_store %arg6[%swap3A_290, %swap3A_291], %swap3A_294 {strides = array<i32>} : memref<80x128xi32, #tpu.memory_space<vmem>>, vector<1x16xi32>,
      %and3A_295 = arith.constant 65535 : i32
      %and3A_296 = vector.broadcast %and3A_295 : i32 to vector<16xi32>
      %and3A_297 = arith.andi %get3A_286, %and3A_296 : vector<16xi32>
      %swap3A_298 = arith.index_cast %scan3A_165 : i32 to index
      %swap3A_299 = arith.constant 96 : index
      %swap3A_300 = tpu.vector_load %arg7[%swap3A_298, %swap3A_299] {strides = array<i32>} : memref<80x128xi32, #tpu.memory_space<vmem>>, vector<1x16xi32>,
      %swap3A_301 = vector.shape_cast %swap3A_300 : vector<1x16xi32> to vector<16xi32>
      %swap3A_302 = vector.shape_cast %and3A_297 : vector<16xi32> to vector<1x16xi32>
      tpu.vector_store %arg7[%swap3A_298, %swap3A_299], %swap3A_302 {strides = array<i32>} : memref<80x128xi32, #tpu.memory_space<vmem>>, vector<1x16xi32>,
      %get3A_303 = arith.index_cast %scan3A_165 : i32 to index
      %get3A_304 = arith.constant 112 : index
      %get3A_305 = tpu.vector_load %arg6[%get3A_303, %get3A_304] {strides = array<i32>} : memref<80x128xi32, #tpu.memory_space<vmem>>, vector<1x16xi32>,
      %get3A_306 = vector.shape_cast %get3A_305 : vector<1x16xi32> to vector<16xi32>
      %shift_right_arithmetic3A_307 = arith.constant 16 : i32
      %shift_right_arithmetic3A_308 = vector.broadcast %shift_right_arithmetic3A_307 : i32 to vector<16xi32>
      %shift_right_arithmetic3A_309 = arith.shrsi %get3A_306, %shift_right_arithmetic3A_308 : vector<16xi32>
      %swap3A_310 = arith.index_cast %scan3A_165 : i32 to index
      %swap3A_311 = arith.constant 112 : index
      %swap3A_312 = tpu.vector_load %arg6[%swap3A_310, %swap3A_311] {strides = array<i32>} : memref<80x128xi32, #tpu.memory_space<vmem>>, vector<1x16xi32>,
      %swap3A_313 = vector.shape_cast %swap3A_312 : vector<1x16xi32> to vector<16xi32>
      %swap3A_314 = vector.shape_cast %shift_right_arithmetic3A_309 : vector<16xi32> to vector<1x16xi32>
      tpu.vector_store %arg6[%swap3A_310, %swap3A_311], %swap3A_314 {strides = array<i32>} : memref<80x128xi32, #tpu.memory_space<vmem>>, vector<1x16xi32>,
      %and3A_315 = arith.constant 65535 : i32
      %and3A_316 = vector.broadcast %and3A_315 : i32 to vector<16xi32>
      %and3A_317 = arith.andi %get3A_306, %and3A_316 : vector<16xi32>
      %swap3A_318 = arith.index_cast %scan3A_165 : i32 to index
      %swap3A_319 = arith.constant 112 : index
      %swap3A_320 = tpu.vector_load %arg7[%swap3A_318, %swap3A_319] {strides = array<i32>} : memref<80x128xi32, #tpu.memory_space<vmem>>, vector<1x16xi32>,
      %swap3A_321 = vector.shape_cast %swap3A_320 : vector<1x16xi32> to vector<16xi32>
      %swap3A_322 = vector.shape_cast %and3A_317 : vector<16xi32> to vector<1x16xi32>
      tpu.vector_store %arg7[%swap3A_318, %swap3A_319], %swap3A_322 {strides = array<i32>} : memref<80x128xi32, #tpu.memory_space<vmem>>, vector<1x16xi32>,
      %scan3A_323 = arith.constant 0 : i32
      scf.yield %scan3A_323 : i32
    }
    %scan3A_57 = arith.constant 80 : i32
    %dma_wait3A_58 = arith.constant 1 : i32
    %dma_wait3A_59 = tpu.memref_slice %arg13[%dma_wait3A_58] : memref<5x!tpu.dma_semaphore, #tpu.memory_space<semaphore_mem>> -> memref<1x!tpu.dma_semaphore, #tpu.memory_space<semaphore_mem>>
    %dma_wait3A_60 = tpu.memref_squeeze %dma_wait3A_59 : memref<1x!tpu.dma_semaphore, #tpu.memory_space<semaphore_mem>> -> memref<!tpu.dma_semaphore, #tpu.memory_space<semaphore_mem>>
    %dma_wait3A_61 = arith.constant 0 : i32
    %dma_wait3A_62 = tpu.memref_slice %arg9[%mul3A_2, %dma_wait3A_61] : memref<10112x32xf32, #tpu.memory_space<vmem_shared>> -> memref<632x32xf32, #tpu.memory_space<vmem_shared>>
    tpu.wait_dma2 semaphore(%dma_wait3A_60 : memref<!tpu.dma_semaphore, #tpu.memory_space<semaphore_mem>>) src(%arg4 : memref<632x32xf32, #tpu.memory_space<hbm>>) dst(%dma_wait3A_62 : memref<632x32xf32, #tpu.memory_space<vmem_shared>>)
    %dma_wait3A_63 = arith.constant 2 : i32
    %dma_wait3A_64 = arith.constant 0 : i32
    %dma_wait3A_65 = tpu.memref_slice %arg10[%mul3A_2, %dma_wait3A_64] : memref<10112x32xf32, #tpu.memory_space<vmem_shared>> -> memref<632x32xf32, #tpu.memory_space<vmem_shared>>
    %dma_wait3A_66 = tpu.memref_slice %arg13[%dma_wait3A_63] : memref<5x!tpu.dma_semaphore, #tpu.memory_space<semaphore_mem>> -> memref<1x!tpu.dma_semaphore, #tpu.memory_space<semaphore_mem>>
    %dma_wait3A_67 = tpu.memref_squeeze %dma_wait3A_66 : memref<1x!tpu.dma_semaphore, #tpu.memory_space<semaphore_mem>> -> memref<!tpu.dma_semaphore, #tpu.memory_space<semaphore_mem>>
    %dma_wait3A_68 = arith.constant 0 : i32
    %dma_wait3A_69 = tpu.memref_slice %arg10[%mul3A_2, %dma_wait3A_68] : memref<10112x32xf32, #tpu.memory_space<vmem_shared>> -> memref<632x32xf32, #tpu.memory_space<vmem_shared>>
    tpu.wait_dma2 semaphore(%dma_wait3A_67 : memref<!tpu.dma_semaphore, #tpu.memory_space<semaphore_mem>>) src(%arg11 : memref<632x32xf32, #tpu.memory_space<vmem>>) dst(%dma_wait3A_69 : memref<632x32xf32, #tpu.memory_space<vmem_shared>>)
    %barrier3A = arith.constant 0 : index
    tpu.barrier barrier_id(%barrier3A)
    %dma_start3A_70 = arith.constant 0 : i32
    %dma_start3A_71 = arith.constant 0 : i32
    %dma_start3A_72 = arith.constant 0 : i32
    %dma_start3A_73 = arith.constant 0 : i32
    %dma_start3A_74 = arith.constant 0 : i32
    %dma_start3A_75 = tpu.memref_slice %arg8[%dma_start3A_71, %dma_start3A_73, %dma_start3A_74] : memref<5x128x32xf32, #tpu.memory_space<vmem>> -> memref<1x128x32xf32, #tpu.memory_space<vmem>>
    %dma_start3A_76 = tpu.memref_squeeze %dma_start3A_75 : memref<1x128x32xf32, #tpu.memory_space<vmem>> -> memref<128x32xf32, #tpu.memory_space<vmem>>
    %dma_start3A_77 = arith.constant 0 : i32
    %dma_start3A_78 = tpu.memref_slice %arg6[%dma_start3A_70, %dma_start3A_77] : memref<80x128xi32, #tpu.memory_space<vmem>> -> memref<1x128xi32, #tpu.memory_space<vmem>>
    %dma_start3A_79 = tpu.memref_squeeze %dma_start3A_78 : memref<1x128xi32, #tpu.memory_space<vmem>> -> memref<128xi32, #tpu.memory_space<vmem>>
    %dma_start3A_80 = arith.constant 0 : i32
    %dma_start3A_81 = arith.constant 0 : i32
    %dma_start3A_82 = tpu.memref_slice %arg10[%dma_start3A_80, %dma_start3A_81] : memref<10112x32xf32, #tpu.memory_space<vmem_shared>> -> memref<10112x32xf32, #tpu.memory_space<vmem_shared>>
    %dma_start3A_83 = tpu.memref_slice %arg13[%dma_start3A_72] : memref<5x!tpu.dma_semaphore, #tpu.memory_space<semaphore_mem>> -> memref<1x!tpu.dma_semaphore, #tpu.memory_space<semaphore_mem>>
    %dma_start3A_84 = tpu.memref_squeeze %dma_start3A_83 : memref<1x!tpu.dma_semaphore, #tpu.memory_space<semaphore_mem>> -> memref<!tpu.dma_semaphore, #tpu.memory_space<semaphore_mem>>
    tpu.enqueue_indirect_dma source(%dma_start3A_82 : memref<10112x32xf32, #tpu.memory_space<vmem_shared>>) target(%dma_start3A_76 : memref<128x32xf32, #tpu.memory_space<vmem>>) offsets(%dma_start3A_79 : memref<128xi32, #tpu.memory_space<vmem>>) semaphore(%dma_start3A_84 : memref<!tpu.dma_semaphore, #tpu.memory_space<semaphore_mem>>)
    %dma_start3A_85 = arith.constant 1 : i32
    %dma_start3A_86 = arith.constant 1 : i32
    %dma_start3A_87 = arith.constant 1 : i32
    %dma_start3A_88 = arith.constant 0 : i32
    %dma_start3A_89 = arith.constant 0 : i32
    %dma_start3A_90 = tpu.memref_slice %arg8[%dma_start3A_86, %dma_start3A_88, %dma_start3A_89] : memref<5x128x32xf32, #tpu.memory_space<vmem>> -> memref<1x128x32xf32, #tpu.memory_space<vmem>>
    %dma_start3A_91 = tpu.memref_squeeze %dma_start3A_90 : memref<1x128x32xf32, #tpu.memory_space<vmem>> -> memref<128x32xf32, #tpu.memory_space<vmem>>
    %dma_start3A_92 = arith.constant 0 : i32
    %dma_start3A_93 = tpu.memref_slice %arg6[%dma_start3A_85, %dma_start3A_92] : memref<80x128xi32, #tpu.memory_space<vmem>> -> memref<1x128xi32, #tpu.memory_space<vmem>>
    %dma_start3A_94 = tpu.memref_squeeze %dma_start3A_93 : memref<1x128xi32, #tpu.memory_space<vmem>> -> memref<128xi32, #tpu.memory_space<vmem>>
    %dma_start3A_95 = arith.constant 0 : i32
    %dma_start3A_96 = arith.constant 0 : i32
    %dma_start3A_97 = tpu.memref_slice %arg10[%dma_start3A_95, %dma_start3A_96] : memref<10112x32xf32, #tpu.memory_space<vmem_shared>> -> memref<10112x32xf32, #tpu.memory_space<vmem_shared>>
    %dma_start3A_98 = tpu.memref_slice %arg13[%dma_start3A_87] : memref<5x!tpu.dma_semaphore, #tpu.memory_space<semaphore_mem>> -> memref<1x!tpu.dma_semaphore, #tpu.memory_space<semaphore_mem>>
    %dma_start3A_99 = tpu.memref_squeeze %dma_start3A_98 : memref<1x!tpu.dma_semaphore, #tpu.memory_space<semaphore_mem>> -> memref<!tpu.dma_semaphore, #tpu.memory_space<semaphore_mem>>
    tpu.enqueue_indirect_dma source(%dma_start3A_97 : memref<10112x32xf32, #tpu.memory_space<vmem_shared>>) target(%dma_start3A_91 : memref<128x32xf32, #tpu.memory_space<vmem>>) offsets(%dma_start3A_94 : memref<128xi32, #tpu.memory_space<vmem>>) semaphore(%dma_start3A_99 : memref<!tpu.dma_semaphore, #tpu.memory_space<semaphore_mem>>)
    %dma_start3A_100 = arith.constant 2 : i32
    %dma_start3A_101 = arith.constant 2 : i32
    %dma_start3A_102 = arith.constant 2 : i32
    %dma_start3A_103 = arith.constant 0 : i32
    %dma_start3A_104 = arith.constant 0 : i32
    %dma_start3A_105 = tpu.memref_slice %arg8[%dma_start3A_101, %dma_start3A_103, %dma_start3A_104] : memref<5x128x32xf32, #tpu.memory_space<vmem>> -> memref<1x128x32xf32, #tpu.memory_space<vmem>>
    %dma_start3A_106 = tpu.memref_squeeze %dma_start3A_105 : memref<1x128x32xf32, #tpu.memory_space<vmem>> -> memref<128x32xf32, #tpu.memory_space<vmem>>
    %dma_start3A_107 = arith.constant 0 : i32
    %dma_start3A_108 = tpu.memref_slice %arg6[%dma_start3A_100, %dma_start3A_107] : memref<80x128xi32, #tpu.memory_space<vmem>> -> memref<1x128xi32, #tpu.memory_space<vmem>>
    %dma_start3A_109 = tpu.memref_squeeze %dma_start3A_108 : memref<1x128xi32, #tpu.memory_space<vmem>> -> memref<128xi32, #tpu.memory_space<vmem>>
    %dma_start3A_110 = arith.constant 0 : i32
    %dma_start3A_111 = arith.constant 0 : i32
    %dma_start3A_112 = tpu.memref_slice %arg10[%dma_start3A_110, %dma_start3A_111] : memref<10112x32xf32, #tpu.memory_space<vmem_shared>> -> memref<10112x32xf32, #tpu.memory_space<vmem_shared>>
    %dma_start3A_113 = tpu.memref_slice %arg13[%dma_start3A_102] : memref<5x!tpu.dma_semaphore, #tpu.memory_space<semaphore_mem>> -> memref<1x!tpu.dma_semaphore, #tpu.memory_space<semaphore_mem>>
    %dma_start3A_114 = tpu.memref_squeeze %dma_start3A_113 : memref<1x!tpu.dma_semaphore, #tpu.memory_space<semaphore_mem>> -> memref<!tpu.dma_semaphore, #tpu.memory_space<semaphore_mem>>
    tpu.enqueue_indirect_dma source(%dma_start3A_112 : memref<10112x32xf32, #tpu.memory_space<vmem_shared>>) target(%dma_start3A_106 : memref<128x32xf32, #tpu.memory_space<vmem>>) offsets(%dma_start3A_109 : memref<128xi32, #tpu.memory_space<vmem>>) semaphore(%dma_start3A_114 : memref<!tpu.dma_semaphore, #tpu.memory_space<semaphore_mem>>)
    %scan3A_115 = arith.constant 0 : i32
    %scan3A_116 = arith.constant 0 : i32
    %scan3A_117 = arith.constant 16 : i32
    %scan3A_118 = arith.addi %scan3A_116, %scan3A_117 : i32
    %scan3A_119 = arith.constant 1 : i32
    %scan3A_120 = scf.for %scan3A_165 = %scan3A_116 to %scan3A_118 step %scan3A_119 iter_args(%scan3A_166 = %scan3A_115) -> (i32)  : i32 {
      %mul3A_167 = arith.constant 5 : i32
      %mul3A_168 = arith.muli %scan3A_165, %mul3A_167 : i32
      %add3A_169 = arith.constant 0 : i32
      %add3A_170 = arith.addi %mul3A_168, %add3A_169 : i32
      %ge3A = arith.constant 2 : i32
      %ge3A_171 = arith.cmpi sge, %add3A_170, %ge3A : i32
      %convert_element_type3A = arith.extui %ge3A_171 : i1 to i32
      %cond3A = arith.constant 0 : i32
      %cond3A_172 = arith.cmpi ne, %convert_element_type3A, %cond3A : i32
      scf.if %cond3A_172 {
        %sub3A = arith.constant 2 : i32
        %sub3A_376 = arith.subi %add3A_170, %sub3A : i32
        %dma_wait3A_377 = arith.constant 3 : i32
        %dma_wait3A_378 = arith.constant 3 : i32
        %dma_wait3A_379 = arith.constant 0 : i32
        %dma_wait3A_380 = arith.constant 0 : i32
        %dma_wait3A_381 = tpu.memref_slice %arg8[%dma_wait3A_377, %dma_wait3A_379, %dma_wait3A_380] : memref<5x128x32xf32, #tpu.memory_space<vmem>> -> memref<1x128x32xf32, #tpu.memory_space<vmem>>
        %dma_wait3A_382 = tpu.memref_squeeze %dma_wait3A_381 : memref<1x128x32xf32, #tpu.memory_space<vmem>> -> memref<128x32xf32, #tpu.memory_space<vmem>>
        %dma_wait3A_383 = arith.constant 0 : i32
        %dma_wait3A_384 = tpu.memref_slice %arg7[%sub3A_376, %dma_wait3A_383] : memref<80x128xi32, #tpu.memory_space<vmem>> -> memref<1x128xi32, #tpu.memory_space<vmem>>
        %dma_wait3A_385 = tpu.memref_squeeze %dma_wait3A_384 : memref<1x128xi32, #tpu.memory_space<vmem>> -> memref<128xi32, #tpu.memory_space<vmem>>
        %dma_wait3A_386 = arith.constant 0 : i32
        %dma_wait3A_387 = arith.constant 0 : i32
        %dma_wait3A_388 = tpu.memref_slice %arg9[%dma_wait3A_386, %dma_wait3A_387] : memref<10112x32xf32, #tpu.memory_space<vmem_shared>> -> memref<10112x32xf32, #tpu.memory_space<vmem_shared>>
        %dma_wait3A_389 = tpu.memref_slice %arg14[%dma_wait3A_378] : memref<5x!tpu.dma_semaphore, #tpu.memory_space<semaphore_mem>> -> memref<1x!tpu.dma_semaphore, #tpu.memory_space<semaphore_mem>>
        %dma_wait3A_390 = tpu.memref_squeeze %dma_wait3A_389 : memref<1x!tpu.dma_semaphore, #tpu.memory_space<semaphore_mem>> -> memref<!tpu.dma_semaphore, #tpu.memory_space<semaphore_mem>>
        tpu.wait_indirect_dma semaphore(%dma_wait3A_390 : memref<!tpu.dma_semaphore, #tpu.memory_space<semaphore_mem>>) src(%dma_wait3A_382 : memref<128x32xf32, #tpu.memory_space<vmem>>) dst(%dma_wait3A_388 : memref<10112x32xf32, #tpu.memory_space<vmem_shared>>)
      } else {
      }
      %add3A_173 = arith.constant 3 : i32
      %add3A_174 = arith.addi %add3A_170, %add3A_173 : i32
      %lt3A = arith.constant 80 : i32
      %lt3A_175 = arith.cmpi slt, %add3A_174, %lt3A : i32
      %convert_element_type3A_176 = arith.extui %lt3A_175 : i1 to i32
      %cond3A_177 = arith.constant 0 : i32
      %cond3A_178 = arith.cmpi ne, %convert_element_type3A_176, %cond3A_177 : i32
      scf.if %cond3A_178 {
        %add3A_376 = arith.constant 3 : i32
        %add3A_377 = arith.addi %add3A_170, %add3A_376 : i32
        %dma_start3A_378 = arith.constant 3 : i32
        %dma_start3A_379 = arith.constant 3 : i32
        %dma_start3A_380 = arith.constant 0 : i32
        %dma_start3A_381 = arith.constant 0 : i32
        %dma_start3A_382 = tpu.memref_slice %arg8[%dma_start3A_378, %dma_start3A_380, %dma_start3A_381] : memref<5x128x32xf32, #tpu.memory_space<vmem>> -> memref<1x128x32xf32, #tpu.memory_space<vmem>>
        %dma_start3A_383 = tpu.memref_squeeze %dma_start3A_382 : memref<1x128x32xf32, #tpu.memory_space<vmem>> -> memref<128x32xf32, #tpu.memory_space<vmem>>
        %dma_start3A_384 = arith.constant 0 : i32
        %dma_start3A_385 = tpu.memref_slice %arg6[%add3A_377, %dma_start3A_384] : memref<80x128xi32, #tpu.memory_space<vmem>> -> memref<1x128xi32, #tpu.memory_space<vmem>>
        %dma_start3A_386 = tpu.memref_squeeze %dma_start3A_385 : memref<1x128xi32, #tpu.memory_space<vmem>> -> memref<128xi32, #tpu.memory_space<vmem>>
        %dma_start3A_387 = arith.constant 0 : i32
        %dma_start3A_388 = arith.constant 0 : i32
        %dma_start3A_389 = tpu.memref_slice %arg10[%dma_start3A_387, %dma_start3A_388] : memref<10112x32xf32, #tpu.memory_space<vmem_shared>> -> memref<10112x32xf32, #tpu.memory_space<vmem_shared>>
        %dma_start3A_390 = tpu.memref_slice %arg13[%dma_start3A_379] : memref<5x!tpu.dma_semaphore, #tpu.memory_space<semaphore_mem>> -> memref<1x!tpu.dma_semaphore, #tpu.memory_space<semaphore_mem>>
        %dma_start3A_391 = tpu.memref_squeeze %dma_start3A_390 : memref<1x!tpu.dma_semaphore, #tpu.memory_space<semaphore_mem>> -> memref<!tpu.dma_semaphore, #tpu.memory_space<semaphore_mem>>
        tpu.enqueue_indirect_dma source(%dma_start3A_389 : memref<10112x32xf32, #tpu.memory_space<vmem_shared>>) target(%dma_start3A_383 : memref<128x32xf32, #tpu.memory_space<vmem>>) offsets(%dma_start3A_386 : memref<128xi32, #tpu.memory_space<vmem>>) semaphore(%dma_start3A_391 : memref<!tpu.dma_semaphore, #tpu.memory_space<semaphore_mem>>)
      } else {
      }
      %dma_wait3A_179 = arith.constant 0 : i32
      %dma_wait3A_180 = arith.constant 0 : i32
      %dma_wait3A_181 = arith.constant 0 : i32
      %dma_wait3A_182 = arith.constant 0 : i32
      %dma_wait3A_183 = tpu.memref_slice %arg8[%dma_wait3A_179, %dma_wait3A_181, %dma_wait3A_182] : memref<5x128x32xf32, #tpu.memory_space<vmem>> -> memref<1x128x32xf32, #tpu.memory_space<vmem>>
      %dma_wait3A_184 = tpu.memref_squeeze %dma_wait3A_183 : memref<1x128x32xf32, #tpu.memory_space<vmem>> -> memref<128x32xf32, #tpu.memory_space<vmem>>
      %dma_wait3A_185 = arith.constant 0 : i32
      %dma_wait3A_186 = tpu.memref_slice %arg6[%add3A_170, %dma_wait3A_185] : memref<80x128xi32, #tpu.memory_space<vmem>> -> memref<1x128xi32, #tpu.memory_space<vmem>>
      %dma_wait3A_187 = tpu.memref_squeeze %dma_wait3A_186 : memref<1x128xi32, #tpu.memory_space<vmem>> -> memref<128xi32, #tpu.memory_space<vmem>>
      %dma_wait3A_188 = arith.constant 0 : i32
      %dma_wait3A_189 = arith.constant 0 : i32
      %dma_wait3A_190 = tpu.memref_slice %arg10[%dma_wait3A_188, %dma_wait3A_189] : memref<10112x32xf32, #tpu.memory_space<vmem_shared>> -> memref<10112x32xf32, #tpu.memory_space<vmem_shared>>
      %dma_wait3A_191 = tpu.memref_slice %arg13[%dma_wait3A_180] : memref<5x!tpu.dma_semaphore, #tpu.memory_space<semaphore_mem>> -> memref<1x!tpu.dma_semaphore, #tpu.memory_space<semaphore_mem>>
      %dma_wait3A_192 = tpu.memref_squeeze %dma_wait3A_191 : memref<1x!tpu.dma_semaphore, #tpu.memory_space<semaphore_mem>> -> memref<!tpu.dma_semaphore, #tpu.memory_space<semaphore_mem>>
      tpu.wait_indirect_dma semaphore(%dma_wait3A_192 : memref<!tpu.dma_semaphore, #tpu.memory_space<semaphore_mem>>) src(%dma_wait3A_190 : memref<10112x32xf32, #tpu.memory_space<vmem_shared>>) dst(%dma_wait3A_184 : memref<128x32xf32, #tpu.memory_space<vmem>>)
      %dma_start3A_193 = arith.constant 0 : i32
      %dma_start3A_194 = arith.constant 0 : i32
      %dma_start3A_195 = arith.constant 0 : i32
      %dma_start3A_196 = arith.constant 0 : i32
      %dma_start3A_197 = tpu.memref_slice %arg8[%dma_start3A_193, %dma_start3A_195, %dma_start3A_196] : memref<5x128x32xf32, #tpu.memory_space<vmem>> -> memref<1x128x32xf32, #tpu.memory_space<vmem>>
      %dma_start3A_198 = tpu.memref_squeeze %dma_start3A_197 : memref<1x128x32xf32, #tpu.memory_space<vmem>> -> memref<128x32xf32, #tpu.memory_space<vmem>>
      %dma_start3A_199 = arith.constant 0 : i32
      %dma_start3A_200 = tpu.memref_slice %arg7[%add3A_170, %dma_start3A_199] : memref<80x128xi32, #tpu.memory_space<vmem>> -> memref<1x128xi32, #tpu.memory_space<vmem>>
      %dma_start3A_201 = tpu.memref_squeeze %dma_start3A_200 : memref<1x128xi32, #tpu.memory_space<vmem>> -> memref<128xi32, #tpu.memory_space<vmem>>
      %dma_start3A_202 = arith.constant 0 : i32
      %dma_start3A_203 = arith.constant 0 : i32
      %dma_start3A_204 = tpu.memref_slice %arg9[%dma_start3A_202, %dma_start3A_203] : memref<10112x32xf32, #tpu.memory_space<vmem_shared>> -> memref<10112x32xf32, #tpu.memory_space<vmem_shared>>
      %dma_start3A_205 = tpu.memref_slice %arg14[%dma_start3A_194] : memref<5x!tpu.dma_semaphore, #tpu.memory_space<semaphore_mem>> -> memref<1x!tpu.dma_semaphore, #tpu.memory_space<semaphore_mem>>
      %dma_start3A_206 = tpu.memref_squeeze %dma_start3A_205 : memref<1x!tpu.dma_semaphore, #tpu.memory_space<semaphore_mem>> -> memref<!tpu.dma_semaphore, #tpu.memory_space<semaphore_mem>>
      tpu.enqueue_indirect_dma source(%dma_start3A_198 : memref<128x32xf32, #tpu.memory_space<vmem>>) target(%dma_start3A_204 : memref<10112x32xf32, #tpu.memory_space<vmem_shared>>) offsets(%dma_start3A_201 : memref<128xi32, #tpu.memory_space<vmem>>) semaphore(%dma_start3A_206 : memref<!tpu.dma_semaphore, #tpu.memory_space<semaphore_mem>>) {add = true}
      %add3A_207 = arith.constant 1 : i32
      %add3A_208 = arith.addi %mul3A_168, %add3A_207 : i32
      %ge3A_209 = arith.constant 2 : i32
      %ge3A_210 = arith.cmpi sge, %add3A_208, %ge3A_209 : i32
      %convert_element_type3A_211 = arith.extui %ge3A_210 : i1 to i32
      %cond3A_212 = arith.constant 0 : i32
      %cond3A_213 = arith.cmpi ne, %convert_element_type3A_211, %cond3A_212 : i32
      scf.if %cond3A_213 {
        %sub3A = arith.constant 2 : i32
        %sub3A_376 = arith.subi %add3A_208, %sub3A : i32
        %dma_wait3A_377 = arith.constant 4 : i32
        %dma_wait3A_378 = arith.constant 4 : i32
        %dma_wait3A_379 = arith.constant 0 : i32
        %dma_wait3A_380 = arith.constant 0 : i32
        %dma_wait3A_381 = tpu.memref_slice %arg8[%dma_wait3A_377, %dma_wait3A_379, %dma_wait3A_380] : memref<5x128x32xf32, #tpu.memory_space<vmem>> -> memref<1x128x32xf32, #tpu.memory_space<vmem>>
        %dma_wait3A_382 = tpu.memref_squeeze %dma_wait3A_381 : memref<1x128x32xf32, #tpu.memory_space<vmem>> -> memref<128x32xf32, #tpu.memory_space<vmem>>
        %dma_wait3A_383 = arith.constant 0 : i32
        %dma_wait3A_384 = tpu.memref_slice %arg7[%sub3A_376, %dma_wait3A_383] : memref<80x128xi32, #tpu.memory_space<vmem>> -> memref<1x128xi32, #tpu.memory_space<vmem>>
        %dma_wait3A_385 = tpu.memref_squeeze %dma_wait3A_384 : memref<1x128xi32, #tpu.memory_space<vmem>> -> memref<128xi32, #tpu.memory_space<vmem>>
        %dma_wait3A_386 = arith.constant 0 : i32
        %dma_wait3A_387 = arith.constant 0 : i32
        %dma_wait3A_388 = tpu.memref_slice %arg9[%dma_wait3A_386, %dma_wait3A_387] : memref<10112x32xf32, #tpu.memory_space<vmem_shared>> -> memref<10112x32xf32, #tpu.memory_space<vmem_shared>>
        %dma_wait3A_389 = tpu.memref_slice %arg14[%dma_wait3A_378] : memref<5x!tpu.dma_semaphore, #tpu.memory_space<semaphore_mem>> -> memref<1x!tpu.dma_semaphore, #tpu.memory_space<semaphore_mem>>
        %dma_wait3A_390 = tpu.memref_squeeze %dma_wait3A_389 : memref<1x!tpu.dma_semaphore, #tpu.memory_space<semaphore_mem>> -> memref<!tpu.dma_semaphore, #tpu.memory_space<semaphore_mem>>
        tpu.wait_indirect_dma semaphore(%dma_wait3A_390 : memref<!tpu.dma_semaphore, #tpu.memory_space<semaphore_mem>>) src(%dma_wait3A_382 : memref<128x32xf32, #tpu.memory_space<vmem>>) dst(%dma_wait3A_388 : memref<10112x32xf32, #tpu.memory_space<vmem_shared>>)
      } else {
      }
      %add3A_214 = arith.constant 3 : i32
      %add3A_215 = arith.addi %add3A_208, %add3A_214 : i32
      %lt3A_216 = arith.constant 80 : i32
      %lt3A_217 = arith.cmpi slt, %add3A_215, %lt3A_216 : i32
      %convert_element_type3A_218 = arith.extui %lt3A_217 : i1 to i32
      %cond3A_219 = arith.constant 0 : i32
      %cond3A_220 = arith.cmpi ne, %convert_element_type3A_218, %cond3A_219 : i32
      scf.if %cond3A_220 {
        %add3A_376 = arith.constant 3 : i32
        %add3A_377 = arith.addi %add3A_208, %add3A_376 : i32
        %dma_start3A_378 = arith.constant 4 : i32
        %dma_start3A_379 = arith.constant 4 : i32
        %dma_start3A_380 = arith.constant 0 : i32
        %dma_start3A_381 = arith.constant 0 : i32
        %dma_start3A_382 = tpu.memref_slice %arg8[%dma_start3A_378, %dma_start3A_380, %dma_start3A_381] : memref<5x128x32xf32, #tpu.memory_space<vmem>> -> memref<1x128x32xf32, #tpu.memory_space<vmem>>
        %dma_start3A_383 = tpu.memref_squeeze %dma_start3A_382 : memref<1x128x32xf32, #tpu.memory_space<vmem>> -> memref<128x32xf32, #tpu.memory_space<vmem>>
        %dma_start3A_384 = arith.constant 0 : i32
        %dma_start3A_385 = tpu.memref_slice %arg6[%add3A_377, %dma_start3A_384] : memref<80x128xi32, #tpu.memory_space<vmem>> -> memref<1x128xi32, #tpu.memory_space<vmem>>
        %dma_start3A_386 = tpu.memref_squeeze %dma_start3A_385 : memref<1x128xi32, #tpu.memory_space<vmem>> -> memref<128xi32, #tpu.memory_space<vmem>>
        %dma_start3A_387 = arith.constant 0 : i32
        %dma_start3A_388 = arith.constant 0 : i32
        %dma_start3A_389 = tpu.memref_slice %arg10[%dma_start3A_387, %dma_start3A_388] : memref<10112x32xf32, #tpu.memory_space<vmem_shared>> -> memref<10112x32xf32, #tpu.memory_space<vmem_shared>>
        %dma_start3A_390 = tpu.memref_slice %arg13[%dma_start3A_379] : memref<5x!tpu.dma_semaphore, #tpu.memory_space<semaphore_mem>> -> memref<1x!tpu.dma_semaphore, #tpu.memory_space<semaphore_mem>>
        %dma_start3A_391 = tpu.memref_squeeze %dma_start3A_390 : memref<1x!tpu.dma_semaphore, #tpu.memory_space<semaphore_mem>> -> memref<!tpu.dma_semaphore, #tpu.memory_space<semaphore_mem>>
        tpu.enqueue_indirect_dma source(%dma_start3A_389 : memref<10112x32xf32, #tpu.memory_space<vmem_shared>>) target(%dma_start3A_383 : memref<128x32xf32, #tpu.memory_space<vmem>>) offsets(%dma_start3A_386 : memref<128xi32, #tpu.memory_space<vmem>>) semaphore(%dma_start3A_391 : memref<!tpu.dma_semaphore, #tpu.memory_space<semaphore_mem>>)
      } else {
      }
      %dma_wait3A_221 = arith.constant 1 : i32
      %dma_wait3A_222 = arith.constant 1 : i32
      %dma_wait3A_223 = arith.constant 0 : i32
      %dma_wait3A_224 = arith.constant 0 : i32
      %dma_wait3A_225 = tpu.memref_slice %arg8[%dma_wait3A_221, %dma_wait3A_223, %dma_wait3A_224] : memref<5x128x32xf32, #tpu.memory_space<vmem>> -> memref<1x128x32xf32, #tpu.memory_space<vmem>>
      %dma_wait3A_226 = tpu.memref_squeeze %dma_wait3A_225 : memref<1x128x32xf32, #tpu.memory_space<vmem>> -> memref<128x32xf32, #tpu.memory_space<vmem>>
      %dma_wait3A_227 = arith.constant 0 : i32
      %dma_wait3A_228 = tpu.memref_slice %arg6[%add3A_208, %dma_wait3A_227] : memref<80x128xi32, #tpu.memory_space<vmem>> -> memref<1x128xi32, #tpu.memory_space<vmem>>
      %dma_wait3A_229 = tpu.memref_squeeze %dma_wait3A_228 : memref<1x128xi32, #tpu.memory_space<vmem>> -> memref<128xi32, #tpu.memory_space<vmem>>
      %dma_wait3A_230 = arith.constant 0 : i32
      %dma_wait3A_231 = arith.constant 0 : i32
      %dma_wait3A_232 = tpu.memref_slice %arg10[%dma_wait3A_230, %dma_wait3A_231] : memref<10112x32xf32, #tpu.memory_space<vmem_shared>> -> memref<10112x32xf32, #tpu.memory_space<vmem_shared>>
      %dma_wait3A_233 = tpu.memref_slice %arg13[%dma_wait3A_222] : memref<5x!tpu.dma_semaphore, #tpu.memory_space<semaphore_mem>> -> memref<1x!tpu.dma_semaphore, #tpu.memory_space<semaphore_mem>>
      %dma_wait3A_234 = tpu.memref_squeeze %dma_wait3A_233 : memref<1x!tpu.dma_semaphore, #tpu.memory_space<semaphore_mem>> -> memref<!tpu.dma_semaphore, #tpu.memory_space<semaphore_mem>>
      tpu.wait_indirect_dma semaphore(%dma_wait3A_234 : memref<!tpu.dma_semaphore, #tpu.memory_space<semaphore_mem>>) src(%dma_wait3A_232 : memref<10112x32xf32, #tpu.memory_space<vmem_shared>>) dst(%dma_wait3A_226 : memref<128x32xf32, #tpu.memory_space<vmem>>)
      %dma_start3A_235 = arith.constant 1 : i32
      %dma_start3A_236 = arith.constant 1 : i32
      %dma_start3A_237 = arith.constant 0 : i32
      %dma_start3A_238 = arith.constant 0 : i32
      %dma_start3A_239 = tpu.memref_slice %arg8[%dma_start3A_235, %dma_start3A_237, %dma_start3A_238] : memref<5x128x32xf32, #tpu.memory_space<vmem>> -> memref<1x128x32xf32, #tpu.memory_space<vmem>>
      %dma_start3A_240 = tpu.memref_squeeze %dma_start3A_239 : memref<1x128x32xf32, #tpu.memory_space<vmem>> -> memref<128x32xf32, #tpu.memory_space<vmem>>
      %dma_start3A_241 = arith.constant 0 : i32
      %dma_start3A_242 = tpu.memref_slice %arg7[%add3A_208, %dma_start3A_241] : memref<80x128xi32, #tpu.memory_space<vmem>> -> memref<1x128xi32, #tpu.memory_space<vmem>>
      %dma_start3A_243 = tpu.memref_squeeze %dma_start3A_242 : memref<1x128xi32, #tpu.memory_space<vmem>> -> memref<128xi32, #tpu.memory_space<vmem>>
      %dma_start3A_244 = arith.constant 0 : i32
      %dma_start3A_245 = arith.constant 0 : i32
      %dma_start3A_246 = tpu.memref_slice %arg9[%dma_start3A_244, %dma_start3A_245] : memref<10112x32xf32, #tpu.memory_space<vmem_shared>> -> memref<10112x32xf32, #tpu.memory_space<vmem_shared>>
      %dma_start3A_247 = tpu.memref_slice %arg14[%dma_start3A_236] : memref<5x!tpu.dma_semaphore, #tpu.memory_space<semaphore_mem>> -> memref<1x!tpu.dma_semaphore, #tpu.memory_space<semaphore_mem>>
      %dma_start3A_248 = tpu.memref_squeeze %dma_start3A_247 : memref<1x!tpu.dma_semaphore, #tpu.memory_space<semaphore_mem>> -> memref<!tpu.dma_semaphore, #tpu.memory_space<semaphore_mem>>
      tpu.enqueue_indirect_dma source(%dma_start3A_240 : memref<128x32xf32, #tpu.memory_space<vmem>>) target(%dma_start3A_246 : memref<10112x32xf32, #tpu.memory_space<vmem_shared>>) offsets(%dma_start3A_243 : memref<128xi32, #tpu.memory_space<vmem>>) semaphore(%dma_start3A_248 : memref<!tpu.dma_semaphore, #tpu.memory_space<semaphore_mem>>) {add = true}
      %add3A_249 = arith.constant 2 : i32
      %add3A_250 = arith.addi %mul3A_168, %add3A_249 : i32
      %ge3A_251 = arith.constant 2 : i32
      %ge3A_252 = arith.cmpi sge, %add3A_250, %ge3A_251 : i32
      %convert_element_type3A_253 = arith.extui %ge3A_252 : i1 to i32
      %cond3A_254 = arith.constant 0 : i32
      %cond3A_255 = arith.cmpi ne, %convert_element_type3A_253, %cond3A_254 : i32
      scf.if %cond3A_255 {
        %sub3A = arith.constant 2 : i32
        %sub3A_376 = arith.subi %add3A_250, %sub3A : i32
        %dma_wait3A_377 = arith.constant 0 : i32
        %dma_wait3A_378 = arith.constant 0 : i32
        %dma_wait3A_379 = arith.constant 0 : i32
        %dma_wait3A_380 = arith.constant 0 : i32
        %dma_wait3A_381 = tpu.memref_slice %arg8[%dma_wait3A_377, %dma_wait3A_379, %dma_wait3A_380] : memref<5x128x32xf32, #tpu.memory_space<vmem>> -> memref<1x128x32xf32, #tpu.memory_space<vmem>>
        %dma_wait3A_382 = tpu.memref_squeeze %dma_wait3A_381 : memref<1x128x32xf32, #tpu.memory_space<vmem>> -> memref<128x32xf32, #tpu.memory_space<vmem>>
        %dma_wait3A_383 = arith.constant 0 : i32
        %dma_wait3A_384 = tpu.memref_slice %arg7[%sub3A_376, %dma_wait3A_383] : memref<80x128xi32, #tpu.memory_space<vmem>> -> memref<1x128xi32, #tpu.memory_space<vmem>>
        %dma_wait3A_385 = tpu.memref_squeeze %dma_wait3A_384 : memref<1x128xi32, #tpu.memory_space<vmem>> -> memref<128xi32, #tpu.memory_space<vmem>>
        %dma_wait3A_386 = arith.constant 0 : i32
        %dma_wait3A_387 = arith.constant 0 : i32
        %dma_wait3A_388 = tpu.memref_slice %arg9[%dma_wait3A_386, %dma_wait3A_387] : memref<10112x32xf32, #tpu.memory_space<vmem_shared>> -> memref<10112x32xf32, #tpu.memory_space<vmem_shared>>
        %dma_wait3A_389 = tpu.memref_slice %arg14[%dma_wait3A_378] : memref<5x!tpu.dma_semaphore, #tpu.memory_space<semaphore_mem>> -> memref<1x!tpu.dma_semaphore, #tpu.memory_space<semaphore_mem>>
        %dma_wait3A_390 = tpu.memref_squeeze %dma_wait3A_389 : memref<1x!tpu.dma_semaphore, #tpu.memory_space<semaphore_mem>> -> memref<!tpu.dma_semaphore, #tpu.memory_space<semaphore_mem>>
        tpu.wait_indirect_dma semaphore(%dma_wait3A_390 : memref<!tpu.dma_semaphore, #tpu.memory_space<semaphore_mem>>) src(%dma_wait3A_382 : memref<128x32xf32, #tpu.memory_space<vmem>>) dst(%dma_wait3A_388 : memref<10112x32xf32, #tpu.memory_space<vmem_shared>>)
      } else {
      }
      %add3A_256 = arith.constant 3 : i32
      %add3A_257 = arith.addi %add3A_250, %add3A_256 : i32
      %lt3A_258 = arith.constant 80 : i32
      %lt3A_259 = arith.cmpi slt, %add3A_257, %lt3A_258 : i32
      %convert_element_type3A_260 = arith.extui %lt3A_259 : i1 to i32
      %cond3A_261 = arith.constant 0 : i32
      %cond3A_262 = arith.cmpi ne, %convert_element_type3A_260, %cond3A_261 : i32
      scf.if %cond3A_262 {
        %add3A_376 = arith.constant 3 : i32
        %add3A_377 = arith.addi %add3A_250, %add3A_376 : i32
        %dma_start3A_378 = arith.constant 0 : i32
        %dma_start3A_379 = arith.constant 0 : i32
        %dma_start3A_380 = arith.constant 0 : i32
        %dma_start3A_381 = arith.constant 0 : i32
        %dma_start3A_382 = tpu.memref_slice %arg8[%dma_start3A_378, %dma_start3A_380, %dma_start3A_381] : memref<5x128x32xf32, #tpu.memory_space<vmem>> -> memref<1x128x32xf32, #tpu.memory_space<vmem>>
        %dma_start3A_383 = tpu.memref_squeeze %dma_start3A_382 : memref<1x128x32xf32, #tpu.memory_space<vmem>> -> memref<128x32xf32, #tpu.memory_space<vmem>>
        %dma_start3A_384 = arith.constant 0 : i32
        %dma_start3A_385 = tpu.memref_slice %arg6[%add3A_377, %dma_start3A_384] : memref<80x128xi32, #tpu.memory_space<vmem>> -> memref<1x128xi32, #tpu.memory_space<vmem>>
        %dma_start3A_386 = tpu.memref_squeeze %dma_start3A_385 : memref<1x128xi32, #tpu.memory_space<vmem>> -> memref<128xi32, #tpu.memory_space<vmem>>
        %dma_start3A_387 = arith.constant 0 : i32
        %dma_start3A_388 = arith.constant 0 : i32
        %dma_start3A_389 = tpu.memref_slice %arg10[%dma_start3A_387, %dma_start3A_388] : memref<10112x32xf32, #tpu.memory_space<vmem_shared>> -> memref<10112x32xf32, #tpu.memory_space<vmem_shared>>
        %dma_start3A_390 = tpu.memref_slice %arg13[%dma_start3A_379] : memref<5x!tpu.dma_semaphore, #tpu.memory_space<semaphore_mem>> -> memref<1x!tpu.dma_semaphore, #tpu.memory_space<semaphore_mem>>
        %dma_start3A_391 = tpu.memref_squeeze %dma_start3A_390 : memref<1x!tpu.dma_semaphore, #tpu.memory_space<semaphore_mem>> -> memref<!tpu.dma_semaphore, #tpu.memory_space<semaphore_mem>>
        tpu.enqueue_indirect_dma source(%dma_start3A_389 : memref<10112x32xf32, #tpu.memory_space<vmem_shared>>) target(%dma_start3A_383 : memref<128x32xf32, #tpu.memory_space<vmem>>) offsets(%dma_start3A_386 : memref<128xi32, #tpu.memory_space<vmem>>) semaphore(%dma_start3A_391 : memref<!tpu.dma_semaphore, #tpu.memory_space<semaphore_mem>>)
      } else {
      }
      %dma_wait3A_263 = arith.constant 2 : i32
      %dma_wait3A_264 = arith.constant 2 : i32
      %dma_wait3A_265 = arith.constant 0 : i32
      %dma_wait3A_266 = arith.constant 0 : i32
      %dma_wait3A_267 = tpu.memref_slice %arg8[%dma_wait3A_263, %dma_wait3A_265, %dma_wait3A_266] : memref<5x128x32xf32, #tpu.memory_space<vmem>> -> memref<1x128x32xf32, #tpu.memory_space<vmem>>
      %dma_wait3A_268 = tpu.memref_squeeze %dma_wait3A_267 : memref<1x128x32xf32, #tpu.memory_space<vmem>> -> memref<128x32xf32, #tpu.memory_space<vmem>>
      %dma_wait3A_269 = arith.constant 0 : i32
      %dma_wait3A_270 = tpu.memref_slice %arg6[%add3A_250, %dma_wait3A_269] : memref<80x128xi32, #tpu.memory_space<vmem>> -> memref<1x128xi32, #tpu.memory_space<vmem>>
      %dma_wait3A_271 = tpu.memref_squeeze %dma_wait3A_270 : memref<1x128xi32, #tpu.memory_space<vmem>> -> memref<128xi32, #tpu.memory_space<vmem>>
      %dma_wait3A_272 = arith.constant 0 : i32
      %dma_wait3A_273 = arith.constant 0 : i32
      %dma_wait3A_274 = tpu.memref_slice %arg10[%dma_wait3A_272, %dma_wait3A_273] : memref<10112x32xf32, #tpu.memory_space<vmem_shared>> -> memref<10112x32xf32, #tpu.memory_space<vmem_shared>>
      %dma_wait3A_275 = tpu.memref_slice %arg13[%dma_wait3A_264] : memref<5x!tpu.dma_semaphore, #tpu.memory_space<semaphore_mem>> -> memref<1x!tpu.dma_semaphore, #tpu.memory_space<semaphore_mem>>
      %dma_wait3A_276 = tpu.memref_squeeze %dma_wait3A_275 : memref<1x!tpu.dma_semaphore, #tpu.memory_space<semaphore_mem>> -> memref<!tpu.dma_semaphore, #tpu.memory_space<semaphore_mem>>
      tpu.wait_indirect_dma semaphore(%dma_wait3A_276 : memref<!tpu.dma_semaphore, #tpu.memory_space<semaphore_mem>>) src(%dma_wait3A_274 : memref<10112x32xf32, #tpu.memory_space<vmem_shared>>) dst(%dma_wait3A_268 : memref<128x32xf32, #tpu.memory_space<vmem>>)
      %dma_start3A_277 = arith.constant 2 : i32
      %dma_start3A_278 = arith.constant 2 : i32
      %dma_start3A_279 = arith.constant 0 : i32
      %dma_start3A_280 = arith.constant 0 : i32
      %dma_start3A_281 = tpu.memref_slice %arg8[%dma_start3A_277, %dma_start3A_279, %dma_start3A_280] : memref<5x128x32xf32, #tpu.memory_space<vmem>> -> memref<1x128x32xf32, #tpu.memory_space<vmem>>
      %dma_start3A_282 = tpu.memref_squeeze %dma_start3A_281 : memref<1x128x32xf32, #tpu.memory_space<vmem>> -> memref<128x32xf32, #tpu.memory_space<vmem>>
      %dma_start3A_283 = arith.constant 0 : i32
      %dma_start3A_284 = tpu.memref_slice %arg7[%add3A_250, %dma_start3A_283] : memref<80x128xi32, #tpu.memory_space<vmem>> -> memref<1x128xi32, #tpu.memory_space<vmem>>
      %dma_start3A_285 = tpu.memref_squeeze %dma_start3A_284 : memref<1x128xi32, #tpu.memory_space<vmem>> -> memref<128xi32, #tpu.memory_space<vmem>>
      %dma_start3A_286 = arith.constant 0 : i32
      %dma_start3A_287 = arith.constant 0 : i32
      %dma_start3A_288 = tpu.memref_slice %arg9[%dma_start3A_286, %dma_start3A_287] : memref<10112x32xf32, #tpu.memory_space<vmem_shared>> -> memref<10112x32xf32, #tpu.memory_space<vmem_shared>>
      %dma_start3A_289 = tpu.memref_slice %arg14[%dma_start3A_278] : memref<5x!tpu.dma_semaphore, #tpu.memory_space<semaphore_mem>> -> memref<1x!tpu.dma_semaphore, #tpu.memory_space<semaphore_mem>>
      %dma_start3A_290 = tpu.memref_squeeze %dma_start3A_289 : memref<1x!tpu.dma_semaphore, #tpu.memory_space<semaphore_mem>> -> memref<!tpu.dma_semaphore, #tpu.memory_space<semaphore_mem>>
      tpu.enqueue_indirect_dma source(%dma_start3A_282 : memref<128x32xf32, #tpu.memory_space<vmem>>) target(%dma_start3A_288 : memref<10112x32xf32, #tpu.memory_space<vmem_shared>>) offsets(%dma_start3A_285 : memref<128xi32, #tpu.memory_space<vmem>>) semaphore(%dma_start3A_290 : memref<!tpu.dma_semaphore, #tpu.memory_space<semaphore_mem>>) {add = true}
      %add3A_291 = arith.constant 3 : i32
      %add3A_292 = arith.addi %mul3A_168, %add3A_291 : i32
      %ge3A_293 = arith.constant 2 : i32
      %ge3A_294 = arith.cmpi sge, %add3A_292, %ge3A_293 : i32
      %convert_element_type3A_295 = arith.extui %ge3A_294 : i1 to i32
      %cond3A_296 = arith.constant 0 : i32
      %cond3A_297 = arith.cmpi ne, %convert_element_type3A_295, %cond3A_296 : i32
      scf.if %cond3A_297 {
        %sub3A = arith.constant 2 : i32
        %sub3A_376 = arith.subi %add3A_292, %sub3A : i32
        %dma_wait3A_377 = arith.constant 1 : i32
        %dma_wait3A_378 = arith.constant 1 : i32
        %dma_wait3A_379 = arith.constant 0 : i32
        %dma_wait3A_380 = arith.constant 0 : i32
        %dma_wait3A_381 = tpu.memref_slice %arg8[%dma_wait3A_377, %dma_wait3A_379, %dma_wait3A_380] : memref<5x128x32xf32, #tpu.memory_space<vmem>> -> memref<1x128x32xf32, #tpu.memory_space<vmem>>
        %dma_wait3A_382 = tpu.memref_squeeze %dma_wait3A_381 : memref<1x128x32xf32, #tpu.memory_space<vmem>> -> memref<128x32xf32, #tpu.memory_space<vmem>>
        %dma_wait3A_383 = arith.constant 0 : i32
        %dma_wait3A_384 = tpu.memref_slice %arg7[%sub3A_376, %dma_wait3A_383] : memref<80x128xi32, #tpu.memory_space<vmem>> -> memref<1x128xi32, #tpu.memory_space<vmem>>
        %dma_wait3A_385 = tpu.memref_squeeze %dma_wait3A_384 : memref<1x128xi32, #tpu.memory_space<vmem>> -> memref<128xi32, #tpu.memory_space<vmem>>
        %dma_wait3A_386 = arith.constant 0 : i32
        %dma_wait3A_387 = arith.constant 0 : i32
        %dma_wait3A_388 = tpu.memref_slice %arg9[%dma_wait3A_386, %dma_wait3A_387] : memref<10112x32xf32, #tpu.memory_space<vmem_shared>> -> memref<10112x32xf32, #tpu.memory_space<vmem_shared>>
        %dma_wait3A_389 = tpu.memref_slice %arg14[%dma_wait3A_378] : memref<5x!tpu.dma_semaphore, #tpu.memory_space<semaphore_mem>> -> memref<1x!tpu.dma_semaphore, #tpu.memory_space<semaphore_mem>>
        %dma_wait3A_390 = tpu.memref_squeeze %dma_wait3A_389 : memref<1x!tpu.dma_semaphore, #tpu.memory_space<semaphore_mem>> -> memref<!tpu.dma_semaphore, #tpu.memory_space<semaphore_mem>>
        tpu.wait_indirect_dma semaphore(%dma_wait3A_390 : memref<!tpu.dma_semaphore, #tpu.memory_space<semaphore_mem>>) src(%dma_wait3A_382 : memref<128x32xf32, #tpu.memory_space<vmem>>) dst(%dma_wait3A_388 : memref<10112x32xf32, #tpu.memory_space<vmem_shared>>)
      } else {
      }
      %add3A_298 = arith.constant 3 : i32
      %add3A_299 = arith.addi %add3A_292, %add3A_298 : i32
      %lt3A_300 = arith.constant 80 : i32
      %lt3A_301 = arith.cmpi slt, %add3A_299, %lt3A_300 : i32
      %convert_element_type3A_302 = arith.extui %lt3A_301 : i1 to i32
      %cond3A_303 = arith.constant 0 : i32
      %cond3A_304 = arith.cmpi ne, %convert_element_type3A_302, %cond3A_303 : i32
      scf.if %cond3A_304 {
        %add3A_376 = arith.constant 3 : i32
        %add3A_377 = arith.addi %add3A_292, %add3A_376 : i32
        %dma_start3A_378 = arith.constant 1 : i32
        %dma_start3A_379 = arith.constant 1 : i32
        %dma_start3A_380 = arith.constant 0 : i32
        %dma_start3A_381 = arith.constant 0 : i32
        %dma_start3A_382 = tpu.memref_slice %arg8[%dma_start3A_378, %dma_start3A_380, %dma_start3A_381] : memref<5x128x32xf32, #tpu.memory_space<vmem>> -> memref<1x128x32xf32, #tpu.memory_space<vmem>>
        %dma_start3A_383 = tpu.memref_squeeze %dma_start3A_382 : memref<1x128x32xf32, #tpu.memory_space<vmem>> -> memref<128x32xf32, #tpu.memory_space<vmem>>
        %dma_start3A_384 = arith.constant 0 : i32
        %dma_start3A_385 = tpu.memref_slice %arg6[%add3A_377, %dma_start3A_384] : memref<80x128xi32, #tpu.memory_space<vmem>> -> memref<1x128xi32, #tpu.memory_space<vmem>>
        %dma_start3A_386 = tpu.memref_squeeze %dma_start3A_385 : memref<1x128xi32, #tpu.memory_space<vmem>> -> memref<128xi32, #tpu.memory_space<vmem>>
        %dma_start3A_387 = arith.constant 0 : i32
        %dma_start3A_388 = arith.constant 0 : i32
        %dma_start3A_389 = tpu.memref_slice %arg10[%dma_start3A_387, %dma_start3A_388] : memref<10112x32xf32, #tpu.memory_space<vmem_shared>> -> memref<10112x32xf32, #tpu.memory_space<vmem_shared>>
        %dma_start3A_390 = tpu.memref_slice %arg13[%dma_start3A_379] : memref<5x!tpu.dma_semaphore, #tpu.memory_space<semaphore_mem>> -> memref<1x!tpu.dma_semaphore, #tpu.memory_space<semaphore_mem>>
        %dma_start3A_391 = tpu.memref_squeeze %dma_start3A_390 : memref<1x!tpu.dma_semaphore, #tpu.memory_space<semaphore_mem>> -> memref<!tpu.dma_semaphore, #tpu.memory_space<semaphore_mem>>
        tpu.enqueue_indirect_dma source(%dma_start3A_389 : memref<10112x32xf32, #tpu.memory_space<vmem_shared>>) target(%dma_start3A_383 : memref<128x32xf32, #tpu.memory_space<vmem>>) offsets(%dma_start3A_386 : memref<128xi32, #tpu.memory_space<vmem>>) semaphore(%dma_start3A_391 : memref<!tpu.dma_semaphore, #tpu.memory_space<semaphore_mem>>)
      } else {
      }
      %dma_wait3A_305 = arith.constant 3 : i32
      %dma_wait3A_306 = arith.constant 3 : i32
      %dma_wait3A_307 = arith.constant 0 : i32
      %dma_wait3A_308 = arith.constant 0 : i32
      %dma_wait3A_309 = tpu.memref_slice %arg8[%dma_wait3A_305, %dma_wait3A_307, %dma_wait3A_308] : memref<5x128x32xf32, #tpu.memory_space<vmem>> -> memref<1x128x32xf32, #tpu.memory_space<vmem>>
      %dma_wait3A_310 = tpu.memref_squeeze %dma_wait3A_309 : memref<1x128x32xf32, #tpu.memory_space<vmem>> -> memref<128x32xf32, #tpu.memory_space<vmem>>
      %dma_wait3A_311 = arith.constant 0 : i32
      %dma_wait3A_312 = tpu.memref_slice %arg6[%add3A_292, %dma_wait3A_311] : memref<80x128xi32, #tpu.memory_space<vmem>> -> memref<1x128xi32, #tpu.memory_space<vmem>>
      %dma_wait3A_313 = tpu.memref_squeeze %dma_wait3A_312 : memref<1x128xi32, #tpu.memory_space<vmem>> -> memref<128xi32, #tpu.memory_space<vmem>>
      %dma_wait3A_314 = arith.constant 0 : i32
      %dma_wait3A_315 = arith.constant 0 : i32
      %dma_wait3A_316 = tpu.memref_slice %arg10[%dma_wait3A_314, %dma_wait3A_315] : memref<10112x32xf32, #tpu.memory_space<vmem_shared>> -> memref<10112x32xf32, #tpu.memory_space<vmem_shared>>
      %dma_wait3A_317 = tpu.memref_slice %arg13[%dma_wait3A_306] : memref<5x!tpu.dma_semaphore, #tpu.memory_space<semaphore_mem>> -> memref<1x!tpu.dma_semaphore, #tpu.memory_space<semaphore_mem>>
      %dma_wait3A_318 = tpu.memref_squeeze %dma_wait3A_317 : memref<1x!tpu.dma_semaphore, #tpu.memory_space<semaphore_mem>> -> memref<!tpu.dma_semaphore, #tpu.memory_space<semaphore_mem>>
      tpu.wait_indirect_dma semaphore(%dma_wait3A_318 : memref<!tpu.dma_semaphore, #tpu.memory_space<semaphore_mem>>) src(%dma_wait3A_316 : memref<10112x32xf32, #tpu.memory_space<vmem_shared>>) dst(%dma_wait3A_310 : memref<128x32xf32, #tpu.memory_space<vmem>>)
      %dma_start3A_319 = arith.constant 3 : i32
      %dma_start3A_320 = arith.constant 3 : i32
      %dma_start3A_321 = arith.constant 0 : i32
      %dma_start3A_322 = arith.constant 0 : i32
      %dma_start3A_323 = tpu.memref_slice %arg8[%dma_start3A_319, %dma_start3A_321, %dma_start3A_322] : memref<5x128x32xf32, #tpu.memory_space<vmem>> -> memref<1x128x32xf32, #tpu.memory_space<vmem>>
      %dma_start3A_324 = tpu.memref_squeeze %dma_start3A_323 : memref<1x128x32xf32, #tpu.memory_space<vmem>> -> memref<128x32xf32, #tpu.memory_space<vmem>>
      %dma_start3A_325 = arith.constant 0 : i32
      %dma_start3A_326 = tpu.memref_slice %arg7[%add3A_292, %dma_start3A_325] : memref<80x128xi32, #tpu.memory_space<vmem>> -> memref<1x128xi32, #tpu.memory_space<vmem>>
      %dma_start3A_327 = tpu.memref_squeeze %dma_start3A_326 : memref<1x128xi32, #tpu.memory_space<vmem>> -> memref<128xi32, #tpu.memory_space<vmem>>
      %dma_start3A_328 = arith.constant 0 : i32
      %dma_start3A_329 = arith.constant 0 : i32
      %dma_start3A_330 = tpu.memref_slice %arg9[%dma_start3A_328, %dma_start3A_329] : memref<10112x32xf32, #tpu.memory_space<vmem_shared>> -> memref<10112x32xf32, #tpu.memory_space<vmem_shared>>
      %dma_start3A_331 = tpu.memref_slice %arg14[%dma_start3A_320] : memref<5x!tpu.dma_semaphore, #tpu.memory_space<semaphore_mem>> -> memref<1x!tpu.dma_semaphore, #tpu.memory_space<semaphore_mem>>
      %dma_start3A_332 = tpu.memref_squeeze %dma_start3A_331 : memref<1x!tpu.dma_semaphore, #tpu.memory_space<semaphore_mem>> -> memref<!tpu.dma_semaphore, #tpu.memory_space<semaphore_mem>>
      tpu.enqueue_indirect_dma source(%dma_start3A_324 : memref<128x32xf32, #tpu.memory_space<vmem>>) target(%dma_start3A_330 : memref<10112x32xf32, #tpu.memory_space<vmem_shared>>) offsets(%dma_start3A_327 : memref<128xi32, #tpu.memory_space<vmem>>) semaphore(%dma_start3A_332 : memref<!tpu.dma_semaphore, #tpu.memory_space<semaphore_mem>>) {add = true}
      %add3A_333 = arith.constant 4 : i32
      %add3A_334 = arith.addi %mul3A_168, %add3A_333 : i32
      %ge3A_335 = arith.constant 2 : i32
      %ge3A_336 = arith.cmpi sge, %add3A_334, %ge3A_335 : i32
      %convert_element_type3A_337 = arith.extui %ge3A_336 : i1 to i32
      %cond3A_338 = arith.constant 0 : i32
      %cond3A_339 = arith.cmpi ne, %convert_element_type3A_337, %cond3A_338 : i32
      scf.if %cond3A_339 {
        %sub3A = arith.constant 2 : i32
        %sub3A_376 = arith.subi %add3A_334, %sub3A : i32
        %dma_wait3A_377 = arith.constant 2 : i32
        %dma_wait3A_378 = arith.constant 2 : i32
        %dma_wait3A_379 = arith.constant 0 : i32
        %dma_wait3A_380 = arith.constant 0 : i32
        %dma_wait3A_381 = tpu.memref_slice %arg8[%dma_wait3A_377, %dma_wait3A_379, %dma_wait3A_380] : memref<5x128x32xf32, #tpu.memory_space<vmem>> -> memref<1x128x32xf32, #tpu.memory_space<vmem>>
        %dma_wait3A_382 = tpu.memref_squeeze %dma_wait3A_381 : memref<1x128x32xf32, #tpu.memory_space<vmem>> -> memref<128x32xf32, #tpu.memory_space<vmem>>
        %dma_wait3A_383 = arith.constant 0 : i32
        %dma_wait3A_384 = tpu.memref_slice %arg7[%sub3A_376, %dma_wait3A_383] : memref<80x128xi32, #tpu.memory_space<vmem>> -> memref<1x128xi32, #tpu.memory_space<vmem>>
        %dma_wait3A_385 = tpu.memref_squeeze %dma_wait3A_384 : memref<1x128xi32, #tpu.memory_space<vmem>> -> memref<128xi32, #tpu.memory_space<vmem>>
        %dma_wait3A_386 = arith.constant 0 : i32
        %dma_wait3A_387 = arith.constant 0 : i32
        %dma_wait3A_388 = tpu.memref_slice %arg9[%dma_wait3A_386, %dma_wait3A_387] : memref<10112x32xf32, #tpu.memory_space<vmem_shared>> -> memref<10112x32xf32, #tpu.memory_space<vmem_shared>>
        %dma_wait3A_389 = tpu.memref_slice %arg14[%dma_wait3A_378] : memref<5x!tpu.dma_semaphore, #tpu.memory_space<semaphore_mem>> -> memref<1x!tpu.dma_semaphore, #tpu.memory_space<semaphore_mem>>
        %dma_wait3A_390 = tpu.memref_squeeze %dma_wait3A_389 : memref<1x!tpu.dma_semaphore, #tpu.memory_space<semaphore_mem>> -> memref<!tpu.dma_semaphore, #tpu.memory_space<semaphore_mem>>
        tpu.wait_indirect_dma semaphore(%dma_wait3A_390 : memref<!tpu.dma_semaphore, #tpu.memory_space<semaphore_mem>>) src(%dma_wait3A_382 : memref<128x32xf32, #tpu.memory_space<vmem>>) dst(%dma_wait3A_388 : memref<10112x32xf32, #tpu.memory_space<vmem_shared>>)
      } else {
      }
      %add3A_340 = arith.constant 3 : i32
      %add3A_341 = arith.addi %add3A_334, %add3A_340 : i32
      %lt3A_342 = arith.constant 80 : i32
      %lt3A_343 = arith.cmpi slt, %add3A_341, %lt3A_342 : i32
      %convert_element_type3A_344 = arith.extui %lt3A_343 : i1 to i32
      %cond3A_345 = arith.constant 0 : i32
      %cond3A_346 = arith.cmpi ne, %convert_element_type3A_344, %cond3A_345 : i32
      scf.if %cond3A_346 {
        %add3A_376 = arith.constant 3 : i32
        %add3A_377 = arith.addi %add3A_334, %add3A_376 : i32
        %dma_start3A_378 = arith.constant 2 : i32
        %dma_start3A_379 = arith.constant 2 : i32
        %dma_start3A_380 = arith.constant 0 : i32
        %dma_start3A_381 = arith.constant 0 : i32
        %dma_start3A_382 = tpu.memref_slice %arg8[%dma_start3A_378, %dma_start3A_380, %dma_start3A_381] : memref<5x128x32xf32, #tpu.memory_space<vmem>> -> memref<1x128x32xf32, #tpu.memory_space<vmem>>
        %dma_start3A_383 = tpu.memref_squeeze %dma_start3A_382 : memref<1x128x32xf32, #tpu.memory_space<vmem>> -> memref<128x32xf32, #tpu.memory_space<vmem>>
        %dma_start3A_384 = arith.constant 0 : i32
        %dma_start3A_385 = tpu.memref_slice %arg6[%add3A_377, %dma_start3A_384] : memref<80x128xi32, #tpu.memory_space<vmem>> -> memref<1x128xi32, #tpu.memory_space<vmem>>
        %dma_start3A_386 = tpu.memref_squeeze %dma_start3A_385 : memref<1x128xi32, #tpu.memory_space<vmem>> -> memref<128xi32, #tpu.memory_space<vmem>>
        %dma_start3A_387 = arith.constant 0 : i32
        %dma_start3A_388 = arith.constant 0 : i32
        %dma_start3A_389 = tpu.memref_slice %arg10[%dma_start3A_387, %dma_start3A_388] : memref<10112x32xf32, #tpu.memory_space<vmem_shared>> -> memref<10112x32xf32, #tpu.memory_space<vmem_shared>>
        %dma_start3A_390 = tpu.memref_slice %arg13[%dma_start3A_379] : memref<5x!tpu.dma_semaphore, #tpu.memory_space<semaphore_mem>> -> memref<1x!tpu.dma_semaphore, #tpu.memory_space<semaphore_mem>>
        %dma_start3A_391 = tpu.memref_squeeze %dma_start3A_390 : memref<1x!tpu.dma_semaphore, #tpu.memory_space<semaphore_mem>> -> memref<!tpu.dma_semaphore, #tpu.memory_space<semaphore_mem>>
        tpu.enqueue_indirect_dma source(%dma_start3A_389 : memref<10112x32xf32, #tpu.memory_space<vmem_shared>>) target(%dma_start3A_383 : memref<128x32xf32, #tpu.memory_space<vmem>>) offsets(%dma_start3A_386 : memref<128xi32, #tpu.memory_space<vmem>>) semaphore(%dma_start3A_391 : memref<!tpu.dma_semaphore, #tpu.memory_space<semaphore_mem>>)
      } else {
      }
      %dma_wait3A_347 = arith.constant 4 : i32
      %dma_wait3A_348 = arith.constant 4 : i32
      %dma_wait3A_349 = arith.constant 0 : i32
      %dma_wait3A_350 = arith.constant 0 : i32
      %dma_wait3A_351 = tpu.memref_slice %arg8[%dma_wait3A_347, %dma_wait3A_349, %dma_wait3A_350] : memref<5x128x32xf32, #tpu.memory_space<vmem>> -> memref<1x128x32xf32, #tpu.memory_space<vmem>>
      %dma_wait3A_352 = tpu.memref_squeeze %dma_wait3A_351 : memref<1x128x32xf32, #tpu.memory_space<vmem>> -> memref<128x32xf32, #tpu.memory_space<vmem>>
      %dma_wait3A_353 = arith.constant 0 : i32
      %dma_wait3A_354 = tpu.memref_slice %arg6[%add3A_334, %dma_wait3A_353] : memref<80x128xi32, #tpu.memory_space<vmem>> -> memref<1x128xi32, #tpu.memory_space<vmem>>
      %dma_wait3A_355 = tpu.memref_squeeze %dma_wait3A_354 : memref<1x128xi32, #tpu.memory_space<vmem>> -> memref<128xi32, #tpu.memory_space<vmem>>
      %dma_wait3A_356 = arith.constant 0 : i32
      %dma_wait3A_357 = arith.constant 0 : i32
      %dma_wait3A_358 = tpu.memref_slice %arg10[%dma_wait3A_356, %dma_wait3A_357] : memref<10112x32xf32, #tpu.memory_space<vmem_shared>> -> memref<10112x32xf32, #tpu.memory_space<vmem_shared>>
      %dma_wait3A_359 = tpu.memref_slice %arg13[%dma_wait3A_348] : memref<5x!tpu.dma_semaphore, #tpu.memory_space<semaphore_mem>> -> memref<1x!tpu.dma_semaphore, #tpu.memory_space<semaphore_mem>>
      %dma_wait3A_360 = tpu.memref_squeeze %dma_wait3A_359 : memref<1x!tpu.dma_semaphore, #tpu.memory_space<semaphore_mem>> -> memref<!tpu.dma_semaphore, #tpu.memory_space<semaphore_mem>>
      tpu.wait_indirect_dma semaphore(%dma_wait3A_360 : memref<!tpu.dma_semaphore, #tpu.memory_space<semaphore_mem>>) src(%dma_wait3A_358 : memref<10112x32xf32, #tpu.memory_space<vmem_shared>>) dst(%dma_wait3A_352 : memref<128x32xf32, #tpu.memory_space<vmem>>)
      %dma_start3A_361 = arith.constant 4 : i32
      %dma_start3A_362 = arith.constant 4 : i32
      %dma_start3A_363 = arith.constant 0 : i32
      %dma_start3A_364 = arith.constant 0 : i32
      %dma_start3A_365 = tpu.memref_slice %arg8[%dma_start3A_361, %dma_start3A_363, %dma_start3A_364] : memref<5x128x32xf32, #tpu.memory_space<vmem>> -> memref<1x128x32xf32, #tpu.memory_space<vmem>>
      %dma_start3A_366 = tpu.memref_squeeze %dma_start3A_365 : memref<1x128x32xf32, #tpu.memory_space<vmem>> -> memref<128x32xf32, #tpu.memory_space<vmem>>
      %dma_start3A_367 = arith.constant 0 : i32
      %dma_start3A_368 = tpu.memref_slice %arg7[%add3A_334, %dma_start3A_367] : memref<80x128xi32, #tpu.memory_space<vmem>> -> memref<1x128xi32, #tpu.memory_space<vmem>>
      %dma_start3A_369 = tpu.memref_squeeze %dma_start3A_368 : memref<1x128xi32, #tpu.memory_space<vmem>> -> memref<128xi32, #tpu.memory_space<vmem>>
      %dma_start3A_370 = arith.constant 0 : i32
      %dma_start3A_371 = arith.constant 0 : i32
      %dma_start3A_372 = tpu.memref_slice %arg9[%dma_start3A_370, %dma_start3A_371] : memref<10112x32xf32, #tpu.memory_space<vmem_shared>> -> memref<10112x32xf32, #tpu.memory_space<vmem_shared>>
      %dma_start3A_373 = tpu.memref_slice %arg14[%dma_start3A_362] : memref<5x!tpu.dma_semaphore, #tpu.memory_space<semaphore_mem>> -> memref<1x!tpu.dma_semaphore, #tpu.memory_space<semaphore_mem>>
      %dma_start3A_374 = tpu.memref_squeeze %dma_start3A_373 : memref<1x!tpu.dma_semaphore, #tpu.memory_space<semaphore_mem>> -> memref<!tpu.dma_semaphore, #tpu.memory_space<semaphore_mem>>
      tpu.enqueue_indirect_dma source(%dma_start3A_366 : memref<128x32xf32, #tpu.memory_space<vmem>>) target(%dma_start3A_372 : memref<10112x32xf32, #tpu.memory_space<vmem_shared>>) offsets(%dma_start3A_369 : memref<128xi32, #tpu.memory_space<vmem>>) semaphore(%dma_start3A_374 : memref<!tpu.dma_semaphore, #tpu.memory_space<semaphore_mem>>) {add = true}
      %scan3A_375 = arith.constant 0 : i32
      scf.yield %scan3A_375 : i32
    }
    %scan3A_121 = arith.constant 16 : i32
    %dma_wait3A_122 = arith.constant 3 : i32
    %dma_wait3A_123 = arith.constant 78 : i32
    %dma_wait3A_124 = arith.constant 3 : i32
    %dma_wait3A_125 = arith.constant 0 : i32
    %dma_wait3A_126 = arith.constant 0 : i32
    %dma_wait3A_127 = tpu.memref_slice %arg8[%dma_wait3A_122, %dma_wait3A_125, %dma_wait3A_126] : memref<5x128x32xf32, #tpu.memory_space<vmem>> -> memref<1x128x32xf32, #tpu.memory_space<vmem>>
    %dma_wait3A_128 = tpu.memref_squeeze %dma_wait3A_127 : memref<1x128x32xf32, #tpu.memory_space<vmem>> -> memref<128x32xf32, #tpu.memory_space<vmem>>
    %dma_wait3A_129 = arith.constant 0 : i32
    %dma_wait3A_130 = tpu.memref_slice %arg7[%dma_wait3A_123, %dma_wait3A_129] : memref<80x128xi32, #tpu.memory_space<vmem>> -> memref<1x128xi32, #tpu.memory_space<vmem>>
    %dma_wait3A_131 = tpu.memref_squeeze %dma_wait3A_130 : memref<1x128xi32, #tpu.memory_space<vmem>> -> memref<128xi32, #tpu.memory_space<vmem>>
    %dma_wait3A_132 = arith.constant 0 : i32
    %dma_wait3A_133 = arith.constant 0 : i32
    %dma_wait3A_134 = tpu.memref_slice %arg9[%dma_wait3A_132, %dma_wait3A_133] : memref<10112x32xf32, #tpu.memory_space<vmem_shared>> -> memref<10112x32xf32, #tpu.memory_space<vmem_shared>>
    %dma_wait3A_135 = tpu.memref_slice %arg14[%dma_wait3A_124] : memref<5x!tpu.dma_semaphore, #tpu.memory_space<semaphore_mem>> -> memref<1x!tpu.dma_semaphore, #tpu.memory_space<semaphore_mem>>
    %dma_wait3A_136 = tpu.memref_squeeze %dma_wait3A_135 : memref<1x!tpu.dma_semaphore, #tpu.memory_space<semaphore_mem>> -> memref<!tpu.dma_semaphore, #tpu.memory_space<semaphore_mem>>
    tpu.wait_indirect_dma semaphore(%dma_wait3A_136 : memref<!tpu.dma_semaphore, #tpu.memory_space<semaphore_mem>>) src(%dma_wait3A_128 : memref<128x32xf32, #tpu.memory_space<vmem>>) dst(%dma_wait3A_134 : memref<10112x32xf32, #tpu.memory_space<vmem_shared>>)
    %dma_wait3A_137 = arith.constant 4 : i32
    %dma_wait3A_138 = arith.constant 79 : i32
    %dma_wait3A_139 = arith.constant 4 : i32
    %dma_wait3A_140 = arith.constant 0 : i32
    %dma_wait3A_141 = arith.constant 0 : i32
    %dma_wait3A_142 = tpu.memref_slice %arg8[%dma_wait3A_137, %dma_wait3A_140, %dma_wait3A_141] : memref<5x128x32xf32, #tpu.memory_space<vmem>> -> memref<1x128x32xf32, #tpu.memory_space<vmem>>
    %dma_wait3A_143 = tpu.memref_squeeze %dma_wait3A_142 : memref<1x128x32xf32, #tpu.memory_space<vmem>> -> memref<128x32xf32, #tpu.memory_space<vmem>>
    %dma_wait3A_144 = arith.constant 0 : i32
    %dma_wait3A_145 = tpu.memref_slice %arg7[%dma_wait3A_138, %dma_wait3A_144] : memref<80x128xi32, #tpu.memory_space<vmem>> -> memref<1x128xi32, #tpu.memory_space<vmem>>
    %dma_wait3A_146 = tpu.memref_squeeze %dma_wait3A_145 : memref<1x128xi32, #tpu.memory_space<vmem>> -> memref<128xi32, #tpu.memory_space<vmem>>
    %dma_wait3A_147 = arith.constant 0 : i32
    %dma_wait3A_148 = arith.constant 0 : i32
    %dma_wait3A_149 = tpu.memref_slice %arg9[%dma_wait3A_147, %dma_wait3A_148] : memref<10112x32xf32, #tpu.memory_space<vmem_shared>> -> memref<10112x32xf32, #tpu.memory_space<vmem_shared>>
    %dma_wait3A_150 = tpu.memref_slice %arg14[%dma_wait3A_139] : memref<5x!tpu.dma_semaphore, #tpu.memory_space<semaphore_mem>> -> memref<1x!tpu.dma_semaphore, #tpu.memory_space<semaphore_mem>>
    %dma_wait3A_151 = tpu.memref_squeeze %dma_wait3A_150 : memref<1x!tpu.dma_semaphore, #tpu.memory_space<semaphore_mem>> -> memref<!tpu.dma_semaphore, #tpu.memory_space<semaphore_mem>>
    tpu.wait_indirect_dma semaphore(%dma_wait3A_151 : memref<!tpu.dma_semaphore, #tpu.memory_space<semaphore_mem>>) src(%dma_wait3A_143 : memref<128x32xf32, #tpu.memory_space<vmem>>) dst(%dma_wait3A_149 : memref<10112x32xf32, #tpu.memory_space<vmem_shared>>)
    %barrier3A_152 = arith.constant 0 : index
    tpu.barrier barrier_id(%barrier3A_152)
    "tpu.region"() ({
      %run_scoped3A = tpu.sem_alloc : memref<!tpu.dma_semaphore, #tpu.memory_space<semaphore_mem>>
      %dma_start3A_165 = arith.constant 0 : i32
      %dma_start3A_166 = tpu.memref_slice %arg9[%mul3A_2, %dma_start3A_165] : memref<10112x32xf32, #tpu.memory_space<vmem_shared>> -> memref<632x32xf32, #tpu.memory_space<vmem_shared>>
      %dma_start3A_167 = arith.constant 0 : i32
      %dma_start3A_168 = tpu.memref_slice %arg9[%mul3A_2, %dma_start3A_167] : memref<10112x32xf32, #tpu.memory_space<vmem_shared>> -> memref<632x32xf32, #tpu.memory_space<vmem_shared>>
      tpu.enqueue_dma source(%dma_start3A_168 : memref<632x32xf32, #tpu.memory_space<vmem_shared>>) target(%arg11 : memref<632x32xf32, #tpu.memory_space<vmem>>) target_semaphore(%run_scoped3A : memref<!tpu.dma_semaphore, #tpu.memory_space<semaphore_mem>>)
      %dma_wait3A_169 = arith.constant 0 : i32
      %dma_wait3A_170 = tpu.memref_slice %arg9[%mul3A_2, %dma_wait3A_169] : memref<10112x32xf32, #tpu.memory_space<vmem_shared>> -> memref<632x32xf32, #tpu.memory_space<vmem_shared>>
      %dma_wait3A_171 = arith.constant 0 : i32
      %dma_wait3A_172 = tpu.memref_slice %arg9[%mul3A_2, %dma_wait3A_171] : memref<10112x32xf32, #tpu.memory_space<vmem_shared>> -> memref<632x32xf32, #tpu.memory_space<vmem_shared>>
      tpu.wait_dma2 semaphore(%run_scoped3A : memref<!tpu.dma_semaphore, #tpu.memory_space<semaphore_mem>>) src(%dma_wait3A_172 : memref<632x32xf32, #tpu.memory_space<vmem_shared>>) dst(%arg11 : memref<632x32xf32, #tpu.memory_space<vmem>>)
      tpu.yield
    }) : () -> ()
    %scan3A_153 = arith.constant 0 : i32
    %scan3A_154 = arith.constant 0 : i32
    %scan3A_155 = arith.constant 158 : i32
    %scan3A_156 = arith.addi %scan3A_154, %scan3A_155 : i32
    %scan3A_157 = arith.constant 1 : i32
    %scan3A_158 = scf.for %scan3A_165 = %scan3A_154 to %scan3A_156 step %scan3A_157 iter_args(%scan3A_166 = %scan3A_153) -> (i32)  : i32 {
      %mul3A_167 = arith.constant 4 : i32
      %mul3A_168 = arith.muli %scan3A_165, %mul3A_167 : i32
      %add3A_169 = arith.constant 0 : i32
      %add3A_170 = arith.addi %mul3A_168, %add3A_169 : i32
      %get3A = arith.index_cast %add3A_170 : i32 to index
      %get3A_171 = arith.constant 0 : index
      %get3A_172 = tpu.vector_load %arg11[%get3A, %get3A_171] {strides = array<i32>} : memref<632x32xf32, #tpu.memory_space<vmem>>, vector<1x16xf32>,
      %get3A_173 = vector.shape_cast %get3A_172 : vector<1x16xf32> to vector<16xf32>
      %swap3A = arith.index_cast %scan3A_165 : i32 to index
      %swap3A_174 = arith.constant 0 : index
      %swap3A_175 = tpu.vector_load %arg12[%swap3A, %swap3A_174] {strides = array<i32>} : memref<158x128xf32, #tpu.memory_space<vmem>>, vector<1x16xf32>,
      %swap3A_176 = vector.shape_cast %swap3A_175 : vector<1x16xf32> to vector<16xf32>
      %swap3A_177 = vector.shape_cast %get3A_173 : vector<16xf32> to vector<1x16xf32>
      tpu.vector_store %arg12[%swap3A, %swap3A_174], %swap3A_177 {strides = array<i32>} : memref<158x128xf32, #tpu.memory_space<vmem>>, vector<1x16xf32>,
      %get3A_178 = arith.index_cast %add3A_170 : i32 to index
      %get3A_179 = arith.constant 16 : index
      %get3A_180 = tpu.vector_load %arg11[%get3A_178, %get3A_179] {strides = array<i32>} : memref<632x32xf32, #tpu.memory_space<vmem>>, vector<1x16xf32>,
      %get3A_181 = vector.shape_cast %get3A_180 : vector<1x16xf32> to vector<16xf32>
      %swap3A_182 = arith.index_cast %scan3A_165 : i32 to index
      %swap3A_183 = arith.constant 16 : index
      %swap3A_184 = tpu.vector_load %arg12[%swap3A_182, %swap3A_183] {strides = array<i32>} : memref<158x128xf32, #tpu.memory_space<vmem>>, vector<1x16xf32>,
      %swap3A_185 = vector.shape_cast %swap3A_184 : vector<1x16xf32> to vector<16xf32>
      %swap3A_186 = vector.shape_cast %get3A_181 : vector<16xf32> to vector<1x16xf32>
      tpu.vector_store %arg12[%swap3A_182, %swap3A_183], %swap3A_186 {strides = array<i32>} : memref<158x128xf32, #tpu.memory_space<vmem>>, vector<1x16xf32>,
      %mul3A_187 = arith.constant 4 : i32
      %mul3A_188 = arith.muli %scan3A_165, %mul3A_187 : i32
      %add3A_189 = arith.constant 1 : i32
      %add3A_190 = arith.addi %mul3A_188, %add3A_189 : i32
      %get3A_191 = arith.index_cast %add3A_190 : i32 to index
      %get3A_192 = arith.constant 0 : index
      %get3A_193 = tpu.vector_load %arg11[%get3A_191, %get3A_192] {strides = array<i32>} : memref<632x32xf32, #tpu.memory_space<vmem>>, vector<1x16xf32>,
      %get3A_194 = vector.shape_cast %get3A_193 : vector<1x16xf32> to vector<16xf32>
      %swap3A_195 = arith.index_cast %scan3A_165 : i32 to index
      %swap3A_196 = arith.constant 32 : index
      %swap3A_197 = tpu.vector_load %arg12[%swap3A_195, %swap3A_196] {strides = array<i32>} : memref<158x128xf32, #tpu.memory_space<vmem>>, vector<1x16xf32>,
      %swap3A_198 = vector.shape_cast %swap3A_197 : vector<1x16xf32> to vector<16xf32>
      %swap3A_199 = vector.shape_cast %get3A_194 : vector<16xf32> to vector<1x16xf32>
      tpu.vector_store %arg12[%swap3A_195, %swap3A_196], %swap3A_199 {strides = array<i32>} : memref<158x128xf32, #tpu.memory_space<vmem>>, vector<1x16xf32>,
      %get3A_200 = arith.index_cast %add3A_190 : i32 to index
      %get3A_201 = arith.constant 16 : index
      %get3A_202 = tpu.vector_load %arg11[%get3A_200, %get3A_201] {strides = array<i32>} : memref<632x32xf32, #tpu.memory_space<vmem>>, vector<1x16xf32>,
      %get3A_203 = vector.shape_cast %get3A_202 : vector<1x16xf32> to vector<16xf32>
      %swap3A_204 = arith.index_cast %scan3A_165 : i32 to index
      %swap3A_205 = arith.constant 48 : index
      %swap3A_206 = tpu.vector_load %arg12[%swap3A_204, %swap3A_205] {strides = array<i32>} : memref<158x128xf32, #tpu.memory_space<vmem>>, vector<1x16xf32>,
      %swap3A_207 = vector.shape_cast %swap3A_206 : vector<1x16xf32> to vector<16xf32>
      %swap3A_208 = vector.shape_cast %get3A_203 : vector<16xf32> to vector<1x16xf32>
      tpu.vector_store %arg12[%swap3A_204, %swap3A_205], %swap3A_208 {strides = array<i32>} : memref<158x128xf32, #tpu.memory_space<vmem>>, vector<1x16xf32>,
      %mul3A_209 = arith.constant 4 : i32
      %mul3A_210 = arith.muli %scan3A_165, %mul3A_209 : i32
      %add3A_211 = arith.constant 2 : i32
      %add3A_212 = arith.addi %mul3A_210, %add3A_211 : i32
      %get3A_213 = arith.index_cast %add3A_212 : i32 to index
      %get3A_214 = arith.constant 0 : index
      %get3A_215 = tpu.vector_load %arg11[%get3A_213, %get3A_214] {strides = array<i32>} : memref<632x32xf32, #tpu.memory_space<vmem>>, vector<1x16xf32>,
      %get3A_216 = vector.shape_cast %get3A_215 : vector<1x16xf32> to vector<16xf32>
      %swap3A_217 = arith.index_cast %scan3A_165 : i32 to index
      %swap3A_218 = arith.constant 64 : index
      %swap3A_219 = tpu.vector_load %arg12[%swap3A_217, %swap3A_218] {strides = array<i32>} : memref<158x128xf32, #tpu.memory_space<vmem>>, vector<1x16xf32>,
      %swap3A_220 = vector.shape_cast %swap3A_219 : vector<1x16xf32> to vector<16xf32>
      %swap3A_221 = vector.shape_cast %get3A_216 : vector<16xf32> to vector<1x16xf32>
      tpu.vector_store %arg12[%swap3A_217, %swap3A_218], %swap3A_221 {strides = array<i32>} : memref<158x128xf32, #tpu.memory_space<vmem>>, vector<1x16xf32>,
      %get3A_222 = arith.index_cast %add3A_212 : i32 to index
      %get3A_223 = arith.constant 16 : index
      %get3A_224 = tpu.vector_load %arg11[%get3A_222, %get3A_223] {strides = array<i32>} : memref<632x32xf32, #tpu.memory_space<vmem>>, vector<1x16xf32>,
      %get3A_225 = vector.shape_cast %get3A_224 : vector<1x16xf32> to vector<16xf32>
      %swap3A_226 = arith.index_cast %scan3A_165 : i32 to index
      %swap3A_227 = arith.constant 80 : index
      %swap3A_228 = tpu.vector_load %arg12[%swap3A_226, %swap3A_227] {strides = array<i32>} : memref<158x128xf32, #tpu.memory_space<vmem>>, vector<1x16xf32>,
      %swap3A_229 = vector.shape_cast %swap3A_228 : vector<1x16xf32> to vector<16xf32>
      %swap3A_230 = vector.shape_cast %get3A_225 : vector<16xf32> to vector<1x16xf32>
      tpu.vector_store %arg12[%swap3A_226, %swap3A_227], %swap3A_230 {strides = array<i32>} : memref<158x128xf32, #tpu.memory_space<vmem>>, vector<1x16xf32>,
      %mul3A_231 = arith.constant 4 : i32
      %mul3A_232 = arith.muli %scan3A_165, %mul3A_231 : i32
      %add3A_233 = arith.constant 3 : i32
      %add3A_234 = arith.addi %mul3A_232, %add3A_233 : i32
      %get3A_235 = arith.index_cast %add3A_234 : i32 to index
      %get3A_236 = arith.constant 0 : index
      %get3A_237 = tpu.vector_load %arg11[%get3A_235, %get3A_236] {strides = array<i32>} : memref<632x32xf32, #tpu.memory_space<vmem>>, vector<1x16xf32>,
      %get3A_238 = vector.shape_cast %get3A_237 : vector<1x16xf32> to vector<16xf32>
      %swap3A_239 = arith.index_cast %scan3A_165 : i32 to index
      %swap3A_240 = arith.constant 96 : index
      %swap3A_241 = tpu.vector_load %arg12[%swap3A_239, %swap3A_240] {strides = array<i32>} : memref<158x128xf32, #tpu.memory_space<vmem>>, vector<1x16xf32>,
      %swap3A_242 = vector.shape_cast %swap3A_241 : vector<1x16xf32> to vector<16xf32>
      %swap3A_243 = vector.shape_cast %get3A_238 : vector<16xf32> to vector<1x16xf32>
      tpu.vector_store %arg12[%swap3A_239, %swap3A_240], %swap3A_243 {strides = array<i32>} : memref<158x128xf32, #tpu.memory_space<vmem>>, vector<1x16xf32>,
      %get3A_244 = arith.index_cast %add3A_234 : i32 to index
      %get3A_245 = arith.constant 16 : index
      %get3A_246 = tpu.vector_load %arg11[%get3A_244, %get3A_245] {strides = array<i32>} : memref<632x32xf32, #tpu.memory_space<vmem>>, vector<1x16xf32>,
      %get3A_247 = vector.shape_cast %get3A_246 : vector<1x16xf32> to vector<16xf32>
      %swap3A_248 = arith.index_cast %scan3A_165 : i32 to index
      %swap3A_249 = arith.constant 112 : index
      %swap3A_250 = tpu.vector_load %arg12[%swap3A_248, %swap3A_249] {strides = array<i32>} : memref<158x128xf32, #tpu.memory_space<vmem>>, vector<1x16xf32>,
      %swap3A_251 = vector.shape_cast %swap3A_250 : vector<1x16xf32> to vector<16xf32>
      %swap3A_252 = vector.shape_cast %get3A_247 : vector<16xf32> to vector<1x16xf32>
      tpu.vector_store %arg12[%swap3A_248, %swap3A_249], %swap3A_252 {strides = array<i32>} : memref<158x128xf32, #tpu.memory_space<vmem>>, vector<1x16xf32>,
      %scan3A_253 = arith.constant 0 : i32
      scf.yield %scan3A_253 : i32
    }
    %scan3A_159 = arith.constant 158 : i32
    %mul3A_160 = arith.constant 2528 : i32
    %mul3A_161 = arith.muli %arg0, %mul3A_160 : i32
    %mul3A_162 = arith.constant 158 : i32
    %mul3A_163 = arith.muli %arg1, %mul3A_162 : i32
    %add3A_164 = arith.addi %mul3A_161, %mul3A_163 : i32
    "tpu.region"() ({
      %run_scoped3A = tpu.sem_alloc : memref<!tpu.dma_semaphore, #tpu.memory_space<semaphore_mem>>
      %dma_start3A_165 = arith.constant 0 : i32
      %dma_start3A_166 = tpu.memref_slice %arg5[%add3A_164, %dma_start3A_165] : memref<5056x128xf32, #tpu.memory_space<hbm>> -> memref<158x128xf32, #tpu.memory_space<hbm>>
      %dma_start3A_167 = arith.constant 0 : i32
      %dma_start3A_168 = tpu.memref_slice %arg5[%add3A_164, %dma_start3A_167] : memref<5056x128xf32, #tpu.memory_space<hbm>> -> memref<158x128xf32, #tpu.memory_space<hbm>>
      tpu.enqueue_dma source(%arg12 : memref<158x128xf32, #tpu.memory_space<vmem>>) target(%dma_start3A_168 : memref<158x128xf32, #tpu.memory_space<hbm>>) target_semaphore(%run_scoped3A : memref<!tpu.dma_semaphore, #tpu.memory_space<semaphore_mem>>)
      %dma_wait3A_169 = arith.constant 0 : i32
      %dma_wait3A_170 = tpu.memref_slice %arg5[%add3A_164, %dma_wait3A_169] : memref<5056x128xf32, #tpu.memory_space<hbm>> -> memref<158x128xf32, #tpu.memory_space<hbm>>
      %dma_wait3A_171 = arith.constant 0 : i32
      %dma_wait3A_172 = tpu.memref_slice %arg5[%add3A_164, %dma_wait3A_171] : memref<5056x128xf32, #tpu.memory_space<hbm>> -> memref<158x128xf32, #tpu.memory_space<hbm>>
      tpu.wait_dma2 semaphore(%run_scoped3A : memref<!tpu.dma_semaphore, #tpu.memory_space<semaphore_mem>>) src(%arg12 : memref<158x128xf32, #tpu.memory_space<vmem>>) dst(%dma_wait3A_172 : memref<158x128xf32, #tpu.memory_space<hbm>>)
      tpu.yield
    }) : () -> ()
    return
  }
}

module attributes {stable_mosaic.version = 14 : i64} {
  func.func @_tc_pack_body(%arg0: memref<2x320000xi32, #tpu.memory_space<vmem>>, %arg1: memref<2560x128xi32, #tpu.memory_space<vmem>>) attributes {dimension_semantics = [], scalar_prefetch = 0 : i64, scratch_operands = 0 : i64, tpu.core_type = #tpu.core_type<tc>} {
    %get3A = arith.constant 0 : index
    %get3A_0 = arith.constant 0 : index
    %get3A_1 = vector.load %arg0[%get3A, %get3A_0] : memref<2x320000xi32, #tpu.memory_space<vmem>>, vector<1x320000xi32>
    %get3A_2 = vector.shape_cast %get3A_1 : vector<1x320000xi32> to vector<320000xi32>
    %mul3A = arith.constant 65536 : i32
    %mul3A_3 = vector.broadcast %mul3A : i32 to vector<320000xi32>
    %mul3A_4 = arith.muli %get3A_2, %mul3A_3 : vector<320000xi32>
    %get3A_5 = arith.constant 1 : index
    %get3A_6 = arith.constant 0 : index
    %get3A_7 = vector.load %arg0[%get3A_5, %get3A_6] : memref<2x320000xi32, #tpu.memory_space<vmem>>, vector<1x320000xi32>
    %get3A_8 = vector.shape_cast %get3A_7 : vector<1x320000xi32> to vector<320000xi32>
    %add3A = arith.addi %mul3A_4, %get3A_8 : vector<320000xi32>
    %reshape3A = vector.shape_cast %add3A : vector<320000xi32> to vector<2500x128xi32>
    %swap3A = arith.constant 0 : index
    %swap3A_9 = arith.constant 0 : index
    %swap3A_10 = vector.load %arg1[%swap3A, %swap3A_9] : memref<2560x128xi32, #tpu.memory_space<vmem>>, vector<2500x128xi32>
    tpu.vector_store %arg1[%swap3A, %swap3A_9], %reshape3A {strides = array<i32>} : memref<2560x128xi32, #tpu.memory_space<vmem>>, vector<2500x128xi32>,
    %broadcast_in_dim3A = arith.constant 655360000 : i32
    %broadcast_in_dim3A_11 = vector.broadcast %broadcast_in_dim3A : i32 to vector<60x128xi32>
    %swap3A_12 = arith.constant 2500 : index
    %swap3A_13 = arith.constant 0 : index
    %swap3A_14 = vector.load %arg1[%swap3A_12, %swap3A_13] : memref<2560x128xi32, #tpu.memory_space<vmem>>, vector<60x128xi32>
    tpu.vector_store %arg1[%swap3A_12, %swap3A_13], %broadcast_in_dim3A_11 {strides = array<i32>} : memref<2560x128xi32, #tpu.memory_space<vmem>>, vector<60x128xi32>,
    return
  }
}

module attributes {stable_mosaic.version = 14 : i64} {
  func.func @_tc_in_body(%arg0: memref<2528x512xf32, #tpu.memory_space<vmem>>, %arg1: memref<128x32xf32, #tpu.memory_space<vmem>>, %arg2: memref<2528x128xf32, #tpu.memory_space<vmem>>) attributes {dimension_semantics = [], scalar_prefetch = 0 : i64, scratch_operands = 0 : i64, tpu.core_type = #tpu.core_type<tc>} {
    %get3A = arith.constant 0 : index
    %get3A_0 = arith.constant 0 : index
    %get3A_1 = vector.load %arg1[%get3A, %get3A_0] : memref<128x32xf32, #tpu.memory_space<vmem>>, vector<128x32xf32>
    %concatenate3A = tpu.concatenate %get3A_1, %get3A_1, %get3A_1, %get3A_1 in 1 : vector<128x32xf32>, vector<128x32xf32>, vector<128x32xf32>, vector<128x32xf32> -> vector<128x128xf32>
    %concatenate3A_2 = tpu.concatenate %concatenate3A, %concatenate3A, %concatenate3A, %concatenate3A in 0 : vector<128x128xf32>, vector<128x128xf32>, vector<128x128xf32>, vector<128x128xf32> -> vector<512x128xf32>
    %iota3A = tpu.iota {dimensions = array<i32: 0>} : vector<512x128xi32>
    %jit3A = arith.constant 128 : i32
    %div3A = vector.broadcast %jit3A : i32 to vector<512x128xi32>
    %div3A_3 = arith.divsi %iota3A, %div3A : vector<512x128xi32>
    %sign3A = arith.constant 0 : i32
    %sign3A_4 = vector.broadcast %sign3A : i32 to vector<512x128xi32>
    %sign3A_5 = arith.cmpi sgt, %iota3A, %sign3A_4 : vector<512x128xi32>
    %sign3A_6 = arith.extui %sign3A_5 : vector<512x128xi1> to vector<512x128xi32>
    %sign3A_7 = arith.constant 0 : i32
    %sign3A_8 = vector.broadcast %sign3A_7 : i32 to vector<512x128xi32>
    %sign3A_9 = arith.cmpi slt, %iota3A, %sign3A_8 : vector<512x128xi32>
    %sign3A_10 = arith.extui %sign3A_9 : vector<512x128xi1> to vector<512x128xi32>
    %sign3A_11 = arith.subi %sign3A_6, %sign3A_10 : vector<512x128xi32>
    %sign3A_12 = arith.constant 0 : i32
    %sign3A_13 = arith.cmpi sgt, %jit3A, %sign3A_12 : i32
    %sign3A_14 = arith.extui %sign3A_13 : i1 to i32
    %sign3A_15 = arith.constant 0 : i32
    %sign3A_16 = arith.cmpi slt, %jit3A, %sign3A_15 : i32
    %sign3A_17 = arith.extui %sign3A_16 : i1 to i32
    %sign3A_18 = arith.subi %sign3A_14, %sign3A_17 : i32
    %ne3A = vector.broadcast %sign3A_18 : i32 to vector<512x128xi32>
    %ne3A_19 = arith.cmpi ne, %sign3A_11, %ne3A : vector<512x128xi32>
    %rem3A = vector.broadcast %jit3A : i32 to vector<512x128xi32>
    %rem3A_20 = arith.remsi %iota3A, %rem3A : vector<512x128xi32>
    %ne3A_21 = arith.constant 0 : i32
    %ne3A_22 = vector.broadcast %ne3A_21 : i32 to vector<512x128xi32>
    %ne3A_23 = arith.cmpi ne, %rem3A_20, %ne3A_22 : vector<512x128xi32>
    %and3A = arith.andi %ne3A_19, %ne3A_23 : vector<512x128xi1>
    %sub3A = arith.constant 1 : i32
    %sub3A_24 = vector.broadcast %sub3A : i32 to vector<512x128xi32>
    %sub3A_25 = arith.subi %div3A_3, %sub3A_24 : vector<512x128xi32>
    %select_n3A = arith.select %and3A, %sub3A_25, %div3A_3 : vector<512x128xi1>, vector<512x128xi32>
    %iota3A_26 = tpu.iota {dimensions = array<i32: 1>} : vector<512x128xi32>
    %jit3A_27 = arith.constant 32 : i32
    %div3A_28 = vector.broadcast %jit3A_27 : i32 to vector<512x128xi32>
    %div3A_29 = arith.divsi %iota3A_26, %div3A_28 : vector<512x128xi32>
    %sign3A_30 = arith.constant 0 : i32
    %sign3A_31 = vector.broadcast %sign3A_30 : i32 to vector<512x128xi32>
    %sign3A_32 = arith.cmpi sgt, %iota3A_26, %sign3A_31 : vector<512x128xi32>
    %sign3A_33 = arith.extui %sign3A_32 : vector<512x128xi1> to vector<512x128xi32>
    %sign3A_34 = arith.constant 0 : i32
    %sign3A_35 = vector.broadcast %sign3A_34 : i32 to vector<512x128xi32>
    %sign3A_36 = arith.cmpi slt, %iota3A_26, %sign3A_35 : vector<512x128xi32>
    %sign3A_37 = arith.extui %sign3A_36 : vector<512x128xi1> to vector<512x128xi32>
    %sign3A_38 = arith.subi %sign3A_33, %sign3A_37 : vector<512x128xi32>
    %sign3A_39 = arith.constant 0 : i32
    %sign3A_40 = arith.cmpi sgt, %jit3A_27, %sign3A_39 : i32
    %sign3A_41 = arith.extui %sign3A_40 : i1 to i32
    %sign3A_42 = arith.constant 0 : i32
    %sign3A_43 = arith.cmpi slt, %jit3A_27, %sign3A_42 : i32
    %sign3A_44 = arith.extui %sign3A_43 : i1 to i32
    %sign3A_45 = arith.subi %sign3A_41, %sign3A_44 : i32
    %ne3A_46 = vector.broadcast %sign3A_45 : i32 to vector<512x128xi32>
    %ne3A_47 = arith.cmpi ne, %sign3A_38, %ne3A_46 : vector<512x128xi32>
    %rem3A_48 = vector.broadcast %jit3A_27 : i32 to vector<512x128xi32>
    %rem3A_49 = arith.remsi %iota3A_26, %rem3A_48 : vector<512x128xi32>
    %ne3A_50 = arith.constant 0 : i32
    %ne3A_51 = vector.broadcast %ne3A_50 : i32 to vector<512x128xi32>
    %ne3A_52 = arith.cmpi ne, %rem3A_49, %ne3A_51 : vector<512x128xi32>
    %and3A_53 = arith.andi %ne3A_47, %ne3A_52 : vector<512x128xi1>
    %sub3A_54 = arith.constant 1 : i32
    %sub3A_55 = vector.broadcast %sub3A_54 : i32 to vector<512x128xi32>
    %sub3A_56 = arith.subi %div3A_29, %sub3A_55 : vector<512x128xi32>
    %select_n3A_57 = arith.select %and3A_53, %sub3A_56, %div3A_29 : vector<512x128xi1>, vector<512x128xi32>
    %eq3A = arith.cmpi eq, %select_n3A, %select_n3A_57 : vector<512x128xi32>
    %jit3A_58 = arith.constant 0.000000e+00 : f32
    %broadcast_in_dim3A = vector.broadcast %jit3A_58 : f32 to vector<512x128xf32>
    %select_n3A_59 = arith.select %eq3A, %concatenate3A_2, %broadcast_in_dim3A : vector<512x128xi1>, vector<512x128xf32>
    %get3A_60 = arith.constant 0 : index
    %get3A_61 = arith.constant 0 : index
    %get3A_62 = vector.load %arg0[%get3A_60, %get3A_61] : memref<2528x512xf32, #tpu.memory_space<vmem>>, vector<2528x512xf32>
    %dot_general3A = arith.constant dense<0.000000e+00> : vector<2528x128xf32>
    %dot_general3A_63 = tpu.matmul %get3A_62, %select_n3A_59, %dot_general3A {dimension_numbers = #tpu.dot_dimension_numbers<[1], [0], [0], [1], [0, 0, 1, 1], [], []>, precision = #tpu.contract_precision<fp32>, transpose_lhs_hint = false} : vector<2528x512xf32>, vector<512x128xf32>, vector<2528x128xf32> -> vector<2528x128xf32>
    %swap3A = arith.constant 0 : index
    %swap3A_64 = arith.constant 0 : index
    %swap3A_65 = vector.load %arg2[%swap3A, %swap3A_64] : memref<2528x128xf32, #tpu.memory_space<vmem>>, vector<2528x128xf32>
    tpu.vector_store %arg2[%swap3A, %swap3A_64], %dot_general3A_63 {strides = array<i32>} : memref<2528x128xf32, #tpu.memory_space<vmem>>, vector<2528x128xf32>,
    return
  }
}

module attributes {stable_mosaic.version = 14 : i64} {
  func.func @_tc_out_body(%arg0: memref<2528x128xf32, #tpu.memory_space<vmem>>, %arg1: memref<5056x128xf32, #tpu.memory_space<vmem>>, %arg2: memref<32xf32, #tpu.memory_space<vmem>>, %arg3: memref<32x32xf32, #tpu.memory_space<vmem>>, %arg4: memref<32xf32, #tpu.memory_space<vmem>>, %arg5: memref<1x32xf32, #tpu.memory_space<vmem>>) attributes {dimension_semantics = [], scalar_prefetch = 0 : i64, scratch_operands = 0 : i64, tpu.core_type = #tpu.core_type<tc>} {
    %get3A = arith.constant 0 : index
    %get3A_0 = arith.constant 0 : index
    %get3A_1 = vector.load %arg0[%get3A, %get3A_0] : memref<2528x128xf32, #tpu.memory_space<vmem>>, vector<2528x128xf32>
    %get3A_2 = arith.constant 0 : index
    %get3A_3 = arith.constant 0 : index
    %get3A_4 = vector.load %arg1[%get3A_2, %get3A_3] : memref<5056x128xf32, #tpu.memory_space<vmem>>, vector<2528x128xf32>
    %add3A = arith.addf %get3A_1, %get3A_4 : vector<2528x128xf32>
    %get3A_5 = arith.constant 2528 : index
    %get3A_6 = arith.constant 0 : index
    %get3A_7 = vector.load %arg1[%get3A_5, %get3A_6] : memref<5056x128xf32, #tpu.memory_space<vmem>>, vector<2528x128xf32>
    %add3A_8 = arith.addf %add3A, %get3A_7 : vector<2528x128xf32>
    %get3A_9 = arith.constant 0 : index
    %get3A_10 = vector.load %arg2[%get3A_9] : memref<32xf32, #tpu.memory_space<vmem>>, vector<32xf32>
    %reshape3A = vector.shape_cast %get3A_10 : vector<32xf32> to vector<1x32xf32>
    %concatenate3A = tpu.concatenate %reshape3A, %reshape3A, %reshape3A, %reshape3A in 1 : vector<1x32xf32>, vector<1x32xf32>, vector<1x32xf32>, vector<1x32xf32> -> vector<1x128xf32>
    %add3A_11 = vector.broadcast %concatenate3A : vector<1x128xf32> to vector<2528x128xf32>
    %add3A_12 = arith.addf %add3A_8, %add3A_11 : vector<2528x128xf32>
    %max3A = arith.constant 0.000000e+00 : f32
    %max3A_13 = vector.broadcast %max3A : f32 to vector<2528x128xf32>
    %max3A_14 = arith.maximumf %add3A_12, %max3A_13 : vector<2528x128xf32>
    %iota3A = tpu.iota {dimensions = array<i32: 0>} : vector<2528x128xi32>
    %lt3A = arith.constant 2500 : i32
    %lt3A_15 = vector.broadcast %lt3A : i32 to vector<2528x128xi32>
    %lt3A_16 = arith.cmpi slt, %iota3A, %lt3A_15 : vector<2528x128xi32>
    %jit3A = arith.constant 0.000000e+00 : f32
    %broadcast_in_dim3A = vector.broadcast %jit3A : f32 to vector<2528x128xf32>
    %select_n3A = arith.select %lt3A_16, %max3A_14, %broadcast_in_dim3A : vector<2528x128xi1>, vector<2528x128xf32>
    %reduce_sum3A = arith.constant dense<0.000000e+00> : vector<128xf32>
    %reduce_sum3A_17 = vector.multi_reduction <add>, %select_n3A, %reduce_sum3A [0] : vector<2528x128xf32> to vector<128xf32>
    %broadcast_in_dim3A_18 = vector.shape_cast %reduce_sum3A_17 : vector<128xf32> to vector<1x128xf32>
    %slice3A = vector.extract_strided_slice %broadcast_in_dim3A_18 {offsets = [0, 0], sizes = [1, 32], strides = [1, 1]} : vector<1x128xf32> to vector<1x32xf32>
    %slice3A_19 = vector.extract_strided_slice %broadcast_in_dim3A_18 {offsets = [0, 32], sizes = [1, 32], strides = [1, 1]} : vector<1x128xf32> to vector<1x32xf32>
    %add3A_20 = arith.addf %slice3A, %slice3A_19 : vector<1x32xf32>
    %slice3A_21 = vector.extract_strided_slice %broadcast_in_dim3A_18 {offsets = [0, 64], sizes = [1, 32], strides = [1, 1]} : vector<1x128xf32> to vector<1x32xf32>
    %add3A_22 = arith.addf %add3A_20, %slice3A_21 : vector<1x32xf32>
    %slice3A_23 = vector.extract_strided_slice %broadcast_in_dim3A_18 {offsets = [0, 96], sizes = [1, 32], strides = [1, 1]} : vector<1x128xf32> to vector<1x32xf32>
    %add3A_24 = arith.addf %add3A_22, %slice3A_23 : vector<1x32xf32>
    %get3A_25 = arith.constant 0 : index
    %get3A_26 = arith.constant 0 : index
    %get3A_27 = vector.load %arg3[%get3A_25, %get3A_26] : memref<32x32xf32, #tpu.memory_space<vmem>>, vector<32x32xf32>
    %dot_general3A = arith.constant dense<0.000000e+00> : vector<1x32xf32>
    %dot_general3A_28 = tpu.matmul %add3A_24, %get3A_27, %dot_general3A {dimension_numbers = #tpu.dot_dimension_numbers<[1], [0], [0], [1], [0, 0, 1, 1], [], []>, precision = #tpu.contract_precision<fp32>, transpose_lhs_hint = false} : vector<1x32xf32>, vector<32x32xf32>, vector<1x32xf32> -> vector<1x32xf32>
    %mul3A = arith.constant 9.99999974E-5 : f32
    %mul3A_29 = vector.broadcast %mul3A : f32 to vector<1x32xf32>
    %mul3A_30 = arith.mulf %dot_general3A_28, %mul3A_29 : vector<1x32xf32>
    %get3A_31 = arith.constant 0 : index
    %get3A_32 = vector.load %arg4[%get3A_31] : memref<32xf32, #tpu.memory_space<vmem>>, vector<32xf32>
    %reshape3A_33 = vector.shape_cast %get3A_32 : vector<32xf32> to vector<1x32xf32>
    %add3A_34 = arith.addf %mul3A_30, %reshape3A_33 : vector<1x32xf32>
    %swap3A = arith.constant 0 : index
    %swap3A_35 = arith.constant 0 : index
    %swap3A_36 = vector.load %arg5[%swap3A, %swap3A_35] : memref<1x32xf32, #tpu.memory_space<vmem>>, vector<1x32xf32>
    tpu.vector_store %arg5[%swap3A, %swap3A_35], %add3A_34 {strides = array<i32>} : memref<1x32xf32, #tpu.memory_space<vmem>>, vector<1x32xf32>,
    return
  }
}

module attributes {stable_mosaic.version = 14 : i64} {
  func.func @_tc_mid_body(%arg0: memref<2528x128xf32, #tpu.memory_space<vmem>>, %arg1: memref<5056x128xf32, #tpu.memory_space<vmem>>, %arg2: memref<32xf32, #tpu.memory_space<vmem>>, %arg3: memref<32x32xf32, #tpu.memory_space<vmem>>, %arg4: memref<32xf32, #tpu.memory_space<vmem>>, %arg5: memref<32x32xf32, #tpu.memory_space<vmem>>, %arg6: memref<2528x128xf32, #tpu.memory_space<vmem>>, %arg7: memref<1x32xf32, #tpu.memory_space<vmem>>) attributes {dimension_semantics = [], scalar_prefetch = 0 : i64, scratch_operands = 0 : i64, tpu.core_type = #tpu.core_type<tc>} {
    %get3A = arith.constant 0 : index
    %get3A_0 = arith.constant 0 : index
    %get3A_1 = vector.load %arg0[%get3A, %get3A_0] : memref<2528x128xf32, #tpu.memory_space<vmem>>, vector<2528x128xf32>
    %get3A_2 = arith.constant 0 : index
    %get3A_3 = arith.constant 0 : index
    %get3A_4 = vector.load %arg1[%get3A_2, %get3A_3] : memref<5056x128xf32, #tpu.memory_space<vmem>>, vector<2528x128xf32>
    %add3A = arith.addf %get3A_1, %get3A_4 : vector<2528x128xf32>
    %get3A_5 = arith.constant 2528 : index
    %get3A_6 = arith.constant 0 : index
    %get3A_7 = vector.load %arg1[%get3A_5, %get3A_6] : memref<5056x128xf32, #tpu.memory_space<vmem>>, vector<2528x128xf32>
    %add3A_8 = arith.addf %add3A, %get3A_7 : vector<2528x128xf32>
    %get3A_9 = arith.constant 0 : index
    %get3A_10 = vector.load %arg2[%get3A_9] : memref<32xf32, #tpu.memory_space<vmem>>, vector<32xf32>
    %reshape3A = vector.shape_cast %get3A_10 : vector<32xf32> to vector<1x32xf32>
    %concatenate3A = tpu.concatenate %reshape3A, %reshape3A, %reshape3A, %reshape3A in 1 : vector<1x32xf32>, vector<1x32xf32>, vector<1x32xf32>, vector<1x32xf32> -> vector<1x128xf32>
    %add3A_11 = vector.broadcast %concatenate3A : vector<1x128xf32> to vector<2528x128xf32>
    %add3A_12 = arith.addf %add3A_8, %add3A_11 : vector<2528x128xf32>
    %max3A = arith.constant 0.000000e+00 : f32
    %max3A_13 = vector.broadcast %max3A : f32 to vector<2528x128xf32>
    %max3A_14 = arith.maximumf %add3A_12, %max3A_13 : vector<2528x128xf32>
    %iota3A = tpu.iota {dimensions = array<i32: 0>} : vector<2528x128xi32>
    %lt3A = arith.constant 2500 : i32
    %lt3A_15 = vector.broadcast %lt3A : i32 to vector<2528x128xi32>
    %lt3A_16 = arith.cmpi slt, %iota3A, %lt3A_15 : vector<2528x128xi32>
    %jit3A = arith.constant 0.000000e+00 : f32
    %broadcast_in_dim3A = vector.broadcast %jit3A : f32 to vector<2528x128xf32>
    %select_n3A = arith.select %lt3A_16, %max3A_14, %broadcast_in_dim3A : vector<2528x128xi1>, vector<2528x128xf32>
    %get3A_17 = arith.constant 0 : index
    %get3A_18 = arith.constant 0 : index
    %get3A_19 = vector.load %arg3[%get3A_17, %get3A_18] : memref<32x32xf32, #tpu.memory_space<vmem>>, vector<32x32xf32>
    %get3A_20 = arith.constant 0 : index
    %get3A_21 = arith.constant 0 : index
    %get3A_22 = vector.load %arg5[%get3A_20, %get3A_21] : memref<32x32xf32, #tpu.memory_space<vmem>>, vector<32x32xf32>
    %dot_general3A = arith.constant dense<0.000000e+00> : vector<32x32xf32>
    %dot_general3A_23 = tpu.matmul %get3A_19, %get3A_22, %dot_general3A {dimension_numbers = #tpu.dot_dimension_numbers<[1], [0], [0], [1], [0, 0, 1, 1], [], []>, precision = #tpu.contract_precision<fp32>, transpose_lhs_hint = false} : vector<32x32xf32>, vector<32x32xf32>, vector<32x32xf32> -> vector<32x32xf32>
    %get3A_24 = arith.constant 0 : index
    %get3A_25 = vector.load %arg4[%get3A_24] : memref<32xf32, #tpu.memory_space<vmem>>, vector<32xf32>
    %reshape3A_26 = vector.shape_cast %get3A_25 : vector<32xf32> to vector<1x32xf32>
    %get3A_27 = arith.constant 0 : index
    %get3A_28 = arith.constant 0 : index
    %get3A_29 = vector.load %arg5[%get3A_27, %get3A_28] : memref<32x32xf32, #tpu.memory_space<vmem>>, vector<32x32xf32>
    %dot_general3A_30 = arith.constant dense<0.000000e+00> : vector<1x32xf32>
    %dot_general3A_31 = tpu.matmul %reshape3A_26, %get3A_29, %dot_general3A_30 {dimension_numbers = #tpu.dot_dimension_numbers<[1], [0], [0], [1], [0, 0, 1, 1], [], []>, precision = #tpu.contract_precision<fp32>, transpose_lhs_hint = false} : vector<1x32xf32>, vector<32x32xf32>, vector<1x32xf32> -> vector<1x32xf32>
    %concatenate3A_32 = tpu.concatenate %dot_general3A_23, %dot_general3A_23, %dot_general3A_23, %dot_general3A_23 in 1 : vector<32x32xf32>, vector<32x32xf32>, vector<32x32xf32>, vector<32x32xf32> -> vector<32x128xf32>
    %concatenate3A_33 = tpu.concatenate %concatenate3A_32, %concatenate3A_32, %concatenate3A_32, %concatenate3A_32 in 0 : vector<32x128xf32>, vector<32x128xf32>, vector<32x128xf32>, vector<32x128xf32> -> vector<128x128xf32>
    %iota3A_34 = tpu.iota {dimensions = array<i32: 0>} : vector<128x128xi32>
    %jit3A_35 = arith.constant 32 : i32
    %div3A = vector.broadcast %jit3A_35 : i32 to vector<128x128xi32>
    %div3A_36 = arith.divsi %iota3A_34, %div3A : vector<128x128xi32>
    %sign3A = arith.constant 0 : i32
    %sign3A_37 = vector.broadcast %sign3A : i32 to vector<128x128xi32>
    %sign3A_38 = arith.cmpi sgt, %iota3A_34, %sign3A_37 : vector<128x128xi32>
    %sign3A_39 = arith.extui %sign3A_38 : vector<128x128xi1> to vector<128x128xi32>
    %sign3A_40 = arith.constant 0 : i32
    %sign3A_41 = vector.broadcast %sign3A_40 : i32 to vector<128x128xi32>
    %sign3A_42 = arith.cmpi slt, %iota3A_34, %sign3A_41 : vector<128x128xi32>
    %sign3A_43 = arith.extui %sign3A_42 : vector<128x128xi1> to vector<128x128xi32>
    %sign3A_44 = arith.subi %sign3A_39, %sign3A_43 : vector<128x128xi32>
    %sign3A_45 = arith.constant 0 : i32
    %sign3A_46 = arith.cmpi sgt, %jit3A_35, %sign3A_45 : i32
    %sign3A_47 = arith.extui %sign3A_46 : i1 to i32
    %sign3A_48 = arith.constant 0 : i32
    %sign3A_49 = arith.cmpi slt, %jit3A_35, %sign3A_48 : i32
    %sign3A_50 = arith.extui %sign3A_49 : i1 to i32
    %sign3A_51 = arith.subi %sign3A_47, %sign3A_50 : i32
    %ne3A = vector.broadcast %sign3A_51 : i32 to vector<128x128xi32>
    %ne3A_52 = arith.cmpi ne, %sign3A_44, %ne3A : vector<128x128xi32>
    %rem3A = vector.broadcast %jit3A_35 : i32 to vector<128x128xi32>
    %rem3A_53 = arith.remsi %iota3A_34, %rem3A : vector<128x128xi32>
    %ne3A_54 = arith.constant 0 : i32
    %ne3A_55 = vector.broadcast %ne3A_54 : i32 to vector<128x128xi32>
    %ne3A_56 = arith.cmpi ne, %rem3A_53, %ne3A_55 : vector<128x128xi32>
    %and3A = arith.andi %ne3A_52, %ne3A_56 : vector<128x128xi1>
    %sub3A = arith.constant 1 : i32
    %sub3A_57 = vector.broadcast %sub3A : i32 to vector<128x128xi32>
    %sub3A_58 = arith.subi %div3A_36, %sub3A_57 : vector<128x128xi32>
    %select_n3A_59 = arith.select %and3A, %sub3A_58, %div3A_36 : vector<128x128xi1>, vector<128x128xi32>
    %iota3A_60 = tpu.iota {dimensions = array<i32: 1>} : vector<128x128xi32>
    %jit3A_61 = arith.constant 32 : i32
    %div3A_62 = vector.broadcast %jit3A_61 : i32 to vector<128x128xi32>
    %div3A_63 = arith.divsi %iota3A_60, %div3A_62 : vector<128x128xi32>
    %sign3A_64 = arith.constant 0 : i32
    %sign3A_65 = vector.broadcast %sign3A_64 : i32 to vector<128x128xi32>
    %sign3A_66 = arith.cmpi sgt, %iota3A_60, %sign3A_65 : vector<128x128xi32>
    %sign3A_67 = arith.extui %sign3A_66 : vector<128x128xi1> to vector<128x128xi32>
    %sign3A_68 = arith.constant 0 : i32
    %sign3A_69 = vector.broadcast %sign3A_68 : i32 to vector<128x128xi32>
    %sign3A_70 = arith.cmpi slt, %iota3A_60, %sign3A_69 : vector<128x128xi32>
    %sign3A_71 = arith.extui %sign3A_70 : vector<128x128xi1> to vector<128x128xi32>
    %sign3A_72 = arith.subi %sign3A_67, %sign3A_71 : vector<128x128xi32>
    %sign3A_73 = arith.constant 0 : i32
    %sign3A_74 = arith.cmpi sgt, %jit3A_61, %sign3A_73 : i32
    %sign3A_75 = arith.extui %sign3A_74 : i1 to i32
    %sign3A_76 = arith.constant 0 : i32
    %sign3A_77 = arith.cmpi slt, %jit3A_61, %sign3A_76 : i32
    %sign3A_78 = arith.extui %sign3A_77 : i1 to i32
    %sign3A_79 = arith.subi %sign3A_75, %sign3A_78 : i32
    %ne3A_80 = vector.broadcast %sign3A_79 : i32 to vector<128x128xi32>
    %ne3A_81 = arith.cmpi ne, %sign3A_72, %ne3A_80 : vector<128x128xi32>
    %rem3A_82 = vector.broadcast %jit3A_61 : i32 to vector<128x128xi32>
    %rem3A_83 = arith.remsi %iota3A_60, %rem3A_82 : vector<128x128xi32>
    %ne3A_84 = arith.constant 0 : i32
    %ne3A_85 = vector.broadcast %ne3A_84 : i32 to vector<128x128xi32>
    %ne3A_86 = arith.cmpi ne, %rem3A_83, %ne3A_85 : vector<128x128xi32>
    %and3A_87 = arith.andi %ne3A_81, %ne3A_86 : vector<128x128xi1>
    %sub3A_88 = arith.constant 1 : i32
    %sub3A_89 = vector.broadcast %sub3A_88 : i32 to vector<128x128xi32>
    %sub3A_90 = arith.subi %div3A_63, %sub3A_89 : vector<128x128xi32>
    %select_n3A_91 = arith.select %and3A_87, %sub3A_90, %div3A_63 : vector<128x128xi1>, vector<128x128xi32>
    %eq3A = arith.cmpi eq, %select_n3A_59, %select_n3A_91 : vector<128x128xi32>
    %jit3A_92 = arith.constant 0.000000e+00 : f32
    %broadcast_in_dim3A_93 = vector.broadcast %jit3A_92 : f32 to vector<128x128xf32>
    %select_n3A_94 = arith.select %eq3A, %concatenate3A_33, %broadcast_in_dim3A_93 : vector<128x128xi1>, vector<128x128xf32>
    %dot_general3A_95 = arith.constant dense<0.000000e+00> : vector<2528x128xf32>
    %dot_general3A_96 = tpu.matmul %select_n3A, %select_n3A_94, %dot_general3A_95 {dimension_numbers = #tpu.dot_dimension_numbers<[1], [0], [0], [1], [0, 0, 1, 1], [], []>, precision = #tpu.contract_precision<fp32>, transpose_lhs_hint = false} : vector<2528x128xf32>, vector<128x128xf32>, vector<2528x128xf32> -> vector<2528x128xf32>
    %concatenate3A_97 = tpu.concatenate %dot_general3A_31, %dot_general3A_31, %dot_general3A_31, %dot_general3A_31 in 1 : vector<1x32xf32>, vector<1x32xf32>, vector<1x32xf32>, vector<1x32xf32> -> vector<1x128xf32>
    %add3A_98 = vector.broadcast %concatenate3A_97 : vector<1x128xf32> to vector<2528x128xf32>
    %add3A_99 = arith.addf %dot_general3A_96, %add3A_98 : vector<2528x128xf32>
    %iota3A_100 = tpu.iota {dimensions = array<i32: 0>} : vector<2528x128xi32>
    %lt3A_101 = arith.constant 2500 : i32
    %lt3A_102 = vector.broadcast %lt3A_101 : i32 to vector<2528x128xi32>
    %lt3A_103 = arith.cmpi slt, %iota3A_100, %lt3A_102 : vector<2528x128xi32>
    %jit3A_104 = arith.constant 0.000000e+00 : f32
    %broadcast_in_dim3A_105 = vector.broadcast %jit3A_104 : f32 to vector<2528x128xf32>
    %select_n3A_106 = arith.select %lt3A_103, %add3A_99, %broadcast_in_dim3A_105 : vector<2528x128xi1>, vector<2528x128xf32>
    %swap3A = arith.constant 0 : index
    %swap3A_107 = arith.constant 0 : index
    %swap3A_108 = vector.load %arg6[%swap3A, %swap3A_107] : memref<2528x128xf32, #tpu.memory_space<vmem>>, vector<2528x128xf32>
    tpu.vector_store %arg6[%swap3A, %swap3A_107], %select_n3A_106 {strides = array<i32>} : memref<2528x128xf32, #tpu.memory_space<vmem>>, vector<2528x128xf32>,
    %reduce_sum3A = arith.constant dense<0.000000e+00> : vector<128xf32>
    %reduce_sum3A_109 = vector.multi_reduction <add>, %select_n3A, %reduce_sum3A [0] : vector<2528x128xf32> to vector<128xf32>
    %broadcast_in_dim3A_110 = vector.shape_cast %reduce_sum3A_109 : vector<128xf32> to vector<1x128xf32>
    %slice3A = vector.extract_strided_slice %broadcast_in_dim3A_110 {offsets = [0, 0], sizes = [1, 32], strides = [1, 1]} : vector<1x128xf32> to vector<1x32xf32>
    %slice3A_111 = vector.extract_strided_slice %broadcast_in_dim3A_110 {offsets = [0, 32], sizes = [1, 32], strides = [1, 1]} : vector<1x128xf32> to vector<1x32xf32>
    %add3A_112 = arith.addf %slice3A, %slice3A_111 : vector<1x32xf32>
    %slice3A_113 = vector.extract_strided_slice %broadcast_in_dim3A_110 {offsets = [0, 64], sizes = [1, 32], strides = [1, 1]} : vector<1x128xf32> to vector<1x32xf32>
    %add3A_114 = arith.addf %add3A_112, %slice3A_113 : vector<1x32xf32>
    %slice3A_115 = vector.extract_strided_slice %broadcast_in_dim3A_110 {offsets = [0, 96], sizes = [1, 32], strides = [1, 1]} : vector<1x128xf32> to vector<1x32xf32>
    %add3A_116 = arith.addf %add3A_114, %slice3A_115 : vector<1x32xf32>
    %get3A_117 = arith.constant 0 : index
    %get3A_118 = arith.constant 0 : index
    %get3A_119 = vector.load %arg3[%get3A_117, %get3A_118] : memref<32x32xf32, #tpu.memory_space<vmem>>, vector<32x32xf32>
    %dot_general3A_120 = arith.constant dense<0.000000e+00> : vector<1x32xf32>
    %dot_general3A_121 = tpu.matmul %add3A_116, %get3A_119, %dot_general3A_120 {dimension_numbers = #tpu.dot_dimension_numbers<[1], [0], [0], [1], [0, 0, 1, 1], [], []>, precision = #tpu.contract_precision<fp32>, transpose_lhs_hint = false} : vector<1x32xf32>, vector<32x32xf32>, vector<1x32xf32> -> vector<1x32xf32>
    %mul3A = arith.constant 9.99999974E-5 : f32
    %mul3A_122 = vector.broadcast %mul3A : f32 to vector<1x32xf32>
    %mul3A_123 = arith.mulf %dot_general3A_121, %mul3A_122 : vector<1x32xf32>
    %get3A_124 = arith.constant 0 : index
    %get3A_125 = vector.load %arg4[%get3A_124] : memref<32xf32, #tpu.memory_space<vmem>>, vector<32xf32>
    %reshape3A_126 = vector.shape_cast %get3A_125 : vector<32xf32> to vector<1x32xf32>
    %add3A_127 = arith.addf %mul3A_123, %reshape3A_126 : vector<1x32xf32>
    %swap3A_128 = arith.constant 0 : index
    %swap3A_129 = arith.constant 0 : index
    %swap3A_130 = vector.load %arg7[%swap3A_128, %swap3A_129] : memref<1x32xf32, #tpu.memory_space<vmem>>, vector<1x32xf32>
    tpu.vector_store %arg7[%swap3A_128, %swap3A_129], %add3A_127 {strides = array<i32>} : memref<1x32xf32, #tpu.memory_space<vmem>>, vector<1x32xf32>,
    return
  }
}

</mosaic_0001>

<sc_bundles>
// kernel: kernel.10.cloned.1.call-start
scs
__scs_entry_jumppad:
0x0: {  	(pc) =	sbr.rel $0x88, $3  }
0x1: {  	(tag) =	ssettag $0x0;
	lr =	simm.s32 $0x1  }
0x2: {  	[smem:$0x3F93] =	sst lr;
	_ =	strace $0xD0000000  }
0x3: {  	_ = 	snop  }
0x4: {  	_ = 	snop  }
0x5: {  	_ = 	snop  }
0x6: {  	_ = 	snop  }
0x7: {  	_ = 	snop  }
__scs_overlays_trampoline_lowered:
0x8: {  	[smem:$0x3FA2] =	sst s0  }
0x9: {  	[smem:$0x3FA3] =	sst s1  }
0xa: {  	[smem:$0x3FA4] =	sst s2  }
0xb: {  	[smem:$0x3FA5] =	sst s3  }
0xc: {  	[smem:$0x3FA6] =	sst s4  }
0xd: {  	[smem:$0x3FA7] =	sst s5  }
0xe: {  	[smem:$0x3FA8] =	sst s6  }
0xf: {  	[smem:$0x3FA9] =	sst s7  }
0x10: {  	[smem:$0x3FAA] =	sst s8  }
0x11: {  	[smem:$0x3FAB] =	sst s9;
	s0 =	simm.s32 @!p0 $0x0  }
0x12: {  	s1 =	sld [smem:$0x3F91];
	s0 =	simm.s32 @p0 $0x1  }
0x13: {  	[smem:$0x3FAC] =	sst s0;
	s0 =	simm.s32 @!p1 $0x0  }
0x14: {  	s2 =	sld [smem:$0x3F90];
	s0 =	simm.s32 @p1 $0x1  }
0x15: {  	[smem:$0x3FAD] =	sst s0;
	s0 =	simm.s32 @!p2 $0x0  }
0x16: {  	s3 =	sld [smem:$0x3FDB];
	s0 =	simm.s32 @p2 $0x1  }
0x17: {  	s4 =	simm.s32 $0x1BF5;
	[smem:$0x3FAF] =	sst s0  }
0x18: {  	s0 =	sld [smem:$0x3F92];
	_ =	swait.ge [sflag:s4], $0x0  }
0x19: {  	s7 =	sld [smem:$0x3F93]  }
0x1a: {  	s8 =	sadd.s32 $0xFFFFE003, lr  }
0x1b: {  	s9 =	sadd.s32 $0xFFFFFEF7, lr;
	s5 =	simm.s32 $0xFFFFFFFF;
	p2 =	slt.u32 s8, $0xFFFFF086  }
0x1c: {  	p1 =	slt.u32 s9, $0xF7A;
	s5 =	simm.s32 @!p2 $0x0  }
0x1d: {  	s5 =	simm.s32 @p1 $0x1;
	p0 =	seq.s32 s7, s2  }
0x1e: {  	s7 =	smul.u32 @!p0 $0xF7A, s2;
	p2 =	seq.s32 @!p0 s5, $0x0  }
0x1f: {  	s9 =	smul.u32 $0xF7A, s1;
	s8 =	simm.s32 @!p0 $0x1BF5;
	p2 =	por !p2, p0  }
0x20: {  	[sflag:s8] =	ssyncset.s32 @!p0 $0xFFFFF086;
	s6 =	sadd.s32 @!p0 s3, s7;
	s7 =	simm.s32 @!p0 $0x108  }
0x21: {  	s3 =	sadd.s32 s3, s9;
	s6 =	sadd.s32 @!p0 $0x88, s6;
	s7 =	simm.s32 @p2 $0x1082  }
0x22: {  	[simem:s7], [sflag:s8] =	dma.local @!p0 [hbm:s6], $0xF7A  }
0x23: {  	s9 =	sor.u32 $0xD0000000, s2;
	s6 =	simm.s32 $0x108;
	_ =	swait.ge @!p0 [sflag:s8], $0x0  }
0x24: {  	s3 =	sadd.s32 $0x88, s3;
	s6 =	simm.s32 @!p1 $0x1082;
	[sflag:s4] =	ssyncset.s32 $0xFFFFF086  }
0x25: {  	[simem:s6], [sflag:s4] =	dma.local [hbm:s3], $0xF7A  }
0x26: {  	[smem:$0x3F93] =	sst s1;
	(tag) =	ssettag s2;
	_ =	strace s9  }
0x27: {  	s1 =	sld [smem:$0x3FA3]  }
0x28: {  	s2 =	sld [smem:$0x3FA4]  }
0x29: {  	s4 =	sld [smem:$0x3FA6]  }
0x2a: {  	p0 =	seq.s32 s5, $0x0;
	s5 =	sld [smem:$0x3FA7]  }
0x2b: {  	s6 =	sld [smem:$0x3FA8]  }
0x2c: {  	s7 =	sld [smem:$0x3FA9]  }
0x2d: {  	s3 =	simm.s32 $0x108;
	s8 =	sld [smem:$0x3FAA]  }
0x2e: {  	s3 =	simm.s32 @!p0 $0x1082;
	s9 =	sld [smem:$0x3FAB]  }
0x2f: {  	lr =	sadd.s32 s0, s3;
	s0 =	sld [smem:$0x3FA2]  }
0x30: {  	s3 =	sld [smem:$0x3FA5]  }
0x31: {  	[smem:$0x3FAE] =	sst s10  }
0x32: {  	s10 =	sld [smem:$0x3FAC];
	_ =	sdelay $0x3  }
0x33: {  	p0 =	seq.s32 s10, $0x1;
	s10 =	sld [smem:$0x3FAE];
	_ =	sdelay $0x3  }
0x34: {  	[smem:$0x3FAE] =	sst s10  }
0x35: {  	s10 =	sld [smem:$0x3FAD];
	_ =	sdelay $0x3  }
0x36: {  	p1 =	seq.s32 s10, $0x1;
	s10 =	sld [smem:$0x3FAE];
	_ =	sdelay $0x3  }
0x37: {  	[smem:$0x3FAE] =	sst s10  }
0x38: {  	s10 =	sld [smem:$0x3FAF]  }
0x39: {  	_ = 	snop;
	(pc) =	sbr.ind lr, $3  }
0x3a: {  	_ = 	snop  }
0x3b: {  	_ = 	snop  }
0x3c: {  	p2 =	seq.s32 s10, $0x1;
	s10 =	sld [smem:$0x3FAE]  }
0x3d: {  	_ =	shalt  }
0x3e: {  	_ =	shalt  }
0x3f: {  	_ =	shalt  }
0x40: {  	_ =	shalt  }
0x41: {  	_ =	shalt  }
0x42: {  	_ =	shalt  }
0x43: {  	_ =	shalt  }
0x44: {  	_ =	shalt  }
0x45: {  	_ =	shalt  }
0x46: {  	_ =	shalt  }
0x47: {  	_ =	shalt  }
0x48: {  	_ =	shalt  }
0x49: {  	_ =	shalt  }
0x4a: {  	_ =	shalt  }
0x4b: {  	_ =	shalt  }
0x4c: {  	_ =	shalt  }
0x4d: {  	_ =	shalt  }
0x4e: {  	_ =	shalt  }
0x4f: {  	_ =	shalt  }
0x50: {  	_ =	shalt  }
0x51: {  	_ =	shalt  }
0x52: {  	_ =	shalt  }
0x53: {  	_ =	shalt  }
0x54: {  	_ =	shalt  }
0x55: {  	_ =	shalt  }
0x56: {  	_ =	shalt  }
0x57: {  	_ =	shalt  }
0x58: {  	_ =	shalt  }
0x59: {  	_ =	shalt  }
0x5a: {  	_ =	shalt  }
0x5b: {  	_ =	shalt  }
0x5c: {  	_ =	shalt  }
0x5d: {  	_ =	shalt  }
0x5e: {  	_ =	shalt  }
0x5f: {  	_ =	shalt  }
0x60: {  	_ =	shalt  }
0x61: {  	_ =	shalt  }
0x62: {  	_ =	shalt  }
0x63: {  	_ =	shalt  }
0x64: {  	_ =	shalt  }
0x65: {  	_ =	shalt  }
0x66: {  	_ =	shalt  }
0x67: {  	_ =	shalt  }
0x68: {  	_ =	shalt  }
0x69: {  	_ =	shalt  }
0x6a: {  	_ =	shalt  }
0x6b: {  	_ =	shalt  }
0x6c: {  	_ =	shalt  }
0x6d: {  	_ =	shalt  }
0x6e: {  	_ =	shalt  }
0x6f: {  	_ =	shalt  }
0x70: {  	_ =	shalt  }
0x71: {  	_ =	shalt  }
0x72: {  	_ =	shalt  }
0x73: {  	_ =	shalt  }
0x74: {  	_ =	shalt  }
0x75: {  	_ =	shalt  }
0x76: {  	_ =	shalt  }
0x77: {  	_ =	shalt  }
0x78: {  	_ =	shalt  }
0x79: {  	_ =	shalt  }
0x7a: {  	_ =	shalt  }
0x7b: {  	_ =	shalt  }
0x7c: {  	_ =	shalt  }
0x7d: {  	_ =	shalt  }
0x7e: {  	_ =	shalt  }
0x7f: {  	_ =	shalt  }
0x80: {  	_ =	shalt  }
0x81: {  	_ =	shalt  }
0x82: {  	_ =	shalt  }
0x83: {  	_ =	shalt  }
0x84: {  	_ =	shalt  }
0x85: {  	_ =	shalt  }
0x86: {  	_ =	shalt  }
0x87: {  	_ =	shalt  }
.Lfunc_end0:
.L_simem_size_0:
called_computation_lowered:
.L_overlay_start_0:
0x88: {  	s2 =	sld [smem:$0x3FD9]  }
0x89: {  	s3 =	sld [smem:$0x3FFE];
	_ =	sdelay $0x1  }
0x8a: {  	s1 =	srdreg.scid  }
0x8b: {  	s0 =	sand.u32 $0x1, s1  }
0x8c: {  	s16 =	sshll.u32 s0, $0xA;
	s2 =	sadd.s32 s3, s2  }
0x8d: {  	s2 =	sadd.s32 s2, s16  }
0x8e: {  	[smem:$0x3FBA] =	sst s2  }
0x8f: {  	_ = 	snop  }
0x90: {  	(tm) =	ssettm $0x1  }
0x91: {  	s17 =	sld [smem:$0x3FFB];
	_ =	sdelay $0x3  }
0x92: {  	_ =	strace s17  }
0x93: {  	s2 =	sld [smem:$0x3FFC];
	_ =	sdelay $0x3  }
0x94: {  	_ =	strace s2  }
0x95: {  	s2 =	sld [smem:$0x3FFD];
	_ =	sdelay $0x3  }
0x96: {  	_ =	strace s2  }
0x97: {  	_ =	strace $0x8FFFFFFF  }
0x98: {  	s18 =	sld [smem:$0x3FDB];
	_ =	sdelay $0x1  }
0x99: {  	s19 =	simm.s32 $_scs_section_size  }
0x9a: {  	s4 =	simm.s32 $_size__tile_overlayer_lowered;
	s5 =	simm.s32 $_tile_overlayer_lowered  }
0x9b: {  	s22 =	simm.s32 $0x1BFF;
	s21 =	sshll.u32 s5, $0x1;
	s2 =	sadd.s32 s19, s18  }
0x9c: {  	s6 =	simm.s32 $0x0;
	s20 =	sshll.u32 s4, $0x1;
	s4 =	sadd.s32 s21, s2  }
0x9d: {  	[timem:s6], [sflag:s22] =	dma.local [hbm:s4], s20  }
0x9e: {  	_ =	swait.ge [sflag:s22], s20  }
0x9f: {  	s3 =	ssub.s32 $0x0, s20;
	[sflag:s22] =	ssyncset.done $0x0  }
0xa0: {  	[sflag:s22] =	ssyncadd.s32 s3;
	_ =	sdelay $0x1  }
0xa1: {  	s23 =	simm.s32 $0x1B8B  }
0xa2: {  	_ =	swait.ge [sflag:s23], $0x1  }
0xa3: {  	[sflag:s23] =	ssyncset.done $0x0  }
0xa4: {  	s25 =	simm.s32 $0x1B8E;
	s24 =	sld [smem:$0x3FFE];
	[sflag:s23] =	ssyncadd.s32 $0xFFFFFFFF  }
0xa5: {  	s26 =	simm.s32 $execute0_lowered;
	[smem:$0x3FD2] =	sst s25  }
0xa6: {  	s4 =	sshll.u32 s26, $0x1;
	_ =	strace $0x80000046;
	[dreg:$0x1] =	wrdreg $0xFFFFFFFF  }
0xa7: {  	s28 =	simm.s32 $_size_execute0_lowered;
	s2 =	sadd.s32 s2, s4;
	[dreg:$0x0] =	wrdreg $0x0  }
0xa8: {  	s4 =	sshll.u32 s28, $0x1;
	[dreg:$0x2] =	wrdreg s2  }
0xa9: {  	[dreg:$0x3] =	wrdreg s4  }
0xaa: {  	[dreg:$0x4] =	wrdreg $0xC0  }
0xab: {  	_ =	task [dreg:s6], $0x5FFFF  }
0xac: {  	[dreg:$0x1] =	wrdreg $0xFFFFFFFF  }
0xad: {  	[dreg:$0x0] =	wrdreg $0x60  }
0xae: {  	[dreg:$0x2] =	wrdreg s24  }
0xaf: {  	[dreg:$0x3] =	wrdreg $0xA0000  }
0xb0: {  	[dreg:$0x4] =	wrdreg $0xEF000  }
0xb1: {  	[dreg:$0x5] =	wrdreg $0x9  }
0xb2: {  	_ =	task.clear_ibuf [dreg:s6], $0x6FFFF;
	_ =	strace $0x90000046  }
0xb3: {  	s29 =	simm.s32 $0x9;
	_ =	strace $0x80000048  }
0xb4: {  	_ =	swait.ge [sflag:s29], $0x1  }
0xb5: {  	[sflag:s29] =	ssyncadd.s32 $0xFFFFFFFF  }
0xb6: {  	_ =	strace $0x90000048  }
0xb7: {  	_ =	sfence  }
0xb8: {  	s30 =	sld [smem:$0x0];
	_ =	sdelay $0x2  }
0xb9: {  	s31 =	sshll.u32 s1, $0xD;
	s1 =	sshrl.u32 s1, $0x2  }
0xba: {  	s3 =	sand.u32 $0x4000, s31;
	s1 =	sadd.s32 s1, s30  }
0xbb: {  	s0 =	sor.u32 s3, s0;
	s1 =	sshll.u32 s1, $0x11  }
0xbc: {  	s0 =	sor.u32 s1, s0  }
0xbd: {  	s0 =	sadd.s32 $0x8F2B, s0  }
0xbe: {  	[sflag:s0] =	ssyncadd.remote.s32 $0x1  }
0xbf: {  	_ =	sfence.sel $0xFFFF  }
0xc0: {  	[dreg:$0x0] =	wrdreg $0xFFFFFFFF;
	(pc) =	sbr.abs _section_cstart, $3  }
0xc1: {  	[dreg:$0x1] =	wrdreg $0xFFFFFFFF  }
0xc2: {  	_ =	task.clear_ibuf [dreg:s6], $0x2FFFF;
	_ =	strace $0x9FFFFFFF  }
0xc3: {  	(tm) =	ssettm $0x7FFFFFFF  }
tec
execute0_lowered:
.L_overlay_start_1:
0x0: {  	(tag) =	ssettag $0x1  }
0x1: {  	s0 =	rddreg [dreg:$0x0]  }
0x2: {  	s1 =	rddreg [dreg:$0x1];
	s2 =	srdreg.scid  }
0x3: {  	s3 =	rddreg [dreg:$0x2];
	s9 =	stileid.u32  }
0x4: {  	s4 =	simm.s32 $0x0;
	s13 =	simm.s32 $0x18D00;
	s15 =	simm.s32 $0x1  }
0x5: {  	s17 =	simm.s32 $0x6;
	s18 =	simm.s32 $0x2;
	s19 =	simm.s32 $0x3  }
0x6: {  	s20 =	simm.s32 $0x80;
	s21 =	simm.s32 $0x5000;
	s22 =	simm.s32 $0x6000  }
0x7: {  	s30 =	simm.s32 $0x9000;
	s23 =	simm.s32 $0x7;
	s28 =	simm.s32 $0x4  }
0x8: {  	s31 =	simm.s32 $0x8;
	s29 =	simm.s32 $0x9;
	s6 =	smul.u32 $0x9E0, s9  }
0x9: {  	s2 =	sand.u32 $0x1, s2;
	[smem:$0x7FF] =	sst s4;
	s10 =	smul.u32 $0x4F00, s9  }
0xa: {  	s11 =	sadd.s32 $0x17C00, s0;
	s26 =	sshll.u32 s9, $0x6;
	s5 =	sshll.u32 s2, $0x4  }
0xb: {  	_ =	strace $0x80000047;
	s7 =	smul.u32 $0x9E00, s2;
	s2 =	ssub.s32 $0x2, s2  }
0xc: {  	[dreg:$0x4] =	wrdreg s11;
	s5 =	sor.u32 s9, s5;
	s8 =	sadd.s32 s6, s0  }
0xd: {  	s24 =	sshrl.u32 s2, $0x1;
	s5 =	smul.u32 $0x500, s5;
	s6 =	sadd.s32 s6, s7  }
0xe: {  	s2 =	ssub.s32 s2, s24;
	s25 =	sadd.s32 $0xDE00, s8;
	s7 =	sadd.s32 s10, s1  }
0xf: {  	s8 =	sor.u32 $0x1C02, s26;
	s10 =	sadd.s32 s10, s3;
	s24 =	simm.s32 $0x7000  }
0x10: {  	s26 =	simm.s32 $0x8000;
	[dreg:$0x5] =	wrdreg s25;
	s12 =	smax.u32 s2, $0x1  }
0x11: {  	s14 =	sshrl.u32 s7, $0x3;
	s2 =	simm.s32 $0x5;
	s5 =	sadd.s32 s5, s0  }
0x12: {  	s25 =	simm.s32 $0xB;
	s0 =	sadd.s32 s6, s0;
	s9 =	sadd.s32 $0x3E00, s5  }
0x13: {  	s11 =	sadd.s32 $0x18600, s0;
	s0 =	simm.s32 $0xA;
	s5 =	simm.s32 $0x0  }
.LBB2_1:
0x14: {  	s6 =	rddreg [dreg:$0x5]  }
0x15: {  	s16 =	rddreg [dreg:$0x4]  }
0x16: {  	[tilespmem:s13], [sflag:$0x1] =	stream.linear.gather [hbm4b:s6+s4], $0x4F00, $0x38;
	[tilespmem:$0x1DC00] =	vst v63  }
0x17: {  	[spmem:s14], [sflag:s8] =	dma.local [hbm:s16], $0x9E0  }
0x18: {  	[tilespmem:s4], [sflag:$0x6] =	stream.linear.gather [hbm4b:s9+s4], $0x2800, $0x38;
	[tilespmem:$0x1DC00] =	vst v63  }
0x19: {  	_ =	swait.ge [sflag:s15], $0x4F00  }
0x1a: {  	[sflag:s15] =	ssyncset.done $0x0  }
0x1b: {  	s6 =	simm.s32 $0x0;
	[sflag:s15] =	ssyncadd.s32 $0xFFFFB100  }
0x1c: {  	v3 =	vld [tilespmem:s6+$0x18D70]  }
0x1d: {  	v4 =	vld [tilespmem:s6+$0x18D00]  }
0x1e: {  	v5 =	vld [tilespmem:s6+$0x18D10]  }
0x1f: {  	v2 =	vld [tilespmem:s6+$0x18D20]  }
0x20: {  	v0 =	vld [tilespmem:s6+$0x18D30]  }
0x21: {  	v1 =	vld [tilespmem:s6+$0x18D40];
	[tilespmem:s6+$0x13E70] =	vst v3  }
0x22: {  	[tilespmem:s6+$0x13E00] =	vst v4;
	v3 =	vld [tilespmem:s6+$0x18D50]  }
0x23: {  	s13 =	simm.s32 $0x80;
	s16 =	simm.s32 $0x400;
	[tilespmem:s6+$0x13E10] =	vst v5;
	v4 =	vld [tilespmem:s6+$0x18D60]  }
.LBB2_2:
0x24: {  	p0 =	sne.s32 s16, $0x13A00;
	v5 =	vld [tilespmem:s13+$0x18D70];
	[tilespmem:s6+$0x13E20] =	vst v2  }
0x25: {  	v6 =	vld [tilespmem:s13+$0x18D00];
	[tilespmem:s6+$0x13E30] =	vst v0  }
0x26: {  	v7 =	vld [tilespmem:s13+$0x18D10];
	[tilespmem:s6+$0x13E40] =	vst v1  }
.Ltmp0:
0x27: {  	v2 =	vld [tilespmem:s13+$0x18D20];
	[tilespmem:s6+$0x13E50] =	vst v3;
	(pc) =	sbr.rel @p0 .LBB2_2-.Ltmp0, $4  }
0x28: {  	v0 =	vld [tilespmem:s13+$0x18D30];
	[tilespmem:s6+$0x13E60] =	vst v4;
	s6 =	smov.u32 s13  }
0x29: {  	v1 =	vld [tilespmem:s6+$0x18D40];
	[tilespmem:s6+$0x13E70] =	vst v5  }
0x2a: {  	[tilespmem:s6+$0x13E00] =	vst v6;
	v3 =	vld [tilespmem:s6+$0x18D50]  }
0x2b: {  	s13 =	sshra.s32 s16, $0x2;
	s16 =	sadd.s32 $0x200, s16;
	[tilespmem:s6+$0x13E10] =	vst v7;
	v4 =	vld [tilespmem:s6+$0x18D60]  }
0x2c: {  	v5 =	vld [tilespmem:s13+$0x18D70];
	[tilespmem:s6+$0x13E20] =	vst v2  }
0x2d: {  	v2 =	vld [tilespmem:s13+$0x18D00];
	[tilespmem:s6+$0x13E30] =	vst v0  }
0x2e: {  	v0 =	vld [tilespmem:s13+$0x18D10];
	[tilespmem:s6+$0x13E40] =	vst v1  }
0x2f: {  	v1 =	vld [tilespmem:s13+$0x18D20];
	[tilespmem:s6+$0x13E50] =	vst v3  }
0x30: {  	v3 =	vld [tilespmem:s13+$0x18D30];
	[tilespmem:s6+$0x13E60] =	vst v4  }
0x31: {  	v4 =	vld [tilespmem:s13+$0x18D40];
	[tilespmem:s13+$0x13E70] =	vst v5  }
0x32: {  	[tilespmem:s13+$0x13E00] =	vst v2;
	v2 =	vld [tilespmem:s13+$0x18D50]  }
0x33: {  	[tilespmem:s13+$0x13E10] =	vst v0;
	v0 =	vld [tilespmem:s13+$0x18D60]  }
0x34: {  	[tilespmem:s13+$0x13E20] =	vst v1  }
0x35: {  	[tilespmem:s13+$0x13E30] =	vst v3  }
0x36: {  	[tilespmem:s13+$0x13E40] =	vst v4  }
0x37: {  	[tilespmem:s13+$0x13E50] =	vst v2  }
0x38: {  	s16 =	simm.s32 $0x13E00;
	[tilespmem:s13+$0x13E60] =	vst v0  }
0x39: {  	[spmem:s10] =	stream.linear.scatter [tilespmem:s16], [sflag:$0x3], $0x4F00, $0x38;
	[tilespmem:$0x1DC00] =	vst v63  }
0x3a: {  	_ =	swait.ge [sflag:s17], $0x2800  }
0x3b: {  	[sflag:s17] =	ssyncset.done $0x0  }
0x3c: {  	s13 =	simm.s32 $0x0;
	[sflag:s17] =	ssyncadd.s32 $0xFFFFD800  }
0x3d: {  	v0 =	vld [tilespmem:s13+$0x0]  }
0x3e: {  	v3 =	vld [tilespmem:s13+$0x10]  }
0x3f: {  	v5 =	vld [tilespmem:s13+$0x20]  }
0x40: {  	v4 =	vld [tilespmem:s13+$0x30]  }
0x41: {  	v1 =	vld [tilespmem:s13+$0x40]  }
0x42: {  	v2 =	vld [tilespmem:s13+$0x50];
	v6 =	vshra.s32 v0, $0x10  }
0x43: {  	s6 =	simm.s32 $0x200;
	v0 =	vand.u32 $0xFFFF, v0;
	v7 =	vshra.s32 v3, $0x10;
	v3 =	vand.u32 $0xFFFF, v3;
	[tilespmem:s13+$0x0] =	vst v6;
	v6 =	vld [tilespmem:s13+$0x60]  }
.LBB2_4:
0x44: {  	p0 =	sne.s32 s6, $0x9E00;
	[tilespmem:s13+$0x10] =	vst v7;
	v7 =	vshra.s32 v5, $0x10;
	v5 =	vand.u32 $0xFFFF, v5;
	v8 =	vld [tilespmem:s13+$0x70]  }
0x45: {  	[tilespmem:s13+$0x20] =	vst v7;
	v7 =	vshra.s32 v4, $0x10;
	v4 =	vand.u32 $0xFFFF, v4  }
0x46: {  	[tilespmem:s13+$0x30] =	vst v7;
	v7 =	vshra.s32 v1, $0x10;
	v1 =	vand.u32 $0xFFFF, v1  }
0x47: {  	[tilespmem:s13+$0x40] =	vst v7;
	v7 =	vshra.s32 v2, $0x10;
	v2 =	vand.u32 $0xFFFF, v2  }
0x48: {  	[tilespmem:s13+$0x50] =	vst v7;
	v7 =	vshra.s32 v6, $0x10;
	v6 =	vand.u32 $0xFFFF, v6  }
0x49: {  	[tilespmem:s13+$0x60] =	vst v7;
	v7 =	vshra.s32 v8, $0x10;
	v8 =	vand.u32 $0xFFFF, v8  }
0x4a: {  	[tilespmem:s13+$0x70] =	vst v7  }
0x4b: {  	[tilespmem:s13+$0x2800] =	vst v0  }
0x4c: {  	s16 =	sshra.s32 s6, $0x2;
	[tilespmem:s13+$0x2810] =	vst v3  }
0x4d: {  	v0 =	vld [tilespmem:s16+$0x0];
	[tilespmem:s13+$0x2820] =	vst v5  }
0x4e: {  	v3 =	vld [tilespmem:s16+$0x10];
	[tilespmem:s13+$0x2830] =	vst v4  }
.Ltmp1:
0x4f: {  	v5 =	vld [tilespmem:s16+$0x20];
	[tilespmem:s13+$0x2840] =	vst v1;
	(pc) =	sbr.rel @p0 .LBB2_4-.Ltmp1, $4  }
0x50: {  	v4 =	vld [tilespmem:s16+$0x30];
	[tilespmem:s13+$0x2850] =	vst v2  }
0x51: {  	v1 =	vld [tilespmem:s16+$0x40];
	[tilespmem:s13+$0x2860] =	vst v6  }
0x52: {  	v6 =	vshra.s32 v0, $0x10;
	v0 =	vand.u32 $0xFFFF, v0;
	v2 =	vld [tilespmem:s16+$0x50];
	[tilespmem:s13+$0x2870] =	vst v8;
	s13 =	smov.u32 s16  }
0x53: {  	s6 =	sadd.s32 $0x200, s6;
	[tilespmem:s13+$0x0] =	vst v6;
	v7 =	vshra.s32 v3, $0x10;
	v3 =	vand.u32 $0xFFFF, v3;
	v6 =	vld [tilespmem:s13+$0x60]  }
0x54: {  	[tilespmem:s13+$0x10] =	vst v7  }
0x55: {  	[tilespmem:s13+$0x2800] =	vst v0  }
0x56: {  	v52 =	vshra.s32 v5, $0x10;
	[tilespmem:s13+$0x2810] =	vst v3  }
0x57: {  	v58 =	vand.u32 $0xFFFF, v5;
	[tilespmem:s13+$0x20] =	vst v52  }
0x58: {  	v53 =	vshra.s32 v4, $0x10;
	[tilespmem:s13+$0x2820] =	vst v58  }
0x59: {  	v59 =	vand.u32 $0xFFFF, v4;
	[tilespmem:s13+$0x30] =	vst v53  }
0x5a: {  	v54 =	vshra.s32 v1, $0x10;
	[tilespmem:s13+$0x2830] =	vst v59  }
0x5b: {  	v8 =	vld [tilespmem:s13+$0x70];
	v60 =	vand.u32 $0xFFFF, v1;
	[tilespmem:s13+$0x40] =	vst v54  }
0x5c: {  	v55 =	vshra.s32 v2, $0x10;
	[tilespmem:s13+$0x2840] =	vst v60  }
0x5d: {  	v61 =	vand.u32 $0xFFFF, v2;
	[tilespmem:s13+$0x50] =	vst v55  }
0x5e: {  	v56 =	vshra.s32 v6, $0x10;
	[tilespmem:s13+$0x2850] =	vst v61  }
0x5f: {  	v62 =	vand.u32 $0xFFFF, v6;
	[tilespmem:s13+$0x60] =	vst v56  }
0x60: {  	v57 =	vshra.s32 v8, $0x10;
	[tilespmem:s13+$0x2860] =	vst v62  }
0x61: {  	v63 =	vand.u32 $0xFFFF, v8;
	[tilespmem:s13+$0x70] =	vst v57  }
0x62: {  	[tilespmem:s13+$0x2870] =	vst v63  }
0x63: {  	_ =	swait.ge [sflag:s18], $0x9E0  }
0x64: {  	[sflag:s18] =	ssyncset.done $0x0  }
0x65: {  	[sflag:s18] =	ssyncadd.s32 $0xFFFFF620  }
0x66: {  	_ =	swait.ge [sflag:s19], $0x4F00  }
0x67: {  	[sflag:s19] =	ssyncset.done $0x0  }
0x68: {  	[sflag:s19] =	ssyncadd.s32 $0xFFFFB100  }
0x69: {  	s6 =	simm.s32 $0x0;
	[bflag:$0x0] =	sbarrier.arrive $0xFFFF  }
0x6a: {  	[tilespmem:s21], [sflag:$0x1] =	stream.indirect.gather [spmem:s3], $0x20, s6, s20, $0xb8;
	[tilespmem:$0x1DC00] =	vst v63  }
0x6b: {  	_ = 	snop  }
0x6c: {  	[tilespmem:s22], [sflag:$0x2] =	stream.indirect.gather [spmem:s3], $0x20, s20, s20, $0xb8;
	[tilespmem:$0x1DC00] =	vst v63  }
0x6d: {  	s13 =	simm.s32 $0x100  }
0x6e: {  	[tilespmem:s24], [sflag:$0x3] =	stream.indirect.gather [spmem:s3], $0x20, s13, s20, $0xb8;
	[tilespmem:$0x1DC00] =	vst v63  }
0x6f: {  	s16 =	simm.s32 $0x180  }
0x70: {  	[tilespmem:s26], [sflag:$0x4] =	stream.indirect.gather [spmem:s3], $0x20, s16, s20, $0xb8;
	[tilespmem:$0x1DC00] =	vst v63  }
0x71: {  	_ =	swait.ge [sflag:s15], $0x1000  }
0x72: {  	[sflag:s15] =	ssyncset.done $0x0  }
0x73: {  	s13 =	simm.s32 $0x2800;
	[sflag:s15] =	ssyncadd.s32 $0xFFFFF000  }
0x74: {  	[spmem:s1] =	stream.indirect.scatter.add.f32 [tilespmem:s21], [sflag:$0x6], $0x20, s13, s20, $0xb8;
	[tilespmem:$0x1DC00] =	vst v63  }
0x75: {  	s16 =	simm.s32 $0x200  }
0x76: {  	[tilespmem:s30], [sflag:$0x5] =	stream.indirect.gather [spmem:s3], $0x20, s16, s20, $0xb8;
	[tilespmem:$0x1DC00] =	vst v63  }
0x77: {  	_ =	swait.ge [sflag:s18], $0x1000  }
0x78: {  	[sflag:s18] =	ssyncset.done $0x0  }
0x79: {  	s13 =	simm.s32 $0x2880;
	[sflag:s18] =	ssyncadd.s32 $0xFFFFF000  }
0x7a: {  	[spmem:s1] =	stream.indirect.scatter.add.f32 [tilespmem:s22], [sflag:$0x7], $0x20, s13, s20, $0xb8;
	[tilespmem:$0x1DC00] =	vst v63  }
0x7b: {  	_ =	swait.ge [sflag:s17], $0x1000  }
0x7c: {  	[sflag:s17] =	ssyncset.done $0x0  }
0x7d: {  	s16 =	simm.s32 $0x280;
	[sflag:s17] =	ssyncadd.s32 $0xFFFFF000  }
0x7e: {  	[tilespmem:s21], [sflag:$0x1] =	stream.indirect.gather [spmem:s3], $0x20, s16, s20, $0xb8;
	[tilespmem:$0x1DC00] =	vst v63  }
0x7f: {  	_ =	swait.ge [sflag:s19], $0x1000  }
0x80: {  	[sflag:s19] =	ssyncset.done $0x0  }
0x81: {  	s13 =	simm.s32 $0x2900;
	[sflag:s19] =	ssyncadd.s32 $0xFFFFF000  }
0x82: {  	[spmem:s1] =	stream.indirect.scatter.add.f32 [tilespmem:s24], [sflag:$0x8], $0x20, s13, s20, $0xb8;
	[tilespmem:$0x1DC00] =	vst v63  }
0x83: {  	_ =	swait.ge [sflag:s23], $0x1000  }
0x84: {  	[sflag:s23] =	ssyncset.done $0x0  }
0x85: {  	s16 =	simm.s32 $0x300;
	[sflag:s23] =	ssyncadd.s32 $0xFFFFF000  }
0x86: {  	[tilespmem:s22], [sflag:$0x2] =	stream.indirect.gather [spmem:s3], $0x20, s16, s20, $0xb8;
	[tilespmem:$0x1DC00] =	vst v63  }
0x87: {  	_ =	swait.ge [sflag:s28], $0x1000  }
0x88: {  	[sflag:s28] =	ssyncset.done $0x0  }
0x89: {  	s13 =	simm.s32 $0x2980;
	[sflag:s28] =	ssyncadd.s32 $0xFFFFF000  }
0x8a: {  	[spmem:s1] =	stream.indirect.scatter.add.f32 [tilespmem:s26], [sflag:$0x9], $0x20, s13, s20, $0xb8;
	[tilespmem:$0x1DC00] =	vst v63  }
0x8b: {  	_ =	swait.ge [sflag:s31], $0x1000  }
0x8c: {  	[sflag:s31] =	ssyncset.done $0x0  }
0x8d: {  	s16 =	simm.s32 $0x380;
	[sflag:s31] =	ssyncadd.s32 $0xFFFFF000  }
0x8e: {  	[tilespmem:s24], [sflag:$0x3] =	stream.indirect.gather [spmem:s3], $0x20, s16, s20, $0xb8;
	[tilespmem:$0x1DC00] =	vst v63  }
0x8f: {  	_ =	swait.ge [sflag:s2], $0x1000  }
0x90: {  	[sflag:s2] =	ssyncset.done $0x0  }
0x91: {  	s13 =	simm.s32 $0x2A00;
	[sflag:s2] =	ssyncadd.s32 $0xFFFFF000  }
0x92: {  	[spmem:s1] =	stream.indirect.scatter.add.f32 [tilespmem:s30], [sflag:$0xA], $0x20, s13, s20, $0xb8;
	[tilespmem:$0x1DC00] =	vst v63  }
0x93: {  	_ =	swait.ge [sflag:s29], $0x1000  }
0x94: {  	[sflag:s29] =	ssyncset.done $0x0  }
0x95: {  	s16 =	simm.s32 $0x400;
	[sflag:s29] =	ssyncadd.s32 $0xFFFFF000  }
0x96: {  	[tilespmem:s26], [sflag:$0x4] =	stream.indirect.gather [spmem:s3], $0x20, s16, s20, $0xb8;
	[tilespmem:$0x1DC00] =	vst v63  }
0x97: {  	_ =	swait.ge [sflag:s15], $0x1000  }
0x98: {  	[sflag:s15] =	ssyncset.done $0x0  }
0x99: {  	s13 =	simm.s32 $0x2A80;
	[sflag:s15] =	ssyncadd.s32 $0xFFFFF000  }
0x9a: {  	[spmem:s1] =	stream.indirect.scatter.add.f32 [tilespmem:s21], [sflag:$0x6], $0x20, s13, s20, $0xb8;
	[tilespmem:$0x1DC00] =	vst v63  }
0x9b: {  	_ =	swait.ge [sflag:s0], $0x1000  }
0x9c: {  	[sflag:s0] =	ssyncset.done $0x0  }
0x9d: {  	s16 =	simm.s32 $0x480;
	[sflag:s0] =	ssyncadd.s32 $0xFFFFF000  }
0x9e: {  	[tilespmem:s30], [sflag:$0x5] =	stream.indirect.gather [spmem:s3], $0x20, s16, s20, $0xb8;
	[tilespmem:$0x1DC00] =	vst v63  }
0x9f: {  	_ =	swait.ge [sflag:s18], $0x1000  }
0xa0: {  	[sflag:s18] =	ssyncset.done $0x0  }
0xa1: {  	s13 =	simm.s32 $0x2B00;
	[sflag:s18] =	ssyncadd.s32 $0xFFFFF000  }
0xa2: {  	[spmem:s1] =	stream.indirect.scatter.add.f32 [tilespmem:s22], [sflag:$0x7], $0x20, s13, s20, $0xb8;
	[tilespmem:$0x1DC00] =	vst v63  }
0xa3: {  	_ =	swait.ge [sflag:s17], $0x1000  }
0xa4: {  	[sflag:s17] =	ssyncset.done $0x0  }
0xa5: {  	s16 =	simm.s32 $0x500;
	[sflag:s17] =	ssyncadd.s32 $0xFFFFF000  }
0xa6: {  	[tilespmem:s21], [sflag:$0x1] =	stream.indirect.gather [spmem:s3], $0x20, s16, s20, $0xb8;
	[tilespmem:$0x1DC00] =	vst v63  }
0xa7: {  	_ =	swait.ge [sflag:s19], $0x1000  }
0xa8: {  	[sflag:s19] =	ssyncset.done $0x0  }
0xa9: {  	s13 =	simm.s32 $0x2B80;
	[sflag:s19] =	ssyncadd.s32 $0xFFFFF000  }
0xaa: {  	[spmem:s1] =	stream.indirect.scatter.add.f32 [tilespmem:s24], [sflag:$0x8], $0x20, s13, s20, $0xb8;
	[tilespmem:$0x1DC00] =	vst v63  }
0xab: {  	_ =	swait.ge [sflag:s23], $0x1000  }
0xac: {  	[sflag:s23] =	ssyncset.done $0x0  }
0xad: {  	s16 =	simm.s32 $0x580;
	[sflag:s23] =	ssyncadd.s32 $0xFFFFF000  }
0xae: {  	[tilespmem:s22], [sflag:$0x2] =	stream.indirect.gather [spmem:s3], $0x20, s16, s20, $0xb8;
	[tilespmem:$0x1DC00] =	vst v63  }
0xaf: {  	_ =	swait.ge [sflag:s28], $0x1000  }
0xb0: {  	[sflag:s28] =	ssyncset.done $0x0  }
0xb1: {  	s13 =	simm.s32 $0x2C00;
	[sflag:s28] =	ssyncadd.s32 $0xFFFFF000  }
0xb2: {  	[spmem:s1] =	stream.indirect.scatter.add.f32 [tilespmem:s26], [sflag:$0x9], $0x20, s13, s20, $0xb8;
	[tilespmem:$0x1DC00] =	vst v63  }
0xb3: {  	_ =	swait.ge [sflag:s31], $0x1000  }
0xb4: {  	[sflag:s31] =	ssyncset.done $0x0  }
0xb5: {  	s16 =	simm.s32 $0x600;
	[sflag:s31] =	ssyncadd.s32 $0xFFFFF000  }
0xb6: {  	[tilespmem:s24], [sflag:$0x3] =	stream.indirect.gather [spmem:s3], $0x20, s16, s20, $0xb8;
	[tilespmem:$0x1DC00] =	vst v63  }
0xb7: {  	_ =	swait.ge [sflag:s2], $0x1000  }
0xb8: {  	[sflag:s2] =	ssyncset.done $0x0  }
0xb9: {  	s6 =	simm.s32 $0x2C80;
	s13 =	simm.s32 $0xA00;
	[sflag:s2] =	ssyncadd.s32 $0xFFFFF000  }
.LBB2_6:
0xba: {  	[spmem:s1] =	stream.indirect.scatter.add.f32 [tilespmem:s30], [sflag:$0xA], $0x20, s6, s20, $0xb8;
	[tilespmem:$0x1DC00] =	vst v63  }
0xbb: {  	s6 =	smov.u32 s13;
	s13 =	sadd.s32 $0xA00, s13;
	_ =	swait.ge [sflag:s29], $0x1000  }
0xbc: {  	s6 =	sshra.s32 s6, $0x2;
	p0 =	sne.s32 s13, $0x8C00;
	[sflag:s29] =	ssyncset.done $0x0  }
0xbd: {  	s16 =	sadd.s32 $0x400, s6;
	[sflag:s29] =	ssyncadd.s32 $0xFFFFF000  }
0xbe: {  	[tilespmem:s26], [sflag:$0x4] =	stream.indirect.gather [spmem:s3], $0x20, s16, s20, $0xb8;
	[tilespmem:$0x1DC00] =	vst v63  }
0xbf: {  	_ =	swait.ge [sflag:s15], $0x1000  }
0xc0: {  	[sflag:s15] =	ssyncset.done $0x0  }
0xc1: {  	s16 =	sadd.s32 $0x2A80, s6;
	[sflag:s15] =	ssyncadd.s32 $0xFFFFF000  }
0xc2: {  	[spmem:s1] =	stream.indirect.scatter.add.f32 [tilespmem:s21], [sflag:$0x6], $0x20, s16, s20, $0xb8;
	[tilespmem:$0x1DC00] =	vst v63  }
0xc3: {  	_ =	swait.ge [sflag:s0], $0x1000  }
0xc4: {  	[sflag:s0] =	ssyncset.done $0x0  }
0xc5: {  	s16 =	sadd.s32 $0x480, s6;
	[sflag:s0] =	ssyncadd.s32 $0xFFFFF000  }
0xc6: {  	[tilespmem:s30], [sflag:$0x5] =	stream.indirect.gather [spmem:s3], $0x20, s16, s20, $0xb8;
	[tilespmem:$0x1DC00] =	vst v63  }
0xc7: {  	_ =	swait.ge [sflag:s18], $0x1000  }
0xc8: {  	[sflag:s18] =	ssyncset.done $0x0  }
0xc9: {  	s16 =	sadd.s32 $0x2B00, s6;
	[sflag:s18] =	ssyncadd.s32 $0xFFFFF000  }
0xca: {  	[spmem:s1] =	stream.indirect.scatter.add.f32 [tilespmem:s22], [sflag:$0x7], $0x20, s16, s20, $0xb8;
	[tilespmem:$0x1DC00] =	vst v63  }
0xcb: {  	_ =	swait.ge [sflag:s17], $0x1000  }
0xcc: {  	[sflag:s17] =	ssyncset.done $0x0  }
0xcd: {  	s16 =	sadd.s32 $0x500, s6;
	[sflag:s17] =	ssyncadd.s32 $0xFFFFF000  }
0xce: {  	[tilespmem:s21], [sflag:$0x1] =	stream.indirect.gather [spmem:s3], $0x20, s16, s20, $0xb8;
	[tilespmem:$0x1DC00] =	vst v63  }
0xcf: {  	_ =	swait.ge [sflag:s19], $0x1000  }
0xd0: {  	[sflag:s19] =	ssyncset.done $0x0  }
0xd1: {  	s16 =	sadd.s32 $0x2B80, s6;
	[sflag:s19] =	ssyncadd.s32 $0xFFFFF000  }
0xd2: {  	[spmem:s1] =	stream.indirect.scatter.add.f32 [tilespmem:s24], [sflag:$0x8], $0x20, s16, s20, $0xb8;
	[tilespmem:$0x1DC00] =	vst v63  }
0xd3: {  	_ =	swait.ge [sflag:s23], $0x1000  }
0xd4: {  	[sflag:s23] =	ssyncset.done $0x0  }
0xd5: {  	s16 =	sadd.s32 $0x580, s6;
	[sflag:s23] =	ssyncadd.s32 $0xFFFFF000  }
0xd6: {  	[tilespmem:s22], [sflag:$0x2] =	stream.indirect.gather [spmem:s3], $0x20, s16, s20, $0xb8;
	[tilespmem:$0x1DC00] =	vst v63  }
0xd7: {  	_ =	swait.ge [sflag:s28], $0x1000  }
0xd8: {  	[sflag:s28] =	ssyncset.done $0x0  }
0xd9: {  	s16 =	sadd.s32 $0x2C00, s6;
	[sflag:s28] =	ssyncadd.s32 $0xFFFFF000  }
0xda: {  	[spmem:s1] =	stream.indirect.scatter.add.f32 [tilespmem:s26], [sflag:$0x9], $0x20, s16, s20, $0xb8;
	[tilespmem:$0x1DC00] =	vst v63  }
0xdb: {  	_ =	swait.ge [sflag:s31], $0x1000  }
0xdc: {  	[sflag:s31] =	ssyncset.done $0x0  }
.Ltmp2:
0xdd: {  	s16 =	sadd.s32 $0x600, s6;
	[sflag:s31] =	ssyncadd.s32 $0xFFFFF000;
	(pc) =	sbr.rel @p0 .LBB2_6-.Ltmp2, $4  }
0xde: {  	[tilespmem:s24], [sflag:$0x3] =	stream.indirect.gather [spmem:s3], $0x20, s16, s20, $0xb8;
	[tilespmem:$0x1DC00] =	vst v63  }
0xdf: {  	_ =	swait.ge [sflag:s2], $0x1000  }
0xe0: {  	[sflag:s2] =	ssyncset.done $0x0  }
0xe1: {  	s6 =	sadd.s32 $0x2C80, s6;
	[sflag:s2] =	ssyncadd.s32 $0xFFFFF000  }
0xe2: {  	[spmem:s1] =	stream.indirect.scatter.add.f32 [tilespmem:s30], [sflag:$0xA], $0x20, s6, s20, $0xb8;
	[tilespmem:$0x1DC00] =	vst v63  }
0xe3: {  	_ =	swait.ge [sflag:s29], $0x1000  }
0xe4: {  	s6 =	sshra.s32 s13, $0x2;
	[sflag:s29] =	ssyncset.done $0x0  }
0xe5: {  	s13 =	sadd.s32 $0x400, s6;
	[sflag:s29] =	ssyncadd.s32 $0xFFFFF000  }
0xe6: {  	[tilespmem:s26], [sflag:$0x4] =	stream.indirect.gather [spmem:s3], $0x20, s13, s20, $0xb8;
	[tilespmem:$0x1DC00] =	vst v63  }
0xe7: {  	_ =	swait.ge [sflag:s15], $0x1000  }
0xe8: {  	[sflag:s15] =	ssyncset.done $0x0  }
0xe9: {  	s16 =	sadd.s32 $0x2A80, s6;
	[sflag:s15] =	ssyncadd.s32 $0xFFFFF000  }
0xea: {  	[spmem:s1] =	stream.indirect.scatter.add.f32 [tilespmem:s21], [sflag:$0x6], $0x20, s16, s20, $0xb8;
	[tilespmem:$0x1DC00] =	vst v63  }
0xeb: {  	_ =	swait.ge [sflag:s0], $0x1000  }
0xec: {  	[sflag:s0] =	ssyncset.done $0x0  }
0xed: {  	s16 =	simm.s32 $0x2780;
	[sflag:s0] =	ssyncadd.s32 $0xFFFFF000  }
0xee: {  	[tilespmem:s30], [sflag:$0x5] =	stream.indirect.gather [spmem:s3], $0x20, s16, s20, $0xb8;
	[tilespmem:$0x1DC00] =	vst v63  }
0xef: {  	_ =	swait.ge [sflag:s18], $0x1000  }
0xf0: {  	[sflag:s18] =	ssyncset.done $0x0  }
0xf1: {  	s16 =	sadd.s32 $0x2B00, s6;
	[sflag:s18] =	ssyncadd.s32 $0xFFFFF000  }
0xf2: {  	[spmem:s1] =	stream.indirect.scatter.add.f32 [tilespmem:s22], [sflag:$0x7], $0x20, s16, s20, $0xb8;
	[tilespmem:$0x1DC00] =	vst v63  }
0xf3: {  	_ =	swait.ge [sflag:s17], $0x1000  }
0xf4: {  	[sflag:s17] =	ssyncset.done $0x0  }
0xf5: {  	[sflag:s17] =	ssyncadd.s32 $0xFFFFF000  }
0xf6: {  	_ =	swait.ge [sflag:s19], $0x1000  }
0xf7: {  	[sflag:s19] =	ssyncset.done $0x0  }
0xf8: {  	s16 =	sadd.s32 $0x2B80, s6;
	[sflag:s19] =	ssyncadd.s32 $0xFFFFF000  }
0xf9: {  	[spmem:s1] =	stream.indirect.scatter.add.f32 [tilespmem:s24], [sflag:$0x8], $0x20, s16, s20, $0xb8;
	[tilespmem:$0x1DC00] =	vst v63  }
0xfa: {  	_ =	swait.ge [sflag:s23], $0x1000  }
0xfb: {  	[sflag:s23] =	ssyncset.done $0x0  }
0xfc: {  	[sflag:s23] =	ssyncadd.s32 $0xFFFFF000  }
0xfd: {  	_ =	swait.ge [sflag:s28], $0x1000  }
0xfe: {  	[sflag:s28] =	ssyncset.done $0x0  }
0xff: {  	s6 =	sadd.s32 $0x2C00, s6;
	[sflag:s28] =	ssyncadd.s32 $0xFFFFF000  }
0x100: {  	[spmem:s1] =	stream.indirect.scatter.add.f32 [tilespmem:s26], [sflag:$0x9], $0x20, s6, s20, $0xb8;
	[tilespmem:$0x1DC00] =	vst v63  }
0x101: {  	_ =	swait.ge [sflag:s31], $0x1000  }
0x102: {  	[sflag:s31] =	ssyncset.done $0x0  }
0x103: {  	[sflag:s31] =	ssyncadd.s32 $0xFFFFF000  }
0x104: {  	_ =	swait.ge [sflag:s2], $0x1000  }
0x105: {  	[sflag:s2] =	ssyncset.done $0x0  }
0x106: {  	s13 =	simm.s32 $0x4F80;
	[sflag:s2] =	ssyncadd.s32 $0xFFFFF000  }
0x107: {  	[spmem:s1] =	stream.indirect.scatter.add.f32 [tilespmem:s30], [sflag:$0xA], $0x20, s13, s20, $0xb8;
	[tilespmem:$0x1DC00] =	vst v63  }
0x108: {  	_ =	swait.ge [sflag:s29], $0x1000  }
0x109: {  	[sflag:s29] =	ssyncset.done $0x0  }
0x10a: {  	[sflag:s29] =	ssyncadd.s32 $0xFFFFF000  }
0x10b: {  	_ =	swait.ge [sflag:s0], $0x1000  }
0x10c: {  	[sflag:s0] =	ssyncset.done $0x0  }
0x10d: {  	[sflag:s0] =	ssyncadd.s32 $0xFFFFF000  }
0x10e: {  	s16 =	simm.s32 $0x13E00;
	[bflag:$0x0] =	sbarrier.arrive $0xFFFF  }
0x10f: {  	[tilespmem:s16], [sflag:$0xB] =	stream.linear.gather [spmem:s7], $0x4F00, $0x38;
	[tilespmem:$0x1DC00] =	vst v63  }
0x110: {  	_ =	swait.ge [sflag:s25], $0x4F00  }
0x111: {  	[sflag:s25] =	ssyncset.done $0x0  }
0x112: {  	s6 =	simm.s32 $0x0;
	[sflag:s25] =	ssyncadd.s32 $0xFFFFB100  }
0x113: {  	v3 =	vld [tilespmem:s6+$0x13E70]  }
0x114: {  	v4 =	vld [tilespmem:s6+$0x13E00]  }
0x115: {  	v5 =	vld [tilespmem:s6+$0x13E10]  }
0x116: {  	v2 =	vld [tilespmem:s6+$0x13E20]  }
0x117: {  	v0 =	vld [tilespmem:s6+$0x13E30]  }
0x118: {  	v1 =	vld [tilespmem:s6+$0x13E40];
	[tilespmem:s6+$0x18D70] =	vst v3  }
0x119: {  	[tilespmem:s6+$0x18D00] =	vst v4;
	v3 =	vld [tilespmem:s6+$0x13E50]  }
0x11a: {  	s13 =	simm.s32 $0x80;
	s16 =	simm.s32 $0x400;
	[tilespmem:s6+$0x18D10] =	vst v5;
	v4 =	vld [tilespmem:s6+$0x13E60]  }
.LBB2_8:
0x11b: {  	p0 =	sne.s32 s16, $0x13A00;
	v5 =	vld [tilespmem:s13+$0x13E70];
	[tilespmem:s6+$0x18D20] =	vst v2  }
0x11c: {  	v6 =	vld [tilespmem:s13+$0x13E00];
	[tilespmem:s6+$0x18D30] =	vst v0  }
0x11d: {  	v7 =	vld [tilespmem:s13+$0x13E10];
	[tilespmem:s6+$0x18D40] =	vst v1  }
.Ltmp3:
0x11e: {  	v2 =	vld [tilespmem:s13+$0x13E20];
	[tilespmem:s6+$0x18D50] =	vst v3;
	(pc) =	sbr.rel @p0 .LBB2_8-.Ltmp3, $4  }
0x11f: {  	v0 =	vld [tilespmem:s13+$0x13E30];
	[tilespmem:s6+$0x18D60] =	vst v4;
	s6 =	smov.u32 s13  }
0x120: {  	v1 =	vld [tilespmem:s6+$0x13E40];
	[tilespmem:s6+$0x18D70] =	vst v5  }
0x121: {  	[tilespmem:s6+$0x18D00] =	vst v6;
	v3 =	vld [tilespmem:s6+$0x13E50]  }
0x122: {  	s13 =	sshra.s32 s16, $0x2;
	s16 =	sadd.s32 $0x200, s16;
	[tilespmem:s6+$0x18D10] =	vst v7;
	v4 =	vld [tilespmem:s6+$0x13E60]  }
0x123: {  	v5 =	vld [tilespmem:s13+$0x13E70];
	[tilespmem:s6+$0x18D20] =	vst v2  }
0x124: {  	v2 =	vld [tilespmem:s13+$0x13E00];
	[tilespmem:s6+$0x18D30] =	vst v0  }
0x125: {  	v0 =	vld [tilespmem:s13+$0x13E10];
	[tilespmem:s6+$0x18D40] =	vst v1  }
0x126: {  	v1 =	vld [tilespmem:s13+$0x13E20];
	[tilespmem:s6+$0x18D50] =	vst v3  }
0x127: {  	v3 =	vld [tilespmem:s13+$0x13E30];
	[tilespmem:s6+$0x18D60] =	vst v4  }
0x128: {  	v4 =	vld [tilespmem:s13+$0x13E40];
	[tilespmem:s13+$0x18D70] =	vst v5  }
0x129: {  	v62 =	vld [tilespmem:s13+$0x13E50];
	[tilespmem:s13+$0x18D00] =	vst v2  }
0x12a: {  	v63 =	vld [tilespmem:s13+$0x13E60];
	[tilespmem:s13+$0x18D10] =	vst v0  }
0x12b: {  	[tilespmem:s13+$0x18D20] =	vst v1  }
0x12c: {  	[tilespmem:s13+$0x18D30] =	vst v3  }
0x12d: {  	s5 =	sadd.s32 $0x1, s5;
	[tilespmem:s13+$0x18D40] =	vst v4  }
0x12e: {  	p0 =	sne.s32 s5, s12;
	[tilespmem:s13+$0x18D50] =	vst v62  }
.Ltmp4:
0x12f: {  	[tilespmem:s13+$0x18D60] =	vst v63;
	s13 =	simm.s32 $0x18D00;
	(pc) =	sbr.rel @p0 .LBB2_1-.Ltmp4, $4  }
0x130: {  	[hbm4b:s11+s4] =	stream.linear.scatter [tilespmem:s13], [sflag:$0xB], $0x4F00, $0x38;
	[tilespmem:$0x1DC00] =	vst v63  }
0x131: {  	_ =	swait.ge [sflag:s25], $0x4F00  }
0x132: {  	[sflag:s25] =	ssyncset.done $0x0  }
0x133: {  	[sflag:s25] =	ssyncadd.s32 $0xFFFFB100  }
0x134: {  	_ =	sfence.sel $0x180000  }
0x135: {  	[bflag:$0x0] =	sbarrier.arrive $0xFFFF  }
0x136: {  	_ =	strace $0x90000047  }
0x137: {  	s0 =	stileid.u32;
	[bflag:$0x2] =	sbarrier.arrive $0xFFFF  }
0x138: {  	p0 =	sne.s32 s0, $0x0;
	s0 =	rddreg [dreg:$0x3]  }
0x139: {  	s0 =	sadd.s32 @!p0 $0x100000, s0  }
0x13a: {  	[sflag:s0] =	ssyncadd.tile.s32 @!p0 $0x1;
	_ =	shalt  }
.Lfunc_end2:
_tile_overlayer_lowered:
.L_overlay_start_2:
0x13b: {  	(tag) =	ssettag $0x2  }
0x13c: {  	s0 =	rddreg [dreg:$0x0];
	s2 =	stileid.u32  }
0x13d: {  	s1 =	rddreg [dreg:$0x1];
	p0 =	sne.s32 s2, $0x0  }
0x13e: {  	s3 =	rddreg [dreg:$0x2];
	[bflag:$0x3] =	sbarrier.arrive $0xFFFF;
	s2 =	simm.s32 @!p0 $0x1C0B  }
0x13f: {  	[timem:s3], [sflag:s2] =	dma.local @!p0 [hbm:s0], s1  }
0x140: {  	s0 =	simm.s32 @!p0 $0xB  }
0x141: {  	_ =	swait.ge @!p0 [sflag:s0], s1  }
0x142: {  	s1 =	ssub.s32 @!p0 $0x0, s1;
	[sflag:s0] =	ssyncset.done @!p0 $0x0  }
0x143: {  	[sflag:s0] =	ssyncadd.s32 @!p0 s1  }
0x144: {  	[bflag:$0x3] =	sbarrier.arrive $0xFFFF  }
0x145: {  	_ =	shalt  }

// kernel: kernel.13.cloned.1.call-start
scs
__scs_entry_jumppad:
0x0: {  	(pc) =	sbr.rel $0x88, $3  }
0x1: {  	(tag) =	ssettag $0x0;
	lr =	simm.s32 $0x1  }
0x2: {  	[smem:$0x3F93] =	sst lr;
	_ =	strace $0xD0000000  }
0x3: {  	_ = 	snop  }
0x4: {  	_ = 	snop  }
0x5: {  	_ = 	snop  }
0x6: {  	_ = 	snop  }
0x7: {  	_ = 	snop  }
__scs_overlays_trampoline_lowered:
0x8: {  	[smem:$0x3FA2] =	sst s0  }
0x9: {  	[smem:$0x3FA3] =	sst s1  }
0xa: {  	[smem:$0x3FA4] =	sst s2  }
0xb: {  	[smem:$0x3FA5] =	sst s3  }
0xc: {  	[smem:$0x3FA6] =	sst s4  }
0xd: {  	[smem:$0x3FA7] =	sst s5  }
0xe: {  	[smem:$0x3FA8] =	sst s6  }
0xf: {  	[smem:$0x3FA9] =	sst s7  }
0x10: {  	[smem:$0x3FAA] =	sst s8  }
0x11: {  	[smem:$0x3FAB] =	sst s9;
	s0 =	simm.s32 @!p0 $0x0  }
0x12: {  	s1 =	sld [smem:$0x3F91];
	s0 =	simm.s32 @p0 $0x1  }
0x13: {  	[smem:$0x3FAC] =	sst s0;
	s0 =	simm.s32 @!p1 $0x0  }
0x14: {  	s2 =	sld [smem:$0x3F90];
	s0 =	simm.s32 @p1 $0x1  }
0x15: {  	[smem:$0x3FAD] =	sst s0;
	s0 =	simm.s32 @!p2 $0x0  }
0x16: {  	s3 =	sld [smem:$0x3FDB];
	s0 =	simm.s32 @p2 $0x1  }
0x17: {  	s4 =	simm.s32 $0x1BF5;
	[smem:$0x3FAF] =	sst s0  }
0x18: {  	s0 =	sld [smem:$0x3F92];
	_ =	swait.ge [sflag:s4], $0x0  }
0x19: {  	s7 =	sld [smem:$0x3F93]  }
0x1a: {  	s8 =	sadd.s32 $0xFFFFE003, lr  }
0x1b: {  	s9 =	sadd.s32 $0xFFFFFEF7, lr;
	s5 =	simm.s32 $0xFFFFFFFF;
	p2 =	slt.u32 s8, $0xFFFFF086  }
0x1c: {  	p1 =	slt.u32 s9, $0xF7A;
	s5 =	simm.s32 @!p2 $0x0  }
0x1d: {  	s5 =	simm.s32 @p1 $0x1;
	p0 =	seq.s32 s7, s2  }
0x1e: {  	s7 =	smul.u32 @!p0 $0xF7A, s2;
	p2 =	seq.s32 @!p0 s5, $0x0  }
0x1f: {  	s9 =	smul.u32 $0xF7A, s1;
	s8 =	simm.s32 @!p0 $0x1BF5;
	p2 =	por !p2, p0  }
0x20: {  	[sflag:s8] =	ssyncset.s32 @!p0 $0xFFFFF086;
	s6 =	sadd.s32 @!p0 s3, s7;
	s7 =	simm.s32 @!p0 $0x108  }
0x21: {  	s3 =	sadd.s32 s3, s9;
	s6 =	sadd.s32 @!p0 $0x88, s6;
	s7 =	simm.s32 @p2 $0x1082  }
0x22: {  	[simem:s7], [sflag:s8] =	dma.local @!p0 [hbm:s6], $0xF7A  }
0x23: {  	s9 =	sor.u32 $0xD0000000, s2;
	s6 =	simm.s32 $0x108;
	_ =	swait.ge @!p0 [sflag:s8], $0x0  }
0x24: {  	s3 =	sadd.s32 $0x88, s3;
	s6 =	simm.s32 @!p1 $0x1082;
	[sflag:s4] =	ssyncset.s32 $0xFFFFF086  }
0x25: {  	[simem:s6], [sflag:s4] =	dma.local [hbm:s3], $0xF7A  }
0x26: {  	[smem:$0x3F93] =	sst s1;
	(tag) =	ssettag s2;
	_ =	strace s9  }
0x27: {  	s1 =	sld [smem:$0x3FA3]  }
0x28: {  	s2 =	sld [smem:$0x3FA4]  }
0x29: {  	s4 =	sld [smem:$0x3FA6]  }
0x2a: {  	p0 =	seq.s32 s5, $0x0;
	s5 =	sld [smem:$0x3FA7]  }
0x2b: {  	s6 =	sld [smem:$0x3FA8]  }
0x2c: {  	s7 =	sld [smem:$0x3FA9]  }
0x2d: {  	s3 =	simm.s32 $0x108;
	s8 =	sld [smem:$0x3FAA]  }
0x2e: {  	s3 =	simm.s32 @!p0 $0x1082;
	s9 =	sld [smem:$0x3FAB]  }
0x2f: {  	lr =	sadd.s32 s0, s3;
	s0 =	sld [smem:$0x3FA2]  }
0x30: {  	s3 =	sld [smem:$0x3FA5]  }
0x31: {  	[smem:$0x3FAE] =	sst s10  }
0x32: {  	s10 =	sld [smem:$0x3FAC];
	_ =	sdelay $0x3  }
0x33: {  	p0 =	seq.s32 s10, $0x1;
	s10 =	sld [smem:$0x3FAE];
	_ =	sdelay $0x3  }
0x34: {  	[smem:$0x3FAE] =	sst s10  }
0x35: {  	s10 =	sld [smem:$0x3FAD];
	_ =	sdelay $0x3  }
0x36: {  	p1 =	seq.s32 s10, $0x1;
	s10 =	sld [smem:$0x3FAE];
	_ =	sdelay $0x3  }
0x37: {  	[smem:$0x3FAE] =	sst s10  }
0x38: {  	s10 =	sld [smem:$0x3FAF]  }
0x39: {  	_ = 	snop;
	(pc) =	sbr.ind lr, $3  }
0x3a: {  	_ = 	snop  }
0x3b: {  	_ = 	snop  }
0x3c: {  	p2 =	seq.s32 s10, $0x1;
	s10 =	sld [smem:$0x3FAE]  }
0x3d: {  	_ =	shalt  }
0x3e: {  	_ =	shalt  }
0x3f: {  	_ =	shalt  }
0x40: {  	_ =	shalt  }
0x41: {  	_ =	shalt  }
0x42: {  	_ =	shalt  }
0x43: {  	_ =	shalt  }
0x44: {  	_ =	shalt  }
0x45: {  	_ =	shalt  }
0x46: {  	_ =	shalt  }
0x47: {  	_ =	shalt  }
0x48: {  	_ =	shalt  }
0x49: {  	_ =	shalt  }
0x4a: {  	_ =	shalt  }
0x4b: {  	_ =	shalt  }
0x4c: {  	_ =	shalt  }
0x4d: {  	_ =	shalt  }
0x4e: {  	_ =	shalt  }
0x4f: {  	_ =	shalt  }
0x50: {  	_ =	shalt  }
0x51: {  	_ =	shalt  }
0x52: {  	_ =	shalt  }
0x53: {  	_ =	shalt  }
0x54: {  	_ =	shalt  }
0x55: {  	_ =	shalt  }
0x56: {  	_ =	shalt  }
0x57: {  	_ =	shalt  }
0x58: {  	_ =	shalt  }
0x59: {  	_ =	shalt  }
0x5a: {  	_ =	shalt  }
0x5b: {  	_ =	shalt  }
0x5c: {  	_ =	shalt  }
0x5d: {  	_ =	shalt  }
0x5e: {  	_ =	shalt  }
0x5f: {  	_ =	shalt  }
0x60: {  	_ =	shalt  }
0x61: {  	_ =	shalt  }
0x62: {  	_ =	shalt  }
0x63: {  	_ =	shalt  }
0x64: {  	_ =	shalt  }
0x65: {  	_ =	shalt  }
0x66: {  	_ =	shalt  }
0x67: {  	_ =	shalt  }
0x68: {  	_ =	shalt  }
0x69: {  	_ =	shalt  }
0x6a: {  	_ =	shalt  }
0x6b: {  	_ =	shalt  }
0x6c: {  	_ =	shalt  }
0x6d: {  	_ =	shalt  }
0x6e: {  	_ =	shalt  }
0x6f: {  	_ =	shalt  }
0x70: {  	_ =	shalt  }
0x71: {  	_ =	shalt  }
0x72: {  	_ =	shalt  }
0x73: {  	_ =	shalt  }
0x74: {  	_ =	shalt  }
0x75: {  	_ =	shalt  }
0x76: {  	_ =	shalt  }
0x77: {  	_ =	shalt  }
0x78: {  	_ =	shalt  }
0x79: {  	_ =	shalt  }
0x7a: {  	_ =	shalt  }
0x7b: {  	_ =	shalt  }
0x7c: {  	_ =	shalt  }
0x7d: {  	_ =	shalt  }
0x7e: {  	_ =	shalt  }
0x7f: {  	_ =	shalt  }
0x80: {  	_ =	shalt  }
0x81: {  	_ =	shalt  }
0x82: {  	_ =	shalt  }
0x83: {  	_ =	shalt  }
0x84: {  	_ =	shalt  }
0x85: {  	_ =	shalt  }
0x86: {  	_ =	shalt  }
0x87: {  	_ =	shalt  }
.Lfunc_end0:
.L_simem_size_0:
called_computation.1_lowered:
.L_overlay_start_0:
0x88: {  	s2 =	sld [smem:$0x3FD9]  }
0x89: {  	s3 =	sld [smem:$0x3FFE];
	_ =	sdelay $0x1  }
0x8a: {  	s1 =	srdreg.scid  }
0x8b: {  	s0 =	sand.u32 $0x1, s1  }
0x8c: {  	s16 =	sshll.u32 s0, $0xA;
	s2 =	sadd.s32 s3, s2  }
0x8d: {  	s2 =	sadd.s32 s2, s16  }
0x8e: {  	[smem:$0x3FBA] =	sst s2  }
0x8f: {  	_ = 	snop  }
0x90: {  	(tm) =	ssettm $0x1  }
0x91: {  	s17 =	sld [smem:$0x3FFB];
	_ =	sdelay $0x3  }
0x92: {  	_ =	strace s17  }
0x93: {  	s2 =	sld [smem:$0x3FFC];
	_ =	sdelay $0x3  }
0x94: {  	_ =	strace s2  }
0x95: {  	s2 =	sld [smem:$0x3FFD];
	_ =	sdelay $0x3  }
0x96: {  	_ =	strace s2  }
0x97: {  	_ =	strace $0x8FFFFFFF  }
0x98: {  	s18 =	sld [smem:$0x3FDB];
	_ =	sdelay $0x1  }
0x99: {  	s19 =	simm.s32 $_scs_section_size  }
0x9a: {  	s4 =	simm.s32 $_size__tile_overlayer_lowered;
	s5 =	simm.s32 $_tile_overlayer_lowered  }
0x9b: {  	s22 =	simm.s32 $0x1BFF;
	s21 =	sshll.u32 s5, $0x1;
	s2 =	sadd.s32 s19, s18  }
0x9c: {  	s6 =	simm.s32 $0x0;
	s20 =	sshll.u32 s4, $0x1;
	s4 =	sadd.s32 s21, s2  }
0x9d: {  	[timem:s6], [sflag:s22] =	dma.local [hbm:s4], s20  }
0x9e: {  	_ =	swait.ge [sflag:s22], s20  }
0x9f: {  	s3 =	ssub.s32 $0x0, s20;
	[sflag:s22] =	ssyncset.done $0x0  }
0xa0: {  	[sflag:s22] =	ssyncadd.s32 s3;
	_ =	sdelay $0x1  }
0xa1: {  	s23 =	simm.s32 $0x1B8B  }
0xa2: {  	_ =	swait.ge [sflag:s23], $0x1  }
0xa3: {  	[sflag:s23] =	ssyncset.done $0x0  }
0xa4: {  	s25 =	simm.s32 $0x1B8E;
	s24 =	sld [smem:$0x3FFE];
	[sflag:s23] =	ssyncadd.s32 $0xFFFFFFFF  }
0xa5: {  	s26 =	simm.s32 $execute0_lowered;
	[smem:$0x3FD2] =	sst s25  }
0xa6: {  	s4 =	sshll.u32 s26, $0x1;
	_ =	strace $0x80000049;
	[dreg:$0x1] =	wrdreg $0xFFFFFFFF  }
0xa7: {  	s28 =	simm.s32 $_size_execute0_lowered;
	s2 =	sadd.s32 s2, s4;
	[dreg:$0x0] =	wrdreg $0x0  }
0xa8: {  	s4 =	sshll.u32 s28, $0x1;
	[dreg:$0x2] =	wrdreg s2  }
0xa9: {  	[dreg:$0x3] =	wrdreg s4  }
0xaa: {  	[dreg:$0x4] =	wrdreg $0xC0  }
0xab: {  	_ =	task [dreg:s6], $0x5FFFF  }
0xac: {  	[dreg:$0x1] =	wrdreg $0xFFFFFFFF  }
0xad: {  	[dreg:$0x0] =	wrdreg $0x60  }
0xae: {  	[dreg:$0x2] =	wrdreg s24  }
0xaf: {  	[dreg:$0x3] =	wrdreg $0xA0000  }
0xb0: {  	[dreg:$0x4] =	wrdreg $0xEF000  }
0xb1: {  	[dreg:$0x5] =	wrdreg $0x9  }
0xb2: {  	_ =	task.clear_ibuf [dreg:s6], $0x6FFFF;
	_ =	strace $0x90000049  }
0xb3: {  	s29 =	simm.s32 $0x9;
	_ =	strace $0x8000004B  }
0xb4: {  	_ =	swait.ge [sflag:s29], $0x1  }
0xb5: {  	[sflag:s29] =	ssyncadd.s32 $0xFFFFFFFF  }
0xb6: {  	_ =	strace $0x9000004B  }
0xb7: {  	_ =	sfence  }
0xb8: {  	s30 =	sld [smem:$0x0];
	_ =	sdelay $0x2  }
0xb9: {  	s31 =	sshll.u32 s1, $0xD;
	s1 =	sshrl.u32 s1, $0x2  }
0xba: {  	s3 =	sand.u32 $0x4000, s31;
	s1 =	sadd.s32 s1, s30  }
0xbb: {  	s0 =	sor.u32 s3, s0;
	s1 =	sshll.u32 s1, $0x11  }
0xbc: {  	s0 =	sor.u32 s1, s0  }
0xbd: {  	s0 =	sadd.s32 $0x8F2B, s0  }
0xbe: {  	[sflag:s0] =	ssyncadd.remote.s32 $0x1  }
0xbf: {  	_ =	sfence.sel $0xFFFF  }
0xc0: {  	[dreg:$0x0] =	wrdreg $0xFFFFFFFF;
	(pc) =	sbr.abs _section_cstart, $3  }
0xc1: {  	[dreg:$0x1] =	wrdreg $0xFFFFFFFF  }
0xc2: {  	_ =	task.clear_ibuf [dreg:s6], $0x2FFFF;
	_ =	strace $0x9FFFFFFF  }
0xc3: {  	(tm) =	ssettm $0x7FFFFFFF  }
tec
execute0_lowered:
.L_overlay_start_1:
0x0: {  	(tag) =	ssettag $0x1  }
0x1: {  	s0 =	rddreg [dreg:$0x0]  }
0x2: {  	s1 =	rddreg [dreg:$0x1];
	s2 =	srdreg.scid  }
0x3: {  	s3 =	rddreg [dreg:$0x2];
	s9 =	stileid.u32  }
0x4: {  	s4 =	simm.s32 $0x0;
	s13 =	simm.s32 $0x18D00;
	s15 =	simm.s32 $0x1  }
0x5: {  	s17 =	simm.s32 $0x6;
	s18 =	simm.s32 $0x2;
	s19 =	simm.s32 $0x3  }
0x6: {  	s20 =	simm.s32 $0x80;
	s21 =	simm.s32 $0x5000;
	s22 =	simm.s32 $0x6000  }
0x7: {  	s30 =	simm.s32 $0x9000;
	s23 =	simm.s32 $0x7;
	s28 =	simm.s32 $0x4  }
0x8: {  	s31 =	simm.s32 $0x8;
	s29 =	simm.s32 $0x9;
	s6 =	smul.u32 $0x9E0, s9  }
0x9: {  	s2 =	sand.u32 $0x1, s2;
	[smem:$0x7FF] =	sst s4;
	s10 =	smul.u32 $0x4F00, s9  }
0xa: {  	s11 =	sadd.s32 $0x17C00, s0;
	s26 =	sshll.u32 s9, $0x6;
	s5 =	sshll.u32 s2, $0x4  }
0xb: {  	_ =	strace $0x8000004A;
	s7 =	smul.u32 $0x9E00, s2;
	s2 =	ssub.s32 $0x2, s2  }
0xc: {  	[dreg:$0x4] =	wrdreg s11;
	s5 =	sor.u32 s9, s5;
	s8 =	sadd.s32 s6, s0  }
0xd: {  	s24 =	sshrl.u32 s2, $0x1;
	s5 =	smul.u32 $0x500, s5;
	s6 =	sadd.s32 s6, s7  }
0xe: {  	s2 =	ssub.s32 s2, s24;
	s25 =	sadd.s32 $0xDE00, s8;
	s7 =	sadd.s32 s10, s1  }
0xf: {  	s8 =	sor.u32 $0x1C02, s26;
	s10 =	sadd.s32 s10, s3;
	s24 =	simm.s32 $0x7000  }
0x10: {  	s26 =	simm.s32 $0x8000;
	[dreg:$0x5] =	wrdreg s25;
	s12 =	smax.u32 s2, $0x1  }
0x11: {  	s14 =	sshrl.u32 s7, $0x3;
	s2 =	simm.s32 $0x5;
	s5 =	sadd.s32 s5, s0  }
0x12: {  	s25 =	simm.s32 $0xB;
	s0 =	sadd.s32 s6, s0;
	s9 =	sadd.s32 $0x3E00, s5  }
0x13: {  	s11 =	sadd.s32 $0x18600, s0;
	s0 =	simm.s32 $0xA;
	s5 =	simm.s32 $0x0  }
.LBB2_1:
0x14: {  	s6 =	rddreg [dreg:$0x5]  }
0x15: {  	s16 =	rddreg [dreg:$0x4]  }
0x16: {  	[tilespmem:s13], [sflag:$0x1] =	stream.linear.gather [hbm4b:s6+s4], $0x4F00, $0x38;
	[tilespmem:$0x1DC00] =	vst v63  }
0x17: {  	[spmem:s14], [sflag:s8] =	dma.local [hbm:s16], $0x9E0  }
0x18: {  	[tilespmem:s4], [sflag:$0x6] =	stream.linear.gather [hbm4b:s9+s4], $0x2800, $0x38;
	[tilespmem:$0x1DC00] =	vst v63  }
0x19: {  	_ =	swait.ge [sflag:s15], $0x4F00  }
0x1a: {  	[sflag:s15] =	ssyncset.done $0x0  }
0x1b: {  	s6 =	simm.s32 $0x0;
	[sflag:s15] =	ssyncadd.s32 $0xFFFFB100  }
0x1c: {  	v3 =	vld [tilespmem:s6+$0x18D70]  }
0x1d: {  	v4 =	vld [tilespmem:s6+$0x18D00]  }
0x1e: {  	v5 =	vld [tilespmem:s6+$0x18D10]  }
0x1f: {  	v2 =	vld [tilespmem:s6+$0x18D20]  }
0x20: {  	v0 =	vld [tilespmem:s6+$0x18D30]  }
0x21: {  	v1 =	vld [tilespmem:s6+$0x18D40];
	[tilespmem:s6+$0x13E70] =	vst v3  }
0x22: {  	[tilespmem:s6+$0x13E00] =	vst v4;
	v3 =	vld [tilespmem:s6+$0x18D50]  }
0x23: {  	s13 =	simm.s32 $0x80;
	s16 =	simm.s32 $0x400;
	[tilespmem:s6+$0x13E10] =	vst v5;
	v4 =	vld [tilespmem:s6+$0x18D60]  }
.LBB2_2:
0x24: {  	p0 =	sne.s32 s16, $0x13A00;
	v5 =	vld [tilespmem:s13+$0x18D70];
	[tilespmem:s6+$0x13E20] =	vst v2  }
0x25: {  	v6 =	vld [tilespmem:s13+$0x18D00];
	[tilespmem:s6+$0x13E30] =	vst v0  }
0x26: {  	v7 =	vld [tilespmem:s13+$0x18D10];
	[tilespmem:s6+$0x13E40] =	vst v1  }
.Ltmp0:
0x27: {  	v2 =	vld [tilespmem:s13+$0x18D20];
	[tilespmem:s6+$0x13E50] =	vst v3;
	(pc) =	sbr.rel @p0 .LBB2_2-.Ltmp0, $4  }
0x28: {  	v0 =	vld [tilespmem:s13+$0x18D30];
	[tilespmem:s6+$0x13E60] =	vst v4;
	s6 =	smov.u32 s13  }
0x29: {  	v1 =	vld [tilespmem:s6+$0x18D40];
	[tilespmem:s6+$0x13E70] =	vst v5  }
0x2a: {  	[tilespmem:s6+$0x13E00] =	vst v6;
	v3 =	vld [tilespmem:s6+$0x18D50]  }
0x2b: {  	s13 =	sshra.s32 s16, $0x2;
	s16 =	sadd.s32 $0x200, s16;
	[tilespmem:s6+$0x13E10] =	vst v7;
	v4 =	vld [tilespmem:s6+$0x18D60]  }
0x2c: {  	v5 =	vld [tilespmem:s13+$0x18D70];
	[tilespmem:s6+$0x13E20] =	vst v2  }
0x2d: {  	v2 =	vld [tilespmem:s13+$0x18D00];
	[tilespmem:s6+$0x13E30] =	vst v0  }
0x2e: {  	v0 =	vld [tilespmem:s13+$0x18D10];
	[tilespmem:s6+$0x13E40] =	vst v1  }
0x2f: {  	v1 =	vld [tilespmem:s13+$0x18D20];
	[tilespmem:s6+$0x13E50] =	vst v3  }
0x30: {  	v3 =	vld [tilespmem:s13+$0x18D30];
	[tilespmem:s6+$0x13E60] =	vst v4  }
0x31: {  	v4 =	vld [tilespmem:s13+$0x18D40];
	[tilespmem:s13+$0x13E70] =	vst v5  }
0x32: {  	[tilespmem:s13+$0x13E00] =	vst v2;
	v2 =	vld [tilespmem:s13+$0x18D50]  }
0x33: {  	[tilespmem:s13+$0x13E10] =	vst v0;
	v0 =	vld [tilespmem:s13+$0x18D60]  }
0x34: {  	[tilespmem:s13+$0x13E20] =	vst v1  }
0x35: {  	[tilespmem:s13+$0x13E30] =	vst v3  }
0x36: {  	[tilespmem:s13+$0x13E40] =	vst v4  }
0x37: {  	[tilespmem:s13+$0x13E50] =	vst v2  }
0x38: {  	s16 =	simm.s32 $0x13E00;
	[tilespmem:s13+$0x13E60] =	vst v0  }
0x39: {  	[spmem:s10] =	stream.linear.scatter [tilespmem:s16], [sflag:$0x3], $0x4F00, $0x38;
	[tilespmem:$0x1DC00] =	vst v63  }
0x3a: {  	_ =	swait.ge [sflag:s17], $0x2800  }
0x3b: {  	[sflag:s17] =	ssyncset.done $0x0  }
0x3c: {  	s13 =	simm.s32 $0x0;
	[sflag:s17] =	ssyncadd.s32 $0xFFFFD800  }
0x3d: {  	v0 =	vld [tilespmem:s13+$0x0]  }
0x3e: {  	v3 =	vld [tilespmem:s13+$0x10]  }
0x3f: {  	v5 =	vld [tilespmem:s13+$0x20]  }
0x40: {  	v4 =	vld [tilespmem:s13+$0x30]  }
0x41: {  	v1 =	vld [tilespmem:s13+$0x40]  }
0x42: {  	v2 =	vld [tilespmem:s13+$0x50];
	v6 =	vshra.s32 v0, $0x10  }
0x43: {  	s6 =	simm.s32 $0x200;
	v0 =	vand.u32 $0xFFFF, v0;
	v7 =	vshra.s32 v3, $0x10;
	v3 =	vand.u32 $0xFFFF, v3;
	[tilespmem:s13+$0x0] =	vst v6;
	v6 =	vld [tilespmem:s13+$0x60]  }
.LBB2_4:
0x44: {  	p0 =	sne.s32 s6, $0x9E00;
	[tilespmem:s13+$0x10] =	vst v7;
	v7 =	vshra.s32 v5, $0x10;
	v5 =	vand.u32 $0xFFFF, v5;
	v8 =	vld [tilespmem:s13+$0x70]  }
0x45: {  	[tilespmem:s13+$0x20] =	vst v7;
	v7 =	vshra.s32 v4, $0x10;
	v4 =	vand.u32 $0xFFFF, v4  }
0x46: {  	[tilespmem:s13+$0x30] =	vst v7;
	v7 =	vshra.s32 v1, $0x10;
	v1 =	vand.u32 $0xFFFF, v1  }
0x47: {  	[tilespmem:s13+$0x40] =	vst v7;
	v7 =	vshra.s32 v2, $0x10;
	v2 =	vand.u32 $0xFFFF, v2  }
0x48: {  	[tilespmem:s13+$0x50] =	vst v7;
	v7 =	vshra.s32 v6, $0x10;
	v6 =	vand.u32 $0xFFFF, v6  }
0x49: {  	[tilespmem:s13+$0x60] =	vst v7;
	v7 =	vshra.s32 v8, $0x10;
	v8 =	vand.u32 $0xFFFF, v8  }
0x4a: {  	[tilespmem:s13+$0x70] =	vst v7  }
0x4b: {  	[tilespmem:s13+$0x2800] =	vst v0  }
0x4c: {  	s16 =	sshra.s32 s6, $0x2;
	[tilespmem:s13+$0x2810] =	vst v3  }
0x4d: {  	v0 =	vld [tilespmem:s16+$0x0];
	[tilespmem:s13+$0x2820] =	vst v5  }
0x4e: {  	v3 =	vld [tilespmem:s16+$0x10];
	[tilespmem:s13+$0x2830] =	vst v4  }
.Ltmp1:
0x4f: {  	v5 =	vld [tilespmem:s16+$0x20];
	[tilespmem:s13+$0x2840] =	vst v1;
	(pc) =	sbr.rel @p0 .LBB2_4-.Ltmp1, $4  }
0x50: {  	v4 =	vld [tilespmem:s16+$0x30];
	[tilespmem:s13+$0x2850] =	vst v2  }
0x51: {  	v1 =	vld [tilespmem:s16+$0x40];
	[tilespmem:s13+$0x2860] =	vst v6  }
0x52: {  	v6 =	vshra.s32 v0, $0x10;
	v0 =	vand.u32 $0xFFFF, v0;
	v2 =	vld [tilespmem:s16+$0x50];
	[tilespmem:s13+$0x2870] =	vst v8;
	s13 =	smov.u32 s16  }
0x53: {  	s6 =	sadd.s32 $0x200, s6;
	[tilespmem:s13+$0x0] =	vst v6;
	v7 =	vshra.s32 v3, $0x10;
	v3 =	vand.u32 $0xFFFF, v3;
	v6 =	vld [tilespmem:s13+$0x60]  }
0x54: {  	[tilespmem:s13+$0x10] =	vst v7  }
0x55: {  	[tilespmem:s13+$0x2800] =	vst v0  }
0x56: {  	v52 =	vshra.s32 v5, $0x10;
	[tilespmem:s13+$0x2810] =	vst v3  }
0x57: {  	v58 =	vand.u32 $0xFFFF, v5;
	[tilespmem:s13+$0x20] =	vst v52  }
0x58: {  	v53 =	vshra.s32 v4, $0x10;
	[tilespmem:s13+$0x2820] =	vst v58  }
0x59: {  	v59 =	vand.u32 $0xFFFF, v4;
	[tilespmem:s13+$0x30] =	vst v53  }
0x5a: {  	v54 =	vshra.s32 v1, $0x10;
	[tilespmem:s13+$0x2830] =	vst v59  }
0x5b: {  	v8 =	vld [tilespmem:s13+$0x70];
	v60 =	vand.u32 $0xFFFF, v1;
	[tilespmem:s13+$0x40] =	vst v54  }
0x5c: {  	v55 =	vshra.s32 v2, $0x10;
	[tilespmem:s13+$0x2840] =	vst v60  }
0x5d: {  	v61 =	vand.u32 $0xFFFF, v2;
	[tilespmem:s13+$0x50] =	vst v55  }
0x5e: {  	v56 =	vshra.s32 v6, $0x10;
	[tilespmem:s13+$0x2850] =	vst v61  }
0x5f: {  	v62 =	vand.u32 $0xFFFF, v6;
	[tilespmem:s13+$0x60] =	vst v56  }
0x60: {  	v57 =	vshra.s32 v8, $0x10;
	[tilespmem:s13+$0x2860] =	vst v62  }
0x61: {  	v63 =	vand.u32 $0xFFFF, v8;
	[tilespmem:s13+$0x70] =	vst v57  }
0x62: {  	[tilespmem:s13+$0x2870] =	vst v63  }
0x63: {  	_ =	swait.ge [sflag:s18], $0x9E0  }
0x64: {  	[sflag:s18] =	ssyncset.done $0x0  }
0x65: {  	[sflag:s18] =	ssyncadd.s32 $0xFFFFF620  }
0x66: {  	_ =	swait.ge [sflag:s19], $0x4F00  }
0x67: {  	[sflag:s19] =	ssyncset.done $0x0  }
0x68: {  	[sflag:s19] =	ssyncadd.s32 $0xFFFFB100  }
0x69: {  	s6 =	simm.s32 $0x0;
	[bflag:$0x0] =	sbarrier.arrive $0xFFFF  }
0x6a: {  	[tilespmem:s21], [sflag:$0x1] =	stream.indirect.gather [spmem:s3], $0x20, s6, s20, $0xb8;
	[tilespmem:$0x1DC00] =	vst v63  }
0x6b: {  	_ = 	snop  }
0x6c: {  	[tilespmem:s22], [sflag:$0x2] =	stream.indirect.gather [spmem:s3], $0x20, s20, s20, $0xb8;
	[tilespmem:$0x1DC00] =	vst v63  }
0x6d: {  	s13 =	simm.s32 $0x100  }
0x6e: {  	[tilespmem:s24], [sflag:$0x3] =	stream.indirect.gather [spmem:s3], $0x20, s13, s20, $0xb8;
	[tilespmem:$0x1DC00] =	vst v63  }
0x6f: {  	s16 =	simm.s32 $0x180  }
0x70: {  	[tilespmem:s26], [sflag:$0x4] =	stream.indirect.gather [spmem:s3], $0x20, s16, s20, $0xb8;
	[tilespmem:$0x1DC00] =	vst v63  }
0x71: {  	_ =	swait.ge [sflag:s15], $0x1000  }
0x72: {  	[sflag:s15] =	ssyncset.done $0x0  }
0x73: {  	s13 =	simm.s32 $0x2800;
	[sflag:s15] =	ssyncadd.s32 $0xFFFFF000  }
0x74: {  	[spmem:s1] =	stream.indirect.scatter.add.f32 [tilespmem:s21], [sflag:$0x6], $0x20, s13, s20, $0xb8;
	[tilespmem:$0x1DC00] =	vst v63  }
0x75: {  	s16 =	simm.s32 $0x200  }
0x76: {  	[tilespmem:s30], [sflag:$0x5] =	stream.indirect.gather [spmem:s3], $0x20, s16, s20, $0xb8;
	[tilespmem:$0x1DC00] =	vst v63  }
0x77: {  	_ =	swait.ge [sflag:s18], $0x1000  }
0x78: {  	[sflag:s18] =	ssyncset.done $0x0  }
0x79: {  	s13 =	simm.s32 $0x2880;
	[sflag:s18] =	ssyncadd.s32 $0xFFFFF000  }
0x7a: {  	[spmem:s1] =	stream.indirect.scatter.add.f32 [tilespmem:s22], [sflag:$0x7], $0x20, s13, s20, $0xb8;
	[tilespmem:$0x1DC00] =	vst v63  }
0x7b: {  	_ =	swait.ge [sflag:s17], $0x1000  }
0x7c: {  	[sflag:s17] =	ssyncset.done $0x0  }
0x7d: {  	s16 =	simm.s32 $0x280;
	[sflag:s17] =	ssyncadd.s32 $0xFFFFF000  }
0x7e: {  	[tilespmem:s21], [sflag:$0x1] =	stream.indirect.gather [spmem:s3], $0x20, s16, s20, $0xb8;
	[tilespmem:$0x1DC00] =	vst v63  }
0x7f: {  	_ =	swait.ge [sflag:s19], $0x1000  }
0x80: {  	[sflag:s19] =	ssyncset.done $0x0  }
0x81: {  	s13 =	simm.s32 $0x2900;
	[sflag:s19] =	ssyncadd.s32 $0xFFFFF000  }
0x82: {  	[spmem:s1] =	stream.indirect.scatter.add.f32 [tilespmem:s24], [sflag:$0x8], $0x20, s13, s20, $0xb8;
	[tilespmem:$0x1DC00] =	vst v63  }
0x83: {  	_ =	swait.ge [sflag:s23], $0x1000  }
0x84: {  	[sflag:s23] =	ssyncset.done $0x0  }
0x85: {  	s16 =	simm.s32 $0x300;
	[sflag:s23] =	ssyncadd.s32 $0xFFFFF000  }
0x86: {  	[tilespmem:s22], [sflag:$0x2] =	stream.indirect.gather [spmem:s3], $0x20, s16, s20, $0xb8;
	[tilespmem:$0x1DC00] =	vst v63  }
0x87: {  	_ =	swait.ge [sflag:s28], $0x1000  }
0x88: {  	[sflag:s28] =	ssyncset.done $0x0  }
0x89: {  	s13 =	simm.s32 $0x2980;
	[sflag:s28] =	ssyncadd.s32 $0xFFFFF000  }
0x8a: {  	[spmem:s1] =	stream.indirect.scatter.add.f32 [tilespmem:s26], [sflag:$0x9], $0x20, s13, s20, $0xb8;
	[tilespmem:$0x1DC00] =	vst v63  }
0x8b: {  	_ =	swait.ge [sflag:s31], $0x1000  }
0x8c: {  	[sflag:s31] =	ssyncset.done $0x0  }
0x8d: {  	s16 =	simm.s32 $0x380;
	[sflag:s31] =	ssyncadd.s32 $0xFFFFF000  }
0x8e: {  	[tilespmem:s24], [sflag:$0x3] =	stream.indirect.gather [spmem:s3], $0x20, s16, s20, $0xb8;
	[tilespmem:$0x1DC00] =	vst v63  }
0x8f: {  	_ =	swait.ge [sflag:s2], $0x1000  }
0x90: {  	[sflag:s2] =	ssyncset.done $0x0  }
0x91: {  	s13 =	simm.s32 $0x2A00;
	[sflag:s2] =	ssyncadd.s32 $0xFFFFF000  }
0x92: {  	[spmem:s1] =	stream.indirect.scatter.add.f32 [tilespmem:s30], [sflag:$0xA], $0x20, s13, s20, $0xb8;
	[tilespmem:$0x1DC00] =	vst v63  }
0x93: {  	_ =	swait.ge [sflag:s29], $0x1000  }
0x94: {  	[sflag:s29] =	ssyncset.done $0x0  }
0x95: {  	s16 =	simm.s32 $0x400;
	[sflag:s29] =	ssyncadd.s32 $0xFFFFF000  }
0x96: {  	[tilespmem:s26], [sflag:$0x4] =	stream.indirect.gather [spmem:s3], $0x20, s16, s20, $0xb8;
	[tilespmem:$0x1DC00] =	vst v63  }
0x97: {  	_ =	swait.ge [sflag:s15], $0x1000  }
0x98: {  	[sflag:s15] =	ssyncset.done $0x0  }
0x99: {  	s13 =	simm.s32 $0x2A80;
	[sflag:s15] =	ssyncadd.s32 $0xFFFFF000  }
0x9a: {  	[spmem:s1] =	stream.indirect.scatter.add.f32 [tilespmem:s21], [sflag:$0x6], $0x20, s13, s20, $0xb8;
	[tilespmem:$0x1DC00] =	vst v63  }
0x9b: {  	_ =	swait.ge [sflag:s0], $0x1000  }
0x9c: {  	[sflag:s0] =	ssyncset.done $0x0  }
0x9d: {  	s16 =	simm.s32 $0x480;
	[sflag:s0] =	ssyncadd.s32 $0xFFFFF000  }
0x9e: {  	[tilespmem:s30], [sflag:$0x5] =	stream.indirect.gather [spmem:s3], $0x20, s16, s20, $0xb8;
	[tilespmem:$0x1DC00] =	vst v63  }
0x9f: {  	_ =	swait.ge [sflag:s18], $0x1000  }
0xa0: {  	[sflag:s18] =	ssyncset.done $0x0  }
0xa1: {  	s13 =	simm.s32 $0x2B00;
	[sflag:s18] =	ssyncadd.s32 $0xFFFFF000  }
0xa2: {  	[spmem:s1] =	stream.indirect.scatter.add.f32 [tilespmem:s22], [sflag:$0x7], $0x20, s13, s20, $0xb8;
	[tilespmem:$0x1DC00] =	vst v63  }
0xa3: {  	_ =	swait.ge [sflag:s17], $0x1000  }
0xa4: {  	[sflag:s17] =	ssyncset.done $0x0  }
0xa5: {  	s16 =	simm.s32 $0x500;
	[sflag:s17] =	ssyncadd.s32 $0xFFFFF000  }
0xa6: {  	[tilespmem:s21], [sflag:$0x1] =	stream.indirect.gather [spmem:s3], $0x20, s16, s20, $0xb8;
	[tilespmem:$0x1DC00] =	vst v63  }
0xa7: {  	_ =	swait.ge [sflag:s19], $0x1000  }
0xa8: {  	[sflag:s19] =	ssyncset.done $0x0  }
0xa9: {  	s13 =	simm.s32 $0x2B80;
	[sflag:s19] =	ssyncadd.s32 $0xFFFFF000  }
0xaa: {  	[spmem:s1] =	stream.indirect.scatter.add.f32 [tilespmem:s24], [sflag:$0x8], $0x20, s13, s20, $0xb8;
	[tilespmem:$0x1DC00] =	vst v63  }
0xab: {  	_ =	swait.ge [sflag:s23], $0x1000  }
0xac: {  	[sflag:s23] =	ssyncset.done $0x0  }
0xad: {  	s16 =	simm.s32 $0x580;
	[sflag:s23] =	ssyncadd.s32 $0xFFFFF000  }
0xae: {  	[tilespmem:s22], [sflag:$0x2] =	stream.indirect.gather [spmem:s3], $0x20, s16, s20, $0xb8;
	[tilespmem:$0x1DC00] =	vst v63  }
0xaf: {  	_ =	swait.ge [sflag:s28], $0x1000  }
0xb0: {  	[sflag:s28] =	ssyncset.done $0x0  }
0xb1: {  	s13 =	simm.s32 $0x2C00;
	[sflag:s28] =	ssyncadd.s32 $0xFFFFF000  }
0xb2: {  	[spmem:s1] =	stream.indirect.scatter.add.f32 [tilespmem:s26], [sflag:$0x9], $0x20, s13, s20, $0xb8;
	[tilespmem:$0x1DC00] =	vst v63  }
0xb3: {  	_ =	swait.ge [sflag:s31], $0x1000  }
0xb4: {  	[sflag:s31] =	ssyncset.done $0x0  }
0xb5: {  	s16 =	simm.s32 $0x600;
	[sflag:s31] =	ssyncadd.s32 $0xFFFFF000  }
0xb6: {  	[tilespmem:s24], [sflag:$0x3] =	stream.indirect.gather [spmem:s3], $0x20, s16, s20, $0xb8;
	[tilespmem:$0x1DC00] =	vst v63  }
0xb7: {  	_ =	swait.ge [sflag:s2], $0x1000  }
0xb8: {  	[sflag:s2] =	ssyncset.done $0x0  }
0xb9: {  	s6 =	simm.s32 $0x2C80;
	s13 =	simm.s32 $0xA00;
	[sflag:s2] =	ssyncadd.s32 $0xFFFFF000  }
.LBB2_6:
0xba: {  	[spmem:s1] =	stream.indirect.scatter.add.f32 [tilespmem:s30], [sflag:$0xA], $0x20, s6, s20, $0xb8;
	[tilespmem:$0x1DC00] =	vst v63  }
0xbb: {  	s6 =	smov.u32 s13;
	s13 =	sadd.s32 $0xA00, s13;
	_ =	swait.ge [sflag:s29], $0x1000  }
0xbc: {  	s6 =	sshra.s32 s6, $0x2;
	p0 =	sne.s32 s13, $0x8C00;
	[sflag:s29] =	ssyncset.done $0x0  }
0xbd: {  	s16 =	sadd.s32 $0x400, s6;
	[sflag:s29] =	ssyncadd.s32 $0xFFFFF000  }
0xbe: {  	[tilespmem:s26], [sflag:$0x4] =	stream.indirect.gather [spmem:s3], $0x20, s16, s20, $0xb8;
	[tilespmem:$0x1DC00] =	vst v63  }
0xbf: {  	_ =	swait.ge [sflag:s15], $0x1000  }
0xc0: {  	[sflag:s15] =	ssyncset.done $0x0  }
0xc1: {  	s16 =	sadd.s32 $0x2A80, s6;
	[sflag:s15] =	ssyncadd.s32 $0xFFFFF000  }
0xc2: {  	[spmem:s1] =	stream.indirect.scatter.add.f32 [tilespmem:s21], [sflag:$0x6], $0x20, s16, s20, $0xb8;
	[tilespmem:$0x1DC00] =	vst v63  }
0xc3: {  	_ =	swait.ge [sflag:s0], $0x1000  }
0xc4: {  	[sflag:s0] =	ssyncset.done $0x0  }
0xc5: {  	s16 =	sadd.s32 $0x480, s6;
	[sflag:s0] =	ssyncadd.s32 $0xFFFFF000  }
0xc6: {  	[tilespmem:s30], [sflag:$0x5] =	stream.indirect.gather [spmem:s3], $0x20, s16, s20, $0xb8;
	[tilespmem:$0x1DC00] =	vst v63  }
0xc7: {  	_ =	swait.ge [sflag:s18], $0x1000  }
0xc8: {  	[sflag:s18] =	ssyncset.done $0x0  }
0xc9: {  	s16 =	sadd.s32 $0x2B00, s6;
	[sflag:s18] =	ssyncadd.s32 $0xFFFFF000  }
0xca: {  	[spmem:s1] =	stream.indirect.scatter.add.f32 [tilespmem:s22], [sflag:$0x7], $0x20, s16, s20, $0xb8;
	[tilespmem:$0x1DC00] =	vst v63  }
0xcb: {  	_ =	swait.ge [sflag:s17], $0x1000  }
0xcc: {  	[sflag:s17] =	ssyncset.done $0x0  }
0xcd: {  	s16 =	sadd.s32 $0x500, s6;
	[sflag:s17] =	ssyncadd.s32 $0xFFFFF000  }
0xce: {  	[tilespmem:s21], [sflag:$0x1] =	stream.indirect.gather [spmem:s3], $0x20, s16, s20, $0xb8;
	[tilespmem:$0x1DC00] =	vst v63  }
0xcf: {  	_ =	swait.ge [sflag:s19], $0x1000  }
0xd0: {  	[sflag:s19] =	ssyncset.done $0x0  }
0xd1: {  	s16 =	sadd.s32 $0x2B80, s6;
	[sflag:s19] =	ssyncadd.s32 $0xFFFFF000  }
0xd2: {  	[spmem:s1] =	stream.indirect.scatter.add.f32 [tilespmem:s24], [sflag:$0x8], $0x20, s16, s20, $0xb8;
	[tilespmem:$0x1DC00] =	vst v63  }
0xd3: {  	_ =	swait.ge [sflag:s23], $0x1000  }
0xd4: {  	[sflag:s23] =	ssyncset.done $0x0  }
0xd5: {  	s16 =	sadd.s32 $0x580, s6;
	[sflag:s23] =	ssyncadd.s32 $0xFFFFF000  }
0xd6: {  	[tilespmem:s22], [sflag:$0x2] =	stream.indirect.gather [spmem:s3], $0x20, s16, s20, $0xb8;
	[tilespmem:$0x1DC00] =	vst v63  }
0xd7: {  	_ =	swait.ge [sflag:s28], $0x1000  }
0xd8: {  	[sflag:s28] =	ssyncset.done $0x0  }
0xd9: {  	s16 =	sadd.s32 $0x2C00, s6;
	[sflag:s28] =	ssyncadd.s32 $0xFFFFF000  }
0xda: {  	[spmem:s1] =	stream.indirect.scatter.add.f32 [tilespmem:s26], [sflag:$0x9], $0x20, s16, s20, $0xb8;
	[tilespmem:$0x1DC00] =	vst v63  }
0xdb: {  	_ =	swait.ge [sflag:s31], $0x1000  }
0xdc: {  	[sflag:s31] =	ssyncset.done $0x0  }
.Ltmp2:
0xdd: {  	s16 =	sadd.s32 $0x600, s6;
	[sflag:s31] =	ssyncadd.s32 $0xFFFFF000;
	(pc) =	sbr.rel @p0 .LBB2_6-.Ltmp2, $4  }
0xde: {  	[tilespmem:s24], [sflag:$0x3] =	stream.indirect.gather [spmem:s3], $0x20, s16, s20, $0xb8;
	[tilespmem:$0x1DC00] =	vst v63  }
0xdf: {  	_ =	swait.ge [sflag:s2], $0x1000  }
0xe0: {  	[sflag:s2] =	ssyncset.done $0x0  }
0xe1: {  	s6 =	sadd.s32 $0x2C80, s6;
	[sflag:s2] =	ssyncadd.s32 $0xFFFFF000  }
0xe2: {  	[spmem:s1] =	stream.indirect.scatter.add.f32 [tilespmem:s30], [sflag:$0xA], $0x20, s6, s20, $0xb8;
	[tilespmem:$0x1DC00] =	vst v63  }
0xe3: {  	_ =	swait.ge [sflag:s29], $0x1000  }
0xe4: {  	s6 =	sshra.s32 s13, $0x2;
	[sflag:s29] =	ssyncset.done $0x0  }
0xe5: {  	s13 =	sadd.s32 $0x400, s6;
	[sflag:s29] =	ssyncadd.s32 $0xFFFFF000  }
0xe6: {  	[tilespmem:s26], [sflag:$0x4] =	stream.indirect.gather [spmem:s3], $0x20, s13, s20, $0xb8;
	[tilespmem:$0x1DC00] =	vst v63  }
0xe7: {  	_ =	swait.ge [sflag:s15], $0x1000  }
0xe8: {  	[sflag:s15] =	ssyncset.done $0x0  }
0xe9: {  	s16 =	sadd.s32 $0x2A80, s6;
	[sflag:s15] =	ssyncadd.s32 $0xFFFFF000  }
0xea: {  	[spmem:s1] =	stream.indirect.scatter.add.f32 [tilespmem:s21], [sflag:$0x6], $0x20, s16, s20, $0xb8;
	[tilespmem:$0x1DC00] =	vst v63  }
0xeb: {  	_ =	swait.ge [sflag:s0], $0x1000  }
0xec: {  	[sflag:s0] =	ssyncset.done $0x0  }
0xed: {  	s16 =	simm.s32 $0x2780;
	[sflag:s0] =	ssyncadd.s32 $0xFFFFF000  }
0xee: {  	[tilespmem:s30], [sflag:$0x5] =	stream.indirect.gather [spmem:s3], $0x20, s16, s20, $0xb8;
	[tilespmem:$0x1DC00] =	vst v63  }
0xef: {  	_ =	swait.ge [sflag:s18], $0x1000  }
0xf0: {  	[sflag:s18] =	ssyncset.done $0x0  }
0xf1: {  	s16 =	sadd.s32 $0x2B00, s6;
	[sflag:s18] =	ssyncadd.s32 $0xFFFFF000  }
0xf2: {  	[spmem:s1] =	stream.indirect.scatter.add.f32 [tilespmem:s22], [sflag:$0x7], $0x20, s16, s20, $0xb8;
	[tilespmem:$0x1DC00] =	vst v63  }
0xf3: {  	_ =	swait.ge [sflag:s17], $0x1000  }
0xf4: {  	[sflag:s17] =	ssyncset.done $0x0  }
0xf5: {  	[sflag:s17] =	ssyncadd.s32 $0xFFFFF000  }
0xf6: {  	_ =	swait.ge [sflag:s19], $0x1000  }
0xf7: {  	[sflag:s19] =	ssyncset.done $0x0  }
0xf8: {  	s16 =	sadd.s32 $0x2B80, s6;
	[sflag:s19] =	ssyncadd.s32 $0xFFFFF000  }
0xf9: {  	[spmem:s1] =	stream.indirect.scatter.add.f32 [tilespmem:s24], [sflag:$0x8], $0x20, s16, s20, $0xb8;
	[tilespmem:$0x1DC00] =	vst v63  }
0xfa: {  	_ =	swait.ge [sflag:s23], $0x1000  }
0xfb: {  	[sflag:s23] =	ssyncset.done $0x0  }
0xfc: {  	[sflag:s23] =	ssyncadd.s32 $0xFFFFF000  }
0xfd: {  	_ =	swait.ge [sflag:s28], $0x1000  }
0xfe: {  	[sflag:s28] =	ssyncset.done $0x0  }
0xff: {  	s6 =	sadd.s32 $0x2C00, s6;
	[sflag:s28] =	ssyncadd.s32 $0xFFFFF000  }
0x100: {  	[spmem:s1] =	stream.indirect.scatter.add.f32 [tilespmem:s26], [sflag:$0x9], $0x20, s6, s20, $0xb8;
	[tilespmem:$0x1DC00] =	vst v63  }
0x101: {  	_ =	swait.ge [sflag:s31], $0x1000  }
0x102: {  	[sflag:s31] =	ssyncset.done $0x0  }
0x103: {  	[sflag:s31] =	ssyncadd.s32 $0xFFFFF000  }
0x104: {  	_ =	swait.ge [sflag:s2], $0x1000  }
0x105: {  	[sflag:s2] =	ssyncset.done $0x0  }
0x106: {  	s13 =	simm.s32 $0x4F80;
	[sflag:s2] =	ssyncadd.s32 $0xFFFFF000  }
0x107: {  	[spmem:s1] =	stream.indirect.scatter.add.f32 [tilespmem:s30], [sflag:$0xA], $0x20, s13, s20, $0xb8;
	[tilespmem:$0x1DC00] =	vst v63  }
0x108: {  	_ =	swait.ge [sflag:s29], $0x1000  }
0x109: {  	[sflag:s29] =	ssyncset.done $0x0  }
0x10a: {  	[sflag:s29] =	ssyncadd.s32 $0xFFFFF000  }
0x10b: {  	_ =	swait.ge [sflag:s0], $0x1000  }
0x10c: {  	[sflag:s0] =	ssyncset.done $0x0  }
0x10d: {  	[sflag:s0] =	ssyncadd.s32 $0xFFFFF000  }
0x10e: {  	s16 =	simm.s32 $0x13E00;
	[bflag:$0x0] =	sbarrier.arrive $0xFFFF  }
0x10f: {  	[tilespmem:s16], [sflag:$0xB] =	stream.linear.gather [spmem:s7], $0x4F00, $0x38;
	[tilespmem:$0x1DC00] =	vst v63  }
0x110: {  	_ =	swait.ge [sflag:s25], $0x4F00  }
0x111: {  	[sflag:s25] =	ssyncset.done $0x0  }
0x112: {  	s6 =	simm.s32 $0x0;
	[sflag:s25] =	ssyncadd.s32 $0xFFFFB100  }
0x113: {  	v3 =	vld [tilespmem:s6+$0x13E70]  }
0x114: {  	v4 =	vld [tilespmem:s6+$0x13E00]  }
0x115: {  	v5 =	vld [tilespmem:s6+$0x13E10]  }
0x116: {  	v2 =	vld [tilespmem:s6+$0x13E20]  }
0x117: {  	v0 =	vld [tilespmem:s6+$0x13E30]  }
0x118: {  	v1 =	vld [tilespmem:s6+$0x13E40];
	[tilespmem:s6+$0x18D70] =	vst v3  }
0x119: {  	[tilespmem:s6+$0x18D00] =	vst v4;
	v3 =	vld [tilespmem:s6+$0x13E50]  }
0x11a: {  	s13 =	simm.s32 $0x80;
	s16 =	simm.s32 $0x400;
	[tilespmem:s6+$0x18D10] =	vst v5;
	v4 =	vld [tilespmem:s6+$0x13E60]  }
.LBB2_8:
0x11b: {  	p0 =	sne.s32 s16, $0x13A00;
	v5 =	vld [tilespmem:s13+$0x13E70];
	[tilespmem:s6+$0x18D20] =	vst v2  }
0x11c: {  	v6 =	vld [tilespmem:s13+$0x13E00];
	[tilespmem:s6+$0x18D30] =	vst v0  }
0x11d: {  	v7 =	vld [tilespmem:s13+$0x13E10];
	[tilespmem:s6+$0x18D40] =	vst v1  }
.Ltmp3:
0x11e: {  	v2 =	vld [tilespmem:s13+$0x13E20];
	[tilespmem:s6+$0x18D50] =	vst v3;
	(pc) =	sbr.rel @p0 .LBB2_8-.Ltmp3, $4  }
0x11f: {  	v0 =	vld [tilespmem:s13+$0x13E30];
	[tilespmem:s6+$0x18D60] =	vst v4;
	s6 =	smov.u32 s13  }
0x120: {  	v1 =	vld [tilespmem:s6+$0x13E40];
	[tilespmem:s6+$0x18D70] =	vst v5  }
0x121: {  	[tilespmem:s6+$0x18D00] =	vst v6;
	v3 =	vld [tilespmem:s6+$0x13E50]  }
0x122: {  	s13 =	sshra.s32 s16, $0x2;
	s16 =	sadd.s32 $0x200, s16;
	[tilespmem:s6+$0x18D10] =	vst v7;
	v4 =	vld [tilespmem:s6+$0x13E60]  }
0x123: {  	v5 =	vld [tilespmem:s13+$0x13E70];
	[tilespmem:s6+$0x18D20] =	vst v2  }
0x124: {  	v2 =	vld [tilespmem:s13+$0x13E00];
	[tilespmem:s6+$0x18D30] =	vst v0  }
0x125: {  	v0 =	vld [tilespmem:s13+$0x13E10];
	[tilespmem:s6+$0x18D40] =	vst v1  }
0x126: {  	v1 =	vld [tilespmem:s13+$0x13E20];
	[tilespmem:s6+$0x18D50] =	vst v3  }
0x127: {  	v3 =	vld [tilespmem:s13+$0x13E30];
	[tilespmem:s6+$0x18D60] =	vst v4  }
0x128: {  	v4 =	vld [tilespmem:s13+$0x13E40];
	[tilespmem:s13+$0x18D70] =	vst v5  }
0x129: {  	v62 =	vld [tilespmem:s13+$0x13E50];
	[tilespmem:s13+$0x18D00] =	vst v2  }
0x12a: {  	v63 =	vld [tilespmem:s13+$0x13E60];
	[tilespmem:s13+$0x18D10] =	vst v0  }
0x12b: {  	[tilespmem:s13+$0x18D20] =	vst v1  }
0x12c: {  	[tilespmem:s13+$0x18D30] =	vst v3  }
0x12d: {  	s5 =	sadd.s32 $0x1, s5;
	[tilespmem:s13+$0x18D40] =	vst v4  }
0x12e: {  	p0 =	sne.s32 s5, s12;
	[tilespmem:s13+$0x18D50] =	vst v62  }
.Ltmp4:
0x12f: {  	[tilespmem:s13+$0x18D60] =	vst v63;
	s13 =	simm.s32 $0x18D00;
	(pc) =	sbr.rel @p0 .LBB2_1-.Ltmp4, $4  }
0x130: {  	[hbm4b:s11+s4] =	stream.linear.scatter [tilespmem:s13], [sflag:$0xB], $0x4F00, $0x38;
	[tilespmem:$0x1DC00] =	vst v63  }
0x131: {  	_ =	swait.ge [sflag:s25], $0x4F00  }
0x132: {  	[sflag:s25] =	ssyncset.done $0x0  }
0x133: {  	[sflag:s25] =	ssyncadd.s32 $0xFFFFB100  }
0x134: {  	_ =	sfence.sel $0x180000  }
0x135: {  	[bflag:$0x0] =	sbarrier.arrive $0xFFFF  }
0x136: {  	_ =	strace $0x9000004A  }
0x137: {  	s0 =	stileid.u32;
	[bflag:$0x2] =	sbarrier.arrive $0xFFFF  }
0x138: {  	p0 =	sne.s32 s0, $0x0;
	s0 =	rddreg [dreg:$0x3]  }
0x139: {  	s0 =	sadd.s32 @!p0 $0x100000, s0  }
0x13a: {  	[sflag:s0] =	ssyncadd.tile.s32 @!p0 $0x1;
	_ =	shalt  }
.Lfunc_end2:
_tile_overlayer_lowered:
.L_overlay_start_2:
0x13b: {  	(tag) =	ssettag $0x2  }
0x13c: {  	s0 =	rddreg [dreg:$0x0];
	s2 =	stileid.u32  }
0x13d: {  	s1 =	rddreg [dreg:$0x1];
	p0 =	sne.s32 s2, $0x0  }
0x13e: {  	s3 =	rddreg [dreg:$0x2];
	[bflag:$0x3] =	sbarrier.arrive $0xFFFF;
	s2 =	simm.s32 @!p0 $0x1C0B  }
0x13f: {  	[timem:s3], [sflag:s2] =	dma.local @!p0 [hbm:s0], s1  }
0x140: {  	s0 =	simm.s32 @!p0 $0xB  }
0x141: {  	_ =	swait.ge @!p0 [sflag:s0], s1  }
0x142: {  	s1 =	ssub.s32 @!p0 $0x0, s1;
	[sflag:s0] =	ssyncset.done @!p0 $0x0  }
0x143: {  	[sflag:s0] =	ssyncadd.s32 @!p0 s1  }
0x144: {  	[bflag:$0x3] =	sbarrier.arrive $0xFFFF  }
0x145: {  	_ =	shalt  }

// kernel: kernel.16.cloned.1.call-start
scs
__scs_entry_jumppad:
0x0: {  	(pc) =	sbr.rel $0x88, $3  }
0x1: {  	(tag) =	ssettag $0x0;
	lr =	simm.s32 $0x1  }
0x2: {  	[smem:$0x3F93] =	sst lr;
	_ =	strace $0xD0000000  }
0x3: {  	_ = 	snop  }
0x4: {  	_ = 	snop  }
0x5: {  	_ = 	snop  }
0x6: {  	_ = 	snop  }
0x7: {  	_ = 	snop  }
__scs_overlays_trampoline_lowered:
0x8: {  	[smem:$0x3FA2] =	sst s0  }
0x9: {  	[smem:$0x3FA3] =	sst s1  }
0xa: {  	[smem:$0x3FA4] =	sst s2  }
0xb: {  	[smem:$0x3FA5] =	sst s3  }
0xc: {  	[smem:$0x3FA6] =	sst s4  }
0xd: {  	[smem:$0x3FA7] =	sst s5  }
0xe: {  	[smem:$0x3FA8] =	sst s6  }
0xf: {  	[smem:$0x3FA9] =	sst s7  }
0x10: {  	[smem:$0x3FAA] =	sst s8  }
0x11: {  	[smem:$0x3FAB] =	sst s9;
	s0 =	simm.s32 @!p0 $0x0  }
0x12: {  	s1 =	sld [smem:$0x3F91];
	s0 =	simm.s32 @p0 $0x1  }
0x13: {  	[smem:$0x3FAC] =	sst s0;
	s0 =	simm.s32 @!p1 $0x0  }
0x14: {  	s2 =	sld [smem:$0x3F90];
	s0 =	simm.s32 @p1 $0x1  }
0x15: {  	[smem:$0x3FAD] =	sst s0;
	s0 =	simm.s32 @!p2 $0x0  }
0x16: {  	s3 =	sld [smem:$0x3FDB];
	s0 =	simm.s32 @p2 $0x1  }
0x17: {  	s4 =	simm.s32 $0x1BF5;
	[smem:$0x3FAF] =	sst s0  }
0x18: {  	s0 =	sld [smem:$0x3F92];
	_ =	swait.ge [sflag:s4], $0x0  }
0x19: {  	s7 =	sld [smem:$0x3F93]  }
0x1a: {  	s8 =	sadd.s32 $0xFFFFE003, lr  }
0x1b: {  	s9 =	sadd.s32 $0xFFFFFEF7, lr;
	s5 =	simm.s32 $0xFFFFFFFF;
	p2 =	slt.u32 s8, $0xFFFFF086  }
0x1c: {  	p1 =	slt.u32 s9, $0xF7A;
	s5 =	simm.s32 @!p2 $0x0  }
0x1d: {  	s5 =	simm.s32 @p1 $0x1;
	p0 =	seq.s32 s7, s2  }
0x1e: {  	s7 =	smul.u32 @!p0 $0xF7A, s2;
	p2 =	seq.s32 @!p0 s5, $0x0  }
0x1f: {  	s9 =	smul.u32 $0xF7A, s1;
	s8 =	simm.s32 @!p0 $0x1BF5;
	p2 =	por !p2, p0  }
0x20: {  	[sflag:s8] =	ssyncset.s32 @!p0 $0xFFFFF086;
	s6 =	sadd.s32 @!p0 s3, s7;
	s7 =	simm.s32 @!p0 $0x108  }
0x21: {  	s3 =	sadd.s32 s3, s9;
	s6 =	sadd.s32 @!p0 $0x88, s6;
	s7 =	simm.s32 @p2 $0x1082  }
0x22: {  	[simem:s7], [sflag:s8] =	dma.local @!p0 [hbm:s6], $0xF7A  }
0x23: {  	s9 =	sor.u32 $0xD0000000, s2;
	s6 =	simm.s32 $0x108;
	_ =	swait.ge @!p0 [sflag:s8], $0x0  }
0x24: {  	s3 =	sadd.s32 $0x88, s3;
	s6 =	simm.s32 @!p1 $0x1082;
	[sflag:s4] =	ssyncset.s32 $0xFFFFF086  }
0x25: {  	[simem:s6], [sflag:s4] =	dma.local [hbm:s3], $0xF7A  }
0x26: {  	[smem:$0x3F93] =	sst s1;
	(tag) =	ssettag s2;
	_ =	strace s9  }
0x27: {  	s1 =	sld [smem:$0x3FA3]  }
0x28: {  	s2 =	sld [smem:$0x3FA4]  }
0x29: {  	s4 =	sld [smem:$0x3FA6]  }
0x2a: {  	p0 =	seq.s32 s5, $0x0;
	s5 =	sld [smem:$0x3FA7]  }
0x2b: {  	s6 =	sld [smem:$0x3FA8]  }
0x2c: {  	s7 =	sld [smem:$0x3FA9]  }
0x2d: {  	s3 =	simm.s32 $0x108;
	s8 =	sld [smem:$0x3FAA]  }
0x2e: {  	s3 =	simm.s32 @!p0 $0x1082;
	s9 =	sld [smem:$0x3FAB]  }
0x2f: {  	lr =	sadd.s32 s0, s3;
	s0 =	sld [smem:$0x3FA2]  }
0x30: {  	s3 =	sld [smem:$0x3FA5]  }
0x31: {  	[smem:$0x3FAE] =	sst s10  }
0x32: {  	s10 =	sld [smem:$0x3FAC];
	_ =	sdelay $0x3  }
0x33: {  	p0 =	seq.s32 s10, $0x1;
	s10 =	sld [smem:$0x3FAE];
	_ =	sdelay $0x3  }
0x34: {  	[smem:$0x3FAE] =	sst s10  }
0x35: {  	s10 =	sld [smem:$0x3FAD];
	_ =	sdelay $0x3  }
0x36: {  	p1 =	seq.s32 s10, $0x1;
	s10 =	sld [smem:$0x3FAE];
	_ =	sdelay $0x3  }
0x37: {  	[smem:$0x3FAE] =	sst s10  }
0x38: {  	s10 =	sld [smem:$0x3FAF]  }
0x39: {  	_ = 	snop;
	(pc) =	sbr.ind lr, $3  }
0x3a: {  	_ = 	snop  }
0x3b: {  	_ = 	snop  }
0x3c: {  	p2 =	seq.s32 s10, $0x1;
	s10 =	sld [smem:$0x3FAE]  }
0x3d: {  	_ =	shalt  }
0x3e: {  	_ =	shalt  }
0x3f: {  	_ =	shalt  }
0x40: {  	_ =	shalt  }
0x41: {  	_ =	shalt  }
0x42: {  	_ =	shalt  }
0x43: {  	_ =	shalt  }
0x44: {  	_ =	shalt  }
0x45: {  	_ =	shalt  }
0x46: {  	_ =	shalt  }
0x47: {  	_ =	shalt  }
0x48: {  	_ =	shalt  }
0x49: {  	_ =	shalt  }
0x4a: {  	_ =	shalt  }
0x4b: {  	_ =	shalt  }
0x4c: {  	_ =	shalt  }
0x4d: {  	_ =	shalt  }
0x4e: {  	_ =	shalt  }
0x4f: {  	_ =	shalt  }
0x50: {  	_ =	shalt  }
0x51: {  	_ =	shalt  }
0x52: {  	_ =	shalt  }
0x53: {  	_ =	shalt  }
0x54: {  	_ =	shalt  }
0x55: {  	_ =	shalt  }
0x56: {  	_ =	shalt  }
0x57: {  	_ =	shalt  }
0x58: {  	_ =	shalt  }
0x59: {  	_ =	shalt  }
0x5a: {  	_ =	shalt  }
0x5b: {  	_ =	shalt  }
0x5c: {  	_ =	shalt  }
0x5d: {  	_ =	shalt  }
0x5e: {  	_ =	shalt  }
0x5f: {  	_ =	shalt  }
0x60: {  	_ =	shalt  }
0x61: {  	_ =	shalt  }
0x62: {  	_ =	shalt  }
0x63: {  	_ =	shalt  }
0x64: {  	_ =	shalt  }
0x65: {  	_ =	shalt  }
0x66: {  	_ =	shalt  }
0x67: {  	_ =	shalt  }
0x68: {  	_ =	shalt  }
0x69: {  	_ =	shalt  }
0x6a: {  	_ =	shalt  }
0x6b: {  	_ =	shalt  }
0x6c: {  	_ =	shalt  }
0x6d: {  	_ =	shalt  }
0x6e: {  	_ =	shalt  }
0x6f: {  	_ =	shalt  }
0x70: {  	_ =	shalt  }
0x71: {  	_ =	shalt  }
0x72: {  	_ =	shalt  }
0x73: {  	_ =	shalt  }
0x74: {  	_ =	shalt  }
0x75: {  	_ =	shalt  }
0x76: {  	_ =	shalt  }
0x77: {  	_ =	shalt  }
0x78: {  	_ =	shalt  }
0x79: {  	_ =	shalt  }
0x7a: {  	_ =	shalt  }
0x7b: {  	_ =	shalt  }
0x7c: {  	_ =	shalt  }
0x7d: {  	_ =	shalt  }
0x7e: {  	_ =	shalt  }
0x7f: {  	_ =	shalt  }
0x80: {  	_ =	shalt  }
0x81: {  	_ =	shalt  }
0x82: {  	_ =	shalt  }
0x83: {  	_ =	shalt  }
0x84: {  	_ =	shalt  }
0x85: {  	_ =	shalt  }
0x86: {  	_ =	shalt  }
0x87: {  	_ =	shalt  }
.Lfunc_end0:
.L_simem_size_0:
called_computation.2_lowered:
.L_overlay_start_0:
0x88: {  	s2 =	sld [smem:$0x3FD9]  }
0x89: {  	s3 =	sld [smem:$0x3FFE];
	_ =	sdelay $0x1  }
0x8a: {  	s1 =	srdreg.scid  }
0x8b: {  	s0 =	sand.u32 $0x1, s1  }
0x8c: {  	s16 =	sshll.u32 s0, $0xA;
	s2 =	sadd.s32 s3, s2  }
0x8d: {  	s2 =	sadd.s32 s2, s16  }
0x8e: {  	[smem:$0x3FBA] =	sst s2  }
0x8f: {  	_ = 	snop  }
0x90: {  	(tm) =	ssettm $0x1  }
0x91: {  	s17 =	sld [smem:$0x3FFB];
	_ =	sdelay $0x3  }
0x92: {  	_ =	strace s17  }
0x93: {  	s2 =	sld [smem:$0x3FFC];
	_ =	sdelay $0x3  }
0x94: {  	_ =	strace s2  }
0x95: {  	s2 =	sld [smem:$0x3FFD];
	_ =	sdelay $0x3  }
0x96: {  	_ =	strace s2  }
0x97: {  	_ =	strace $0x8FFFFFFF  }
0x98: {  	s18 =	sld [smem:$0x3FDB];
	_ =	sdelay $0x1  }
0x99: {  	s19 =	simm.s32 $_scs_section_size  }
0x9a: {  	s4 =	simm.s32 $_size__tile_overlayer_lowered;
	s5 =	simm.s32 $_tile_overlayer_lowered  }
0x9b: {  	s22 =	simm.s32 $0x1BFF;
	s21 =	sshll.u32 s5, $0x1;
	s2 =	sadd.s32 s19, s18  }
0x9c: {  	s6 =	simm.s32 $0x0;
	s20 =	sshll.u32 s4, $0x1;
	s4 =	sadd.s32 s21, s2  }
0x9d: {  	[timem:s6], [sflag:s22] =	dma.local [hbm:s4], s20  }
0x9e: {  	_ =	swait.ge [sflag:s22], s20  }
0x9f: {  	s3 =	ssub.s32 $0x0, s20;
	[sflag:s22] =	ssyncset.done $0x0  }
0xa0: {  	[sflag:s22] =	ssyncadd.s32 s3;
	_ =	sdelay $0x1  }
0xa1: {  	s23 =	simm.s32 $0x1B8B  }
0xa2: {  	_ =	swait.ge [sflag:s23], $0x1  }
0xa3: {  	[sflag:s23] =	ssyncset.done $0x0  }
0xa4: {  	s25 =	simm.s32 $0x1B8E;
	s24 =	sld [smem:$0x3FFE];
	[sflag:s23] =	ssyncadd.s32 $0xFFFFFFFF  }
0xa5: {  	s26 =	simm.s32 $execute0_lowered;
	[smem:$0x3FD2] =	sst s25  }
0xa6: {  	s4 =	sshll.u32 s26, $0x1;
	_ =	strace $0x8000004C;
	[dreg:$0x1] =	wrdreg $0xFFFFFFFF  }
0xa7: {  	s28 =	simm.s32 $_size_execute0_lowered;
	s2 =	sadd.s32 s2, s4;
	[dreg:$0x0] =	wrdreg $0x0  }
0xa8: {  	s4 =	sshll.u32 s28, $0x1;
	[dreg:$0x2] =	wrdreg s2  }
0xa9: {  	[dreg:$0x3] =	wrdreg s4  }
0xaa: {  	[dreg:$0x4] =	wrdreg $0xC0  }
0xab: {  	_ =	task [dreg:s6], $0x5FFFF  }
0xac: {  	[dreg:$0x1] =	wrdreg $0xFFFFFFFF  }
0xad: {  	[dreg:$0x0] =	wrdreg $0x60  }
0xae: {  	[dreg:$0x2] =	wrdreg s24  }
0xaf: {  	[dreg:$0x3] =	wrdreg $0xA0000  }
0xb0: {  	[dreg:$0x4] =	wrdreg $0xEF000  }
0xb1: {  	[dreg:$0x5] =	wrdreg $0x9  }
0xb2: {  	_ =	task.clear_ibuf [dreg:s6], $0x6FFFF;
	_ =	strace $0x9000004C  }
0xb3: {  	s29 =	simm.s32 $0x9;
	_ =	strace $0x8000004E  }
0xb4: {  	_ =	swait.ge [sflag:s29], $0x1  }
0xb5: {  	[sflag:s29] =	ssyncadd.s32 $0xFFFFFFFF  }
0xb6: {  	_ =	strace $0x9000004E  }
0xb7: {  	_ =	sfence  }
0xb8: {  	s30 =	sld [smem:$0x0];
	_ =	sdelay $0x2  }
0xb9: {  	s31 =	sshll.u32 s1, $0xD;
	s1 =	sshrl.u32 s1, $0x2  }
0xba: {  	s3 =	sand.u32 $0x4000, s31;
	s1 =	sadd.s32 s1, s30  }
0xbb: {  	s0 =	sor.u32 s3, s0;
	s1 =	sshll.u32 s1, $0x11  }
0xbc: {  	s0 =	sor.u32 s1, s0  }
0xbd: {  	s0 =	sadd.s32 $0x8F2B, s0  }
0xbe: {  	[sflag:s0] =	ssyncadd.remote.s32 $0x1  }
0xbf: {  	_ =	sfence.sel $0xFFFF  }
0xc0: {  	[dreg:$0x0] =	wrdreg $0xFFFFFFFF;
	(pc) =	sbr.abs _section_cstart, $3  }
0xc1: {  	[dreg:$0x1] =	wrdreg $0xFFFFFFFF  }
0xc2: {  	_ =	task.clear_ibuf [dreg:s6], $0x2FFFF;
	_ =	strace $0x9FFFFFFF  }
0xc3: {  	(tm) =	ssettm $0x7FFFFFFF  }
tec
execute0_lowered:
.L_overlay_start_1:
0x0: {  	(tag) =	ssettag $0x1  }
0x1: {  	s0 =	rddreg [dreg:$0x0]  }
0x2: {  	s1 =	rddreg [dreg:$0x1];
	s2 =	srdreg.scid  }
0x3: {  	s3 =	rddreg [dreg:$0x2];
	s9 =	stileid.u32  }
0x4: {  	s4 =	simm.s32 $0x0;
	s13 =	simm.s32 $0x18D00;
	s15 =	simm.s32 $0x1  }
0x5: {  	s17 =	simm.s32 $0x6;
	s18 =	simm.s32 $0x2;
	s19 =	simm.s32 $0x3  }
0x6: {  	s20 =	simm.s32 $0x80;
	s21 =	simm.s32 $0x5000;
	s22 =	simm.s32 $0x6000  }
0x7: {  	s30 =	simm.s32 $0x9000;
	s23 =	simm.s32 $0x7;
	s28 =	simm.s32 $0x4  }
0x8: {  	s31 =	simm.s32 $0x8;
	s29 =	simm.s32 $0x9;
	s6 =	smul.u32 $0x9E0, s9  }
0x9: {  	s2 =	sand.u32 $0x1, s2;
	[smem:$0x7FF] =	sst s4;
	s10 =	smul.u32 $0x4F00, s9  }
0xa: {  	s11 =	sadd.s32 $0x17C00, s0;
	s26 =	sshll.u32 s9, $0x6;
	s5 =	sshll.u32 s2, $0x4  }
0xb: {  	_ =	strace $0x8000004D;
	s7 =	smul.u32 $0x9E00, s2;
	s2 =	ssub.s32 $0x2, s2  }
0xc: {  	[dreg:$0x4] =	wrdreg s11;
	s5 =	sor.u32 s9, s5;
	s8 =	sadd.s32 s6, s0  }
0xd: {  	s24 =	sshrl.u32 s2, $0x1;
	s5 =	smul.u32 $0x500, s5;
	s6 =	sadd.s32 s6, s7  }
0xe: {  	s2 =	ssub.s32 s2, s24;
	s25 =	sadd.s32 $0xDE00, s8;
	s7 =	sadd.s32 s10, s1  }
0xf: {  	s8 =	sor.u32 $0x1C02, s26;
	s10 =	sadd.s32 s10, s3;
	s24 =	simm.s32 $0x7000  }
0x10: {  	s26 =	simm.s32 $0x8000;
	[dreg:$0x5] =	wrdreg s25;
	s12 =	smax.u32 s2, $0x1  }
0x11: {  	s14 =	sshrl.u32 s7, $0x3;
	s2 =	simm.s32 $0x5;
	s5 =	sadd.s32 s5, s0  }
0x12: {  	s25 =	simm.s32 $0xB;
	s0 =	sadd.s32 s6, s0;
	s9 =	sadd.s32 $0x3E00, s5  }
0x13: {  	s11 =	sadd.s32 $0x18600, s0;
	s0 =	simm.s32 $0xA;
	s5 =	simm.s32 $0x0  }
.LBB2_1:
0x14: {  	s6 =	rddreg [dreg:$0x5]  }
0x15: {  	s16 =	rddreg [dreg:$0x4]  }
0x16: {  	[tilespmem:s13], [sflag:$0x1] =	stream.linear.gather [hbm4b:s6+s4], $0x4F00, $0x38;
	[tilespmem:$0x1DC00] =	vst v63  }
0x17: {  	[spmem:s14], [sflag:s8] =	dma.local [hbm:s16], $0x9E0  }
0x18: {  	[tilespmem:s4], [sflag:$0x6] =	stream.linear.gather [hbm4b:s9+s4], $0x2800, $0x38;
	[tilespmem:$0x1DC00] =	vst v63  }
0x19: {  	_ =	swait.ge [sflag:s15], $0x4F00  }
0x1a: {  	[sflag:s15] =	ssyncset.done $0x0  }
0x1b: {  	s6 =	simm.s32 $0x0;
	[sflag:s15] =	ssyncadd.s32 $0xFFFFB100  }
0x1c: {  	v3 =	vld [tilespmem:s6+$0x18D70]  }
0x1d: {  	v4 =	vld [tilespmem:s6+$0x18D00]  }
0x1e: {  	v5 =	vld [tilespmem:s6+$0x18D10]  }
0x1f: {  	v2 =	vld [tilespmem:s6+$0x18D20]  }
0x20: {  	v0 =	vld [tilespmem:s6+$0x18D30]  }
0x21: {  	v1 =	vld [tilespmem:s6+$0x18D40];
	[tilespmem:s6+$0x13E70] =	vst v3  }
0x22: {  	[tilespmem:s6+$0x13E00] =	vst v4;
	v3 =	vld [tilespmem:s6+$0x18D50]  }
0x23: {  	s13 =	simm.s32 $0x80;
	s16 =	simm.s32 $0x400;
	[tilespmem:s6+$0x13E10] =	vst v5;
	v4 =	vld [tilespmem:s6+$0x18D60]  }
.LBB2_2:
0x24: {  	p0 =	sne.s32 s16, $0x13A00;
	v5 =	vld [tilespmem:s13+$0x18D70];
	[tilespmem:s6+$0x13E20] =	vst v2  }
0x25: {  	v6 =	vld [tilespmem:s13+$0x18D00];
	[tilespmem:s6+$0x13E30] =	vst v0  }
0x26: {  	v7 =	vld [tilespmem:s13+$0x18D10];
	[tilespmem:s6+$0x13E40] =	vst v1  }
.Ltmp0:
0x27: {  	v2 =	vld [tilespmem:s13+$0x18D20];
	[tilespmem:s6+$0x13E50] =	vst v3;
	(pc) =	sbr.rel @p0 .LBB2_2-.Ltmp0, $4  }
0x28: {  	v0 =	vld [tilespmem:s13+$0x18D30];
	[tilespmem:s6+$0x13E60] =	vst v4;
	s6 =	smov.u32 s13  }
0x29: {  	v1 =	vld [tilespmem:s6+$0x18D40];
	[tilespmem:s6+$0x13E70] =	vst v5  }
0x2a: {  	[tilespmem:s6+$0x13E00] =	vst v6;
	v3 =	vld [tilespmem:s6+$0x18D50]  }
0x2b: {  	s13 =	sshra.s32 s16, $0x2;
	s16 =	sadd.s32 $0x200, s16;
	[tilespmem:s6+$0x13E10] =	vst v7;
	v4 =	vld [tilespmem:s6+$0x18D60]  }
0x2c: {  	v5 =	vld [tilespmem:s13+$0x18D70];
	[tilespmem:s6+$0x13E20] =	vst v2  }
0x2d: {  	v2 =	vld [tilespmem:s13+$0x18D00];
	[tilespmem:s6+$0x13E30] =	vst v0  }
0x2e: {  	v0 =	vld [tilespmem:s13+$0x18D10];
	[tilespmem:s6+$0x13E40] =	vst v1  }
0x2f: {  	v1 =	vld [tilespmem:s13+$0x18D20];
	[tilespmem:s6+$0x13E50] =	vst v3  }
0x30: {  	v3 =	vld [tilespmem:s13+$0x18D30];
	[tilespmem:s6+$0x13E60] =	vst v4  }
0x31: {  	v4 =	vld [tilespmem:s13+$0x18D40];
	[tilespmem:s13+$0x13E70] =	vst v5  }
0x32: {  	[tilespmem:s13+$0x13E00] =	vst v2;
	v2 =	vld [tilespmem:s13+$0x18D50]  }
0x33: {  	[tilespmem:s13+$0x13E10] =	vst v0;
	v0 =	vld [tilespmem:s13+$0x18D60]  }
0x34: {  	[tilespmem:s13+$0x13E20] =	vst v1  }
0x35: {  	[tilespmem:s13+$0x13E30] =	vst v3  }
0x36: {  	[tilespmem:s13+$0x13E40] =	vst v4  }
0x37: {  	[tilespmem:s13+$0x13E50] =	vst v2  }
0x38: {  	s16 =	simm.s32 $0x13E00;
	[tilespmem:s13+$0x13E60] =	vst v0  }
0x39: {  	[spmem:s10] =	stream.linear.scatter [tilespmem:s16], [sflag:$0x3], $0x4F00, $0x38;
	[tilespmem:$0x1DC00] =	vst v63  }
0x3a: {  	_ =	swait.ge [sflag:s17], $0x2800  }
0x3b: {  	[sflag:s17] =	ssyncset.done $0x0  }
0x3c: {  	s13 =	simm.s32 $0x0;
	[sflag:s17] =	ssyncadd.s32 $0xFFFFD800  }
0x3d: {  	v0 =	vld [tilespmem:s13+$0x0]  }
0x3e: {  	v3 =	vld [tilespmem:s13+$0x10]  }
0x3f: {  	v5 =	vld [tilespmem:s13+$0x20]  }
0x40: {  	v4 =	vld [tilespmem:s13+$0x30]  }
0x41: {  	v1 =	vld [tilespmem:s13+$0x40]  }
0x42: {  	v2 =	vld [tilespmem:s13+$0x50];
	v6 =	vshra.s32 v0, $0x10  }
0x43: {  	s6 =	simm.s32 $0x200;
	v0 =	vand.u32 $0xFFFF, v0;
	v7 =	vshra.s32 v3, $0x10;
	v3 =	vand.u32 $0xFFFF, v3;
	[tilespmem:s13+$0x0] =	vst v6;
	v6 =	vld [tilespmem:s13+$0x60]  }
.LBB2_4:
0x44: {  	p0 =	sne.s32 s6, $0x9E00;
	[tilespmem:s13+$0x10] =	vst v7;
	v7 =	vshra.s32 v5, $0x10;
	v5 =	vand.u32 $0xFFFF, v5;
	v8 =	vld [tilespmem:s13+$0x70]  }
0x45: {  	[tilespmem:s13+$0x20] =	vst v7;
	v7 =	vshra.s32 v4, $0x10;
	v4 =	vand.u32 $0xFFFF, v4  }
0x46: {  	[tilespmem:s13+$0x30] =	vst v7;
	v7 =	vshra.s32 v1, $0x10;
	v1 =	vand.u32 $0xFFFF, v1  }
0x47: {  	[tilespmem:s13+$0x40] =	vst v7;
	v7 =	vshra.s32 v2, $0x10;
	v2 =	vand.u32 $0xFFFF, v2  }
0x48: {  	[tilespmem:s13+$0x50] =	vst v7;
	v7 =	vshra.s32 v6, $0x10;
	v6 =	vand.u32 $0xFFFF, v6  }
0x49: {  	[tilespmem:s13+$0x60] =	vst v7;
	v7 =	vshra.s32 v8, $0x10;
	v8 =	vand.u32 $0xFFFF, v8  }
0x4a: {  	[tilespmem:s13+$0x70] =	vst v7  }
0x4b: {  	[tilespmem:s13+$0x2800] =	vst v0  }
0x4c: {  	s16 =	sshra.s32 s6, $0x2;
	[tilespmem:s13+$0x2810] =	vst v3  }
0x4d: {  	v0 =	vld [tilespmem:s16+$0x0];
	[tilespmem:s13+$0x2820] =	vst v5  }
0x4e: {  	v3 =	vld [tilespmem:s16+$0x10];
	[tilespmem:s13+$0x2830] =	vst v4  }
.Ltmp1:
0x4f: {  	v5 =	vld [tilespmem:s16+$0x20];
	[tilespmem:s13+$0x2840] =	vst v1;
	(pc) =	sbr.rel @p0 .LBB2_4-.Ltmp1, $4  }
0x50: {  	v4 =	vld [tilespmem:s16+$0x30];
	[tilespmem:s13+$0x2850] =	vst v2  }
0x51: {  	v1 =	vld [tilespmem:s16+$0x40];
	[tilespmem:s13+$0x2860] =	vst v6  }
0x52: {  	v6 =	vshra.s32 v0, $0x10;
	v0 =	vand.u32 $0xFFFF, v0;
	v2 =	vld [tilespmem:s16+$0x50];
	[tilespmem:s13+$0x2870] =	vst v8;
	s13 =	smov.u32 s16  }
0x53: {  	s6 =	sadd.s32 $0x200, s6;
	[tilespmem:s13+$0x0] =	vst v6;
	v7 =	vshra.s32 v3, $0x10;
	v3 =	vand.u32 $0xFFFF, v3;
	v6 =	vld [tilespmem:s13+$0x60]  }
0x54: {  	[tilespmem:s13+$0x10] =	vst v7  }
0x55: {  	[tilespmem:s13+$0x2800] =	vst v0  }
0x56: {  	v52 =	vshra.s32 v5, $0x10;
	[tilespmem:s13+$0x2810] =	vst v3  }
0x57: {  	v58 =	vand.u32 $0xFFFF, v5;
	[tilespmem:s13+$0x20] =	vst v52  }
0x58: {  	v53 =	vshra.s32 v4, $0x10;
	[tilespmem:s13+$0x2820] =	vst v58  }
0x59: {  	v59 =	vand.u32 $0xFFFF, v4;
	[tilespmem:s13+$0x30] =	vst v53  }
0x5a: {  	v54 =	vshra.s32 v1, $0x10;
	[tilespmem:s13+$0x2830] =	vst v59  }
0x5b: {  	v8 =	vld [tilespmem:s13+$0x70];
	v60 =	vand.u32 $0xFFFF, v1;
	[tilespmem:s13+$0x40] =	vst v54  }
0x5c: {  	v55 =	vshra.s32 v2, $0x10;
	[tilespmem:s13+$0x2840] =	vst v60  }
0x5d: {  	v61 =	vand.u32 $0xFFFF, v2;
	[tilespmem:s13+$0x50] =	vst v55  }
0x5e: {  	v56 =	vshra.s32 v6, $0x10;
	[tilespmem:s13+$0x2850] =	vst v61  }
0x5f: {  	v62 =	vand.u32 $0xFFFF, v6;
	[tilespmem:s13+$0x60] =	vst v56  }
0x60: {  	v57 =	vshra.s32 v8, $0x10;
	[tilespmem:s13+$0x2860] =	vst v62  }
0x61: {  	v63 =	vand.u32 $0xFFFF, v8;
	[tilespmem:s13+$0x70] =	vst v57  }
0x62: {  	[tilespmem:s13+$0x2870] =	vst v63  }
0x63: {  	_ =	swait.ge [sflag:s18], $0x9E0  }
0x64: {  	[sflag:s18] =	ssyncset.done $0x0  }
0x65: {  	[sflag:s18] =	ssyncadd.s32 $0xFFFFF620  }
0x66: {  	_ =	swait.ge [sflag:s19], $0x4F00  }
0x67: {  	[sflag:s19] =	ssyncset.done $0x0  }
0x68: {  	[sflag:s19] =	ssyncadd.s32 $0xFFFFB100  }
0x69: {  	s6 =	simm.s32 $0x0;
	[bflag:$0x0] =	sbarrier.arrive $0xFFFF  }
0x6a: {  	[tilespmem:s21], [sflag:$0x1] =	stream.indirect.gather [spmem:s3], $0x20, s6, s20, $0xb8;
	[tilespmem:$0x1DC00] =	vst v63  }
0x6b: {  	_ = 	snop  }
0x6c: {  	[tilespmem:s22], [sflag:$0x2] =	stream.indirect.gather [spmem:s3], $0x20, s20, s20, $0xb8;
	[tilespmem:$0x1DC00] =	vst v63  }
0x6d: {  	s13 =	simm.s32 $0x100  }
0x6e: {  	[tilespmem:s24], [sflag:$0x3] =	stream.indirect.gather [spmem:s3], $0x20, s13, s20, $0xb8;
	[tilespmem:$0x1DC00] =	vst v63  }
0x6f: {  	s16 =	simm.s32 $0x180  }
0x70: {  	[tilespmem:s26], [sflag:$0x4] =	stream.indirect.gather [spmem:s3], $0x20, s16, s20, $0xb8;
	[tilespmem:$0x1DC00] =	vst v63  }
0x71: {  	_ =	swait.ge [sflag:s15], $0x1000  }
0x72: {  	[sflag:s15] =	ssyncset.done $0x0  }
0x73: {  	s13 =	simm.s32 $0x2800;
	[sflag:s15] =	ssyncadd.s32 $0xFFFFF000  }
0x74: {  	[spmem:s1] =	stream.indirect.scatter.add.f32 [tilespmem:s21], [sflag:$0x6], $0x20, s13, s20, $0xb8;
	[tilespmem:$0x1DC00] =	vst v63  }
0x75: {  	s16 =	simm.s32 $0x200  }
0x76: {  	[tilespmem:s30], [sflag:$0x5] =	stream.indirect.gather [spmem:s3], $0x20, s16, s20, $0xb8;
	[tilespmem:$0x1DC00] =	vst v63  }
0x77: {  	_ =	swait.ge [sflag:s18], $0x1000  }
0x78: {  	[sflag:s18] =	ssyncset.done $0x0  }
0x79: {  	s13 =	simm.s32 $0x2880;
	[sflag:s18] =	ssyncadd.s32 $0xFFFFF000  }
0x7a: {  	[spmem:s1] =	stream.indirect.scatter.add.f32 [tilespmem:s22], [sflag:$0x7], $0x20, s13, s20, $0xb8;
	[tilespmem:$0x1DC00] =	vst v63  }
0x7b: {  	_ =	swait.ge [sflag:s17], $0x1000  }
0x7c: {  	[sflag:s17] =	ssyncset.done $0x0  }
0x7d: {  	s16 =	simm.s32 $0x280;
	[sflag:s17] =	ssyncadd.s32 $0xFFFFF000  }
0x7e: {  	[tilespmem:s21], [sflag:$0x1] =	stream.indirect.gather [spmem:s3], $0x20, s16, s20, $0xb8;
	[tilespmem:$0x1DC00] =	vst v63  }
0x7f: {  	_ =	swait.ge [sflag:s19], $0x1000  }
0x80: {  	[sflag:s19] =	ssyncset.done $0x0  }
0x81: {  	s13 =	simm.s32 $0x2900;
	[sflag:s19] =	ssyncadd.s32 $0xFFFFF000  }
0x82: {  	[spmem:s1] =	stream.indirect.scatter.add.f32 [tilespmem:s24], [sflag:$0x8], $0x20, s13, s20, $0xb8;
	[tilespmem:$0x1DC00] =	vst v63  }
0x83: {  	_ =	swait.ge [sflag:s23], $0x1000  }
0x84: {  	[sflag:s23] =	ssyncset.done $0x0  }
0x85: {  	s16 =	simm.s32 $0x300;
	[sflag:s23] =	ssyncadd.s32 $0xFFFFF000  }
0x86: {  	[tilespmem:s22], [sflag:$0x2] =	stream.indirect.gather [spmem:s3], $0x20, s16, s20, $0xb8;
	[tilespmem:$0x1DC00] =	vst v63  }
0x87: {  	_ =	swait.ge [sflag:s28], $0x1000  }
0x88: {  	[sflag:s28] =	ssyncset.done $0x0  }
0x89: {  	s13 =	simm.s32 $0x2980;
	[sflag:s28] =	ssyncadd.s32 $0xFFFFF000  }
0x8a: {  	[spmem:s1] =	stream.indirect.scatter.add.f32 [tilespmem:s26], [sflag:$0x9], $0x20, s13, s20, $0xb8;
	[tilespmem:$0x1DC00] =	vst v63  }
0x8b: {  	_ =	swait.ge [sflag:s31], $0x1000  }
0x8c: {  	[sflag:s31] =	ssyncset.done $0x0  }
0x8d: {  	s16 =	simm.s32 $0x380;
	[sflag:s31] =	ssyncadd.s32 $0xFFFFF000  }
0x8e: {  	[tilespmem:s24], [sflag:$0x3] =	stream.indirect.gather [spmem:s3], $0x20, s16, s20, $0xb8;
	[tilespmem:$0x1DC00] =	vst v63  }
0x8f: {  	_ =	swait.ge [sflag:s2], $0x1000  }
0x90: {  	[sflag:s2] =	ssyncset.done $0x0  }
0x91: {  	s13 =	simm.s32 $0x2A00;
	[sflag:s2] =	ssyncadd.s32 $0xFFFFF000  }
0x92: {  	[spmem:s1] =	stream.indirect.scatter.add.f32 [tilespmem:s30], [sflag:$0xA], $0x20, s13, s20, $0xb8;
	[tilespmem:$0x1DC00] =	vst v63  }
0x93: {  	_ =	swait.ge [sflag:s29], $0x1000  }
0x94: {  	[sflag:s29] =	ssyncset.done $0x0  }
0x95: {  	s16 =	simm.s32 $0x400;
	[sflag:s29] =	ssyncadd.s32 $0xFFFFF000  }
0x96: {  	[tilespmem:s26], [sflag:$0x4] =	stream.indirect.gather [spmem:s3], $0x20, s16, s20, $0xb8;
	[tilespmem:$0x1DC00] =	vst v63  }
0x97: {  	_ =	swait.ge [sflag:s15], $0x1000  }
0x98: {  	[sflag:s15] =	ssyncset.done $0x0  }
0x99: {  	s13 =	simm.s32 $0x2A80;
	[sflag:s15] =	ssyncadd.s32 $0xFFFFF000  }
0x9a: {  	[spmem:s1] =	stream.indirect.scatter.add.f32 [tilespmem:s21], [sflag:$0x6], $0x20, s13, s20, $0xb8;
	[tilespmem:$0x1DC00] =	vst v63  }
0x9b: {  	_ =	swait.ge [sflag:s0], $0x1000  }
0x9c: {  	[sflag:s0] =	ssyncset.done $0x0  }
0x9d: {  	s16 =	simm.s32 $0x480;
	[sflag:s0] =	ssyncadd.s32 $0xFFFFF000  }
0x9e: {  	[tilespmem:s30], [sflag:$0x5] =	stream.indirect.gather [spmem:s3], $0x20, s16, s20, $0xb8;
	[tilespmem:$0x1DC00] =	vst v63  }
0x9f: {  	_ =	swait.ge [sflag:s18], $0x1000  }
0xa0: {  	[sflag:s18] =	ssyncset.done $0x0  }
0xa1: {  	s13 =	simm.s32 $0x2B00;
	[sflag:s18] =	ssyncadd.s32 $0xFFFFF000  }
0xa2: {  	[spmem:s1] =	stream.indirect.scatter.add.f32 [tilespmem:s22], [sflag:$0x7], $0x20, s13, s20, $0xb8;
	[tilespmem:$0x1DC00] =	vst v63  }
0xa3: {  	_ =	swait.ge [sflag:s17], $0x1000  }
0xa4: {  	[sflag:s17] =	ssyncset.done $0x0  }
0xa5: {  	s16 =	simm.s32 $0x500;
	[sflag:s17] =	ssyncadd.s32 $0xFFFFF000  }
0xa6: {  	[tilespmem:s21], [sflag:$0x1] =	stream.indirect.gather [spmem:s3], $0x20, s16, s20, $0xb8;
	[tilespmem:$0x1DC00] =	vst v63  }
0xa7: {  	_ =	swait.ge [sflag:s19], $0x1000  }
0xa8: {  	[sflag:s19] =	ssyncset.done $0x0  }
0xa9: {  	s13 =	simm.s32 $0x2B80;
	[sflag:s19] =	ssyncadd.s32 $0xFFFFF000  }
0xaa: {  	[spmem:s1] =	stream.indirect.scatter.add.f32 [tilespmem:s24], [sflag:$0x8], $0x20, s13, s20, $0xb8;
	[tilespmem:$0x1DC00] =	vst v63  }
0xab: {  	_ =	swait.ge [sflag:s23], $0x1000  }
0xac: {  	[sflag:s23] =	ssyncset.done $0x0  }
0xad: {  	s16 =	simm.s32 $0x580;
	[sflag:s23] =	ssyncadd.s32 $0xFFFFF000  }
0xae: {  	[tilespmem:s22], [sflag:$0x2] =	stream.indirect.gather [spmem:s3], $0x20, s16, s20, $0xb8;
	[tilespmem:$0x1DC00] =	vst v63  }
0xaf: {  	_ =	swait.ge [sflag:s28], $0x1000  }
0xb0: {  	[sflag:s28] =	ssyncset.done $0x0  }
0xb1: {  	s13 =	simm.s32 $0x2C00;
	[sflag:s28] =	ssyncadd.s32 $0xFFFFF000  }
0xb2: {  	[spmem:s1] =	stream.indirect.scatter.add.f32 [tilespmem:s26], [sflag:$0x9], $0x20, s13, s20, $0xb8;
	[tilespmem:$0x1DC00] =	vst v63  }
0xb3: {  	_ =	swait.ge [sflag:s31], $0x1000  }
0xb4: {  	[sflag:s31] =	ssyncset.done $0x0  }
0xb5: {  	s16 =	simm.s32 $0x600;
	[sflag:s31] =	ssyncadd.s32 $0xFFFFF000  }
0xb6: {  	[tilespmem:s24], [sflag:$0x3] =	stream.indirect.gather [spmem:s3], $0x20, s16, s20, $0xb8;
	[tilespmem:$0x1DC00] =	vst v63  }
0xb7: {  	_ =	swait.ge [sflag:s2], $0x1000  }
0xb8: {  	[sflag:s2] =	ssyncset.done $0x0  }
0xb9: {  	s6 =	simm.s32 $0x2C80;
	s13 =	simm.s32 $0xA00;
	[sflag:s2] =	ssyncadd.s32 $0xFFFFF000  }
.LBB2_6:
0xba: {  	[spmem:s1] =	stream.indirect.scatter.add.f32 [tilespmem:s30], [sflag:$0xA], $0x20, s6, s20, $0xb8;
	[tilespmem:$0x1DC00] =	vst v63  }
0xbb: {  	s6 =	smov.u32 s13;
	s13 =	sadd.s32 $0xA00, s13;
	_ =	swait.ge [sflag:s29], $0x1000  }
0xbc: {  	s6 =	sshra.s32 s6, $0x2;
	p0 =	sne.s32 s13, $0x8C00;
	[sflag:s29] =	ssyncset.done $0x0  }
0xbd: {  	s16 =	sadd.s32 $0x400, s6;
	[sflag:s29] =	ssyncadd.s32 $0xFFFFF000  }
0xbe: {  	[tilespmem:s26], [sflag:$0x4] =	stream.indirect.gather [spmem:s3], $0x20, s16, s20, $0xb8;
	[tilespmem:$0x1DC00] =	vst v63  }
0xbf: {  	_ =	swait.ge [sflag:s15], $0x1000  }
0xc0: {  	[sflag:s15] =	ssyncset.done $0x0  }
0xc1: {  	s16 =	sadd.s32 $0x2A80, s6;
	[sflag:s15] =	ssyncadd.s32 $0xFFFFF000  }
0xc2: {  	[spmem:s1] =	stream.indirect.scatter.add.f32 [tilespmem:s21], [sflag:$0x6], $0x20, s16, s20, $0xb8;
	[tilespmem:$0x1DC00] =	vst v63  }
0xc3: {  	_ =	swait.ge [sflag:s0], $0x1000  }
0xc4: {  	[sflag:s0] =	ssyncset.done $0x0  }
0xc5: {  	s16 =	sadd.s32 $0x480, s6;
	[sflag:s0] =	ssyncadd.s32 $0xFFFFF000  }
0xc6: {  	[tilespmem:s30], [sflag:$0x5] =	stream.indirect.gather [spmem:s3], $0x20, s16, s20, $0xb8;
	[tilespmem:$0x1DC00] =	vst v63  }
0xc7: {  	_ =	swait.ge [sflag:s18], $0x1000  }
0xc8: {  	[sflag:s18] =	ssyncset.done $0x0  }
0xc9: {  	s16 =	sadd.s32 $0x2B00, s6;
	[sflag:s18] =	ssyncadd.s32 $0xFFFFF000  }
0xca: {  	[spmem:s1] =	stream.indirect.scatter.add.f32 [tilespmem:s22], [sflag:$0x7], $0x20, s16, s20, $0xb8;
	[tilespmem:$0x1DC00] =	vst v63  }
0xcb: {  	_ =	swait.ge [sflag:s17], $0x1000  }
0xcc: {  	[sflag:s17] =	ssyncset.done $0x0  }
0xcd: {  	s16 =	sadd.s32 $0x500, s6;
	[sflag:s17] =	ssyncadd.s32 $0xFFFFF000  }
0xce: {  	[tilespmem:s21], [sflag:$0x1] =	stream.indirect.gather [spmem:s3], $0x20, s16, s20, $0xb8;
	[tilespmem:$0x1DC00] =	vst v63  }
0xcf: {  	_ =	swait.ge [sflag:s19], $0x1000  }
0xd0: {  	[sflag:s19] =	ssyncset.done $0x0  }
0xd1: {  	s16 =	sadd.s32 $0x2B80, s6;
	[sflag:s19] =	ssyncadd.s32 $0xFFFFF000  }
0xd2: {  	[spmem:s1] =	stream.indirect.scatter.add.f32 [tilespmem:s24], [sflag:$0x8], $0x20, s16, s20, $0xb8;
	[tilespmem:$0x1DC00] =	vst v63  }
0xd3: {  	_ =	swait.ge [sflag:s23], $0x1000  }
0xd4: {  	[sflag:s23] =	ssyncset.done $0x0  }
0xd5: {  	s16 =	sadd.s32 $0x580, s6;
	[sflag:s23] =	ssyncadd.s32 $0xFFFFF000  }
0xd6: {  	[tilespmem:s22], [sflag:$0x2] =	stream.indirect.gather [spmem:s3], $0x20, s16, s20, $0xb8;
	[tilespmem:$0x1DC00] =	vst v63  }
0xd7: {  	_ =	swait.ge [sflag:s28], $0x1000  }
0xd8: {  	[sflag:s28] =	ssyncset.done $0x0  }
0xd9: {  	s16 =	sadd.s32 $0x2C00, s6;
	[sflag:s28] =	ssyncadd.s32 $0xFFFFF000  }
0xda: {  	[spmem:s1] =	stream.indirect.scatter.add.f32 [tilespmem:s26], [sflag:$0x9], $0x20, s16, s20, $0xb8;
	[tilespmem:$0x1DC00] =	vst v63  }
0xdb: {  	_ =	swait.ge [sflag:s31], $0x1000  }
0xdc: {  	[sflag:s31] =	ssyncset.done $0x0  }
.Ltmp2:
0xdd: {  	s16 =	sadd.s32 $0x600, s6;
	[sflag:s31] =	ssyncadd.s32 $0xFFFFF000;
	(pc) =	sbr.rel @p0 .LBB2_6-.Ltmp2, $4  }
0xde: {  	[tilespmem:s24], [sflag:$0x3] =	stream.indirect.gather [spmem:s3], $0x20, s16, s20, $0xb8;
	[tilespmem:$0x1DC00] =	vst v63  }
0xdf: {  	_ =	swait.ge [sflag:s2], $0x1000  }
0xe0: {  	[sflag:s2] =	ssyncset.done $0x0  }
0xe1: {  	s6 =	sadd.s32 $0x2C80, s6;
	[sflag:s2] =	ssyncadd.s32 $0xFFFFF000  }
0xe2: {  	[spmem:s1] =	stream.indirect.scatter.add.f32 [tilespmem:s30], [sflag:$0xA], $0x20, s6, s20, $0xb8;
	[tilespmem:$0x1DC00] =	vst v63  }
0xe3: {  	_ =	swait.ge [sflag:s29], $0x1000  }
0xe4: {  	s6 =	sshra.s32 s13, $0x2;
	[sflag:s29] =	ssyncset.done $0x0  }
0xe5: {  	s13 =	sadd.s32 $0x400, s6;
	[sflag:s29] =	ssyncadd.s32 $0xFFFFF000  }
0xe6: {  	[tilespmem:s26], [sflag:$0x4] =	stream.indirect.gather [spmem:s3], $0x20, s13, s20, $0xb8;
	[tilespmem:$0x1DC00] =	vst v63  }
0xe7: {  	_ =	swait.ge [sflag:s15], $0x1000  }
0xe8: {  	[sflag:s15] =	ssyncset.done $0x0  }
0xe9: {  	s16 =	sadd.s32 $0x2A80, s6;
	[sflag:s15] =	ssyncadd.s32 $0xFFFFF000  }
0xea: {  	[spmem:s1] =	stream.indirect.scatter.add.f32 [tilespmem:s21], [sflag:$0x6], $0x20, s16, s20, $0xb8;
	[tilespmem:$0x1DC00] =	vst v63  }
0xeb: {  	_ =	swait.ge [sflag:s0], $0x1000  }
0xec: {  	[sflag:s0] =	ssyncset.done $0x0  }
0xed: {  	s16 =	simm.s32 $0x2780;
	[sflag:s0] =	ssyncadd.s32 $0xFFFFF000  }
0xee: {  	[tilespmem:s30], [sflag:$0x5] =	stream.indirect.gather [spmem:s3], $0x20, s16, s20, $0xb8;
	[tilespmem:$0x1DC00] =	vst v63  }
0xef: {  	_ =	swait.ge [sflag:s18], $0x1000  }
0xf0: {  	[sflag:s18] =	ssyncset.done $0x0  }
0xf1: {  	s16 =	sadd.s32 $0x2B00, s6;
	[sflag:s18] =	ssyncadd.s32 $0xFFFFF000  }
0xf2: {  	[spmem:s1] =	stream.indirect.scatter.add.f32 [tilespmem:s22], [sflag:$0x7], $0x20, s16, s20, $0xb8;
	[tilespmem:$0x1DC00] =	vst v63  }
0xf3: {  	_ =	swait.ge [sflag:s17], $0x1000  }
0xf4: {  	[sflag:s17] =	ssyncset.done $0x0  }
0xf5: {  	[sflag:s17] =	ssyncadd.s32 $0xFFFFF000  }
0xf6: {  	_ =	swait.ge [sflag:s19], $0x1000  }
0xf7: {  	[sflag:s19] =	ssyncset.done $0x0  }
0xf8: {  	s16 =	sadd.s32 $0x2B80, s6;
	[sflag:s19] =	ssyncadd.s32 $0xFFFFF000  }
0xf9: {  	[spmem:s1] =	stream.indirect.scatter.add.f32 [tilespmem:s24], [sflag:$0x8], $0x20, s16, s20, $0xb8;
	[tilespmem:$0x1DC00] =	vst v63  }
0xfa: {  	_ =	swait.ge [sflag:s23], $0x1000  }
0xfb: {  	[sflag:s23] =	ssyncset.done $0x0  }
0xfc: {  	[sflag:s23] =	ssyncadd.s32 $0xFFFFF000  }
0xfd: {  	_ =	swait.ge [sflag:s28], $0x1000  }
0xfe: {  	[sflag:s28] =	ssyncset.done $0x0  }
0xff: {  	s6 =	sadd.s32 $0x2C00, s6;
	[sflag:s28] =	ssyncadd.s32 $0xFFFFF000  }
0x100: {  	[spmem:s1] =	stream.indirect.scatter.add.f32 [tilespmem:s26], [sflag:$0x9], $0x20, s6, s20, $0xb8;
	[tilespmem:$0x1DC00] =	vst v63  }
0x101: {  	_ =	swait.ge [sflag:s31], $0x1000  }
0x102: {  	[sflag:s31] =	ssyncset.done $0x0  }
0x103: {  	[sflag:s31] =	ssyncadd.s32 $0xFFFFF000  }
0x104: {  	_ =	swait.ge [sflag:s2], $0x1000  }
0x105: {  	[sflag:s2] =	ssyncset.done $0x0  }
0x106: {  	s13 =	simm.s32 $0x4F80;
	[sflag:s2] =	ssyncadd.s32 $0xFFFFF000  }
0x107: {  	[spmem:s1] =	stream.indirect.scatter.add.f32 [tilespmem:s30], [sflag:$0xA], $0x20, s13, s20, $0xb8;
	[tilespmem:$0x1DC00] =	vst v63  }
0x108: {  	_ =	swait.ge [sflag:s29], $0x1000  }
0x109: {  	[sflag:s29] =	ssyncset.done $0x0  }
0x10a: {  	[sflag:s29] =	ssyncadd.s32 $0xFFFFF000  }
0x10b: {  	_ =	swait.ge [sflag:s0], $0x1000  }
0x10c: {  	[sflag:s0] =	ssyncset.done $0x0  }
0x10d: {  	[sflag:s0] =	ssyncadd.s32 $0xFFFFF000  }
0x10e: {  	s16 =	simm.s32 $0x13E00;
	[bflag:$0x0] =	sbarrier.arrive $0xFFFF  }
0x10f: {  	[tilespmem:s16], [sflag:$0xB] =	stream.linear.gather [spmem:s7], $0x4F00, $0x38;
	[tilespmem:$0x1DC00] =	vst v63  }
0x110: {  	_ =	swait.ge [sflag:s25], $0x4F00  }
0x111: {  	[sflag:s25] =	ssyncset.done $0x0  }
0x112: {  	s6 =	simm.s32 $0x0;
	[sflag:s25] =	ssyncadd.s32 $0xFFFFB100  }
0x113: {  	v3 =	vld [tilespmem:s6+$0x13E70]  }
0x114: {  	v4 =	vld [tilespmem:s6+$0x13E00]  }
0x115: {  	v5 =	vld [tilespmem:s6+$0x13E10]  }
0x116: {  	v2 =	vld [tilespmem:s6+$0x13E20]  }
0x117: {  	v0 =	vld [tilespmem:s6+$0x13E30]  }
0x118: {  	v1 =	vld [tilespmem:s6+$0x13E40];
	[tilespmem:s6+$0x18D70] =	vst v3  }
0x119: {  	[tilespmem:s6+$0x18D00] =	vst v4;
	v3 =	vld [tilespmem:s6+$0x13E50]  }
0x11a: {  	s13 =	simm.s32 $0x80;
	s16 =	simm.s32 $0x400;
	[tilespmem:s6+$0x18D10] =	vst v5;
	v4 =	vld [tilespmem:s6+$0x13E60]  }
.LBB2_8:
0x11b: {  	p0 =	sne.s32 s16, $0x13A00;
	v5 =	vld [tilespmem:s13+$0x13E70];
	[tilespmem:s6+$0x18D20] =	vst v2  }
0x11c: {  	v6 =	vld [tilespmem:s13+$0x13E00];
	[tilespmem:s6+$0x18D30] =	vst v0  }
0x11d: {  	v7 =	vld [tilespmem:s13+$0x13E10];
	[tilespmem:s6+$0x18D40] =	vst v1  }
.Ltmp3:
0x11e: {  	v2 =	vld [tilespmem:s13+$0x13E20];
	[tilespmem:s6+$0x18D50] =	vst v3;
	(pc) =	sbr.rel @p0 .LBB2_8-.Ltmp3, $4  }
0x11f: {  	v0 =	vld [tilespmem:s13+$0x13E30];
	[tilespmem:s6+$0x18D60] =	vst v4;
	s6 =	smov.u32 s13  }
0x120: {  	v1 =	vld [tilespmem:s6+$0x13E40];
	[tilespmem:s6+$0x18D70] =	vst v5  }
0x121: {  	[tilespmem:s6+$0x18D00] =	vst v6;
	v3 =	vld [tilespmem:s6+$0x13E50]  }
0x122: {  	s13 =	sshra.s32 s16, $0x2;
	s16 =	sadd.s32 $0x200, s16;
	[tilespmem:s6+$0x18D10] =	vst v7;
	v4 =	vld [tilespmem:s6+$0x13E60]  }
0x123: {  	v5 =	vld [tilespmem:s13+$0x13E70];
	[tilespmem:s6+$0x18D20] =	vst v2  }
0x124: {  	v2 =	vld [tilespmem:s13+$0x13E00];
	[tilespmem:s6+$0x18D30] =	vst v0  }
0x125: {  	v0 =	vld [tilespmem:s13+$0x13E10];
	[tilespmem:s6+$0x18D40] =	vst v1  }
0x126: {  	v1 =	vld [tilespmem:s13+$0x13E20];
	[tilespmem:s6+$0x18D50] =	vst v3  }
0x127: {  	v3 =	vld [tilespmem:s13+$0x13E30];
	[tilespmem:s6+$0x18D60] =	vst v4  }
0x128: {  	v4 =	vld [tilespmem:s13+$0x13E40];
	[tilespmem:s13+$0x18D70] =	vst v5  }
0x129: {  	v62 =	vld [tilespmem:s13+$0x13E50];
	[tilespmem:s13+$0x18D00] =	vst v2  }
0x12a: {  	v63 =	vld [tilespmem:s13+$0x13E60];
	[tilespmem:s13+$0x18D10] =	vst v0  }
0x12b: {  	[tilespmem:s13+$0x18D20] =	vst v1  }
0x12c: {  	[tilespmem:s13+$0x18D30] =	vst v3  }
0x12d: {  	s5 =	sadd.s32 $0x1, s5;
	[tilespmem:s13+$0x18D40] =	vst v4  }
0x12e: {  	p0 =	sne.s32 s5, s12;
	[tilespmem:s13+$0x18D50] =	vst v62  }
.Ltmp4:
0x12f: {  	[tilespmem:s13+$0x18D60] =	vst v63;
	s13 =	simm.s32 $0x18D00;
	(pc) =	sbr.rel @p0 .LBB2_1-.Ltmp4, $4  }
0x130: {  	[hbm4b:s11+s4] =	stream.linear.scatter [tilespmem:s13], [sflag:$0xB], $0x4F00, $0x38;
	[tilespmem:$0x1DC00] =	vst v63  }
0x131: {  	_ =	swait.ge [sflag:s25], $0x4F00  }
0x132: {  	[sflag:s25] =	ssyncset.done $0x0  }
0x133: {  	[sflag:s25] =	ssyncadd.s32 $0xFFFFB100  }
0x134: {  	_ =	sfence.sel $0x180000  }
0x135: {  	[bflag:$0x0] =	sbarrier.arrive $0xFFFF  }
0x136: {  	_ =	strace $0x9000004D  }
0x137: {  	s0 =	stileid.u32;
	[bflag:$0x2] =	sbarrier.arrive $0xFFFF  }
0x138: {  	p0 =	sne.s32 s0, $0x0;
	s0 =	rddreg [dreg:$0x3]  }
0x139: {  	s0 =	sadd.s32 @!p0 $0x100000, s0  }
0x13a: {  	[sflag:s0] =	ssyncadd.tile.s32 @!p0 $0x1;
	_ =	shalt  }
.Lfunc_end2:
_tile_overlayer_lowered:
.L_overlay_start_2:
0x13b: {  	(tag) =	ssettag $0x2  }
0x13c: {  	s0 =	rddreg [dreg:$0x0];
	s2 =	stileid.u32  }
0x13d: {  	s1 =	rddreg [dreg:$0x1];
	p0 =	sne.s32 s2, $0x0  }
0x13e: {  	s3 =	rddreg [dreg:$0x2];
	[bflag:$0x3] =	sbarrier.arrive $0xFFFF;
	s2 =	simm.s32 @!p0 $0x1C0B  }
0x13f: {  	[timem:s3], [sflag:s2] =	dma.local @!p0 [hbm:s0], s1  }
0x140: {  	s0 =	simm.s32 @!p0 $0xB  }
0x141: {  	_ =	swait.ge @!p0 [sflag:s0], s1  }
0x142: {  	s1 =	ssub.s32 @!p0 $0x0, s1;
	[sflag:s0] =	ssyncset.done @!p0 $0x0  }
0x143: {  	[sflag:s0] =	ssyncadd.s32 @!p0 s1  }
0x144: {  	[bflag:$0x3] =	sbarrier.arrive $0xFFFF  }
0x145: {  	_ =	shalt  }

</sc_bundles>
